<compile_context>
chip_gen: v7x
topology: tpu7x:2x2x1
jax: 0.10.2.dev20260603
libtpu: 0.0.44.dev20260713+nightly
codegen_flags: <defaults>
</compile_context>

<pallas_src>
import functools

import jax
import jax.numpy as jnp
from jax import lax
from jax.experimental import pallas as pl
from jax.experimental.pallas import tpu as pltpu
from jax.experimental.pallas import tpu_sc as plsc

N_VOCAB = 100000
D_MODEL = 1024
BATCH = 4
SEQ = 4096
B_TOTAL = BATCH * SEQ

_info = plsc.get_sparse_core_info()
NC = _info.num_cores
NS = _info.num_subcores
NW = NC * NS
B_PER_W = B_TOTAL // NW
CHUNK = 16
N_CHUNKS = B_PER_W // CHUNK
NBUF = 7
AHEAD = 6
LAG = 1


def _emb_kernel(table_hbm, idx_hbm, out_hbm, idx_v, rows_v, gsem, ssem):
    wid = lax.axis_index("s") * NC + lax.axis_index("c")
    base = wid * B_PER_W

    w_per_b = SEQ // B_PER_W
    pltpu.sync_copy(
        idx_hbm.at[wid // w_per_b, pl.ds((wid % w_per_b) * B_PER_W, B_PER_W)],
        idx_v,
    )

    def gather(j, buf):
        return pltpu.async_copy(
            table_hbm.at[idx_v.at[pl.ds(j * CHUNK, CHUNK)]],
            rows_v.at[buf],
            gsem.at[buf],
        )

    def scatter(j, buf):
        return pltpu.async_copy(
            rows_v.at[buf], out_hbm.at[pl.ds(base + j * CHUNK, CHUNK)], ssem.at[buf]
        )

    def wait_gather(j, buf):
        pltpu.make_async_copy(
            table_hbm.at[idx_v.at[pl.ds(j * CHUNK, CHUNK)]],
            rows_v.at[buf],
            gsem.at[buf],
        ).wait()

    def wait_scatter(j, buf):
        pltpu.make_async_copy(
            rows_v.at[buf], out_hbm.at[pl.ds(base + j * CHUNK, CHUNK)], ssem.at[buf]
        ).wait()

    for j in range(AHEAD):
        gather(j, j)
    waited = -1
    for j in range(N_CHUNKS):
        buf = j % NBUF
        wait_gather(j, buf)
        scatter(j, buf)
        if j + AHEAD < N_CHUNKS:
            if j >= LAG:
                wait_scatter(j - LAG, (j - LAG) % NBUF)
                waited = j - LAG
            gather(j + AHEAD, (j + AHEAD) % NBUF)
    for j in range(waited + 1, N_CHUNKS):
        wait_scatter(j, j % NBUF)


@jax.jit
def _embed(x, w_ei):
    mesh = plsc.VectorSubcoreMesh(core_axis_name="c", subcore_axis_name="s")
    run = functools.partial(
        pl.kernel,
        mesh=mesh,
        out_type=jax.ShapeDtypeStruct((B_TOTAL, D_MODEL), jnp.float32),
        scratch_types=[
            pltpu.VMEM((B_PER_W,), jnp.int32),
            pltpu.VMEM((NBUF, CHUNK, D_MODEL), jnp.float32),
            pltpu.SemaphoreType.DMA((NBUF,)),
            pltpu.SemaphoreType.DMA((NBUF,)),
        ],
    )(_emb_kernel)
    return run(w_ei, x)


def kernel(x, w_ei):
    out = _embed(x.astype(jnp.int32), w_ei.astype(jnp.float32))
    return out.reshape(BATCH, SEQ, D_MODEL)

# --- scband reference (transcript-rebuilt; emitter-appended) ---
"""Pipeline reference for scband-embedding-41369124995146 (READ-ONLY COPY).

The authoritative reference and input builder live on the scoring server;
editing this copy changes nothing except your own understanding.
"""

import jax, jax.numpy as jnp
import numpy as np

N_VOCAB = 100000
D_MODEL = 1024
BATCH = 4
SEQ = 4096


def setup_inputs(seed: int = 0) -> dict:
    key = jax.random.key(seed)
    k1, k2 = jax.random.split(key)
    x = jax.random.randint(k1, (BATCH, SEQ), 0, N_VOCAB, dtype=jnp.int64 if jax.config.jax_enable_x64 else jnp.int32)
    # embedding table, init.normal(1.0) per the flax module
    w_ei = jax.random.normal(k2, (N_VOCAB, D_MODEL), dtype=jnp.float32)
    return {"x": x, "w_ei": w_ei}


def reference(x, w_ei):
    # Faithful translation of Embedding.__call__:
    # w_emb.astype(dtype)[None, ...] gathered along axis=1 by x[..., None]
    w = w_ei.astype(jnp.float32)
    out = jnp.take_along_axis(w[None, ...], x[..., None], axis=1)
    return out

if __name__ == "__main__":
    import jax
    _d = setup_inputs()
    print(jax.jit(kernel)(*tuple(_d.values())))

</pallas_src>

<mosaic_0001>
#map = affine_map<(d0, d1) -> (0, 0)>
module attributes {stable_mosaic.version = 14 : i64} {
  func.func @_emb_kernel(%arg0: i32, %arg1: i32, %arg2: memref<100000x1024xf32, #tpu.memory_space<hbm>>, %arg3: memref<4x4096xi32, #tpu.memory_space<hbm>>, %arg4: memref<16384x1024xf32, #tpu.memory_space<hbm>>, %arg5: memref<512xi32, #tpu.memory_space<vmem>>, %arg6: memref<7x16x1024xf32, #tpu.memory_space<vmem>>, %arg7: memref<7x!tpu.dma_semaphore, #tpu.memory_space<semaphore_mem>>, %arg8: memref<7x!tpu.dma_semaphore, #tpu.memory_space<semaphore_mem>>) attributes {dimension_semantics = [#tpu.dimension_semantics<core_parallel>, #tpu.dimension_semantics<subcore_parallel>], iteration_bounds = array<i64: 2, 16>, scalar_prefetch = 0 : i64, scratch_operands = 4 : i64, tpu.core_type = #tpu.core_type<sc_vector_subcore>, window_params = [{transform_indices = #map}, {transform_indices = #map}, {transform_indices = #map}]} {
    %mul3A = arith.constant 2 : i32
    %mul3A_0 = arith.muli %arg1, %mul3A : i32
    %add3A = arith.addi %mul3A_0, %arg0 : i32
    %mul3A_1 = arith.constant 512 : i32
    %mul3A_2 = arith.muli %add3A, %mul3A_1 : i32
    %jit3A = arith.constant 8 : i32
    %div3A = arith.divsi %add3A, %jit3A : i32
    %sign3A = arith.constant 0 : i32
    %sign3A_3 = arith.cmpi sgt, %add3A, %sign3A : i32
    %sign3A_4 = arith.extui %sign3A_3 : i1 to i32
    %sign3A_5 = arith.constant 0 : i32
    %sign3A_6 = arith.cmpi slt, %add3A, %sign3A_5 : i32
    %sign3A_7 = arith.extui %sign3A_6 : i1 to i32
    %sign3A_8 = arith.subi %sign3A_4, %sign3A_7 : i32
    %sign3A_9 = arith.constant 0 : i32
    %sign3A_10 = arith.cmpi sgt, %jit3A, %sign3A_9 : i32
    %sign3A_11 = arith.extui %sign3A_10 : i1 to i32
    %sign3A_12 = arith.constant 0 : i32
    %sign3A_13 = arith.cmpi slt, %jit3A, %sign3A_12 : i32
    %sign3A_14 = arith.extui %sign3A_13 : i1 to i32
    %sign3A_15 = arith.subi %sign3A_11, %sign3A_14 : i32
    %ne3A = arith.cmpi ne, %sign3A_8, %sign3A_15 : i32
    %rem3A = arith.remsi %add3A, %jit3A : i32
    %ne3A_16 = arith.constant 0 : i32
    %ne3A_17 = arith.cmpi ne, %rem3A, %ne3A_16 : i32
    %and3A = arith.andi %ne3A, %ne3A_17 : i1
    %sub3A = arith.constant 1 : i32
    %sub3A_18 = arith.subi %div3A, %sub3A : i32
    %select_n3A = arith.select %and3A, %sub3A_18, %div3A : i32
    %jit3A_19 = arith.constant 8 : i32
    %eq3A = arith.constant 0 : i32
    %eq3A_20 = arith.cmpi eq, %jit3A_19, %eq3A : i32
    %jit3A_21 = arith.constant 1 : i32
    %select_n3A_22 = arith.select %eq3A_20, %jit3A_21, %jit3A_19 : i32
    %rem3A_23 = arith.remsi %add3A, %select_n3A_22 : i32
    %ne3A_24 = arith.constant 0 : i32
    %ne3A_25 = arith.cmpi ne, %rem3A_23, %ne3A_24 : i32
    %lt3A = arith.constant 0 : i32
    %lt3A_26 = arith.cmpi slt, %rem3A_23, %lt3A : i32
    %lt3A_27 = arith.constant 0 : i32
    %lt3A_28 = arith.cmpi slt, %select_n3A_22, %lt3A_27 : i32
    %ne3A_29 = arith.xori %lt3A_26, %lt3A_28 : i1
    %and3A_30 = arith.andi %ne3A_29, %ne3A_25 : i1
    %add3A_31 = arith.addi %rem3A_23, %select_n3A_22 : i32
    %select_n3A_32 = arith.select %and3A_30, %add3A_31, %rem3A_23 : i32
    %mul3A_33 = arith.constant 512 : i32
    %mul3A_34 = arith.muli %select_n3A_32, %mul3A_33 : i32
    "tpu.region"() ({
      %run_scoped3A = tpu.sem_alloc : memref<!tpu.dma_semaphore, #tpu.memory_space<semaphore_mem>>
      %dma_start3A_2017 = tpu.memref_slice %arg3[%select_n3A, %mul3A_34] : memref<4x4096xi32, #tpu.memory_space<hbm>> -> memref<1x512xi32, #tpu.memory_space<hbm>>
      %dma_start3A_2018 = tpu.memref_squeeze %dma_start3A_2017 : memref<1x512xi32, #tpu.memory_space<hbm>> -> memref<512xi32, #tpu.memory_space<hbm>>
      %dma_start3A_2019 = tpu.memref_slice %arg3[%select_n3A, %mul3A_34] : memref<4x4096xi32, #tpu.memory_space<hbm>> -> memref<1x512xi32, #tpu.memory_space<hbm>>
      %dma_start3A_2020 = tpu.memref_squeeze %dma_start3A_2019 : memref<1x512xi32, #tpu.memory_space<hbm>> -> memref<512xi32, #tpu.memory_space<hbm>>
      tpu.enqueue_dma source(%dma_start3A_2020 : memref<512xi32, #tpu.memory_space<hbm>>) target(%arg5 : memref<512xi32, #tpu.memory_space<vmem>>) target_semaphore(%run_scoped3A : memref<!tpu.dma_semaphore, #tpu.memory_space<semaphore_mem>>)
      %dma_wait3A_2021 = tpu.memref_slice %arg3[%select_n3A, %mul3A_34] : memref<4x4096xi32, #tpu.memory_space<hbm>> -> memref<1x512xi32, #tpu.memory_space<hbm>>
      %dma_wait3A_2022 = tpu.memref_squeeze %dma_wait3A_2021 : memref<1x512xi32, #tpu.memory_space<hbm>> -> memref<512xi32, #tpu.memory_space<hbm>>
      %dma_wait3A_2023 = tpu.memref_slice %arg3[%select_n3A, %mul3A_34] : memref<4x4096xi32, #tpu.memory_space<hbm>> -> memref<1x512xi32, #tpu.memory_space<hbm>>
      %dma_wait3A_2024 = tpu.memref_squeeze %dma_wait3A_2023 : memref<1x512xi32, #tpu.memory_space<hbm>> -> memref<512xi32, #tpu.memory_space<hbm>>
      tpu.wait_dma2 semaphore(%run_scoped3A : memref<!tpu.dma_semaphore, #tpu.memory_space<semaphore_mem>>) src(%dma_wait3A_2024 : memref<512xi32, #tpu.memory_space<hbm>>) dst(%arg5 : memref<512xi32, #tpu.memory_space<vmem>>)
      tpu.yield
    }) : () -> ()
    %dma_start3A = arith.constant 0 : i32
    %dma_start3A_35 = arith.constant 0 : i32
    %dma_start3A_36 = arith.constant 0 : i32
    %dma_start3A_37 = arith.constant 0 : i32
    %dma_start3A_38 = tpu.memref_slice %arg6[%dma_start3A, %dma_start3A_36, %dma_start3A_37] : memref<7x16x1024xf32, #tpu.memory_space<vmem>> -> memref<1x16x1024xf32, #tpu.memory_space<vmem>>
    %dma_start3A_39 = tpu.memref_squeeze %dma_start3A_38 : memref<1x16x1024xf32, #tpu.memory_space<vmem>> -> memref<16x1024xf32, #tpu.memory_space<vmem>>
    %dma_start3A_40 = arith.constant 0 : i32
    %dma_start3A_41 = tpu.memref_slice %arg5[%dma_start3A_40] : memref<512xi32, #tpu.memory_space<vmem>> -> memref<16xi32, #tpu.memory_space<vmem>>
    %dma_start3A_42 = arith.constant 0 : i32
    %dma_start3A_43 = arith.constant 0 : i32
    %dma_start3A_44 = tpu.memref_slice %arg2[%dma_start3A_42, %dma_start3A_43] : memref<100000x1024xf32, #tpu.memory_space<hbm>> -> memref<100000x1024xf32, #tpu.memory_space<hbm>>
    %dma_start3A_45 = tpu.memref_slice %arg7[%dma_start3A_35] : memref<7x!tpu.dma_semaphore, #tpu.memory_space<semaphore_mem>> -> memref<1x!tpu.dma_semaphore, #tpu.memory_space<semaphore_mem>>
    %dma_start3A_46 = tpu.memref_squeeze %dma_start3A_45 : memref<1x!tpu.dma_semaphore, #tpu.memory_space<semaphore_mem>> -> memref<!tpu.dma_semaphore, #tpu.memory_space<semaphore_mem>>
    tpu.enqueue_indirect_dma source(%dma_start3A_44 : memref<100000x1024xf32, #tpu.memory_space<hbm>>) target(%dma_start3A_39 : memref<16x1024xf32, #tpu.memory_space<vmem>>) offsets(%dma_start3A_41 : memref<16xi32, #tpu.memory_space<vmem>>) semaphore(%dma_start3A_46 : memref<!tpu.dma_semaphore, #tpu.memory_space<semaphore_mem>>)
    %dma_start3A_47 = arith.constant 1 : i32
    %dma_start3A_48 = arith.constant 1 : i32
    %dma_start3A_49 = arith.constant 0 : i32
    %dma_start3A_50 = arith.constant 0 : i32
    %dma_start3A_51 = tpu.memref_slice %arg6[%dma_start3A_47, %dma_start3A_49, %dma_start3A_50] : memref<7x16x1024xf32, #tpu.memory_space<vmem>> -> memref<1x16x1024xf32, #tpu.memory_space<vmem>>
    %dma_start3A_52 = tpu.memref_squeeze %dma_start3A_51 : memref<1x16x1024xf32, #tpu.memory_space<vmem>> -> memref<16x1024xf32, #tpu.memory_space<vmem>>
    %dma_start3A_53 = arith.constant 16 : i32
    %dma_start3A_54 = tpu.memref_slice %arg5[%dma_start3A_53] : memref<512xi32, #tpu.memory_space<vmem>> -> memref<16xi32, #tpu.memory_space<vmem>>
    %dma_start3A_55 = arith.constant 0 : i32
    %dma_start3A_56 = arith.constant 0 : i32
    %dma_start3A_57 = tpu.memref_slice %arg2[%dma_start3A_55, %dma_start3A_56] : memref<100000x1024xf32, #tpu.memory_space<hbm>> -> memref<100000x1024xf32, #tpu.memory_space<hbm>>
    %dma_start3A_58 = tpu.memref_slice %arg7[%dma_start3A_48] : memref<7x!tpu.dma_semaphore, #tpu.memory_space<semaphore_mem>> -> memref<1x!tpu.dma_semaphore, #tpu.memory_space<semaphore_mem>>
    %dma_start3A_59 = tpu.memref_squeeze %dma_start3A_58 : memref<1x!tpu.dma_semaphore, #tpu.memory_space<semaphore_mem>> -> memref<!tpu.dma_semaphore, #tpu.memory_space<semaphore_mem>>
    tpu.enqueue_indirect_dma source(%dma_start3A_57 : memref<100000x1024xf32, #tpu.memory_space<hbm>>) target(%dma_start3A_52 : memref<16x1024xf32, #tpu.memory_space<vmem>>) offsets(%dma_start3A_54 : memref<16xi32, #tpu.memory_space<vmem>>) semaphore(%dma_start3A_59 : memref<!tpu.dma_semaphore, #tpu.memory_space<semaphore_mem>>)
    %dma_start3A_60 = arith.constant 2 : i32
    %dma_start3A_61 = arith.constant 2 : i32
    %dma_start3A_62 = arith.constant 0 : i32
    %dma_start3A_63 = arith.constant 0 : i32
    %dma_start3A_64 = tpu.memref_slice %arg6[%dma_start3A_60, %dma_start3A_62, %dma_start3A_63] : memref<7x16x1024xf32, #tpu.memory_space<vmem>> -> memref<1x16x1024xf32, #tpu.memory_space<vmem>>
    %dma_start3A_65 = tpu.memref_squeeze %dma_start3A_64 : memref<1x16x1024xf32, #tpu.memory_space<vmem>> -> memref<16x1024xf32, #tpu.memory_space<vmem>>
    %dma_start3A_66 = arith.constant 32 : i32
    %dma_start3A_67 = tpu.memref_slice %arg5[%dma_start3A_66] : memref<512xi32, #tpu.memory_space<vmem>> -> memref<16xi32, #tpu.memory_space<vmem>>
    %dma_start3A_68 = arith.constant 0 : i32
    %dma_start3A_69 = arith.constant 0 : i32
    %dma_start3A_70 = tpu.memref_slice %arg2[%dma_start3A_68, %dma_start3A_69] : memref<100000x1024xf32, #tpu.memory_space<hbm>> -> memref<100000x1024xf32, #tpu.memory_space<hbm>>
    %dma_start3A_71 = tpu.memref_slice %arg7[%dma_start3A_61] : memref<7x!tpu.dma_semaphore, #tpu.memory_space<semaphore_mem>> -> memref<1x!tpu.dma_semaphore, #tpu.memory_space<semaphore_mem>>
    %dma_start3A_72 = tpu.memref_squeeze %dma_start3A_71 : memref<1x!tpu.dma_semaphore, #tpu.memory_space<semaphore_mem>> -> memref<!tpu.dma_semaphore, #tpu.memory_space<semaphore_mem>>
    tpu.enqueue_indirect_dma source(%dma_start3A_70 : memref<100000x1024xf32, #tpu.memory_space<hbm>>) target(%dma_start3A_65 : memref<16x1024xf32, #tpu.memory_space<vmem>>) offsets(%dma_start3A_67 : memref<16xi32, #tpu.memory_space<vmem>>) semaphore(%dma_start3A_72 : memref<!tpu.dma_semaphore, #tpu.memory_space<semaphore_mem>>)
    %dma_start3A_73 = arith.constant 3 : i32
    %dma_start3A_74 = arith.constant 3 : i32
    %dma_start3A_75 = arith.constant 0 : i32
    %dma_start3A_76 = arith.constant 0 : i32
    %dma_start3A_77 = tpu.memref_slice %arg6[%dma_start3A_73, %dma_start3A_75, %dma_start3A_76] : memref<7x16x1024xf32, #tpu.memory_space<vmem>> -> memref<1x16x1024xf32, #tpu.memory_space<vmem>>
    %dma_start3A_78 = tpu.memref_squeeze %dma_start3A_77 : memref<1x16x1024xf32, #tpu.memory_space<vmem>> -> memref<16x1024xf32, #tpu.memory_space<vmem>>
    %dma_start3A_79 = arith.constant 48 : i32
    %dma_start3A_80 = tpu.memref_slice %arg5[%dma_start3A_79] : memref<512xi32, #tpu.memory_space<vmem>> -> memref<16xi32, #tpu.memory_space<vmem>>
    %dma_start3A_81 = arith.constant 0 : i32
    %dma_start3A_82 = arith.constant 0 : i32
    %dma_start3A_83 = tpu.memref_slice %arg2[%dma_start3A_81, %dma_start3A_82] : memref<100000x1024xf32, #tpu.memory_space<hbm>> -> memref<100000x1024xf32, #tpu.memory_space<hbm>>
    %dma_start3A_84 = tpu.memref_slice %arg7[%dma_start3A_74] : memref<7x!tpu.dma_semaphore, #tpu.memory_space<semaphore_mem>> -> memref<1x!tpu.dma_semaphore, #tpu.memory_space<semaphore_mem>>
    %dma_start3A_85 = tpu.memref_squeeze %dma_start3A_84 : memref<1x!tpu.dma_semaphore, #tpu.memory_space<semaphore_mem>> -> memref<!tpu.dma_semaphore, #tpu.memory_space<semaphore_mem>>
    tpu.enqueue_indirect_dma source(%dma_start3A_83 : memref<100000x1024xf32, #tpu.memory_space<hbm>>) target(%dma_start3A_78 : memref<16x1024xf32, #tpu.memory_space<vmem>>) offsets(%dma_start3A_80 : memref<16xi32, #tpu.memory_space<vmem>>) semaphore(%dma_start3A_85 : memref<!tpu.dma_semaphore, #tpu.memory_space<semaphore_mem>>)
    %dma_start3A_86 = arith.constant 4 : i32
    %dma_start3A_87 = arith.constant 4 : i32
    %dma_start3A_88 = arith.constant 0 : i32
    %dma_start3A_89 = arith.constant 0 : i32
    %dma_start3A_90 = tpu.memref_slice %arg6[%dma_start3A_86, %dma_start3A_88, %dma_start3A_89] : memref<7x16x1024xf32, #tpu.memory_space<vmem>> -> memref<1x16x1024xf32, #tpu.memory_space<vmem>>
    %dma_start3A_91 = tpu.memref_squeeze %dma_start3A_90 : memref<1x16x1024xf32, #tpu.memory_space<vmem>> -> memref<16x1024xf32, #tpu.memory_space<vmem>>
    %dma_start3A_92 = arith.constant 64 : i32
    %dma_start3A_93 = tpu.memref_slice %arg5[%dma_start3A_92] : memref<512xi32, #tpu.memory_space<vmem>> -> memref<16xi32, #tpu.memory_space<vmem>>
    %dma_start3A_94 = arith.constant 0 : i32
    %dma_start3A_95 = arith.constant 0 : i32
    %dma_start3A_96 = tpu.memref_slice %arg2[%dma_start3A_94, %dma_start3A_95] : memref<100000x1024xf32, #tpu.memory_space<hbm>> -> memref<100000x1024xf32, #tpu.memory_space<hbm>>
    %dma_start3A_97 = tpu.memref_slice %arg7[%dma_start3A_87] : memref<7x!tpu.dma_semaphore, #tpu.memory_space<semaphore_mem>> -> memref<1x!tpu.dma_semaphore, #tpu.memory_space<semaphore_mem>>
    %dma_start3A_98 = tpu.memref_squeeze %dma_start3A_97 : memref<1x!tpu.dma_semaphore, #tpu.memory_space<semaphore_mem>> -> memref<!tpu.dma_semaphore, #tpu.memory_space<semaphore_mem>>
    tpu.enqueue_indirect_dma source(%dma_start3A_96 : memref<100000x1024xf32, #tpu.memory_space<hbm>>) target(%dma_start3A_91 : memref<16x1024xf32, #tpu.memory_space<vmem>>) offsets(%dma_start3A_93 : memref<16xi32, #tpu.memory_space<vmem>>) semaphore(%dma_start3A_98 : memref<!tpu.dma_semaphore, #tpu.memory_space<semaphore_mem>>)
    %dma_start3A_99 = arith.constant 5 : i32
    %dma_start3A_100 = arith.constant 5 : i32
    %dma_start3A_101 = arith.constant 0 : i32
    %dma_start3A_102 = arith.constant 0 : i32
    %dma_start3A_103 = tpu.memref_slice %arg6[%dma_start3A_99, %dma_start3A_101, %dma_start3A_102] : memref<7x16x1024xf32, #tpu.memory_space<vmem>> -> memref<1x16x1024xf32, #tpu.memory_space<vmem>>
    %dma_start3A_104 = tpu.memref_squeeze %dma_start3A_103 : memref<1x16x1024xf32, #tpu.memory_space<vmem>> -> memref<16x1024xf32, #tpu.memory_space<vmem>>
    %dma_start3A_105 = arith.constant 80 : i32
    %dma_start3A_106 = tpu.memref_slice %arg5[%dma_start3A_105] : memref<512xi32, #tpu.memory_space<vmem>> -> memref<16xi32, #tpu.memory_space<vmem>>
    %dma_start3A_107 = arith.constant 0 : i32
    %dma_start3A_108 = arith.constant 0 : i32
    %dma_start3A_109 = tpu.memref_slice %arg2[%dma_start3A_107, %dma_start3A_108] : memref<100000x1024xf32, #tpu.memory_space<hbm>> -> memref<100000x1024xf32, #tpu.memory_space<hbm>>
    %dma_start3A_110 = tpu.memref_slice %arg7[%dma_start3A_100] : memref<7x!tpu.dma_semaphore, #tpu.memory_space<semaphore_mem>> -> memref<1x!tpu.dma_semaphore, #tpu.memory_space<semaphore_mem>>
    %dma_start3A_111 = tpu.memref_squeeze %dma_start3A_110 : memref<1x!tpu.dma_semaphore, #tpu.memory_space<semaphore_mem>> -> memref<!tpu.dma_semaphore, #tpu.memory_space<semaphore_mem>>
    tpu.enqueue_indirect_dma source(%dma_start3A_109 : memref<100000x1024xf32, #tpu.memory_space<hbm>>) target(%dma_start3A_104 : memref<16x1024xf32, #tpu.memory_space<vmem>>) offsets(%dma_start3A_106 : memref<16xi32, #tpu.memory_space<vmem>>) semaphore(%dma_start3A_111 : memref<!tpu.dma_semaphore, #tpu.memory_space<semaphore_mem>>)
    %dma_wait3A = arith.constant 0 : i32
    %dma_wait3A_112 = arith.constant 0 : i32
    %dma_wait3A_113 = arith.constant 0 : i32
    %dma_wait3A_114 = arith.constant 0 : i32
    %dma_wait3A_115 = tpu.memref_slice %arg6[%dma_wait3A, %dma_wait3A_113, %dma_wait3A_114] : memref<7x16x1024xf32, #tpu.memory_space<vmem>> -> memref<1x16x1024xf32, #tpu.memory_space<vmem>>
    %dma_wait3A_116 = tpu.memref_squeeze %dma_wait3A_115 : memref<1x16x1024xf32, #tpu.memory_space<vmem>> -> memref<16x1024xf32, #tpu.memory_space<vmem>>
    %dma_wait3A_117 = arith.constant 0 : i32
    %dma_wait3A_118 = tpu.memref_slice %arg5[%dma_wait3A_117] : memref<512xi32, #tpu.memory_space<vmem>> -> memref<16xi32, #tpu.memory_space<vmem>>
    %dma_wait3A_119 = arith.constant 0 : i32
    %dma_wait3A_120 = arith.constant 0 : i32
    %dma_wait3A_121 = tpu.memref_slice %arg2[%dma_wait3A_119, %dma_wait3A_120] : memref<100000x1024xf32, #tpu.memory_space<hbm>> -> memref<100000x1024xf32, #tpu.memory_space<hbm>>
    %dma_wait3A_122 = tpu.memref_slice %arg7[%dma_wait3A_112] : memref<7x!tpu.dma_semaphore, #tpu.memory_space<semaphore_mem>> -> memref<1x!tpu.dma_semaphore, #tpu.memory_space<semaphore_mem>>
    %dma_wait3A_123 = tpu.memref_squeeze %dma_wait3A_122 : memref<1x!tpu.dma_semaphore, #tpu.memory_space<semaphore_mem>> -> memref<!tpu.dma_semaphore, #tpu.memory_space<semaphore_mem>>
    tpu.wait_indirect_dma semaphore(%dma_wait3A_123 : memref<!tpu.dma_semaphore, #tpu.memory_space<semaphore_mem>>) src(%dma_wait3A_121 : memref<100000x1024xf32, #tpu.memory_space<hbm>>) dst(%dma_wait3A_116 : memref<16x1024xf32, #tpu.memory_space<vmem>>)
    %add3A_124 = arith.constant 0 : i32
    %add3A_125 = arith.addi %mul3A_2, %add3A_124 : i32
    %dma_start3A_126 = arith.constant 0 : i32
    %dma_start3A_127 = arith.constant 0 : i32
    %dma_start3A_128 = arith.constant 0 : i32
    %dma_start3A_129 = arith.constant 0 : i32
    %dma_start3A_130 = tpu.memref_slice %arg6[%dma_start3A_126, %dma_start3A_128, %dma_start3A_129] : memref<7x16x1024xf32, #tpu.memory_space<vmem>> -> memref<1x16x1024xf32, #tpu.memory_space<vmem>>
    %dma_start3A_131 = tpu.memref_squeeze %dma_start3A_130 : memref<1x16x1024xf32, #tpu.memory_space<vmem>> -> memref<16x1024xf32, #tpu.memory_space<vmem>>
    %dma_start3A_132 = arith.constant 0 : i32
    %dma_start3A_133 = tpu.memref_slice %arg4[%add3A_125, %dma_start3A_132] : memref<16384x1024xf32, #tpu.memory_space<hbm>> -> memref<16x1024xf32, #tpu.memory_space<hbm>>
    %dma_start3A_134 = tpu.memref_slice %arg8[%dma_start3A_127] : memref<7x!tpu.dma_semaphore, #tpu.memory_space<semaphore_mem>> -> memref<1x!tpu.dma_semaphore, #tpu.memory_space<semaphore_mem>>
    %dma_start3A_135 = tpu.memref_squeeze %dma_start3A_134 : memref<1x!tpu.dma_semaphore, #tpu.memory_space<semaphore_mem>> -> memref<!tpu.dma_semaphore, #tpu.memory_space<semaphore_mem>>
    %dma_start3A_136 = arith.constant 0 : i32
    %dma_start3A_137 = tpu.memref_slice %arg4[%add3A_125, %dma_start3A_136] : memref<16384x1024xf32, #tpu.memory_space<hbm>> -> memref<16x1024xf32, #tpu.memory_space<hbm>>
    %dma_start3A_138 = arith.constant 0 : i32
    %dma_start3A_139 = arith.constant 0 : i32
    %dma_start3A_140 = tpu.memref_slice %arg6[%dma_start3A_126, %dma_start3A_138, %dma_start3A_139] : memref<7x16x1024xf32, #tpu.memory_space<vmem>> -> memref<1x16x1024xf32, #tpu.memory_space<vmem>>
    %dma_start3A_141 = tpu.memref_squeeze %dma_start3A_140 : memref<1x16x1024xf32, #tpu.memory_space<vmem>> -> memref<16x1024xf32, #tpu.memory_space<vmem>>
    tpu.enqueue_dma source(%dma_start3A_141 : memref<16x1024xf32, #tpu.memory_space<vmem>>) target(%dma_start3A_137 : memref<16x1024xf32, #tpu.memory_space<hbm>>) target_semaphore(%dma_start3A_135 : memref<!tpu.dma_semaphore, #tpu.memory_space<semaphore_mem>>)
    %dma_start3A_142 = arith.constant 6 : i32
    %dma_start3A_143 = arith.constant 6 : i32
    %dma_start3A_144 = arith.constant 0 : i32
    %dma_start3A_145 = arith.constant 0 : i32
    %dma_start3A_146 = tpu.memref_slice %arg6[%dma_start3A_142, %dma_start3A_144, %dma_start3A_145] : memref<7x16x1024xf32, #tpu.memory_space<vmem>> -> memref<1x16x1024xf32, #tpu.memory_space<vmem>>
    %dma_start3A_147 = tpu.memref_squeeze %dma_start3A_146 : memref<1x16x1024xf32, #tpu.memory_space<vmem>> -> memref<16x1024xf32, #tpu.memory_space<vmem>>
    %dma_start3A_148 = arith.constant 96 : i32
    %dma_start3A_149 = tpu.memref_slice %arg5[%dma_start3A_148] : memref<512xi32, #tpu.memory_space<vmem>> -> memref<16xi32, #tpu.memory_space<vmem>>
    %dma_start3A_150 = arith.constant 0 : i32
    %dma_start3A_151 = arith.constant 0 : i32
    %dma_start3A_152 = tpu.memref_slice %arg2[%dma_start3A_150, %dma_start3A_151] : memref<100000x1024xf32, #tpu.memory_space<hbm>> -> memref<100000x1024xf32, #tpu.memory_space<hbm>>
    %dma_start3A_153 = tpu.memref_slice %arg7[%dma_start3A_143] : memref<7x!tpu.dma_semaphore, #tpu.memory_space<semaphore_mem>> -> memref<1x!tpu.dma_semaphore, #tpu.memory_space<semaphore_mem>>
    %dma_start3A_154 = tpu.memref_squeeze %dma_start3A_153 : memref<1x!tpu.dma_semaphore, #tpu.memory_space<semaphore_mem>> -> memref<!tpu.dma_semaphore, #tpu.memory_space<semaphore_mem>>
    tpu.enqueue_indirect_dma source(%dma_start3A_152 : memref<100000x1024xf32, #tpu.memory_space<hbm>>) target(%dma_start3A_147 : memref<16x1024xf32, #tpu.memory_space<vmem>>) offsets(%dma_start3A_149 : memref<16xi32, #tpu.memory_space<vmem>>) semaphore(%dma_start3A_154 : memref<!tpu.dma_semaphore, #tpu.memory_space<semaphore_mem>>)
    %dma_wait3A_155 = arith.constant 1 : i32
    %dma_wait3A_156 = arith.constant 1 : i32
    %dma_wait3A_157 = arith.constant 0 : i32
    %dma_wait3A_158 = arith.constant 0 : i32
    %dma_wait3A_159 = tpu.memref_slice %arg6[%dma_wait3A_155, %dma_wait3A_157, %dma_wait3A_158] : memref<7x16x1024xf32, #tpu.memory_space<vmem>> -> memref<1x16x1024xf32, #tpu.memory_space<vmem>>
    %dma_wait3A_160 = tpu.memref_squeeze %dma_wait3A_159 : memref<1x16x1024xf32, #tpu.memory_space<vmem>> -> memref<16x1024xf32, #tpu.memory_space<vmem>>
    %dma_wait3A_161 = arith.constant 16 : i32
    %dma_wait3A_162 = tpu.memref_slice %arg5[%dma_wait3A_161] : memref<512xi32, #tpu.memory_space<vmem>> -> memref<16xi32, #tpu.memory_space<vmem>>
    %dma_wait3A_163 = arith.constant 0 : i32
    %dma_wait3A_164 = arith.constant 0 : i32
    %dma_wait3A_165 = tpu.memref_slice %arg2[%dma_wait3A_163, %dma_wait3A_164] : memref<100000x1024xf32, #tpu.memory_space<hbm>> -> memref<100000x1024xf32, #tpu.memory_space<hbm>>
    %dma_wait3A_166 = tpu.memref_slice %arg7[%dma_wait3A_156] : memref<7x!tpu.dma_semaphore, #tpu.memory_space<semaphore_mem>> -> memref<1x!tpu.dma_semaphore, #tpu.memory_space<semaphore_mem>>
    %dma_wait3A_167 = tpu.memref_squeeze %dma_wait3A_166 : memref<1x!tpu.dma_semaphore, #tpu.memory_space<semaphore_mem>> -> memref<!tpu.dma_semaphore, #tpu.memory_space<semaphore_mem>>
    tpu.wait_indirect_dma semaphore(%dma_wait3A_167 : memref<!tpu.dma_semaphore, #tpu.memory_space<semaphore_mem>>) src(%dma_wait3A_165 : memref<100000x1024xf32, #tpu.memory_space<hbm>>) dst(%dma_wait3A_160 : memref<16x1024xf32, #tpu.memory_space<vmem>>)
    %add3A_168 = arith.constant 16 : i32
    %add3A_169 = arith.addi %mul3A_2, %add3A_168 : i32
    %dma_start3A_170 = arith.constant 1 : i32
    %dma_start3A_171 = arith.constant 1 : i32
    %dma_start3A_172 = arith.constant 0 : i32
    %dma_start3A_173 = arith.constant 0 : i32
    %dma_start3A_174 = tpu.memref_slice %arg6[%dma_start3A_170, %dma_start3A_172, %dma_start3A_173] : memref<7x16x1024xf32, #tpu.memory_space<vmem>> -> memref<1x16x1024xf32, #tpu.memory_space<vmem>>
    %dma_start3A_175 = tpu.memref_squeeze %dma_start3A_174 : memref<1x16x1024xf32, #tpu.memory_space<vmem>> -> memref<16x1024xf32, #tpu.memory_space<vmem>>
    %dma_start3A_176 = arith.constant 0 : i32
    %dma_start3A_177 = tpu.memref_slice %arg4[%add3A_169, %dma_start3A_176] : memref<16384x1024xf32, #tpu.memory_space<hbm>> -> memref<16x1024xf32, #tpu.memory_space<hbm>>
    %dma_start3A_178 = tpu.memref_slice %arg8[%dma_start3A_171] : memref<7x!tpu.dma_semaphore, #tpu.memory_space<semaphore_mem>> -> memref<1x!tpu.dma_semaphore, #tpu.memory_space<semaphore_mem>>
    %dma_start3A_179 = tpu.memref_squeeze %dma_start3A_178 : memref<1x!tpu.dma_semaphore, #tpu.memory_space<semaphore_mem>> -> memref<!tpu.dma_semaphore, #tpu.memory_space<semaphore_mem>>
    %dma_start3A_180 = arith.constant 0 : i32
    %dma_start3A_181 = tpu.memref_slice %arg4[%add3A_169, %dma_start3A_180] : memref<16384x1024xf32, #tpu.memory_space<hbm>> -> memref<16x1024xf32, #tpu.memory_space<hbm>>
    %dma_start3A_182 = arith.constant 0 : i32
    %dma_start3A_183 = arith.constant 0 : i32
    %dma_start3A_184 = tpu.memref_slice %arg6[%dma_start3A_170, %dma_start3A_182, %dma_start3A_183] : memref<7x16x1024xf32, #tpu.memory_space<vmem>> -> memref<1x16x1024xf32, #tpu.memory_space<vmem>>
    %dma_start3A_185 = tpu.memref_squeeze %dma_start3A_184 : memref<1x16x1024xf32, #tpu.memory_space<vmem>> -> memref<16x1024xf32, #tpu.memory_space<vmem>>
    tpu.enqueue_dma source(%dma_start3A_185 : memref<16x1024xf32, #tpu.memory_space<vmem>>) target(%dma_start3A_181 : memref<16x1024xf32, #tpu.memory_space<hbm>>) target_semaphore(%dma_start3A_179 : memref<!tpu.dma_semaphore, #tpu.memory_space<semaphore_mem>>)
    %add3A_186 = arith.constant 0 : i32
    %add3A_187 = arith.addi %mul3A_2, %add3A_186 : i32
    %dma_wait3A_188 = arith.constant 0 : i32
    %dma_wait3A_189 = arith.constant 0 : i32
    %dma_wait3A_190 = arith.constant 0 : i32
    %dma_wait3A_191 = arith.constant 0 : i32
    %dma_wait3A_192 = tpu.memref_slice %arg6[%dma_wait3A_188, %dma_wait3A_190, %dma_wait3A_191] : memref<7x16x1024xf32, #tpu.memory_space<vmem>> -> memref<1x16x1024xf32, #tpu.memory_space<vmem>>
    %dma_wait3A_193 = tpu.memref_squeeze %dma_wait3A_192 : memref<1x16x1024xf32, #tpu.memory_space<vmem>> -> memref<16x1024xf32, #tpu.memory_space<vmem>>
    %dma_wait3A_194 = arith.constant 0 : i32
    %dma_wait3A_195 = tpu.memref_slice %arg4[%add3A_187, %dma_wait3A_194] : memref<16384x1024xf32, #tpu.memory_space<hbm>> -> memref<16x1024xf32, #tpu.memory_space<hbm>>
    %dma_wait3A_196 = tpu.memref_slice %arg8[%dma_wait3A_189] : memref<7x!tpu.dma_semaphore, #tpu.memory_space<semaphore_mem>> -> memref<1x!tpu.dma_semaphore, #tpu.memory_space<semaphore_mem>>
    %dma_wait3A_197 = tpu.memref_squeeze %dma_wait3A_196 : memref<1x!tpu.dma_semaphore, #tpu.memory_space<semaphore_mem>> -> memref<!tpu.dma_semaphore, #tpu.memory_space<semaphore_mem>>
    %dma_wait3A_198 = arith.constant 0 : i32
    %dma_wait3A_199 = tpu.memref_slice %arg4[%add3A_187, %dma_wait3A_198] : memref<16384x1024xf32, #tpu.memory_space<hbm>> -> memref<16x1024xf32, #tpu.memory_space<hbm>>
    %dma_wait3A_200 = arith.constant 0 : i32
    %dma_wait3A_201 = arith.constant 0 : i32
    %dma_wait3A_202 = tpu.memref_slice %arg6[%dma_wait3A_188, %dma_wait3A_200, %dma_wait3A_201] : memref<7x16x1024xf32, #tpu.memory_space<vmem>> -> memref<1x16x1024xf32, #tpu.memory_space<vmem>>
    %dma_wait3A_203 = tpu.memref_squeeze %dma_wait3A_202 : memref<1x16x1024xf32, #tpu.memory_space<vmem>> -> memref<16x1024xf32, #tpu.memory_space<vmem>>
    tpu.wait_dma2 semaphore(%dma_wait3A_197 : memref<!tpu.dma_semaphore, #tpu.memory_space<semaphore_mem>>) src(%dma_wait3A_203 : memref<16x1024xf32, #tpu.memory_space<vmem>>) dst(%dma_wait3A_199 : memref<16x1024xf32, #tpu.memory_space<hbm>>)
    %dma_start3A_204 = arith.constant 0 : i32
    %dma_start3A_205 = arith.constant 0 : i32
    %dma_start3A_206 = arith.constant 0 : i32
    %dma_start3A_207 = arith.constant 0 : i32
    %dma_start3A_208 = tpu.memref_slice %arg6[%dma_start3A_204, %dma_start3A_206, %dma_start3A_207] : memref<7x16x1024xf32, #tpu.memory_space<vmem>> -> memref<1x16x1024xf32, #tpu.memory_space<vmem>>
    %dma_start3A_209 = tpu.memref_squeeze %dma_start3A_208 : memref<1x16x1024xf32, #tpu.memory_space<vmem>> -> memref<16x1024xf32, #tpu.memory_space<vmem>>
    %dma_start3A_210 = arith.constant 112 : i32
    %dma_start3A_211 = tpu.memref_slice %arg5[%dma_start3A_210] : memref<512xi32, #tpu.memory_space<vmem>> -> memref<16xi32, #tpu.memory_space<vmem>>
    %dma_start3A_212 = arith.constant 0 : i32
    %dma_start3A_213 = arith.constant 0 : i32
    %dma_start3A_214 = tpu.memref_slice %arg2[%dma_start3A_212, %dma_start3A_213] : memref<100000x1024xf32, #tpu.memory_space<hbm>> -> memref<100000x1024xf32, #tpu.memory_space<hbm>>
    %dma_start3A_215 = tpu.memref_slice %arg7[%dma_start3A_205] : memref<7x!tpu.dma_semaphore, #tpu.memory_space<semaphore_mem>> -> memref<1x!tpu.dma_semaphore, #tpu.memory_space<semaphore_mem>>
    %dma_start3A_216 = tpu.memref_squeeze %dma_start3A_215 : memref<1x!tpu.dma_semaphore, #tpu.memory_space<semaphore_mem>> -> memref<!tpu.dma_semaphore, #tpu.memory_space<semaphore_mem>>
    tpu.enqueue_indirect_dma source(%dma_start3A_214 : memref<100000x1024xf32, #tpu.memory_space<hbm>>) target(%dma_start3A_209 : memref<16x1024xf32, #tpu.memory_space<vmem>>) offsets(%dma_start3A_211 : memref<16xi32, #tpu.memory_space<vmem>>) semaphore(%dma_start3A_216 : memref<!tpu.dma_semaphore, #tpu.memory_space<semaphore_mem>>)
    %dma_wait3A_217 = arith.constant 2 : i32
    %dma_wait3A_218 = arith.constant 2 : i32
    %dma_wait3A_219 = arith.constant 0 : i32
    %dma_wait3A_220 = arith.constant 0 : i32
    %dma_wait3A_221 = tpu.memref_slice %arg6[%dma_wait3A_217, %dma_wait3A_219, %dma_wait3A_220] : memref<7x16x1024xf32, #tpu.memory_space<vmem>> -> memref<1x16x1024xf32, #tpu.memory_space<vmem>>
    %dma_wait3A_222 = tpu.memref_squeeze %dma_wait3A_221 : memref<1x16x1024xf32, #tpu.memory_space<vmem>> -> memref<16x1024xf32, #tpu.memory_space<vmem>>
    %dma_wait3A_223 = arith.constant 32 : i32
    %dma_wait3A_224 = tpu.memref_slice %arg5[%dma_wait3A_223] : memref<512xi32, #tpu.memory_space<vmem>> -> memref<16xi32, #tpu.memory_space<vmem>>
    %dma_wait3A_225 = arith.constant 0 : i32
    %dma_wait3A_226 = arith.constant 0 : i32
    %dma_wait3A_227 = tpu.memref_slice %arg2[%dma_wait3A_225, %dma_wait3A_226] : memref<100000x1024xf32, #tpu.memory_space<hbm>> -> memref<100000x1024xf32, #tpu.memory_space<hbm>>
    %dma_wait3A_228 = tpu.memref_slice %arg7[%dma_wait3A_218] : memref<7x!tpu.dma_semaphore, #tpu.memory_space<semaphore_mem>> -> memref<1x!tpu.dma_semaphore, #tpu.memory_space<semaphore_mem>>
    %dma_wait3A_229 = tpu.memref_squeeze %dma_wait3A_228 : memref<1x!tpu.dma_semaphore, #tpu.memory_space<semaphore_mem>> -> memref<!tpu.dma_semaphore, #tpu.memory_space<semaphore_mem>>
    tpu.wait_indirect_dma semaphore(%dma_wait3A_229 : memref<!tpu.dma_semaphore, #tpu.memory_space<semaphore_mem>>) src(%dma_wait3A_227 : memref<100000x1024xf32, #tpu.memory_space<hbm>>) dst(%dma_wait3A_222 : memref<16x1024xf32, #tpu.memory_space<vmem>>)
    %add3A_230 = arith.constant 32 : i32
    %add3A_231 = arith.addi %mul3A_2, %add3A_230 : i32
    %dma_start3A_232 = arith.constant 2 : i32
    %dma_start3A_233 = arith.constant 2 : i32
    %dma_start3A_234 = arith.constant 0 : i32
    %dma_start3A_235 = arith.constant 0 : i32
    %dma_start3A_236 = tpu.memref_slice %arg6[%dma_start3A_232, %dma_start3A_234, %dma_start3A_235] : memref<7x16x1024xf32, #tpu.memory_space<vmem>> -> memref<1x16x1024xf32, #tpu.memory_space<vmem>>
    %dma_start3A_237 = tpu.memref_squeeze %dma_start3A_236 : memref<1x16x1024xf32, #tpu.memory_space<vmem>> -> memref<16x1024xf32, #tpu.memory_space<vmem>>
    %dma_start3A_238 = arith.constant 0 : i32
    %dma_start3A_239 = tpu.memref_slice %arg4[%add3A_231, %dma_start3A_238] : memref<16384x1024xf32, #tpu.memory_space<hbm>> -> memref<16x1024xf32, #tpu.memory_space<hbm>>
    %dma_start3A_240 = tpu.memref_slice %arg8[%dma_start3A_233] : memref<7x!tpu.dma_semaphore, #tpu.memory_space<semaphore_mem>> -> memref<1x!tpu.dma_semaphore, #tpu.memory_space<semaphore_mem>>
    %dma_start3A_241 = tpu.memref_squeeze %dma_start3A_240 : memref<1x!tpu.dma_semaphore, #tpu.memory_space<semaphore_mem>> -> memref<!tpu.dma_semaphore, #tpu.memory_space<semaphore_mem>>
    %dma_start3A_242 = arith.constant 0 : i32
    %dma_start3A_243 = tpu.memref_slice %arg4[%add3A_231, %dma_start3A_242] : memref<16384x1024xf32, #tpu.memory_space<hbm>> -> memref<16x1024xf32, #tpu.memory_space<hbm>>
    %dma_start3A_244 = arith.constant 0 : i32
    %dma_start3A_245 = arith.constant 0 : i32
    %dma_start3A_246 = tpu.memref_slice %arg6[%dma_start3A_232, %dma_start3A_244, %dma_start3A_245] : memref<7x16x1024xf32, #tpu.memory_space<vmem>> -> memref<1x16x1024xf32, #tpu.memory_space<vmem>>
    %dma_start3A_247 = tpu.memref_squeeze %dma_start3A_246 : memref<1x16x1024xf32, #tpu.memory_space<vmem>> -> memref<16x1024xf32, #tpu.memory_space<vmem>>
    tpu.enqueue_dma source(%dma_start3A_247 : memref<16x1024xf32, #tpu.memory_space<vmem>>) target(%dma_start3A_243 : memref<16x1024xf32, #tpu.memory_space<hbm>>) target_semaphore(%dma_start3A_241 : memref<!tpu.dma_semaphore, #tpu.memory_space<semaphore_mem>>)
    %add3A_248 = arith.constant 16 : i32
    %add3A_249 = arith.addi %mul3A_2, %add3A_248 : i32
    %dma_wait3A_250 = arith.constant 1 : i32
    %dma_wait3A_251 = arith.constant 1 : i32
    %dma_wait3A_252 = arith.constant 0 : i32
    %dma_wait3A_253 = arith.constant 0 : i32
    %dma_wait3A_254 = tpu.memref_slice %arg6[%dma_wait3A_250, %dma_wait3A_252, %dma_wait3A_253] : memref<7x16x1024xf32, #tpu.memory_space<vmem>> -> memref<1x16x1024xf32, #tpu.memory_space<vmem>>
    %dma_wait3A_255 = tpu.memref_squeeze %dma_wait3A_254 : memref<1x16x1024xf32, #tpu.memory_space<vmem>> -> memref<16x1024xf32, #tpu.memory_space<vmem>>
    %dma_wait3A_256 = arith.constant 0 : i32
    %dma_wait3A_257 = tpu.memref_slice %arg4[%add3A_249, %dma_wait3A_256] : memref<16384x1024xf32, #tpu.memory_space<hbm>> -> memref<16x1024xf32, #tpu.memory_space<hbm>>
    %dma_wait3A_258 = tpu.memref_slice %arg8[%dma_wait3A_251] : memref<7x!tpu.dma_semaphore, #tpu.memory_space<semaphore_mem>> -> memref<1x!tpu.dma_semaphore, #tpu.memory_space<semaphore_mem>>
    %dma_wait3A_259 = tpu.memref_squeeze %dma_wait3A_258 : memref<1x!tpu.dma_semaphore, #tpu.memory_space<semaphore_mem>> -> memref<!tpu.dma_semaphore, #tpu.memory_space<semaphore_mem>>
    %dma_wait3A_260 = arith.constant 0 : i32
    %dma_wait3A_261 = tpu.memref_slice %arg4[%add3A_249, %dma_wait3A_260] : memref<16384x1024xf32, #tpu.memory_space<hbm>> -> memref<16x1024xf32, #tpu.memory_space<hbm>>
    %dma_wait3A_262 = arith.constant 0 : i32
    %dma_wait3A_263 = arith.constant 0 : i32
    %dma_wait3A_264 = tpu.memref_slice %arg6[%dma_wait3A_250, %dma_wait3A_262, %dma_wait3A_263] : memref<7x16x1024xf32, #tpu.memory_space<vmem>> -> memref<1x16x1024xf32, #tpu.memory_space<vmem>>
    %dma_wait3A_265 = tpu.memref_squeeze %dma_wait3A_264 : memref<1x16x1024xf32, #tpu.memory_space<vmem>> -> memref<16x1024xf32, #tpu.memory_space<vmem>>
    tpu.wait_dma2 semaphore(%dma_wait3A_259 : memref<!tpu.dma_semaphore, #tpu.memory_space<semaphore_mem>>) src(%dma_wait3A_265 : memref<16x1024xf32, #tpu.memory_space<vmem>>) dst(%dma_wait3A_261 : memref<16x1024xf32, #tpu.memory_space<hbm>>)
    %dma_start3A_266 = arith.constant 1 : i32
    %dma_start3A_267 = arith.constant 1 : i32
    %dma_start3A_268 = arith.constant 0 : i32
    %dma_start3A_269 = arith.constant 0 : i32
    %dma_start3A_270 = tpu.memref_slice %arg6[%dma_start3A_266, %dma_start3A_268, %dma_start3A_269] : memref<7x16x1024xf32, #tpu.memory_space<vmem>> -> memref<1x16x1024xf32, #tpu.memory_space<vmem>>
    %dma_start3A_271 = tpu.memref_squeeze %dma_start3A_270 : memref<1x16x1024xf32, #tpu.memory_space<vmem>> -> memref<16x1024xf32, #tpu.memory_space<vmem>>
    %dma_start3A_272 = arith.constant 128 : i32
    %dma_start3A_273 = tpu.memref_slice %arg5[%dma_start3A_272] : memref<512xi32, #tpu.memory_space<vmem>> -> memref<16xi32, #tpu.memory_space<vmem>>
    %dma_start3A_274 = arith.constant 0 : i32
    %dma_start3A_275 = arith.constant 0 : i32
    %dma_start3A_276 = tpu.memref_slice %arg2[%dma_start3A_274, %dma_start3A_275] : memref<100000x1024xf32, #tpu.memory_space<hbm>> -> memref<100000x1024xf32, #tpu.memory_space<hbm>>
    %dma_start3A_277 = tpu.memref_slice %arg7[%dma_start3A_267] : memref<7x!tpu.dma_semaphore, #tpu.memory_space<semaphore_mem>> -> memref<1x!tpu.dma_semaphore, #tpu.memory_space<semaphore_mem>>
    %dma_start3A_278 = tpu.memref_squeeze %dma_start3A_277 : memref<1x!tpu.dma_semaphore, #tpu.memory_space<semaphore_mem>> -> memref<!tpu.dma_semaphore, #tpu.memory_space<semaphore_mem>>
    tpu.enqueue_indirect_dma source(%dma_start3A_276 : memref<100000x1024xf32, #tpu.memory_space<hbm>>) target(%dma_start3A_271 : memref<16x1024xf32, #tpu.memory_space<vmem>>) offsets(%dma_start3A_273 : memref<16xi32, #tpu.memory_space<vmem>>) semaphore(%dma_start3A_278 : memref<!tpu.dma_semaphore, #tpu.memory_space<semaphore_mem>>)
    %dma_wait3A_279 = arith.constant 3 : i32
    %dma_wait3A_280 = arith.constant 3 : i32
    %dma_wait3A_281 = arith.constant 0 : i32
    %dma_wait3A_282 = arith.constant 0 : i32
    %dma_wait3A_283 = tpu.memref_slice %arg6[%dma_wait3A_279, %dma_wait3A_281, %dma_wait3A_282] : memref<7x16x1024xf32, #tpu.memory_space<vmem>> -> memref<1x16x1024xf32, #tpu.memory_space<vmem>>
    %dma_wait3A_284 = tpu.memref_squeeze %dma_wait3A_283 : memref<1x16x1024xf32, #tpu.memory_space<vmem>> -> memref<16x1024xf32, #tpu.memory_space<vmem>>
    %dma_wait3A_285 = arith.constant 48 : i32
    %dma_wait3A_286 = tpu.memref_slice %arg5[%dma_wait3A_285] : memref<512xi32, #tpu.memory_space<vmem>> -> memref<16xi32, #tpu.memory_space<vmem>>
    %dma_wait3A_287 = arith.constant 0 : i32
    %dma_wait3A_288 = arith.constant 0 : i32
    %dma_wait3A_289 = tpu.memref_slice %arg2[%dma_wait3A_287, %dma_wait3A_288] : memref<100000x1024xf32, #tpu.memory_space<hbm>> -> memref<100000x1024xf32, #tpu.memory_space<hbm>>
    %dma_wait3A_290 = tpu.memref_slice %arg7[%dma_wait3A_280] : memref<7x!tpu.dma_semaphore, #tpu.memory_space<semaphore_mem>> -> memref<1x!tpu.dma_semaphore, #tpu.memory_space<semaphore_mem>>
    %dma_wait3A_291 = tpu.memref_squeeze %dma_wait3A_290 : memref<1x!tpu.dma_semaphore, #tpu.memory_space<semaphore_mem>> -> memref<!tpu.dma_semaphore, #tpu.memory_space<semaphore_mem>>
    tpu.wait_indirect_dma semaphore(%dma_wait3A_291 : memref<!tpu.dma_semaphore, #tpu.memory_space<semaphore_mem>>) src(%dma_wait3A_289 : memref<100000x1024xf32, #tpu.memory_space<hbm>>) dst(%dma_wait3A_284 : memref<16x1024xf32, #tpu.memory_space<vmem>>)
    %add3A_292 = arith.constant 48 : i32
    %add3A_293 = arith.addi %mul3A_2, %add3A_292 : i32
    %dma_start3A_294 = arith.constant 3 : i32
    %dma_start3A_295 = arith.constant 3 : i32
    %dma_start3A_296 = arith.constant 0 : i32
    %dma_start3A_297 = arith.constant 0 : i32
    %dma_start3A_298 = tpu.memref_slice %arg6[%dma_start3A_294, %dma_start3A_296, %dma_start3A_297] : memref<7x16x1024xf32, #tpu.memory_space<vmem>> -> memref<1x16x1024xf32, #tpu.memory_space<vmem>>
    %dma_start3A_299 = tpu.memref_squeeze %dma_start3A_298 : memref<1x16x1024xf32, #tpu.memory_space<vmem>> -> memref<16x1024xf32, #tpu.memory_space<vmem>>
    %dma_start3A_300 = arith.constant 0 : i32
    %dma_start3A_301 = tpu.memref_slice %arg4[%add3A_293, %dma_start3A_300] : memref<16384x1024xf32, #tpu.memory_space<hbm>> -> memref<16x1024xf32, #tpu.memory_space<hbm>>
    %dma_start3A_302 = tpu.memref_slice %arg8[%dma_start3A_295] : memref<7x!tpu.dma_semaphore, #tpu.memory_space<semaphore_mem>> -> memref<1x!tpu.dma_semaphore, #tpu.memory_space<semaphore_mem>>
    %dma_start3A_303 = tpu.memref_squeeze %dma_start3A_302 : memref<1x!tpu.dma_semaphore, #tpu.memory_space<semaphore_mem>> -> memref<!tpu.dma_semaphore, #tpu.memory_space<semaphore_mem>>
    %dma_start3A_304 = arith.constant 0 : i32
    %dma_start3A_305 = tpu.memref_slice %arg4[%add3A_293, %dma_start3A_304] : memref<16384x1024xf32, #tpu.memory_space<hbm>> -> memref<16x1024xf32, #tpu.memory_space<hbm>>
    %dma_start3A_306 = arith.constant 0 : i32
    %dma_start3A_307 = arith.constant 0 : i32
    %dma_start3A_308 = tpu.memref_slice %arg6[%dma_start3A_294, %dma_start3A_306, %dma_start3A_307] : memref<7x16x1024xf32, #tpu.memory_space<vmem>> -> memref<1x16x1024xf32, #tpu.memory_space<vmem>>
    %dma_start3A_309 = tpu.memref_squeeze %dma_start3A_308 : memref<1x16x1024xf32, #tpu.memory_space<vmem>> -> memref<16x1024xf32, #tpu.memory_space<vmem>>
    tpu.enqueue_dma source(%dma_start3A_309 : memref<16x1024xf32, #tpu.memory_space<vmem>>) target(%dma_start3A_305 : memref<16x1024xf32, #tpu.memory_space<hbm>>) target_semaphore(%dma_start3A_303 : memref<!tpu.dma_semaphore, #tpu.memory_space<semaphore_mem>>)
    %add3A_310 = arith.constant 32 : i32
    %add3A_311 = arith.addi %mul3A_2, %add3A_310 : i32
    %dma_wait3A_312 = arith.constant 2 : i32
    %dma_wait3A_313 = arith.constant 2 : i32
    %dma_wait3A_314 = arith.constant 0 : i32
    %dma_wait3A_315 = arith.constant 0 : i32
    %dma_wait3A_316 = tpu.memref_slice %arg6[%dma_wait3A_312, %dma_wait3A_314, %dma_wait3A_315] : memref<7x16x1024xf32, #tpu.memory_space<vmem>> -> memref<1x16x1024xf32, #tpu.memory_space<vmem>>
    %dma_wait3A_317 = tpu.memref_squeeze %dma_wait3A_316 : memref<1x16x1024xf32, #tpu.memory_space<vmem>> -> memref<16x1024xf32, #tpu.memory_space<vmem>>
    %dma_wait3A_318 = arith.constant 0 : i32
    %dma_wait3A_319 = tpu.memref_slice %arg4[%add3A_311, %dma_wait3A_318] : memref<16384x1024xf32, #tpu.memory_space<hbm>> -> memref<16x1024xf32, #tpu.memory_space<hbm>>
    %dma_wait3A_320 = tpu.memref_slice %arg8[%dma_wait3A_313] : memref<7x!tpu.dma_semaphore, #tpu.memory_space<semaphore_mem>> -> memref<1x!tpu.dma_semaphore, #tpu.memory_space<semaphore_mem>>
    %dma_wait3A_321 = tpu.memref_squeeze %dma_wait3A_320 : memref<1x!tpu.dma_semaphore, #tpu.memory_space<semaphore_mem>> -> memref<!tpu.dma_semaphore, #tpu.memory_space<semaphore_mem>>
    %dma_wait3A_322 = arith.constant 0 : i32
    %dma_wait3A_323 = tpu.memref_slice %arg4[%add3A_311, %dma_wait3A_322] : memref<16384x1024xf32, #tpu.memory_space<hbm>> -> memref<16x1024xf32, #tpu.memory_space<hbm>>
    %dma_wait3A_324 = arith.constant 0 : i32
    %dma_wait3A_325 = arith.constant 0 : i32
    %dma_wait3A_326 = tpu.memref_slice %arg6[%dma_wait3A_312, %dma_wait3A_324, %dma_wait3A_325] : memref<7x16x1024xf32, #tpu.memory_space<vmem>> -> memref<1x16x1024xf32, #tpu.memory_space<vmem>>
    %dma_wait3A_327 = tpu.memref_squeeze %dma_wait3A_326 : memref<1x16x1024xf32, #tpu.memory_space<vmem>> -> memref<16x1024xf32, #tpu.memory_space<vmem>>
    tpu.wait_dma2 semaphore(%dma_wait3A_321 : memref<!tpu.dma_semaphore, #tpu.memory_space<semaphore_mem>>) src(%dma_wait3A_327 : memref<16x1024xf32, #tpu.memory_space<vmem>>) dst(%dma_wait3A_323 : memref<16x1024xf32, #tpu.memory_space<hbm>>)
    %dma_start3A_328 = arith.constant 2 : i32
    %dma_start3A_329 = arith.constant 2 : i32
    %dma_start3A_330 = arith.constant 0 : i32
    %dma_start3A_331 = arith.constant 0 : i32
    %dma_start3A_332 = tpu.memref_slice %arg6[%dma_start3A_328, %dma_start3A_330, %dma_start3A_331] : memref<7x16x1024xf32, #tpu.memory_space<vmem>> -> memref<1x16x1024xf32, #tpu.memory_space<vmem>>
    %dma_start3A_333 = tpu.memref_squeeze %dma_start3A_332 : memref<1x16x1024xf32, #tpu.memory_space<vmem>> -> memref<16x1024xf32, #tpu.memory_space<vmem>>
    %dma_start3A_334 = arith.constant 144 : i32
    %dma_start3A_335 = tpu.memref_slice %arg5[%dma_start3A_334] : memref<512xi32, #tpu.memory_space<vmem>> -> memref<16xi32, #tpu.memory_space<vmem>>
    %dma_start3A_336 = arith.constant 0 : i32
    %dma_start3A_337 = arith.constant 0 : i32
    %dma_start3A_338 = tpu.memref_slice %arg2[%dma_start3A_336, %dma_start3A_337] : memref<100000x1024xf32, #tpu.memory_space<hbm>> -> memref<100000x1024xf32, #tpu.memory_space<hbm>>
    %dma_start3A_339 = tpu.memref_slice %arg7[%dma_start3A_329] : memref<7x!tpu.dma_semaphore, #tpu.memory_space<semaphore_mem>> -> memref<1x!tpu.dma_semaphore, #tpu.memory_space<semaphore_mem>>
    %dma_start3A_340 = tpu.memref_squeeze %dma_start3A_339 : memref<1x!tpu.dma_semaphore, #tpu.memory_space<semaphore_mem>> -> memref<!tpu.dma_semaphore, #tpu.memory_space<semaphore_mem>>
    tpu.enqueue_indirect_dma source(%dma_start3A_338 : memref<100000x1024xf32, #tpu.memory_space<hbm>>) target(%dma_start3A_333 : memref<16x1024xf32, #tpu.memory_space<vmem>>) offsets(%dma_start3A_335 : memref<16xi32, #tpu.memory_space<vmem>>) semaphore(%dma_start3A_340 : memref<!tpu.dma_semaphore, #tpu.memory_space<semaphore_mem>>)
    %dma_wait3A_341 = arith.constant 4 : i32
    %dma_wait3A_342 = arith.constant 4 : i32
    %dma_wait3A_343 = arith.constant 0 : i32
    %dma_wait3A_344 = arith.constant 0 : i32
    %dma_wait3A_345 = tpu.memref_slice %arg6[%dma_wait3A_341, %dma_wait3A_343, %dma_wait3A_344] : memref<7x16x1024xf32, #tpu.memory_space<vmem>> -> memref<1x16x1024xf32, #tpu.memory_space<vmem>>
    %dma_wait3A_346 = tpu.memref_squeeze %dma_wait3A_345 : memref<1x16x1024xf32, #tpu.memory_space<vmem>> -> memref<16x1024xf32, #tpu.memory_space<vmem>>
    %dma_wait3A_347 = arith.constant 64 : i32
    %dma_wait3A_348 = tpu.memref_slice %arg5[%dma_wait3A_347] : memref<512xi32, #tpu.memory_space<vmem>> -> memref<16xi32, #tpu.memory_space<vmem>>
    %dma_wait3A_349 = arith.constant 0 : i32
    %dma_wait3A_350 = arith.constant 0 : i32
    %dma_wait3A_351 = tpu.memref_slice %arg2[%dma_wait3A_349, %dma_wait3A_350] : memref<100000x1024xf32, #tpu.memory_space<hbm>> -> memref<100000x1024xf32, #tpu.memory_space<hbm>>
    %dma_wait3A_352 = tpu.memref_slice %arg7[%dma_wait3A_342] : memref<7x!tpu.dma_semaphore, #tpu.memory_space<semaphore_mem>> -> memref<1x!tpu.dma_semaphore, #tpu.memory_space<semaphore_mem>>
    %dma_wait3A_353 = tpu.memref_squeeze %dma_wait3A_352 : memref<1x!tpu.dma_semaphore, #tpu.memory_space<semaphore_mem>> -> memref<!tpu.dma_semaphore, #tpu.memory_space<semaphore_mem>>
    tpu.wait_indirect_dma semaphore(%dma_wait3A_353 : memref<!tpu.dma_semaphore, #tpu.memory_space<semaphore_mem>>) src(%dma_wait3A_351 : memref<100000x1024xf32, #tpu.memory_space<hbm>>) dst(%dma_wait3A_346 : memref<16x1024xf32, #tpu.memory_space<vmem>>)
    %add3A_354 = arith.constant 64 : i32
    %add3A_355 = arith.addi %mul3A_2, %add3A_354 : i32
    %dma_start3A_356 = arith.constant 4 : i32
    %dma_start3A_357 = arith.constant 4 : i32
    %dma_start3A_358 = arith.constant 0 : i32
    %dma_start3A_359 = arith.constant 0 : i32
    %dma_start3A_360 = tpu.memref_slice %arg6[%dma_start3A_356, %dma_start3A_358, %dma_start3A_359] : memref<7x16x1024xf32, #tpu.memory_space<vmem>> -> memref<1x16x1024xf32, #tpu.memory_space<vmem>>
    %dma_start3A_361 = tpu.memref_squeeze %dma_start3A_360 : memref<1x16x1024xf32, #tpu.memory_space<vmem>> -> memref<16x1024xf32, #tpu.memory_space<vmem>>
    %dma_start3A_362 = arith.constant 0 : i32
    %dma_start3A_363 = tpu.memref_slice %arg4[%add3A_355, %dma_start3A_362] : memref<16384x1024xf32, #tpu.memory_space<hbm>> -> memref<16x1024xf32, #tpu.memory_space<hbm>>
    %dma_start3A_364 = tpu.memref_slice %arg8[%dma_start3A_357] : memref<7x!tpu.dma_semaphore, #tpu.memory_space<semaphore_mem>> -> memref<1x!tpu.dma_semaphore, #tpu.memory_space<semaphore_mem>>
    %dma_start3A_365 = tpu.memref_squeeze %dma_start3A_364 : memref<1x!tpu.dma_semaphore, #tpu.memory_space<semaphore_mem>> -> memref<!tpu.dma_semaphore, #tpu.memory_space<semaphore_mem>>
    %dma_start3A_366 = arith.constant 0 : i32
    %dma_start3A_367 = tpu.memref_slice %arg4[%add3A_355, %dma_start3A_366] : memref<16384x1024xf32, #tpu.memory_space<hbm>> -> memref<16x1024xf32, #tpu.memory_space<hbm>>
    %dma_start3A_368 = arith.constant 0 : i32
    %dma_start3A_369 = arith.constant 0 : i32
    %dma_start3A_370 = tpu.memref_slice %arg6[%dma_start3A_356, %dma_start3A_368, %dma_start3A_369] : memref<7x16x1024xf32, #tpu.memory_space<vmem>> -> memref<1x16x1024xf32, #tpu.memory_space<vmem>>
    %dma_start3A_371 = tpu.memref_squeeze %dma_start3A_370 : memref<1x16x1024xf32, #tpu.memory_space<vmem>> -> memref<16x1024xf32, #tpu.memory_space<vmem>>
    tpu.enqueue_dma source(%dma_start3A_371 : memref<16x1024xf32, #tpu.memory_space<vmem>>) target(%dma_start3A_367 : memref<16x1024xf32, #tpu.memory_space<hbm>>) target_semaphore(%dma_start3A_365 : memref<!tpu.dma_semaphore, #tpu.memory_space<semaphore_mem>>)
    %add3A_372 = arith.constant 48 : i32
    %add3A_373 = arith.addi %mul3A_2, %add3A_372 : i32
    %dma_wait3A_374 = arith.constant 3 : i32
    %dma_wait3A_375 = arith.constant 3 : i32
    %dma_wait3A_376 = arith.constant 0 : i32
    %dma_wait3A_377 = arith.constant 0 : i32
    %dma_wait3A_378 = tpu.memref_slice %arg6[%dma_wait3A_374, %dma_wait3A_376, %dma_wait3A_377] : memref<7x16x1024xf32, #tpu.memory_space<vmem>> -> memref<1x16x1024xf32, #tpu.memory_space<vmem>>
    %dma_wait3A_379 = tpu.memref_squeeze %dma_wait3A_378 : memref<1x16x1024xf32, #tpu.memory_space<vmem>> -> memref<16x1024xf32, #tpu.memory_space<vmem>>
    %dma_wait3A_380 = arith.constant 0 : i32
    %dma_wait3A_381 = tpu.memref_slice %arg4[%add3A_373, %dma_wait3A_380] : memref<16384x1024xf32, #tpu.memory_space<hbm>> -> memref<16x1024xf32, #tpu.memory_space<hbm>>
    %dma_wait3A_382 = tpu.memref_slice %arg8[%dma_wait3A_375] : memref<7x!tpu.dma_semaphore, #tpu.memory_space<semaphore_mem>> -> memref<1x!tpu.dma_semaphore, #tpu.memory_space<semaphore_mem>>
    %dma_wait3A_383 = tpu.memref_squeeze %dma_wait3A_382 : memref<1x!tpu.dma_semaphore, #tpu.memory_space<semaphore_mem>> -> memref<!tpu.dma_semaphore, #tpu.memory_space<semaphore_mem>>
    %dma_wait3A_384 = arith.constant 0 : i32
    %dma_wait3A_385 = tpu.memref_slice %arg4[%add3A_373, %dma_wait3A_384] : memref<16384x1024xf32, #tpu.memory_space<hbm>> -> memref<16x1024xf32, #tpu.memory_space<hbm>>
    %dma_wait3A_386 = arith.constant 0 : i32
    %dma_wait3A_387 = arith.constant 0 : i32
    %dma_wait3A_388 = tpu.memref_slice %arg6[%dma_wait3A_374, %dma_wait3A_386, %dma_wait3A_387] : memref<7x16x1024xf32, #tpu.memory_space<vmem>> -> memref<1x16x1024xf32, #tpu.memory_space<vmem>>
    %dma_wait3A_389 = tpu.memref_squeeze %dma_wait3A_388 : memref<1x16x1024xf32, #tpu.memory_space<vmem>> -> memref<16x1024xf32, #tpu.memory_space<vmem>>
    tpu.wait_dma2 semaphore(%dma_wait3A_383 : memref<!tpu.dma_semaphore, #tpu.memory_space<semaphore_mem>>) src(%dma_wait3A_389 : memref<16x1024xf32, #tpu.memory_space<vmem>>) dst(%dma_wait3A_385 : memref<16x1024xf32, #tpu.memory_space<hbm>>)
    %dma_start3A_390 = arith.constant 3 : i32
    %dma_start3A_391 = arith.constant 3 : i32
    %dma_start3A_392 = arith.constant 0 : i32
    %dma_start3A_393 = arith.constant 0 : i32
    %dma_start3A_394 = tpu.memref_slice %arg6[%dma_start3A_390, %dma_start3A_392, %dma_start3A_393] : memref<7x16x1024xf32, #tpu.memory_space<vmem>> -> memref<1x16x1024xf32, #tpu.memory_space<vmem>>
    %dma_start3A_395 = tpu.memref_squeeze %dma_start3A_394 : memref<1x16x1024xf32, #tpu.memory_space<vmem>> -> memref<16x1024xf32, #tpu.memory_space<vmem>>
    %dma_start3A_396 = arith.constant 160 : i32
    %dma_start3A_397 = tpu.memref_slice %arg5[%dma_start3A_396] : memref<512xi32, #tpu.memory_space<vmem>> -> memref<16xi32, #tpu.memory_space<vmem>>
    %dma_start3A_398 = arith.constant 0 : i32
    %dma_start3A_399 = arith.constant 0 : i32
    %dma_start3A_400 = tpu.memref_slice %arg2[%dma_start3A_398, %dma_start3A_399] : memref<100000x1024xf32, #tpu.memory_space<hbm>> -> memref<100000x1024xf32, #tpu.memory_space<hbm>>
    %dma_start3A_401 = tpu.memref_slice %arg7[%dma_start3A_391] : memref<7x!tpu.dma_semaphore, #tpu.memory_space<semaphore_mem>> -> memref<1x!tpu.dma_semaphore, #tpu.memory_space<semaphore_mem>>
    %dma_start3A_402 = tpu.memref_squeeze %dma_start3A_401 : memref<1x!tpu.dma_semaphore, #tpu.memory_space<semaphore_mem>> -> memref<!tpu.dma_semaphore, #tpu.memory_space<semaphore_mem>>
    tpu.enqueue_indirect_dma source(%dma_start3A_400 : memref<100000x1024xf32, #tpu.memory_space<hbm>>) target(%dma_start3A_395 : memref<16x1024xf32, #tpu.memory_space<vmem>>) offsets(%dma_start3A_397 : memref<16xi32, #tpu.memory_space<vmem>>) semaphore(%dma_start3A_402 : memref<!tpu.dma_semaphore, #tpu.memory_space<semaphore_mem>>)
    %dma_wait3A_403 = arith.constant 5 : i32
    %dma_wait3A_404 = arith.constant 5 : i32
    %dma_wait3A_405 = arith.constant 0 : i32
    %dma_wait3A_406 = arith.constant 0 : i32
    %dma_wait3A_407 = tpu.memref_slice %arg6[%dma_wait3A_403, %dma_wait3A_405, %dma_wait3A_406] : memref<7x16x1024xf32, #tpu.memory_space<vmem>> -> memref<1x16x1024xf32, #tpu.memory_space<vmem>>
    %dma_wait3A_408 = tpu.memref_squeeze %dma_wait3A_407 : memref<1x16x1024xf32, #tpu.memory_space<vmem>> -> memref<16x1024xf32, #tpu.memory_space<vmem>>
    %dma_wait3A_409 = arith.constant 80 : i32
    %dma_wait3A_410 = tpu.memref_slice %arg5[%dma_wait3A_409] : memref<512xi32, #tpu.memory_space<vmem>> -> memref<16xi32, #tpu.memory_space<vmem>>
    %dma_wait3A_411 = arith.constant 0 : i32
    %dma_wait3A_412 = arith.constant 0 : i32
    %dma_wait3A_413 = tpu.memref_slice %arg2[%dma_wait3A_411, %dma_wait3A_412] : memref<100000x1024xf32, #tpu.memory_space<hbm>> -> memref<100000x1024xf32, #tpu.memory_space<hbm>>
    %dma_wait3A_414 = tpu.memref_slice %arg7[%dma_wait3A_404] : memref<7x!tpu.dma_semaphore, #tpu.memory_space<semaphore_mem>> -> memref<1x!tpu.dma_semaphore, #tpu.memory_space<semaphore_mem>>
    %dma_wait3A_415 = tpu.memref_squeeze %dma_wait3A_414 : memref<1x!tpu.dma_semaphore, #tpu.memory_space<semaphore_mem>> -> memref<!tpu.dma_semaphore, #tpu.memory_space<semaphore_mem>>
    tpu.wait_indirect_dma semaphore(%dma_wait3A_415 : memref<!tpu.dma_semaphore, #tpu.memory_space<semaphore_mem>>) src(%dma_wait3A_413 : memref<100000x1024xf32, #tpu.memory_space<hbm>>) dst(%dma_wait3A_408 : memref<16x1024xf32, #tpu.memory_space<vmem>>)
    %add3A_416 = arith.constant 80 : i32
    %add3A_417 = arith.addi %mul3A_2, %add3A_416 : i32
    %dma_start3A_418 = arith.constant 5 : i32
    %dma_start3A_419 = arith.constant 5 : i32
    %dma_start3A_420 = arith.constant 0 : i32
    %dma_start3A_421 = arith.constant 0 : i32
    %dma_start3A_422 = tpu.memref_slice %arg6[%dma_start3A_418, %dma_start3A_420, %dma_start3A_421] : memref<7x16x1024xf32, #tpu.memory_space<vmem>> -> memref<1x16x1024xf32, #tpu.memory_space<vmem>>
    %dma_start3A_423 = tpu.memref_squeeze %dma_start3A_422 : memref<1x16x1024xf32, #tpu.memory_space<vmem>> -> memref<16x1024xf32, #tpu.memory_space<vmem>>
    %dma_start3A_424 = arith.constant 0 : i32
    %dma_start3A_425 = tpu.memref_slice %arg4[%add3A_417, %dma_start3A_424] : memref<16384x1024xf32, #tpu.memory_space<hbm>> -> memref<16x1024xf32, #tpu.memory_space<hbm>>
    %dma_start3A_426 = tpu.memref_slice %arg8[%dma_start3A_419] : memref<7x!tpu.dma_semaphore, #tpu.memory_space<semaphore_mem>> -> memref<1x!tpu.dma_semaphore, #tpu.memory_space<semaphore_mem>>
    %dma_start3A_427 = tpu.memref_squeeze %dma_start3A_426 : memref<1x!tpu.dma_semaphore, #tpu.memory_space<semaphore_mem>> -> memref<!tpu.dma_semaphore, #tpu.memory_space<semaphore_mem>>
    %dma_start3A_428 = arith.constant 0 : i32
    %dma_start3A_429 = tpu.memref_slice %arg4[%add3A_417, %dma_start3A_428] : memref<16384x1024xf32, #tpu.memory_space<hbm>> -> memref<16x1024xf32, #tpu.memory_space<hbm>>
    %dma_start3A_430 = arith.constant 0 : i32
    %dma_start3A_431 = arith.constant 0 : i32
    %dma_start3A_432 = tpu.memref_slice %arg6[%dma_start3A_418, %dma_start3A_430, %dma_start3A_431] : memref<7x16x1024xf32, #tpu.memory_space<vmem>> -> memref<1x16x1024xf32, #tpu.memory_space<vmem>>
    %dma_start3A_433 = tpu.memref_squeeze %dma_start3A_432 : memref<1x16x1024xf32, #tpu.memory_space<vmem>> -> memref<16x1024xf32, #tpu.memory_space<vmem>>
    tpu.enqueue_dma source(%dma_start3A_433 : memref<16x1024xf32, #tpu.memory_space<vmem>>) target(%dma_start3A_429 : memref<16x1024xf32, #tpu.memory_space<hbm>>) target_semaphore(%dma_start3A_427 : memref<!tpu.dma_semaphore, #tpu.memory_space<semaphore_mem>>)
    %add3A_434 = arith.constant 64 : i32
    %add3A_435 = arith.addi %mul3A_2, %add3A_434 : i32
    %dma_wait3A_436 = arith.constant 4 : i32
    %dma_wait3A_437 = arith.constant 4 : i32
    %dma_wait3A_438 = arith.constant 0 : i32
    %dma_wait3A_439 = arith.constant 0 : i32
    %dma_wait3A_440 = tpu.memref_slice %arg6[%dma_wait3A_436, %dma_wait3A_438, %dma_wait3A_439] : memref<7x16x1024xf32, #tpu.memory_space<vmem>> -> memref<1x16x1024xf32, #tpu.memory_space<vmem>>
    %dma_wait3A_441 = tpu.memref_squeeze %dma_wait3A_440 : memref<1x16x1024xf32, #tpu.memory_space<vmem>> -> memref<16x1024xf32, #tpu.memory_space<vmem>>
    %dma_wait3A_442 = arith.constant 0 : i32
    %dma_wait3A_443 = tpu.memref_slice %arg4[%add3A_435, %dma_wait3A_442] : memref<16384x1024xf32, #tpu.memory_space<hbm>> -> memref<16x1024xf32, #tpu.memory_space<hbm>>
    %dma_wait3A_444 = tpu.memref_slice %arg8[%dma_wait3A_437] : memref<7x!tpu.dma_semaphore, #tpu.memory_space<semaphore_mem>> -> memref<1x!tpu.dma_semaphore, #tpu.memory_space<semaphore_mem>>
    %dma_wait3A_445 = tpu.memref_squeeze %dma_wait3A_444 : memref<1x!tpu.dma_semaphore, #tpu.memory_space<semaphore_mem>> -> memref<!tpu.dma_semaphore, #tpu.memory_space<semaphore_mem>>
    %dma_wait3A_446 = arith.constant 0 : i32
    %dma_wait3A_447 = tpu.memref_slice %arg4[%add3A_435, %dma_wait3A_446] : memref<16384x1024xf32, #tpu.memory_space<hbm>> -> memref<16x1024xf32, #tpu.memory_space<hbm>>
    %dma_wait3A_448 = arith.constant 0 : i32
    %dma_wait3A_449 = arith.constant 0 : i32
    %dma_wait3A_450 = tpu.memref_slice %arg6[%dma_wait3A_436, %dma_wait3A_448, %dma_wait3A_449] : memref<7x16x1024xf32, #tpu.memory_space<vmem>> -> memref<1x16x1024xf32, #tpu.memory_space<vmem>>
    %dma_wait3A_451 = tpu.memref_squeeze %dma_wait3A_450 : memref<1x16x1024xf32, #tpu.memory_space<vmem>> -> memref<16x1024xf32, #tpu.memory_space<vmem>>
    tpu.wait_dma2 semaphore(%dma_wait3A_445 : memref<!tpu.dma_semaphore, #tpu.memory_space<semaphore_mem>>) src(%dma_wait3A_451 : memref<16x1024xf32, #tpu.memory_space<vmem>>) dst(%dma_wait3A_447 : memref<16x1024xf32, #tpu.memory_space<hbm>>)
    %dma_start3A_452 = arith.constant 4 : i32
    %dma_start3A_453 = arith.constant 4 : i32
    %dma_start3A_454 = arith.constant 0 : i32
    %dma_start3A_455 = arith.constant 0 : i32
    %dma_start3A_456 = tpu.memref_slice %arg6[%dma_start3A_452, %dma_start3A_454, %dma_start3A_455] : memref<7x16x1024xf32, #tpu.memory_space<vmem>> -> memref<1x16x1024xf32, #tpu.memory_space<vmem>>
    %dma_start3A_457 = tpu.memref_squeeze %dma_start3A_456 : memref<1x16x1024xf32, #tpu.memory_space<vmem>> -> memref<16x1024xf32, #tpu.memory_space<vmem>>
    %dma_start3A_458 = arith.constant 176 : i32
    %dma_start3A_459 = tpu.memref_slice %arg5[%dma_start3A_458] : memref<512xi32, #tpu.memory_space<vmem>> -> memref<16xi32, #tpu.memory_space<vmem>>
    %dma_start3A_460 = arith.constant 0 : i32
    %dma_start3A_461 = arith.constant 0 : i32
    %dma_start3A_462 = tpu.memref_slice %arg2[%dma_start3A_460, %dma_start3A_461] : memref<100000x1024xf32, #tpu.memory_space<hbm>> -> memref<100000x1024xf32, #tpu.memory_space<hbm>>
    %dma_start3A_463 = tpu.memref_slice %arg7[%dma_start3A_453] : memref<7x!tpu.dma_semaphore, #tpu.memory_space<semaphore_mem>> -> memref<1x!tpu.dma_semaphore, #tpu.memory_space<semaphore_mem>>
    %dma_start3A_464 = tpu.memref_squeeze %dma_start3A_463 : memref<1x!tpu.dma_semaphore, #tpu.memory_space<semaphore_mem>> -> memref<!tpu.dma_semaphore, #tpu.memory_space<semaphore_mem>>
    tpu.enqueue_indirect_dma source(%dma_start3A_462 : memref<100000x1024xf32, #tpu.memory_space<hbm>>) target(%dma_start3A_457 : memref<16x1024xf32, #tpu.memory_space<vmem>>) offsets(%dma_start3A_459 : memref<16xi32, #tpu.memory_space<vmem>>) semaphore(%dma_start3A_464 : memref<!tpu.dma_semaphore, #tpu.memory_space<semaphore_mem>>)
    %dma_wait3A_465 = arith.constant 6 : i32
    %dma_wait3A_466 = arith.constant 6 : i32
    %dma_wait3A_467 = arith.constant 0 : i32
    %dma_wait3A_468 = arith.constant 0 : i32
    %dma_wait3A_469 = tpu.memref_slice %arg6[%dma_wait3A_465, %dma_wait3A_467, %dma_wait3A_468] : memref<7x16x1024xf32, #tpu.memory_space<vmem>> -> memref<1x16x1024xf32, #tpu.memory_space<vmem>>
    %dma_wait3A_470 = tpu.memref_squeeze %dma_wait3A_469 : memref<1x16x1024xf32, #tpu.memory_space<vmem>> -> memref<16x1024xf32, #tpu.memory_space<vmem>>
    %dma_wait3A_471 = arith.constant 96 : i32
    %dma_wait3A_472 = tpu.memref_slice %arg5[%dma_wait3A_471] : memref<512xi32, #tpu.memory_space<vmem>> -> memref<16xi32, #tpu.memory_space<vmem>>
    %dma_wait3A_473 = arith.constant 0 : i32
    %dma_wait3A_474 = arith.constant 0 : i32
    %dma_wait3A_475 = tpu.memref_slice %arg2[%dma_wait3A_473, %dma_wait3A_474] : memref<100000x1024xf32, #tpu.memory_space<hbm>> -> memref<100000x1024xf32, #tpu.memory_space<hbm>>
    %dma_wait3A_476 = tpu.memref_slice %arg7[%dma_wait3A_466] : memref<7x!tpu.dma_semaphore, #tpu.memory_space<semaphore_mem>> -> memref<1x!tpu.dma_semaphore, #tpu.memory_space<semaphore_mem>>
    %dma_wait3A_477 = tpu.memref_squeeze %dma_wait3A_476 : memref<1x!tpu.dma_semaphore, #tpu.memory_space<semaphore_mem>> -> memref<!tpu.dma_semaphore, #tpu.memory_space<semaphore_mem>>
    tpu.wait_indirect_dma semaphore(%dma_wait3A_477 : memref<!tpu.dma_semaphore, #tpu.memory_space<semaphore_mem>>) src(%dma_wait3A_475 : memref<100000x1024xf32, #tpu.memory_space<hbm>>) dst(%dma_wait3A_470 : memref<16x1024xf32, #tpu.memory_space<vmem>>)
    %add3A_478 = arith.constant 96 : i32
    %add3A_479 = arith.addi %mul3A_2, %add3A_478 : i32
    %dma_start3A_480 = arith.constant 6 : i32
    %dma_start3A_481 = arith.constant 6 : i32
    %dma_start3A_482 = arith.constant 0 : i32
    %dma_start3A_483 = arith.constant 0 : i32
    %dma_start3A_484 = tpu.memref_slice %arg6[%dma_start3A_480, %dma_start3A_482, %dma_start3A_483] : memref<7x16x1024xf32, #tpu.memory_space<vmem>> -> memref<1x16x1024xf32, #tpu.memory_space<vmem>>
    %dma_start3A_485 = tpu.memref_squeeze %dma_start3A_484 : memref<1x16x1024xf32, #tpu.memory_space<vmem>> -> memref<16x1024xf32, #tpu.memory_space<vmem>>
    %dma_start3A_486 = arith.constant 0 : i32
    %dma_start3A_487 = tpu.memref_slice %arg4[%add3A_479, %dma_start3A_486] : memref<16384x1024xf32, #tpu.memory_space<hbm>> -> memref<16x1024xf32, #tpu.memory_space<hbm>>
    %dma_start3A_488 = tpu.memref_slice %arg8[%dma_start3A_481] : memref<7x!tpu.dma_semaphore, #tpu.memory_space<semaphore_mem>> -> memref<1x!tpu.dma_semaphore, #tpu.memory_space<semaphore_mem>>
    %dma_start3A_489 = tpu.memref_squeeze %dma_start3A_488 : memref<1x!tpu.dma_semaphore, #tpu.memory_space<semaphore_mem>> -> memref<!tpu.dma_semaphore, #tpu.memory_space<semaphore_mem>>
    %dma_start3A_490 = arith.constant 0 : i32
    %dma_start3A_491 = tpu.memref_slice %arg4[%add3A_479, %dma_start3A_490] : memref<16384x1024xf32, #tpu.memory_space<hbm>> -> memref<16x1024xf32, #tpu.memory_space<hbm>>
    %dma_start3A_492 = arith.constant 0 : i32
    %dma_start3A_493 = arith.constant 0 : i32
    %dma_start3A_494 = tpu.memref_slice %arg6[%dma_start3A_480, %dma_start3A_492, %dma_start3A_493] : memref<7x16x1024xf32, #tpu.memory_space<vmem>> -> memref<1x16x1024xf32, #tpu.memory_space<vmem>>
    %dma_start3A_495 = tpu.memref_squeeze %dma_start3A_494 : memref<1x16x1024xf32, #tpu.memory_space<vmem>> -> memref<16x1024xf32, #tpu.memory_space<vmem>>
    tpu.enqueue_dma source(%dma_start3A_495 : memref<16x1024xf32, #tpu.memory_space<vmem>>) target(%dma_start3A_491 : memref<16x1024xf32, #tpu.memory_space<hbm>>) target_semaphore(%dma_start3A_489 : memref<!tpu.dma_semaphore, #tpu.memory_space<semaphore_mem>>)
    %add3A_496 = arith.constant 80 : i32
    %add3A_497 = arith.addi %mul3A_2, %add3A_496 : i32
    %dma_wait3A_498 = arith.constant 5 : i32
    %dma_wait3A_499 = arith.constant 5 : i32
    %dma_wait3A_500 = arith.constant 0 : i32
    %dma_wait3A_501 = arith.constant 0 : i32
    %dma_wait3A_502 = tpu.memref_slice %arg6[%dma_wait3A_498, %dma_wait3A_500, %dma_wait3A_501] : memref<7x16x1024xf32, #tpu.memory_space<vmem>> -> memref<1x16x1024xf32, #tpu.memory_space<vmem>>
    %dma_wait3A_503 = tpu.memref_squeeze %dma_wait3A_502 : memref<1x16x1024xf32, #tpu.memory_space<vmem>> -> memref<16x1024xf32, #tpu.memory_space<vmem>>
    %dma_wait3A_504 = arith.constant 0 : i32
    %dma_wait3A_505 = tpu.memref_slice %arg4[%add3A_497, %dma_wait3A_504] : memref<16384x1024xf32, #tpu.memory_space<hbm>> -> memref<16x1024xf32, #tpu.memory_space<hbm>>
    %dma_wait3A_506 = tpu.memref_slice %arg8[%dma_wait3A_499] : memref<7x!tpu.dma_semaphore, #tpu.memory_space<semaphore_mem>> -> memref<1x!tpu.dma_semaphore, #tpu.memory_space<semaphore_mem>>
    %dma_wait3A_507 = tpu.memref_squeeze %dma_wait3A_506 : memref<1x!tpu.dma_semaphore, #tpu.memory_space<semaphore_mem>> -> memref<!tpu.dma_semaphore, #tpu.memory_space<semaphore_mem>>
    %dma_wait3A_508 = arith.constant 0 : i32
    %dma_wait3A_509 = tpu.memref_slice %arg4[%add3A_497, %dma_wait3A_508] : memref<16384x1024xf32, #tpu.memory_space<hbm>> -> memref<16x1024xf32, #tpu.memory_space<hbm>>
    %dma_wait3A_510 = arith.constant 0 : i32
    %dma_wait3A_511 = arith.constant 0 : i32
    %dma_wait3A_512 = tpu.memref_slice %arg6[%dma_wait3A_498, %dma_wait3A_510, %dma_wait3A_511] : memref<7x16x1024xf32, #tpu.memory_space<vmem>> -> memref<1x16x1024xf32, #tpu.memory_space<vmem>>
    %dma_wait3A_513 = tpu.memref_squeeze %dma_wait3A_512 : memref<1x16x1024xf32, #tpu.memory_space<vmem>> -> memref<16x1024xf32, #tpu.memory_space<vmem>>
    tpu.wait_dma2 semaphore(%dma_wait3A_507 : memref<!tpu.dma_semaphore, #tpu.memory_space<semaphore_mem>>) src(%dma_wait3A_513 : memref<16x1024xf32, #tpu.memory_space<vmem>>) dst(%dma_wait3A_509 : memref<16x1024xf32, #tpu.memory_space<hbm>>)
    %dma_start3A_514 = arith.constant 5 : i32
    %dma_start3A_515 = arith.constant 5 : i32
    %dma_start3A_516 = arith.constant 0 : i32
    %dma_start3A_517 = arith.constant 0 : i32
    %dma_start3A_518 = tpu.memref_slice %arg6[%dma_start3A_514, %dma_start3A_516, %dma_start3A_517] : memref<7x16x1024xf32, #tpu.memory_space<vmem>> -> memref<1x16x1024xf32, #tpu.memory_space<vmem>>
    %dma_start3A_519 = tpu.memref_squeeze %dma_start3A_518 : memref<1x16x1024xf32, #tpu.memory_space<vmem>> -> memref<16x1024xf32, #tpu.memory_space<vmem>>
    %dma_start3A_520 = arith.constant 192 : i32
    %dma_start3A_521 = tpu.memref_slice %arg5[%dma_start3A_520] : memref<512xi32, #tpu.memory_space<vmem>> -> memref<16xi32, #tpu.memory_space<vmem>>
    %dma_start3A_522 = arith.constant 0 : i32
    %dma_start3A_523 = arith.constant 0 : i32
    %dma_start3A_524 = tpu.memref_slice %arg2[%dma_start3A_522, %dma_start3A_523] : memref<100000x1024xf32, #tpu.memory_space<hbm>> -> memref<100000x1024xf32, #tpu.memory_space<hbm>>
    %dma_start3A_525 = tpu.memref_slice %arg7[%dma_start3A_515] : memref<7x!tpu.dma_semaphore, #tpu.memory_space<semaphore_mem>> -> memref<1x!tpu.dma_semaphore, #tpu.memory_space<semaphore_mem>>
    %dma_start3A_526 = tpu.memref_squeeze %dma_start3A_525 : memref<1x!tpu.dma_semaphore, #tpu.memory_space<semaphore_mem>> -> memref<!tpu.dma_semaphore, #tpu.memory_space<semaphore_mem>>
    tpu.enqueue_indirect_dma source(%dma_start3A_524 : memref<100000x1024xf32, #tpu.memory_space<hbm>>) target(%dma_start3A_519 : memref<16x1024xf32, #tpu.memory_space<vmem>>) offsets(%dma_start3A_521 : memref<16xi32, #tpu.memory_space<vmem>>) semaphore(%dma_start3A_526 : memref<!tpu.dma_semaphore, #tpu.memory_space<semaphore_mem>>)
    %dma_wait3A_527 = arith.constant 0 : i32
    %dma_wait3A_528 = arith.constant 0 : i32
    %dma_wait3A_529 = arith.constant 0 : i32
    %dma_wait3A_530 = arith.constant 0 : i32
    %dma_wait3A_531 = tpu.memref_slice %arg6[%dma_wait3A_527, %dma_wait3A_529, %dma_wait3A_530] : memref<7x16x1024xf32, #tpu.memory_space<vmem>> -> memref<1x16x1024xf32, #tpu.memory_space<vmem>>
    %dma_wait3A_532 = tpu.memref_squeeze %dma_wait3A_531 : memref<1x16x1024xf32, #tpu.memory_space<vmem>> -> memref<16x1024xf32, #tpu.memory_space<vmem>>
    %dma_wait3A_533 = arith.constant 112 : i32
    %dma_wait3A_534 = tpu.memref_slice %arg5[%dma_wait3A_533] : memref<512xi32, #tpu.memory_space<vmem>> -> memref<16xi32, #tpu.memory_space<vmem>>
    %dma_wait3A_535 = arith.constant 0 : i32
    %dma_wait3A_536 = arith.constant 0 : i32
    %dma_wait3A_537 = tpu.memref_slice %arg2[%dma_wait3A_535, %dma_wait3A_536] : memref<100000x1024xf32, #tpu.memory_space<hbm>> -> memref<100000x1024xf32, #tpu.memory_space<hbm>>
    %dma_wait3A_538 = tpu.memref_slice %arg7[%dma_wait3A_528] : memref<7x!tpu.dma_semaphore, #tpu.memory_space<semaphore_mem>> -> memref<1x!tpu.dma_semaphore, #tpu.memory_space<semaphore_mem>>
    %dma_wait3A_539 = tpu.memref_squeeze %dma_wait3A_538 : memref<1x!tpu.dma_semaphore, #tpu.memory_space<semaphore_mem>> -> memref<!tpu.dma_semaphore, #tpu.memory_space<semaphore_mem>>
    tpu.wait_indirect_dma semaphore(%dma_wait3A_539 : memref<!tpu.dma_semaphore, #tpu.memory_space<semaphore_mem>>) src(%dma_wait3A_537 : memref<100000x1024xf32, #tpu.memory_space<hbm>>) dst(%dma_wait3A_532 : memref<16x1024xf32, #tpu.memory_space<vmem>>)
    %add3A_540 = arith.constant 112 : i32
    %add3A_541 = arith.addi %mul3A_2, %add3A_540 : i32
    %dma_start3A_542 = arith.constant 0 : i32
    %dma_start3A_543 = arith.constant 0 : i32
    %dma_start3A_544 = arith.constant 0 : i32
    %dma_start3A_545 = arith.constant 0 : i32
    %dma_start3A_546 = tpu.memref_slice %arg6[%dma_start3A_542, %dma_start3A_544, %dma_start3A_545] : memref<7x16x1024xf32, #tpu.memory_space<vmem>> -> memref<1x16x1024xf32, #tpu.memory_space<vmem>>
    %dma_start3A_547 = tpu.memref_squeeze %dma_start3A_546 : memref<1x16x1024xf32, #tpu.memory_space<vmem>> -> memref<16x1024xf32, #tpu.memory_space<vmem>>
    %dma_start3A_548 = arith.constant 0 : i32
    %dma_start3A_549 = tpu.memref_slice %arg4[%add3A_541, %dma_start3A_548] : memref<16384x1024xf32, #tpu.memory_space<hbm>> -> memref<16x1024xf32, #tpu.memory_space<hbm>>
    %dma_start3A_550 = tpu.memref_slice %arg8[%dma_start3A_543] : memref<7x!tpu.dma_semaphore, #tpu.memory_space<semaphore_mem>> -> memref<1x!tpu.dma_semaphore, #tpu.memory_space<semaphore_mem>>
    %dma_start3A_551 = tpu.memref_squeeze %dma_start3A_550 : memref<1x!tpu.dma_semaphore, #tpu.memory_space<semaphore_mem>> -> memref<!tpu.dma_semaphore, #tpu.memory_space<semaphore_mem>>
    %dma_start3A_552 = arith.constant 0 : i32
    %dma_start3A_553 = tpu.memref_slice %arg4[%add3A_541, %dma_start3A_552] : memref<16384x1024xf32, #tpu.memory_space<hbm>> -> memref<16x1024xf32, #tpu.memory_space<hbm>>
    %dma_start3A_554 = arith.constant 0 : i32
    %dma_start3A_555 = arith.constant 0 : i32
    %dma_start3A_556 = tpu.memref_slice %arg6[%dma_start3A_542, %dma_start3A_554, %dma_start3A_555] : memref<7x16x1024xf32, #tpu.memory_space<vmem>> -> memref<1x16x1024xf32, #tpu.memory_space<vmem>>
    %dma_start3A_557 = tpu.memref_squeeze %dma_start3A_556 : memref<1x16x1024xf32, #tpu.memory_space<vmem>> -> memref<16x1024xf32, #tpu.memory_space<vmem>>
    tpu.enqueue_dma source(%dma_start3A_557 : memref<16x1024xf32, #tpu.memory_space<vmem>>) target(%dma_start3A_553 : memref<16x1024xf32, #tpu.memory_space<hbm>>) target_semaphore(%dma_start3A_551 : memref<!tpu.dma_semaphore, #tpu.memory_space<semaphore_mem>>)
    %add3A_558 = arith.constant 96 : i32
    %add3A_559 = arith.addi %mul3A_2, %add3A_558 : i32
    %dma_wait3A_560 = arith.constant 6 : i32
    %dma_wait3A_561 = arith.constant 6 : i32
    %dma_wait3A_562 = arith.constant 0 : i32
    %dma_wait3A_563 = arith.constant 0 : i32
    %dma_wait3A_564 = tpu.memref_slice %arg6[%dma_wait3A_560, %dma_wait3A_562, %dma_wait3A_563] : memref<7x16x1024xf32, #tpu.memory_space<vmem>> -> memref<1x16x1024xf32, #tpu.memory_space<vmem>>
    %dma_wait3A_565 = tpu.memref_squeeze %dma_wait3A_564 : memref<1x16x1024xf32, #tpu.memory_space<vmem>> -> memref<16x1024xf32, #tpu.memory_space<vmem>>
    %dma_wait3A_566 = arith.constant 0 : i32
    %dma_wait3A_567 = tpu.memref_slice %arg4[%add3A_559, %dma_wait3A_566] : memref<16384x1024xf32, #tpu.memory_space<hbm>> -> memref<16x1024xf32, #tpu.memory_space<hbm>>
    %dma_wait3A_568 = tpu.memref_slice %arg8[%dma_wait3A_561] : memref<7x!tpu.dma_semaphore, #tpu.memory_space<semaphore_mem>> -> memref<1x!tpu.dma_semaphore, #tpu.memory_space<semaphore_mem>>
    %dma_wait3A_569 = tpu.memref_squeeze %dma_wait3A_568 : memref<1x!tpu.dma_semaphore, #tpu.memory_space<semaphore_mem>> -> memref<!tpu.dma_semaphore, #tpu.memory_space<semaphore_mem>>
    %dma_wait3A_570 = arith.constant 0 : i32
    %dma_wait3A_571 = tpu.memref_slice %arg4[%add3A_559, %dma_wait3A_570] : memref<16384x1024xf32, #tpu.memory_space<hbm>> -> memref<16x1024xf32, #tpu.memory_space<hbm>>
    %dma_wait3A_572 = arith.constant 0 : i32
    %dma_wait3A_573 = arith.constant 0 : i32
    %dma_wait3A_574 = tpu.memref_slice %arg6[%dma_wait3A_560, %dma_wait3A_572, %dma_wait3A_573] : memref<7x16x1024xf32, #tpu.memory_space<vmem>> -> memref<1x16x1024xf32, #tpu.memory_space<vmem>>
    %dma_wait3A_575 = tpu.memref_squeeze %dma_wait3A_574 : memref<1x16x1024xf32, #tpu.memory_space<vmem>> -> memref<16x1024xf32, #tpu.memory_space<vmem>>
    tpu.wait_dma2 semaphore(%dma_wait3A_569 : memref<!tpu.dma_semaphore, #tpu.memory_space<semaphore_mem>>) src(%dma_wait3A_575 : memref<16x1024xf32, #tpu.memory_space<vmem>>) dst(%dma_wait3A_571 : memref<16x1024xf32, #tpu.memory_space<hbm>>)
    %dma_start3A_576 = arith.constant 6 : i32
    %dma_start3A_577 = arith.constant 6 : i32
    %dma_start3A_578 = arith.constant 0 : i32
    %dma_start3A_579 = arith.constant 0 : i32
    %dma_start3A_580 = tpu.memref_slice %arg6[%dma_start3A_576, %dma_start3A_578, %dma_start3A_579] : memref<7x16x1024xf32, #tpu.memory_space<vmem>> -> memref<1x16x1024xf32, #tpu.memory_space<vmem>>
    %dma_start3A_581 = tpu.memref_squeeze %dma_start3A_580 : memref<1x16x1024xf32, #tpu.memory_space<vmem>> -> memref<16x1024xf32, #tpu.memory_space<vmem>>
    %dma_start3A_582 = arith.constant 208 : i32
    %dma_start3A_583 = tpu.memref_slice %arg5[%dma_start3A_582] : memref<512xi32, #tpu.memory_space<vmem>> -> memref<16xi32, #tpu.memory_space<vmem>>
    %dma_start3A_584 = arith.constant 0 : i32
    %dma_start3A_585 = arith.constant 0 : i32
    %dma_start3A_586 = tpu.memref_slice %arg2[%dma_start3A_584, %dma_start3A_585] : memref<100000x1024xf32, #tpu.memory_space<hbm>> -> memref<100000x1024xf32, #tpu.memory_space<hbm>>
    %dma_start3A_587 = tpu.memref_slice %arg7[%dma_start3A_577] : memref<7x!tpu.dma_semaphore, #tpu.memory_space<semaphore_mem>> -> memref<1x!tpu.dma_semaphore, #tpu.memory_space<semaphore_mem>>
    %dma_start3A_588 = tpu.memref_squeeze %dma_start3A_587 : memref<1x!tpu.dma_semaphore, #tpu.memory_space<semaphore_mem>> -> memref<!tpu.dma_semaphore, #tpu.memory_space<semaphore_mem>>
    tpu.enqueue_indirect_dma source(%dma_start3A_586 : memref<100000x1024xf32, #tpu.memory_space<hbm>>) target(%dma_start3A_581 : memref<16x1024xf32, #tpu.memory_space<vmem>>) offsets(%dma_start3A_583 : memref<16xi32, #tpu.memory_space<vmem>>) semaphore(%dma_start3A_588 : memref<!tpu.dma_semaphore, #tpu.memory_space<semaphore_mem>>)
    %dma_wait3A_589 = arith.constant 1 : i32
    %dma_wait3A_590 = arith.constant 1 : i32
    %dma_wait3A_591 = arith.constant 0 : i32
    %dma_wait3A_592 = arith.constant 0 : i32
    %dma_wait3A_593 = tpu.memref_slice %arg6[%dma_wait3A_589, %dma_wait3A_591, %dma_wait3A_592] : memref<7x16x1024xf32, #tpu.memory_space<vmem>> -> memref<1x16x1024xf32, #tpu.memory_space<vmem>>
    %dma_wait3A_594 = tpu.memref_squeeze %dma_wait3A_593 : memref<1x16x1024xf32, #tpu.memory_space<vmem>> -> memref<16x1024xf32, #tpu.memory_space<vmem>>
    %dma_wait3A_595 = arith.constant 128 : i32
    %dma_wait3A_596 = tpu.memref_slice %arg5[%dma_wait3A_595] : memref<512xi32, #tpu.memory_space<vmem>> -> memref<16xi32, #tpu.memory_space<vmem>>
    %dma_wait3A_597 = arith.constant 0 : i32
    %dma_wait3A_598 = arith.constant 0 : i32
    %dma_wait3A_599 = tpu.memref_slice %arg2[%dma_wait3A_597, %dma_wait3A_598] : memref<100000x1024xf32, #tpu.memory_space<hbm>> -> memref<100000x1024xf32, #tpu.memory_space<hbm>>
    %dma_wait3A_600 = tpu.memref_slice %arg7[%dma_wait3A_590] : memref<7x!tpu.dma_semaphore, #tpu.memory_space<semaphore_mem>> -> memref<1x!tpu.dma_semaphore, #tpu.memory_space<semaphore_mem>>
    %dma_wait3A_601 = tpu.memref_squeeze %dma_wait3A_600 : memref<1x!tpu.dma_semaphore, #tpu.memory_space<semaphore_mem>> -> memref<!tpu.dma_semaphore, #tpu.memory_space<semaphore_mem>>
    tpu.wait_indirect_dma semaphore(%dma_wait3A_601 : memref<!tpu.dma_semaphore, #tpu.memory_space<semaphore_mem>>) src(%dma_wait3A_599 : memref<100000x1024xf32, #tpu.memory_space<hbm>>) dst(%dma_wait3A_594 : memref<16x1024xf32, #tpu.memory_space<vmem>>)
    %add3A_602 = arith.constant 128 : i32
    %add3A_603 = arith.addi %mul3A_2, %add3A_602 : i32
    %dma_start3A_604 = arith.constant 1 : i32
    %dma_start3A_605 = arith.constant 1 : i32
    %dma_start3A_606 = arith.constant 0 : i32
    %dma_start3A_607 = arith.constant 0 : i32
    %dma_start3A_608 = tpu.memref_slice %arg6[%dma_start3A_604, %dma_start3A_606, %dma_start3A_607] : memref<7x16x1024xf32, #tpu.memory_space<vmem>> -> memref<1x16x1024xf32, #tpu.memory_space<vmem>>
    %dma_start3A_609 = tpu.memref_squeeze %dma_start3A_608 : memref<1x16x1024xf32, #tpu.memory_space<vmem>> -> memref<16x1024xf32, #tpu.memory_space<vmem>>
    %dma_start3A_610 = arith.constant 0 : i32
    %dma_start3A_611 = tpu.memref_slice %arg4[%add3A_603, %dma_start3A_610] : memref<16384x1024xf32, #tpu.memory_space<hbm>> -> memref<16x1024xf32, #tpu.memory_space<hbm>>
    %dma_start3A_612 = tpu.memref_slice %arg8[%dma_start3A_605] : memref<7x!tpu.dma_semaphore, #tpu.memory_space<semaphore_mem>> -> memref<1x!tpu.dma_semaphore, #tpu.memory_space<semaphore_mem>>
    %dma_start3A_613 = tpu.memref_squeeze %dma_start3A_612 : memref<1x!tpu.dma_semaphore, #tpu.memory_space<semaphore_mem>> -> memref<!tpu.dma_semaphore, #tpu.memory_space<semaphore_mem>>
    %dma_start3A_614 = arith.constant 0 : i32
    %dma_start3A_615 = tpu.memref_slice %arg4[%add3A_603, %dma_start3A_614] : memref<16384x1024xf32, #tpu.memory_space<hbm>> -> memref<16x1024xf32, #tpu.memory_space<hbm>>
    %dma_start3A_616 = arith.constant 0 : i32
    %dma_start3A_617 = arith.constant 0 : i32
    %dma_start3A_618 = tpu.memref_slice %arg6[%dma_start3A_604, %dma_start3A_616, %dma_start3A_617] : memref<7x16x1024xf32, #tpu.memory_space<vmem>> -> memref<1x16x1024xf32, #tpu.memory_space<vmem>>
    %dma_start3A_619 = tpu.memref_squeeze %dma_start3A_618 : memref<1x16x1024xf32, #tpu.memory_space<vmem>> -> memref<16x1024xf32, #tpu.memory_space<vmem>>
    tpu.enqueue_dma source(%dma_start3A_619 : memref<16x1024xf32, #tpu.memory_space<vmem>>) target(%dma_start3A_615 : memref<16x1024xf32, #tpu.memory_space<hbm>>) target_semaphore(%dma_start3A_613 : memref<!tpu.dma_semaphore, #tpu.memory_space<semaphore_mem>>)
    %add3A_620 = arith.constant 112 : i32
    %add3A_621 = arith.addi %mul3A_2, %add3A_620 : i32
    %dma_wait3A_622 = arith.constant 0 : i32
    %dma_wait3A_623 = arith.constant 0 : i32
    %dma_wait3A_624 = arith.constant 0 : i32
    %dma_wait3A_625 = arith.constant 0 : i32
    %dma_wait3A_626 = tpu.memref_slice %arg6[%dma_wait3A_622, %dma_wait3A_624, %dma_wait3A_625] : memref<7x16x1024xf32, #tpu.memory_space<vmem>> -> memref<1x16x1024xf32, #tpu.memory_space<vmem>>
    %dma_wait3A_627 = tpu.memref_squeeze %dma_wait3A_626 : memref<1x16x1024xf32, #tpu.memory_space<vmem>> -> memref<16x1024xf32, #tpu.memory_space<vmem>>
    %dma_wait3A_628 = arith.constant 0 : i32
    %dma_wait3A_629 = tpu.memref_slice %arg4[%add3A_621, %dma_wait3A_628] : memref<16384x1024xf32, #tpu.memory_space<hbm>> -> memref<16x1024xf32, #tpu.memory_space<hbm>>
    %dma_wait3A_630 = tpu.memref_slice %arg8[%dma_wait3A_623] : memref<7x!tpu.dma_semaphore, #tpu.memory_space<semaphore_mem>> -> memref<1x!tpu.dma_semaphore, #tpu.memory_space<semaphore_mem>>
    %dma_wait3A_631 = tpu.memref_squeeze %dma_wait3A_630 : memref<1x!tpu.dma_semaphore, #tpu.memory_space<semaphore_mem>> -> memref<!tpu.dma_semaphore, #tpu.memory_space<semaphore_mem>>
    %dma_wait3A_632 = arith.constant 0 : i32
    %dma_wait3A_633 = tpu.memref_slice %arg4[%add3A_621, %dma_wait3A_632] : memref<16384x1024xf32, #tpu.memory_space<hbm>> -> memref<16x1024xf32, #tpu.memory_space<hbm>>
    %dma_wait3A_634 = arith.constant 0 : i32
    %dma_wait3A_635 = arith.constant 0 : i32
    %dma_wait3A_636 = tpu.memref_slice %arg6[%dma_wait3A_622, %dma_wait3A_634, %dma_wait3A_635] : memref<7x16x1024xf32, #tpu.memory_space<vmem>> -> memref<1x16x1024xf32, #tpu.memory_space<vmem>>
    %dma_wait3A_637 = tpu.memref_squeeze %dma_wait3A_636 : memref<1x16x1024xf32, #tpu.memory_space<vmem>> -> memref<16x1024xf32, #tpu.memory_space<vmem>>
    tpu.wait_dma2 semaphore(%dma_wait3A_631 : memref<!tpu.dma_semaphore, #tpu.memory_space<semaphore_mem>>) src(%dma_wait3A_637 : memref<16x1024xf32, #tpu.memory_space<vmem>>) dst(%dma_wait3A_633 : memref<16x1024xf32, #tpu.memory_space<hbm>>)
    %dma_start3A_638 = arith.constant 0 : i32
    %dma_start3A_639 = arith.constant 0 : i32
    %dma_start3A_640 = arith.constant 0 : i32
    %dma_start3A_641 = arith.constant 0 : i32
    %dma_start3A_642 = tpu.memref_slice %arg6[%dma_start3A_638, %dma_start3A_640, %dma_start3A_641] : memref<7x16x1024xf32, #tpu.memory_space<vmem>> -> memref<1x16x1024xf32, #tpu.memory_space<vmem>>
    %dma_start3A_643 = tpu.memref_squeeze %dma_start3A_642 : memref<1x16x1024xf32, #tpu.memory_space<vmem>> -> memref<16x1024xf32, #tpu.memory_space<vmem>>
    %dma_start3A_644 = arith.constant 224 : i32
    %dma_start3A_645 = tpu.memref_slice %arg5[%dma_start3A_644] : memref<512xi32, #tpu.memory_space<vmem>> -> memref<16xi32, #tpu.memory_space<vmem>>
    %dma_start3A_646 = arith.constant 0 : i32
    %dma_start3A_647 = arith.constant 0 : i32
    %dma_start3A_648 = tpu.memref_slice %arg2[%dma_start3A_646, %dma_start3A_647] : memref<100000x1024xf32, #tpu.memory_space<hbm>> -> memref<100000x1024xf32, #tpu.memory_space<hbm>>
    %dma_start3A_649 = tpu.memref_slice %arg7[%dma_start3A_639] : memref<7x!tpu.dma_semaphore, #tpu.memory_space<semaphore_mem>> -> memref<1x!tpu.dma_semaphore, #tpu.memory_space<semaphore_mem>>
    %dma_start3A_650 = tpu.memref_squeeze %dma_start3A_649 : memref<1x!tpu.dma_semaphore, #tpu.memory_space<semaphore_mem>> -> memref<!tpu.dma_semaphore, #tpu.memory_space<semaphore_mem>>
    tpu.enqueue_indirect_dma source(%dma_start3A_648 : memref<100000x1024xf32, #tpu.memory_space<hbm>>) target(%dma_start3A_643 : memref<16x1024xf32, #tpu.memory_space<vmem>>) offsets(%dma_start3A_645 : memref<16xi32, #tpu.memory_space<vmem>>) semaphore(%dma_start3A_650 : memref<!tpu.dma_semaphore, #tpu.memory_space<semaphore_mem>>)
    %dma_wait3A_651 = arith.constant 2 : i32
    %dma_wait3A_652 = arith.constant 2 : i32
    %dma_wait3A_653 = arith.constant 0 : i32
    %dma_wait3A_654 = arith.constant 0 : i32
    %dma_wait3A_655 = tpu.memref_slice %arg6[%dma_wait3A_651, %dma_wait3A_653, %dma_wait3A_654] : memref<7x16x1024xf32, #tpu.memory_space<vmem>> -> memref<1x16x1024xf32, #tpu.memory_space<vmem>>
    %dma_wait3A_656 = tpu.memref_squeeze %dma_wait3A_655 : memref<1x16x1024xf32, #tpu.memory_space<vmem>> -> memref<16x1024xf32, #tpu.memory_space<vmem>>
    %dma_wait3A_657 = arith.constant 144 : i32
    %dma_wait3A_658 = tpu.memref_slice %arg5[%dma_wait3A_657] : memref<512xi32, #tpu.memory_space<vmem>> -> memref<16xi32, #tpu.memory_space<vmem>>
    %dma_wait3A_659 = arith.constant 0 : i32
    %dma_wait3A_660 = arith.constant 0 : i32
    %dma_wait3A_661 = tpu.memref_slice %arg2[%dma_wait3A_659, %dma_wait3A_660] : memref<100000x1024xf32, #tpu.memory_space<hbm>> -> memref<100000x1024xf32, #tpu.memory_space<hbm>>
    %dma_wait3A_662 = tpu.memref_slice %arg7[%dma_wait3A_652] : memref<7x!tpu.dma_semaphore, #tpu.memory_space<semaphore_mem>> -> memref<1x!tpu.dma_semaphore, #tpu.memory_space<semaphore_mem>>
    %dma_wait3A_663 = tpu.memref_squeeze %dma_wait3A_662 : memref<1x!tpu.dma_semaphore, #tpu.memory_space<semaphore_mem>> -> memref<!tpu.dma_semaphore, #tpu.memory_space<semaphore_mem>>
    tpu.wait_indirect_dma semaphore(%dma_wait3A_663 : memref<!tpu.dma_semaphore, #tpu.memory_space<semaphore_mem>>) src(%dma_wait3A_661 : memref<100000x1024xf32, #tpu.memory_space<hbm>>) dst(%dma_wait3A_656 : memref<16x1024xf32, #tpu.memory_space<vmem>>)
    %add3A_664 = arith.constant 144 : i32
    %add3A_665 = arith.addi %mul3A_2, %add3A_664 : i32
    %dma_start3A_666 = arith.constant 2 : i32
    %dma_start3A_667 = arith.constant 2 : i32
    %dma_start3A_668 = arith.constant 0 : i32
    %dma_start3A_669 = arith.constant 0 : i32
    %dma_start3A_670 = tpu.memref_slice %arg6[%dma_start3A_666, %dma_start3A_668, %dma_start3A_669] : memref<7x16x1024xf32, #tpu.memory_space<vmem>> -> memref<1x16x1024xf32, #tpu.memory_space<vmem>>
    %dma_start3A_671 = tpu.memref_squeeze %dma_start3A_670 : memref<1x16x1024xf32, #tpu.memory_space<vmem>> -> memref<16x1024xf32, #tpu.memory_space<vmem>>
    %dma_start3A_672 = arith.constant 0 : i32
    %dma_start3A_673 = tpu.memref_slice %arg4[%add3A_665, %dma_start3A_672] : memref<16384x1024xf32, #tpu.memory_space<hbm>> -> memref<16x1024xf32, #tpu.memory_space<hbm>>
    %dma_start3A_674 = tpu.memref_slice %arg8[%dma_start3A_667] : memref<7x!tpu.dma_semaphore, #tpu.memory_space<semaphore_mem>> -> memref<1x!tpu.dma_semaphore, #tpu.memory_space<semaphore_mem>>
    %dma_start3A_675 = tpu.memref_squeeze %dma_start3A_674 : memref<1x!tpu.dma_semaphore, #tpu.memory_space<semaphore_mem>> -> memref<!tpu.dma_semaphore, #tpu.memory_space<semaphore_mem>>
    %dma_start3A_676 = arith.constant 0 : i32
    %dma_start3A_677 = tpu.memref_slice %arg4[%add3A_665, %dma_start3A_676] : memref<16384x1024xf32, #tpu.memory_space<hbm>> -> memref<16x1024xf32, #tpu.memory_space<hbm>>
    %dma_start3A_678 = arith.constant 0 : i32
    %dma_start3A_679 = arith.constant 0 : i32
    %dma_start3A_680 = tpu.memref_slice %arg6[%dma_start3A_666, %dma_start3A_678, %dma_start3A_679] : memref<7x16x1024xf32, #tpu.memory_space<vmem>> -> memref<1x16x1024xf32, #tpu.memory_space<vmem>>
    %dma_start3A_681 = tpu.memref_squeeze %dma_start3A_680 : memref<1x16x1024xf32, #tpu.memory_space<vmem>> -> memref<16x1024xf32, #tpu.memory_space<vmem>>
    tpu.enqueue_dma source(%dma_start3A_681 : memref<16x1024xf32, #tpu.memory_space<vmem>>) target(%dma_start3A_677 : memref<16x1024xf32, #tpu.memory_space<hbm>>) target_semaphore(%dma_start3A_675 : memref<!tpu.dma_semaphore, #tpu.memory_space<semaphore_mem>>)
    %add3A_682 = arith.constant 128 : i32
    %add3A_683 = arith.addi %mul3A_2, %add3A_682 : i32
    %dma_wait3A_684 = arith.constant 1 : i32
    %dma_wait3A_685 = arith.constant 1 : i32
    %dma_wait3A_686 = arith.constant 0 : i32
    %dma_wait3A_687 = arith.constant 0 : i32
    %dma_wait3A_688 = tpu.memref_slice %arg6[%dma_wait3A_684, %dma_wait3A_686, %dma_wait3A_687] : memref<7x16x1024xf32, #tpu.memory_space<vmem>> -> memref<1x16x1024xf32, #tpu.memory_space<vmem>>
    %dma_wait3A_689 = tpu.memref_squeeze %dma_wait3A_688 : memref<1x16x1024xf32, #tpu.memory_space<vmem>> -> memref<16x1024xf32, #tpu.memory_space<vmem>>
    %dma_wait3A_690 = arith.constant 0 : i32
    %dma_wait3A_691 = tpu.memref_slice %arg4[%add3A_683, %dma_wait3A_690] : memref<16384x1024xf32, #tpu.memory_space<hbm>> -> memref<16x1024xf32, #tpu.memory_space<hbm>>
    %dma_wait3A_692 = tpu.memref_slice %arg8[%dma_wait3A_685] : memref<7x!tpu.dma_semaphore, #tpu.memory_space<semaphore_mem>> -> memref<1x!tpu.dma_semaphore, #tpu.memory_space<semaphore_mem>>
    %dma_wait3A_693 = tpu.memref_squeeze %dma_wait3A_692 : memref<1x!tpu.dma_semaphore, #tpu.memory_space<semaphore_mem>> -> memref<!tpu.dma_semaphore, #tpu.memory_space<semaphore_mem>>
    %dma_wait3A_694 = arith.constant 0 : i32
    %dma_wait3A_695 = tpu.memref_slice %arg4[%add3A_683, %dma_wait3A_694] : memref<16384x1024xf32, #tpu.memory_space<hbm>> -> memref<16x1024xf32, #tpu.memory_space<hbm>>
    %dma_wait3A_696 = arith.constant 0 : i32
    %dma_wait3A_697 = arith.constant 0 : i32
    %dma_wait3A_698 = tpu.memref_slice %arg6[%dma_wait3A_684, %dma_wait3A_696, %dma_wait3A_697] : memref<7x16x1024xf32, #tpu.memory_space<vmem>> -> memref<1x16x1024xf32, #tpu.memory_space<vmem>>
    %dma_wait3A_699 = tpu.memref_squeeze %dma_wait3A_698 : memref<1x16x1024xf32, #tpu.memory_space<vmem>> -> memref<16x1024xf32, #tpu.memory_space<vmem>>
    tpu.wait_dma2 semaphore(%dma_wait3A_693 : memref<!tpu.dma_semaphore, #tpu.memory_space<semaphore_mem>>) src(%dma_wait3A_699 : memref<16x1024xf32, #tpu.memory_space<vmem>>) dst(%dma_wait3A_695 : memref<16x1024xf32, #tpu.memory_space<hbm>>)
    %dma_start3A_700 = arith.constant 1 : i32
    %dma_start3A_701 = arith.constant 1 : i32
    %dma_start3A_702 = arith.constant 0 : i32
    %dma_start3A_703 = arith.constant 0 : i32
    %dma_start3A_704 = tpu.memref_slice %arg6[%dma_start3A_700, %dma_start3A_702, %dma_start3A_703] : memref<7x16x1024xf32, #tpu.memory_space<vmem>> -> memref<1x16x1024xf32, #tpu.memory_space<vmem>>
    %dma_start3A_705 = tpu.memref_squeeze %dma_start3A_704 : memref<1x16x1024xf32, #tpu.memory_space<vmem>> -> memref<16x1024xf32, #tpu.memory_space<vmem>>
    %dma_start3A_706 = arith.constant 240 : i32
    %dma_start3A_707 = tpu.memref_slice %arg5[%dma_start3A_706] : memref<512xi32, #tpu.memory_space<vmem>> -> memref<16xi32, #tpu.memory_space<vmem>>
    %dma_start3A_708 = arith.constant 0 : i32
    %dma_start3A_709 = arith.constant 0 : i32
    %dma_start3A_710 = tpu.memref_slice %arg2[%dma_start3A_708, %dma_start3A_709] : memref<100000x1024xf32, #tpu.memory_space<hbm>> -> memref<100000x1024xf32, #tpu.memory_space<hbm>>
    %dma_start3A_711 = tpu.memref_slice %arg7[%dma_start3A_701] : memref<7x!tpu.dma_semaphore, #tpu.memory_space<semaphore_mem>> -> memref<1x!tpu.dma_semaphore, #tpu.memory_space<semaphore_mem>>
    %dma_start3A_712 = tpu.memref_squeeze %dma_start3A_711 : memref<1x!tpu.dma_semaphore, #tpu.memory_space<semaphore_mem>> -> memref<!tpu.dma_semaphore, #tpu.memory_space<semaphore_mem>>
    tpu.enqueue_indirect_dma source(%dma_start3A_710 : memref<100000x1024xf32, #tpu.memory_space<hbm>>) target(%dma_start3A_705 : memref<16x1024xf32, #tpu.memory_space<vmem>>) offsets(%dma_start3A_707 : memref<16xi32, #tpu.memory_space<vmem>>) semaphore(%dma_start3A_712 : memref<!tpu.dma_semaphore, #tpu.memory_space<semaphore_mem>>)
    %dma_wait3A_713 = arith.constant 3 : i32
    %dma_wait3A_714 = arith.constant 3 : i32
    %dma_wait3A_715 = arith.constant 0 : i32
    %dma_wait3A_716 = arith.constant 0 : i32
    %dma_wait3A_717 = tpu.memref_slice %arg6[%dma_wait3A_713, %dma_wait3A_715, %dma_wait3A_716] : memref<7x16x1024xf32, #tpu.memory_space<vmem>> -> memref<1x16x1024xf32, #tpu.memory_space<vmem>>
    %dma_wait3A_718 = tpu.memref_squeeze %dma_wait3A_717 : memref<1x16x1024xf32, #tpu.memory_space<vmem>> -> memref<16x1024xf32, #tpu.memory_space<vmem>>
    %dma_wait3A_719 = arith.constant 160 : i32
    %dma_wait3A_720 = tpu.memref_slice %arg5[%dma_wait3A_719] : memref<512xi32, #tpu.memory_space<vmem>> -> memref<16xi32, #tpu.memory_space<vmem>>
    %dma_wait3A_721 = arith.constant 0 : i32
    %dma_wait3A_722 = arith.constant 0 : i32
    %dma_wait3A_723 = tpu.memref_slice %arg2[%dma_wait3A_721, %dma_wait3A_722] : memref<100000x1024xf32, #tpu.memory_space<hbm>> -> memref<100000x1024xf32, #tpu.memory_space<hbm>>
    %dma_wait3A_724 = tpu.memref_slice %arg7[%dma_wait3A_714] : memref<7x!tpu.dma_semaphore, #tpu.memory_space<semaphore_mem>> -> memref<1x!tpu.dma_semaphore, #tpu.memory_space<semaphore_mem>>
    %dma_wait3A_725 = tpu.memref_squeeze %dma_wait3A_724 : memref<1x!tpu.dma_semaphore, #tpu.memory_space<semaphore_mem>> -> memref<!tpu.dma_semaphore, #tpu.memory_space<semaphore_mem>>
    tpu.wait_indirect_dma semaphore(%dma_wait3A_725 : memref<!tpu.dma_semaphore, #tpu.memory_space<semaphore_mem>>) src(%dma_wait3A_723 : memref<100000x1024xf32, #tpu.memory_space<hbm>>) dst(%dma_wait3A_718 : memref<16x1024xf32, #tpu.memory_space<vmem>>)
    %add3A_726 = arith.constant 160 : i32
    %add3A_727 = arith.addi %mul3A_2, %add3A_726 : i32
    %dma_start3A_728 = arith.constant 3 : i32
    %dma_start3A_729 = arith.constant 3 : i32
    %dma_start3A_730 = arith.constant 0 : i32
    %dma_start3A_731 = arith.constant 0 : i32
    %dma_start3A_732 = tpu.memref_slice %arg6[%dma_start3A_728, %dma_start3A_730, %dma_start3A_731] : memref<7x16x1024xf32, #tpu.memory_space<vmem>> -> memref<1x16x1024xf32, #tpu.memory_space<vmem>>
    %dma_start3A_733 = tpu.memref_squeeze %dma_start3A_732 : memref<1x16x1024xf32, #tpu.memory_space<vmem>> -> memref<16x1024xf32, #tpu.memory_space<vmem>>
    %dma_start3A_734 = arith.constant 0 : i32
    %dma_start3A_735 = tpu.memref_slice %arg4[%add3A_727, %dma_start3A_734] : memref<16384x1024xf32, #tpu.memory_space<hbm>> -> memref<16x1024xf32, #tpu.memory_space<hbm>>
    %dma_start3A_736 = tpu.memref_slice %arg8[%dma_start3A_729] : memref<7x!tpu.dma_semaphore, #tpu.memory_space<semaphore_mem>> -> memref<1x!tpu.dma_semaphore, #tpu.memory_space<semaphore_mem>>
    %dma_start3A_737 = tpu.memref_squeeze %dma_start3A_736 : memref<1x!tpu.dma_semaphore, #tpu.memory_space<semaphore_mem>> -> memref<!tpu.dma_semaphore, #tpu.memory_space<semaphore_mem>>
    %dma_start3A_738 = arith.constant 0 : i32
    %dma_start3A_739 = tpu.memref_slice %arg4[%add3A_727, %dma_start3A_738] : memref<16384x1024xf32, #tpu.memory_space<hbm>> -> memref<16x1024xf32, #tpu.memory_space<hbm>>
    %dma_start3A_740 = arith.constant 0 : i32
    %dma_start3A_741 = arith.constant 0 : i32
    %dma_start3A_742 = tpu.memref_slice %arg6[%dma_start3A_728, %dma_start3A_740, %dma_start3A_741] : memref<7x16x1024xf32, #tpu.memory_space<vmem>> -> memref<1x16x1024xf32, #tpu.memory_space<vmem>>
    %dma_start3A_743 = tpu.memref_squeeze %dma_start3A_742 : memref<1x16x1024xf32, #tpu.memory_space<vmem>> -> memref<16x1024xf32, #tpu.memory_space<vmem>>
    tpu.enqueue_dma source(%dma_start3A_743 : memref<16x1024xf32, #tpu.memory_space<vmem>>) target(%dma_start3A_739 : memref<16x1024xf32, #tpu.memory_space<hbm>>) target_semaphore(%dma_start3A_737 : memref<!tpu.dma_semaphore, #tpu.memory_space<semaphore_mem>>)
    %add3A_744 = arith.constant 144 : i32
    %add3A_745 = arith.addi %mul3A_2, %add3A_744 : i32
    %dma_wait3A_746 = arith.constant 2 : i32
    %dma_wait3A_747 = arith.constant 2 : i32
    %dma_wait3A_748 = arith.constant 0 : i32
    %dma_wait3A_749 = arith.constant 0 : i32
    %dma_wait3A_750 = tpu.memref_slice %arg6[%dma_wait3A_746, %dma_wait3A_748, %dma_wait3A_749] : memref<7x16x1024xf32, #tpu.memory_space<vmem>> -> memref<1x16x1024xf32, #tpu.memory_space<vmem>>
    %dma_wait3A_751 = tpu.memref_squeeze %dma_wait3A_750 : memref<1x16x1024xf32, #tpu.memory_space<vmem>> -> memref<16x1024xf32, #tpu.memory_space<vmem>>
    %dma_wait3A_752 = arith.constant 0 : i32
    %dma_wait3A_753 = tpu.memref_slice %arg4[%add3A_745, %dma_wait3A_752] : memref<16384x1024xf32, #tpu.memory_space<hbm>> -> memref<16x1024xf32, #tpu.memory_space<hbm>>
    %dma_wait3A_754 = tpu.memref_slice %arg8[%dma_wait3A_747] : memref<7x!tpu.dma_semaphore, #tpu.memory_space<semaphore_mem>> -> memref<1x!tpu.dma_semaphore, #tpu.memory_space<semaphore_mem>>
    %dma_wait3A_755 = tpu.memref_squeeze %dma_wait3A_754 : memref<1x!tpu.dma_semaphore, #tpu.memory_space<semaphore_mem>> -> memref<!tpu.dma_semaphore, #tpu.memory_space<semaphore_mem>>
    %dma_wait3A_756 = arith.constant 0 : i32
    %dma_wait3A_757 = tpu.memref_slice %arg4[%add3A_745, %dma_wait3A_756] : memref<16384x1024xf32, #tpu.memory_space<hbm>> -> memref<16x1024xf32, #tpu.memory_space<hbm>>
    %dma_wait3A_758 = arith.constant 0 : i32
    %dma_wait3A_759 = arith.constant 0 : i32
    %dma_wait3A_760 = tpu.memref_slice %arg6[%dma_wait3A_746, %dma_wait3A_758, %dma_wait3A_759] : memref<7x16x1024xf32, #tpu.memory_space<vmem>> -> memref<1x16x1024xf32, #tpu.memory_space<vmem>>
    %dma_wait3A_761 = tpu.memref_squeeze %dma_wait3A_760 : memref<1x16x1024xf32, #tpu.memory_space<vmem>> -> memref<16x1024xf32, #tpu.memory_space<vmem>>
    tpu.wait_dma2 semaphore(%dma_wait3A_755 : memref<!tpu.dma_semaphore, #tpu.memory_space<semaphore_mem>>) src(%dma_wait3A_761 : memref<16x1024xf32, #tpu.memory_space<vmem>>) dst(%dma_wait3A_757 : memref<16x1024xf32, #tpu.memory_space<hbm>>)
    %dma_start3A_762 = arith.constant 2 : i32
    %dma_start3A_763 = arith.constant 2 : i32
    %dma_start3A_764 = arith.constant 0 : i32
    %dma_start3A_765 = arith.constant 0 : i32
    %dma_start3A_766 = tpu.memref_slice %arg6[%dma_start3A_762, %dma_start3A_764, %dma_start3A_765] : memref<7x16x1024xf32, #tpu.memory_space<vmem>> -> memref<1x16x1024xf32, #tpu.memory_space<vmem>>
    %dma_start3A_767 = tpu.memref_squeeze %dma_start3A_766 : memref<1x16x1024xf32, #tpu.memory_space<vmem>> -> memref<16x1024xf32, #tpu.memory_space<vmem>>
    %dma_start3A_768 = arith.constant 256 : i32
    %dma_start3A_769 = tpu.memref_slice %arg5[%dma_start3A_768] : memref<512xi32, #tpu.memory_space<vmem>> -> memref<16xi32, #tpu.memory_space<vmem>>
    %dma_start3A_770 = arith.constant 0 : i32
    %dma_start3A_771 = arith.constant 0 : i32
    %dma_start3A_772 = tpu.memref_slice %arg2[%dma_start3A_770, %dma_start3A_771] : memref<100000x1024xf32, #tpu.memory_space<hbm>> -> memref<100000x1024xf32, #tpu.memory_space<hbm>>
    %dma_start3A_773 = tpu.memref_slice %arg7[%dma_start3A_763] : memref<7x!tpu.dma_semaphore, #tpu.memory_space<semaphore_mem>> -> memref<1x!tpu.dma_semaphore, #tpu.memory_space<semaphore_mem>>
    %dma_start3A_774 = tpu.memref_squeeze %dma_start3A_773 : memref<1x!tpu.dma_semaphore, #tpu.memory_space<semaphore_mem>> -> memref<!tpu.dma_semaphore, #tpu.memory_space<semaphore_mem>>
    tpu.enqueue_indirect_dma source(%dma_start3A_772 : memref<100000x1024xf32, #tpu.memory_space<hbm>>) target(%dma_start3A_767 : memref<16x1024xf32, #tpu.memory_space<vmem>>) offsets(%dma_start3A_769 : memref<16xi32, #tpu.memory_space<vmem>>) semaphore(%dma_start3A_774 : memref<!tpu.dma_semaphore, #tpu.memory_space<semaphore_mem>>)
    %dma_wait3A_775 = arith.constant 4 : i32
    %dma_wait3A_776 = arith.constant 4 : i32
    %dma_wait3A_777 = arith.constant 0 : i32
    %dma_wait3A_778 = arith.constant 0 : i32
    %dma_wait3A_779 = tpu.memref_slice %arg6[%dma_wait3A_775, %dma_wait3A_777, %dma_wait3A_778] : memref<7x16x1024xf32, #tpu.memory_space<vmem>> -> memref<1x16x1024xf32, #tpu.memory_space<vmem>>
    %dma_wait3A_780 = tpu.memref_squeeze %dma_wait3A_779 : memref<1x16x1024xf32, #tpu.memory_space<vmem>> -> memref<16x1024xf32, #tpu.memory_space<vmem>>
    %dma_wait3A_781 = arith.constant 176 : i32
    %dma_wait3A_782 = tpu.memref_slice %arg5[%dma_wait3A_781] : memref<512xi32, #tpu.memory_space<vmem>> -> memref<16xi32, #tpu.memory_space<vmem>>
    %dma_wait3A_783 = arith.constant 0 : i32
    %dma_wait3A_784 = arith.constant 0 : i32
    %dma_wait3A_785 = tpu.memref_slice %arg2[%dma_wait3A_783, %dma_wait3A_784] : memref<100000x1024xf32, #tpu.memory_space<hbm>> -> memref<100000x1024xf32, #tpu.memory_space<hbm>>
    %dma_wait3A_786 = tpu.memref_slice %arg7[%dma_wait3A_776] : memref<7x!tpu.dma_semaphore, #tpu.memory_space<semaphore_mem>> -> memref<1x!tpu.dma_semaphore, #tpu.memory_space<semaphore_mem>>
    %dma_wait3A_787 = tpu.memref_squeeze %dma_wait3A_786 : memref<1x!tpu.dma_semaphore, #tpu.memory_space<semaphore_mem>> -> memref<!tpu.dma_semaphore, #tpu.memory_space<semaphore_mem>>
    tpu.wait_indirect_dma semaphore(%dma_wait3A_787 : memref<!tpu.dma_semaphore, #tpu.memory_space<semaphore_mem>>) src(%dma_wait3A_785 : memref<100000x1024xf32, #tpu.memory_space<hbm>>) dst(%dma_wait3A_780 : memref<16x1024xf32, #tpu.memory_space<vmem>>)
    %add3A_788 = arith.constant 176 : i32
    %add3A_789 = arith.addi %mul3A_2, %add3A_788 : i32
    %dma_start3A_790 = arith.constant 4 : i32
    %dma_start3A_791 = arith.constant 4 : i32
    %dma_start3A_792 = arith.constant 0 : i32
    %dma_start3A_793 = arith.constant 0 : i32
    %dma_start3A_794 = tpu.memref_slice %arg6[%dma_start3A_790, %dma_start3A_792, %dma_start3A_793] : memref<7x16x1024xf32, #tpu.memory_space<vmem>> -> memref<1x16x1024xf32, #tpu.memory_space<vmem>>
    %dma_start3A_795 = tpu.memref_squeeze %dma_start3A_794 : memref<1x16x1024xf32, #tpu.memory_space<vmem>> -> memref<16x1024xf32, #tpu.memory_space<vmem>>
    %dma_start3A_796 = arith.constant 0 : i32
    %dma_start3A_797 = tpu.memref_slice %arg4[%add3A_789, %dma_start3A_796] : memref<16384x1024xf32, #tpu.memory_space<hbm>> -> memref<16x1024xf32, #tpu.memory_space<hbm>>
    %dma_start3A_798 = tpu.memref_slice %arg8[%dma_start3A_791] : memref<7x!tpu.dma_semaphore, #tpu.memory_space<semaphore_mem>> -> memref<1x!tpu.dma_semaphore, #tpu.memory_space<semaphore_mem>>
    %dma_start3A_799 = tpu.memref_squeeze %dma_start3A_798 : memref<1x!tpu.dma_semaphore, #tpu.memory_space<semaphore_mem>> -> memref<!tpu.dma_semaphore, #tpu.memory_space<semaphore_mem>>
    %dma_start3A_800 = arith.constant 0 : i32
    %dma_start3A_801 = tpu.memref_slice %arg4[%add3A_789, %dma_start3A_800] : memref<16384x1024xf32, #tpu.memory_space<hbm>> -> memref<16x1024xf32, #tpu.memory_space<hbm>>
    %dma_start3A_802 = arith.constant 0 : i32
    %dma_start3A_803 = arith.constant 0 : i32
    %dma_start3A_804 = tpu.memref_slice %arg6[%dma_start3A_790, %dma_start3A_802, %dma_start3A_803] : memref<7x16x1024xf32, #tpu.memory_space<vmem>> -> memref<1x16x1024xf32, #tpu.memory_space<vmem>>
    %dma_start3A_805 = tpu.memref_squeeze %dma_start3A_804 : memref<1x16x1024xf32, #tpu.memory_space<vmem>> -> memref<16x1024xf32, #tpu.memory_space<vmem>>
    tpu.enqueue_dma source(%dma_start3A_805 : memref<16x1024xf32, #tpu.memory_space<vmem>>) target(%dma_start3A_801 : memref<16x1024xf32, #tpu.memory_space<hbm>>) target_semaphore(%dma_start3A_799 : memref<!tpu.dma_semaphore, #tpu.memory_space<semaphore_mem>>)
    %add3A_806 = arith.constant 160 : i32
    %add3A_807 = arith.addi %mul3A_2, %add3A_806 : i32
    %dma_wait3A_808 = arith.constant 3 : i32
    %dma_wait3A_809 = arith.constant 3 : i32
    %dma_wait3A_810 = arith.constant 0 : i32
    %dma_wait3A_811 = arith.constant 0 : i32
    %dma_wait3A_812 = tpu.memref_slice %arg6[%dma_wait3A_808, %dma_wait3A_810, %dma_wait3A_811] : memref<7x16x1024xf32, #tpu.memory_space<vmem>> -> memref<1x16x1024xf32, #tpu.memory_space<vmem>>
    %dma_wait3A_813 = tpu.memref_squeeze %dma_wait3A_812 : memref<1x16x1024xf32, #tpu.memory_space<vmem>> -> memref<16x1024xf32, #tpu.memory_space<vmem>>
    %dma_wait3A_814 = arith.constant 0 : i32
    %dma_wait3A_815 = tpu.memref_slice %arg4[%add3A_807, %dma_wait3A_814] : memref<16384x1024xf32, #tpu.memory_space<hbm>> -> memref<16x1024xf32, #tpu.memory_space<hbm>>
    %dma_wait3A_816 = tpu.memref_slice %arg8[%dma_wait3A_809] : memref<7x!tpu.dma_semaphore, #tpu.memory_space<semaphore_mem>> -> memref<1x!tpu.dma_semaphore, #tpu.memory_space<semaphore_mem>>
    %dma_wait3A_817 = tpu.memref_squeeze %dma_wait3A_816 : memref<1x!tpu.dma_semaphore, #tpu.memory_space<semaphore_mem>> -> memref<!tpu.dma_semaphore, #tpu.memory_space<semaphore_mem>>
    %dma_wait3A_818 = arith.constant 0 : i32
    %dma_wait3A_819 = tpu.memref_slice %arg4[%add3A_807, %dma_wait3A_818] : memref<16384x1024xf32, #tpu.memory_space<hbm>> -> memref<16x1024xf32, #tpu.memory_space<hbm>>
    %dma_wait3A_820 = arith.constant 0 : i32
    %dma_wait3A_821 = arith.constant 0 : i32
    %dma_wait3A_822 = tpu.memref_slice %arg6[%dma_wait3A_808, %dma_wait3A_820, %dma_wait3A_821] : memref<7x16x1024xf32, #tpu.memory_space<vmem>> -> memref<1x16x1024xf32, #tpu.memory_space<vmem>>
    %dma_wait3A_823 = tpu.memref_squeeze %dma_wait3A_822 : memref<1x16x1024xf32, #tpu.memory_space<vmem>> -> memref<16x1024xf32, #tpu.memory_space<vmem>>
    tpu.wait_dma2 semaphore(%dma_wait3A_817 : memref<!tpu.dma_semaphore, #tpu.memory_space<semaphore_mem>>) src(%dma_wait3A_823 : memref<16x1024xf32, #tpu.memory_space<vmem>>) dst(%dma_wait3A_819 : memref<16x1024xf32, #tpu.memory_space<hbm>>)
    %dma_start3A_824 = arith.constant 3 : i32
    %dma_start3A_825 = arith.constant 3 : i32
    %dma_start3A_826 = arith.constant 0 : i32
    %dma_start3A_827 = arith.constant 0 : i32
    %dma_start3A_828 = tpu.memref_slice %arg6[%dma_start3A_824, %dma_start3A_826, %dma_start3A_827] : memref<7x16x1024xf32, #tpu.memory_space<vmem>> -> memref<1x16x1024xf32, #tpu.memory_space<vmem>>
    %dma_start3A_829 = tpu.memref_squeeze %dma_start3A_828 : memref<1x16x1024xf32, #tpu.memory_space<vmem>> -> memref<16x1024xf32, #tpu.memory_space<vmem>>
    %dma_start3A_830 = arith.constant 272 : i32
    %dma_start3A_831 = tpu.memref_slice %arg5[%dma_start3A_830] : memref<512xi32, #tpu.memory_space<vmem>> -> memref<16xi32, #tpu.memory_space<vmem>>
    %dma_start3A_832 = arith.constant 0 : i32
    %dma_start3A_833 = arith.constant 0 : i32
    %dma_start3A_834 = tpu.memref_slice %arg2[%dma_start3A_832, %dma_start3A_833] : memref<100000x1024xf32, #tpu.memory_space<hbm>> -> memref<100000x1024xf32, #tpu.memory_space<hbm>>
    %dma_start3A_835 = tpu.memref_slice %arg7[%dma_start3A_825] : memref<7x!tpu.dma_semaphore, #tpu.memory_space<semaphore_mem>> -> memref<1x!tpu.dma_semaphore, #tpu.memory_space<semaphore_mem>>
    %dma_start3A_836 = tpu.memref_squeeze %dma_start3A_835 : memref<1x!tpu.dma_semaphore, #tpu.memory_space<semaphore_mem>> -> memref<!tpu.dma_semaphore, #tpu.memory_space<semaphore_mem>>
    tpu.enqueue_indirect_dma source(%dma_start3A_834 : memref<100000x1024xf32, #tpu.memory_space<hbm>>) target(%dma_start3A_829 : memref<16x1024xf32, #tpu.memory_space<vmem>>) offsets(%dma_start3A_831 : memref<16xi32, #tpu.memory_space<vmem>>) semaphore(%dma_start3A_836 : memref<!tpu.dma_semaphore, #tpu.memory_space<semaphore_mem>>)
    %dma_wait3A_837 = arith.constant 5 : i32
    %dma_wait3A_838 = arith.constant 5 : i32
    %dma_wait3A_839 = arith.constant 0 : i32
    %dma_wait3A_840 = arith.constant 0 : i32
    %dma_wait3A_841 = tpu.memref_slice %arg6[%dma_wait3A_837, %dma_wait3A_839, %dma_wait3A_840] : memref<7x16x1024xf32, #tpu.memory_space<vmem>> -> memref<1x16x1024xf32, #tpu.memory_space<vmem>>
    %dma_wait3A_842 = tpu.memref_squeeze %dma_wait3A_841 : memref<1x16x1024xf32, #tpu.memory_space<vmem>> -> memref<16x1024xf32, #tpu.memory_space<vmem>>
    %dma_wait3A_843 = arith.constant 192 : i32
    %dma_wait3A_844 = tpu.memref_slice %arg5[%dma_wait3A_843] : memref<512xi32, #tpu.memory_space<vmem>> -> memref<16xi32, #tpu.memory_space<vmem>>
    %dma_wait3A_845 = arith.constant 0 : i32
    %dma_wait3A_846 = arith.constant 0 : i32
    %dma_wait3A_847 = tpu.memref_slice %arg2[%dma_wait3A_845, %dma_wait3A_846] : memref<100000x1024xf32, #tpu.memory_space<hbm>> -> memref<100000x1024xf32, #tpu.memory_space<hbm>>
    %dma_wait3A_848 = tpu.memref_slice %arg7[%dma_wait3A_838] : memref<7x!tpu.dma_semaphore, #tpu.memory_space<semaphore_mem>> -> memref<1x!tpu.dma_semaphore, #tpu.memory_space<semaphore_mem>>
    %dma_wait3A_849 = tpu.memref_squeeze %dma_wait3A_848 : memref<1x!tpu.dma_semaphore, #tpu.memory_space<semaphore_mem>> -> memref<!tpu.dma_semaphore, #tpu.memory_space<semaphore_mem>>
    tpu.wait_indirect_dma semaphore(%dma_wait3A_849 : memref<!tpu.dma_semaphore, #tpu.memory_space<semaphore_mem>>) src(%dma_wait3A_847 : memref<100000x1024xf32, #tpu.memory_space<hbm>>) dst(%dma_wait3A_842 : memref<16x1024xf32, #tpu.memory_space<vmem>>)
    %add3A_850 = arith.constant 192 : i32
    %add3A_851 = arith.addi %mul3A_2, %add3A_850 : i32
    %dma_start3A_852 = arith.constant 5 : i32
    %dma_start3A_853 = arith.constant 5 : i32
    %dma_start3A_854 = arith.constant 0 : i32
    %dma_start3A_855 = arith.constant 0 : i32
    %dma_start3A_856 = tpu.memref_slice %arg6[%dma_start3A_852, %dma_start3A_854, %dma_start3A_855] : memref<7x16x1024xf32, #tpu.memory_space<vmem>> -> memref<1x16x1024xf32, #tpu.memory_space<vmem>>
    %dma_start3A_857 = tpu.memref_squeeze %dma_start3A_856 : memref<1x16x1024xf32, #tpu.memory_space<vmem>> -> memref<16x1024xf32, #tpu.memory_space<vmem>>
    %dma_start3A_858 = arith.constant 0 : i32
    %dma_start3A_859 = tpu.memref_slice %arg4[%add3A_851, %dma_start3A_858] : memref<16384x1024xf32, #tpu.memory_space<hbm>> -> memref<16x1024xf32, #tpu.memory_space<hbm>>
    %dma_start3A_860 = tpu.memref_slice %arg8[%dma_start3A_853] : memref<7x!tpu.dma_semaphore, #tpu.memory_space<semaphore_mem>> -> memref<1x!tpu.dma_semaphore, #tpu.memory_space<semaphore_mem>>
    %dma_start3A_861 = tpu.memref_squeeze %dma_start3A_860 : memref<1x!tpu.dma_semaphore, #tpu.memory_space<semaphore_mem>> -> memref<!tpu.dma_semaphore, #tpu.memory_space<semaphore_mem>>
    %dma_start3A_862 = arith.constant 0 : i32
    %dma_start3A_863 = tpu.memref_slice %arg4[%add3A_851, %dma_start3A_862] : memref<16384x1024xf32, #tpu.memory_space<hbm>> -> memref<16x1024xf32, #tpu.memory_space<hbm>>
    %dma_start3A_864 = arith.constant 0 : i32
    %dma_start3A_865 = arith.constant 0 : i32
    %dma_start3A_866 = tpu.memref_slice %arg6[%dma_start3A_852, %dma_start3A_864, %dma_start3A_865] : memref<7x16x1024xf32, #tpu.memory_space<vmem>> -> memref<1x16x1024xf32, #tpu.memory_space<vmem>>
    %dma_start3A_867 = tpu.memref_squeeze %dma_start3A_866 : memref<1x16x1024xf32, #tpu.memory_space<vmem>> -> memref<16x1024xf32, #tpu.memory_space<vmem>>
    tpu.enqueue_dma source(%dma_start3A_867 : memref<16x1024xf32, #tpu.memory_space<vmem>>) target(%dma_start3A_863 : memref<16x1024xf32, #tpu.memory_space<hbm>>) target_semaphore(%dma_start3A_861 : memref<!tpu.dma_semaphore, #tpu.memory_space<semaphore_mem>>)
    %add3A_868 = arith.constant 176 : i32
    %add3A_869 = arith.addi %mul3A_2, %add3A_868 : i32
    %dma_wait3A_870 = arith.constant 4 : i32
    %dma_wait3A_871 = arith.constant 4 : i32
    %dma_wait3A_872 = arith.constant 0 : i32
    %dma_wait3A_873 = arith.constant 0 : i32
    %dma_wait3A_874 = tpu.memref_slice %arg6[%dma_wait3A_870, %dma_wait3A_872, %dma_wait3A_873] : memref<7x16x1024xf32, #tpu.memory_space<vmem>> -> memref<1x16x1024xf32, #tpu.memory_space<vmem>>
    %dma_wait3A_875 = tpu.memref_squeeze %dma_wait3A_874 : memref<1x16x1024xf32, #tpu.memory_space<vmem>> -> memref<16x1024xf32, #tpu.memory_space<vmem>>
    %dma_wait3A_876 = arith.constant 0 : i32
    %dma_wait3A_877 = tpu.memref_slice %arg4[%add3A_869, %dma_wait3A_876] : memref<16384x1024xf32, #tpu.memory_space<hbm>> -> memref<16x1024xf32, #tpu.memory_space<hbm>>
    %dma_wait3A_878 = tpu.memref_slice %arg8[%dma_wait3A_871] : memref<7x!tpu.dma_semaphore, #tpu.memory_space<semaphore_mem>> -> memref<1x!tpu.dma_semaphore, #tpu.memory_space<semaphore_mem>>
    %dma_wait3A_879 = tpu.memref_squeeze %dma_wait3A_878 : memref<1x!tpu.dma_semaphore, #tpu.memory_space<semaphore_mem>> -> memref<!tpu.dma_semaphore, #tpu.memory_space<semaphore_mem>>
    %dma_wait3A_880 = arith.constant 0 : i32
    %dma_wait3A_881 = tpu.memref_slice %arg4[%add3A_869, %dma_wait3A_880] : memref<16384x1024xf32, #tpu.memory_space<hbm>> -> memref<16x1024xf32, #tpu.memory_space<hbm>>
    %dma_wait3A_882 = arith.constant 0 : i32
    %dma_wait3A_883 = arith.constant 0 : i32
    %dma_wait3A_884 = tpu.memref_slice %arg6[%dma_wait3A_870, %dma_wait3A_882, %dma_wait3A_883] : memref<7x16x1024xf32, #tpu.memory_space<vmem>> -> memref<1x16x1024xf32, #tpu.memory_space<vmem>>
    %dma_wait3A_885 = tpu.memref_squeeze %dma_wait3A_884 : memref<1x16x1024xf32, #tpu.memory_space<vmem>> -> memref<16x1024xf32, #tpu.memory_space<vmem>>
    tpu.wait_dma2 semaphore(%dma_wait3A_879 : memref<!tpu.dma_semaphore, #tpu.memory_space<semaphore_mem>>) src(%dma_wait3A_885 : memref<16x1024xf32, #tpu.memory_space<vmem>>) dst(%dma_wait3A_881 : memref<16x1024xf32, #tpu.memory_space<hbm>>)
    %dma_start3A_886 = arith.constant 4 : i32
    %dma_start3A_887 = arith.constant 4 : i32
    %dma_start3A_888 = arith.constant 0 : i32
    %dma_start3A_889 = arith.constant 0 : i32
    %dma_start3A_890 = tpu.memref_slice %arg6[%dma_start3A_886, %dma_start3A_888, %dma_start3A_889] : memref<7x16x1024xf32, #tpu.memory_space<vmem>> -> memref<1x16x1024xf32, #tpu.memory_space<vmem>>
    %dma_start3A_891 = tpu.memref_squeeze %dma_start3A_890 : memref<1x16x1024xf32, #tpu.memory_space<vmem>> -> memref<16x1024xf32, #tpu.memory_space<vmem>>
    %dma_start3A_892 = arith.constant 288 : i32
    %dma_start3A_893 = tpu.memref_slice %arg5[%dma_start3A_892] : memref<512xi32, #tpu.memory_space<vmem>> -> memref<16xi32, #tpu.memory_space<vmem>>
    %dma_start3A_894 = arith.constant 0 : i32
    %dma_start3A_895 = arith.constant 0 : i32
    %dma_start3A_896 = tpu.memref_slice %arg2[%dma_start3A_894, %dma_start3A_895] : memref<100000x1024xf32, #tpu.memory_space<hbm>> -> memref<100000x1024xf32, #tpu.memory_space<hbm>>
    %dma_start3A_897 = tpu.memref_slice %arg7[%dma_start3A_887] : memref<7x!tpu.dma_semaphore, #tpu.memory_space<semaphore_mem>> -> memref<1x!tpu.dma_semaphore, #tpu.memory_space<semaphore_mem>>
    %dma_start3A_898 = tpu.memref_squeeze %dma_start3A_897 : memref<1x!tpu.dma_semaphore, #tpu.memory_space<semaphore_mem>> -> memref<!tpu.dma_semaphore, #tpu.memory_space<semaphore_mem>>
    tpu.enqueue_indirect_dma source(%dma_start3A_896 : memref<100000x1024xf32, #tpu.memory_space<hbm>>) target(%dma_start3A_891 : memref<16x1024xf32, #tpu.memory_space<vmem>>) offsets(%dma_start3A_893 : memref<16xi32, #tpu.memory_space<vmem>>) semaphore(%dma_start3A_898 : memref<!tpu.dma_semaphore, #tpu.memory_space<semaphore_mem>>)
    %dma_wait3A_899 = arith.constant 6 : i32
    %dma_wait3A_900 = arith.constant 6 : i32
    %dma_wait3A_901 = arith.constant 0 : i32
    %dma_wait3A_902 = arith.constant 0 : i32
    %dma_wait3A_903 = tpu.memref_slice %arg6[%dma_wait3A_899, %dma_wait3A_901, %dma_wait3A_902] : memref<7x16x1024xf32, #tpu.memory_space<vmem>> -> memref<1x16x1024xf32, #tpu.memory_space<vmem>>
    %dma_wait3A_904 = tpu.memref_squeeze %dma_wait3A_903 : memref<1x16x1024xf32, #tpu.memory_space<vmem>> -> memref<16x1024xf32, #tpu.memory_space<vmem>>
    %dma_wait3A_905 = arith.constant 208 : i32
    %dma_wait3A_906 = tpu.memref_slice %arg5[%dma_wait3A_905] : memref<512xi32, #tpu.memory_space<vmem>> -> memref<16xi32, #tpu.memory_space<vmem>>
    %dma_wait3A_907 = arith.constant 0 : i32
    %dma_wait3A_908 = arith.constant 0 : i32
    %dma_wait3A_909 = tpu.memref_slice %arg2[%dma_wait3A_907, %dma_wait3A_908] : memref<100000x1024xf32, #tpu.memory_space<hbm>> -> memref<100000x1024xf32, #tpu.memory_space<hbm>>
    %dma_wait3A_910 = tpu.memref_slice %arg7[%dma_wait3A_900] : memref<7x!tpu.dma_semaphore, #tpu.memory_space<semaphore_mem>> -> memref<1x!tpu.dma_semaphore, #tpu.memory_space<semaphore_mem>>
    %dma_wait3A_911 = tpu.memref_squeeze %dma_wait3A_910 : memref<1x!tpu.dma_semaphore, #tpu.memory_space<semaphore_mem>> -> memref<!tpu.dma_semaphore, #tpu.memory_space<semaphore_mem>>
    tpu.wait_indirect_dma semaphore(%dma_wait3A_911 : memref<!tpu.dma_semaphore, #tpu.memory_space<semaphore_mem>>) src(%dma_wait3A_909 : memref<100000x1024xf32, #tpu.memory_space<hbm>>) dst(%dma_wait3A_904 : memref<16x1024xf32, #tpu.memory_space<vmem>>)
    %add3A_912 = arith.constant 208 : i32
    %add3A_913 = arith.addi %mul3A_2, %add3A_912 : i32
    %dma_start3A_914 = arith.constant 6 : i32
    %dma_start3A_915 = arith.constant 6 : i32
    %dma_start3A_916 = arith.constant 0 : i32
    %dma_start3A_917 = arith.constant 0 : i32
    %dma_start3A_918 = tpu.memref_slice %arg6[%dma_start3A_914, %dma_start3A_916, %dma_start3A_917] : memref<7x16x1024xf32, #tpu.memory_space<vmem>> -> memref<1x16x1024xf32, #tpu.memory_space<vmem>>
    %dma_start3A_919 = tpu.memref_squeeze %dma_start3A_918 : memref<1x16x1024xf32, #tpu.memory_space<vmem>> -> memref<16x1024xf32, #tpu.memory_space<vmem>>
    %dma_start3A_920 = arith.constant 0 : i32
    %dma_start3A_921 = tpu.memref_slice %arg4[%add3A_913, %dma_start3A_920] : memref<16384x1024xf32, #tpu.memory_space<hbm>> -> memref<16x1024xf32, #tpu.memory_space<hbm>>
    %dma_start3A_922 = tpu.memref_slice %arg8[%dma_start3A_915] : memref<7x!tpu.dma_semaphore, #tpu.memory_space<semaphore_mem>> -> memref<1x!tpu.dma_semaphore, #tpu.memory_space<semaphore_mem>>
    %dma_start3A_923 = tpu.memref_squeeze %dma_start3A_922 : memref<1x!tpu.dma_semaphore, #tpu.memory_space<semaphore_mem>> -> memref<!tpu.dma_semaphore, #tpu.memory_space<semaphore_mem>>
    %dma_start3A_924 = arith.constant 0 : i32
    %dma_start3A_925 = tpu.memref_slice %arg4[%add3A_913, %dma_start3A_924] : memref<16384x1024xf32, #tpu.memory_space<hbm>> -> memref<16x1024xf32, #tpu.memory_space<hbm>>
    %dma_start3A_926 = arith.constant 0 : i32
    %dma_start3A_927 = arith.constant 0 : i32
    %dma_start3A_928 = tpu.memref_slice %arg6[%dma_start3A_914, %dma_start3A_926, %dma_start3A_927] : memref<7x16x1024xf32, #tpu.memory_space<vmem>> -> memref<1x16x1024xf32, #tpu.memory_space<vmem>>
    %dma_start3A_929 = tpu.memref_squeeze %dma_start3A_928 : memref<1x16x1024xf32, #tpu.memory_space<vmem>> -> memref<16x1024xf32, #tpu.memory_space<vmem>>
    tpu.enqueue_dma source(%dma_start3A_929 : memref<16x1024xf32, #tpu.memory_space<vmem>>) target(%dma_start3A_925 : memref<16x1024xf32, #tpu.memory_space<hbm>>) target_semaphore(%dma_start3A_923 : memref<!tpu.dma_semaphore, #tpu.memory_space<semaphore_mem>>)
    %add3A_930 = arith.constant 192 : i32
    %add3A_931 = arith.addi %mul3A_2, %add3A_930 : i32
    %dma_wait3A_932 = arith.constant 5 : i32
    %dma_wait3A_933 = arith.constant 5 : i32
    %dma_wait3A_934 = arith.constant 0 : i32
    %dma_wait3A_935 = arith.constant 0 : i32
    %dma_wait3A_936 = tpu.memref_slice %arg6[%dma_wait3A_932, %dma_wait3A_934, %dma_wait3A_935] : memref<7x16x1024xf32, #tpu.memory_space<vmem>> -> memref<1x16x1024xf32, #tpu.memory_space<vmem>>
    %dma_wait3A_937 = tpu.memref_squeeze %dma_wait3A_936 : memref<1x16x1024xf32, #tpu.memory_space<vmem>> -> memref<16x1024xf32, #tpu.memory_space<vmem>>
    %dma_wait3A_938 = arith.constant 0 : i32
    %dma_wait3A_939 = tpu.memref_slice %arg4[%add3A_931, %dma_wait3A_938] : memref<16384x1024xf32, #tpu.memory_space<hbm>> -> memref<16x1024xf32, #tpu.memory_space<hbm>>
    %dma_wait3A_940 = tpu.memref_slice %arg8[%dma_wait3A_933] : memref<7x!tpu.dma_semaphore, #tpu.memory_space<semaphore_mem>> -> memref<1x!tpu.dma_semaphore, #tpu.memory_space<semaphore_mem>>
    %dma_wait3A_941 = tpu.memref_squeeze %dma_wait3A_940 : memref<1x!tpu.dma_semaphore, #tpu.memory_space<semaphore_mem>> -> memref<!tpu.dma_semaphore, #tpu.memory_space<semaphore_mem>>
    %dma_wait3A_942 = arith.constant 0 : i32
    %dma_wait3A_943 = tpu.memref_slice %arg4[%add3A_931, %dma_wait3A_942] : memref<16384x1024xf32, #tpu.memory_space<hbm>> -> memref<16x1024xf32, #tpu.memory_space<hbm>>
    %dma_wait3A_944 = arith.constant 0 : i32
    %dma_wait3A_945 = arith.constant 0 : i32
    %dma_wait3A_946 = tpu.memref_slice %arg6[%dma_wait3A_932, %dma_wait3A_944, %dma_wait3A_945] : memref<7x16x1024xf32, #tpu.memory_space<vmem>> -> memref<1x16x1024xf32, #tpu.memory_space<vmem>>
    %dma_wait3A_947 = tpu.memref_squeeze %dma_wait3A_946 : memref<1x16x1024xf32, #tpu.memory_space<vmem>> -> memref<16x1024xf32, #tpu.memory_space<vmem>>
    tpu.wait_dma2 semaphore(%dma_wait3A_941 : memref<!tpu.dma_semaphore, #tpu.memory_space<semaphore_mem>>) src(%dma_wait3A_947 : memref<16x1024xf32, #tpu.memory_space<vmem>>) dst(%dma_wait3A_943 : memref<16x1024xf32, #tpu.memory_space<hbm>>)
    %dma_start3A_948 = arith.constant 5 : i32
    %dma_start3A_949 = arith.constant 5 : i32
    %dma_start3A_950 = arith.constant 0 : i32
    %dma_start3A_951 = arith.constant 0 : i32
    %dma_start3A_952 = tpu.memref_slice %arg6[%dma_start3A_948, %dma_start3A_950, %dma_start3A_951] : memref<7x16x1024xf32, #tpu.memory_space<vmem>> -> memref<1x16x1024xf32, #tpu.memory_space<vmem>>
    %dma_start3A_953 = tpu.memref_squeeze %dma_start3A_952 : memref<1x16x1024xf32, #tpu.memory_space<vmem>> -> memref<16x1024xf32, #tpu.memory_space<vmem>>
    %dma_start3A_954 = arith.constant 304 : i32
    %dma_start3A_955 = tpu.memref_slice %arg5[%dma_start3A_954] : memref<512xi32, #tpu.memory_space<vmem>> -> memref<16xi32, #tpu.memory_space<vmem>>
    %dma_start3A_956 = arith.constant 0 : i32
    %dma_start3A_957 = arith.constant 0 : i32
    %dma_start3A_958 = tpu.memref_slice %arg2[%dma_start3A_956, %dma_start3A_957] : memref<100000x1024xf32, #tpu.memory_space<hbm>> -> memref<100000x1024xf32, #tpu.memory_space<hbm>>
    %dma_start3A_959 = tpu.memref_slice %arg7[%dma_start3A_949] : memref<7x!tpu.dma_semaphore, #tpu.memory_space<semaphore_mem>> -> memref<1x!tpu.dma_semaphore, #tpu.memory_space<semaphore_mem>>
    %dma_start3A_960 = tpu.memref_squeeze %dma_start3A_959 : memref<1x!tpu.dma_semaphore, #tpu.memory_space<semaphore_mem>> -> memref<!tpu.dma_semaphore, #tpu.memory_space<semaphore_mem>>
    tpu.enqueue_indirect_dma source(%dma_start3A_958 : memref<100000x1024xf32, #tpu.memory_space<hbm>>) target(%dma_start3A_953 : memref<16x1024xf32, #tpu.memory_space<vmem>>) offsets(%dma_start3A_955 : memref<16xi32, #tpu.memory_space<vmem>>) semaphore(%dma_start3A_960 : memref<!tpu.dma_semaphore, #tpu.memory_space<semaphore_mem>>)
    %dma_wait3A_961 = arith.constant 0 : i32
    %dma_wait3A_962 = arith.constant 0 : i32
    %dma_wait3A_963 = arith.constant 0 : i32
    %dma_wait3A_964 = arith.constant 0 : i32
    %dma_wait3A_965 = tpu.memref_slice %arg6[%dma_wait3A_961, %dma_wait3A_963, %dma_wait3A_964] : memref<7x16x1024xf32, #tpu.memory_space<vmem>> -> memref<1x16x1024xf32, #tpu.memory_space<vmem>>
    %dma_wait3A_966 = tpu.memref_squeeze %dma_wait3A_965 : memref<1x16x1024xf32, #tpu.memory_space<vmem>> -> memref<16x1024xf32, #tpu.memory_space<vmem>>
    %dma_wait3A_967 = arith.constant 224 : i32
    %dma_wait3A_968 = tpu.memref_slice %arg5[%dma_wait3A_967] : memref<512xi32, #tpu.memory_space<vmem>> -> memref<16xi32, #tpu.memory_space<vmem>>
    %dma_wait3A_969 = arith.constant 0 : i32
    %dma_wait3A_970 = arith.constant 0 : i32
    %dma_wait3A_971 = tpu.memref_slice %arg2[%dma_wait3A_969, %dma_wait3A_970] : memref<100000x1024xf32, #tpu.memory_space<hbm>> -> memref<100000x1024xf32, #tpu.memory_space<hbm>>
    %dma_wait3A_972 = tpu.memref_slice %arg7[%dma_wait3A_962] : memref<7x!tpu.dma_semaphore, #tpu.memory_space<semaphore_mem>> -> memref<1x!tpu.dma_semaphore, #tpu.memory_space<semaphore_mem>>
    %dma_wait3A_973 = tpu.memref_squeeze %dma_wait3A_972 : memref<1x!tpu.dma_semaphore, #tpu.memory_space<semaphore_mem>> -> memref<!tpu.dma_semaphore, #tpu.memory_space<semaphore_mem>>
    tpu.wait_indirect_dma semaphore(%dma_wait3A_973 : memref<!tpu.dma_semaphore, #tpu.memory_space<semaphore_mem>>) src(%dma_wait3A_971 : memref<100000x1024xf32, #tpu.memory_space<hbm>>) dst(%dma_wait3A_966 : memref<16x1024xf32, #tpu.memory_space<vmem>>)
    %add3A_974 = arith.constant 224 : i32
    %add3A_975 = arith.addi %mul3A_2, %add3A_974 : i32
    %dma_start3A_976 = arith.constant 0 : i32
    %dma_start3A_977 = arith.constant 0 : i32
    %dma_start3A_978 = arith.constant 0 : i32
    %dma_start3A_979 = arith.constant 0 : i32
    %dma_start3A_980 = tpu.memref_slice %arg6[%dma_start3A_976, %dma_start3A_978, %dma_start3A_979] : memref<7x16x1024xf32, #tpu.memory_space<vmem>> -> memref<1x16x1024xf32, #tpu.memory_space<vmem>>
    %dma_start3A_981 = tpu.memref_squeeze %dma_start3A_980 : memref<1x16x1024xf32, #tpu.memory_space<vmem>> -> memref<16x1024xf32, #tpu.memory_space<vmem>>
    %dma_start3A_982 = arith.constant 0 : i32
    %dma_start3A_983 = tpu.memref_slice %arg4[%add3A_975, %dma_start3A_982] : memref<16384x1024xf32, #tpu.memory_space<hbm>> -> memref<16x1024xf32, #tpu.memory_space<hbm>>
    %dma_start3A_984 = tpu.memref_slice %arg8[%dma_start3A_977] : memref<7x!tpu.dma_semaphore, #tpu.memory_space<semaphore_mem>> -> memref<1x!tpu.dma_semaphore, #tpu.memory_space<semaphore_mem>>
    %dma_start3A_985 = tpu.memref_squeeze %dma_start3A_984 : memref<1x!tpu.dma_semaphore, #tpu.memory_space<semaphore_mem>> -> memref<!tpu.dma_semaphore, #tpu.memory_space<semaphore_mem>>
    %dma_start3A_986 = arith.constant 0 : i32
    %dma_start3A_987 = tpu.memref_slice %arg4[%add3A_975, %dma_start3A_986] : memref<16384x1024xf32, #tpu.memory_space<hbm>> -> memref<16x1024xf32, #tpu.memory_space<hbm>>
    %dma_start3A_988 = arith.constant 0 : i32
    %dma_start3A_989 = arith.constant 0 : i32
    %dma_start3A_990 = tpu.memref_slice %arg6[%dma_start3A_976, %dma_start3A_988, %dma_start3A_989] : memref<7x16x1024xf32, #tpu.memory_space<vmem>> -> memref<1x16x1024xf32, #tpu.memory_space<vmem>>
    %dma_start3A_991 = tpu.memref_squeeze %dma_start3A_990 : memref<1x16x1024xf32, #tpu.memory_space<vmem>> -> memref<16x1024xf32, #tpu.memory_space<vmem>>
    tpu.enqueue_dma source(%dma_start3A_991 : memref<16x1024xf32, #tpu.memory_space<vmem>>) target(%dma_start3A_987 : memref<16x1024xf32, #tpu.memory_space<hbm>>) target_semaphore(%dma_start3A_985 : memref<!tpu.dma_semaphore, #tpu.memory_space<semaphore_mem>>)
    %add3A_992 = arith.constant 208 : i32
    %add3A_993 = arith.addi %mul3A_2, %add3A_992 : i32
    %dma_wait3A_994 = arith.constant 6 : i32
    %dma_wait3A_995 = arith.constant 6 : i32
    %dma_wait3A_996 = arith.constant 0 : i32
    %dma_wait3A_997 = arith.constant 0 : i32
    %dma_wait3A_998 = tpu.memref_slice %arg6[%dma_wait3A_994, %dma_wait3A_996, %dma_wait3A_997] : memref<7x16x1024xf32, #tpu.memory_space<vmem>> -> memref<1x16x1024xf32, #tpu.memory_space<vmem>>
    %dma_wait3A_999 = tpu.memref_squeeze %dma_wait3A_998 : memref<1x16x1024xf32, #tpu.memory_space<vmem>> -> memref<16x1024xf32, #tpu.memory_space<vmem>>
    %dma_wait3A_1000 = arith.constant 0 : i32
    %dma_wait3A_1001 = tpu.memref_slice %arg4[%add3A_993, %dma_wait3A_1000] : memref<16384x1024xf32, #tpu.memory_space<hbm>> -> memref<16x1024xf32, #tpu.memory_space<hbm>>
    %dma_wait3A_1002 = tpu.memref_slice %arg8[%dma_wait3A_995] : memref<7x!tpu.dma_semaphore, #tpu.memory_space<semaphore_mem>> -> memref<1x!tpu.dma_semaphore, #tpu.memory_space<semaphore_mem>>
    %dma_wait3A_1003 = tpu.memref_squeeze %dma_wait3A_1002 : memref<1x!tpu.dma_semaphore, #tpu.memory_space<semaphore_mem>> -> memref<!tpu.dma_semaphore, #tpu.memory_space<semaphore_mem>>
    %dma_wait3A_1004 = arith.constant 0 : i32
    %dma_wait3A_1005 = tpu.memref_slice %arg4[%add3A_993, %dma_wait3A_1004] : memref<16384x1024xf32, #tpu.memory_space<hbm>> -> memref<16x1024xf32, #tpu.memory_space<hbm>>
    %dma_wait3A_1006 = arith.constant 0 : i32
    %dma_wait3A_1007 = arith.constant 0 : i32
    %dma_wait3A_1008 = tpu.memref_slice %arg6[%dma_wait3A_994, %dma_wait3A_1006, %dma_wait3A_1007] : memref<7x16x1024xf32, #tpu.memory_space<vmem>> -> memref<1x16x1024xf32, #tpu.memory_space<vmem>>
    %dma_wait3A_1009 = tpu.memref_squeeze %dma_wait3A_1008 : memref<1x16x1024xf32, #tpu.memory_space<vmem>> -> memref<16x1024xf32, #tpu.memory_space<vmem>>
    tpu.wait_dma2 semaphore(%dma_wait3A_1003 : memref<!tpu.dma_semaphore, #tpu.memory_space<semaphore_mem>>) src(%dma_wait3A_1009 : memref<16x1024xf32, #tpu.memory_space<vmem>>) dst(%dma_wait3A_1005 : memref<16x1024xf32, #tpu.memory_space<hbm>>)
    %dma_start3A_1010 = arith.constant 6 : i32
    %dma_start3A_1011 = arith.constant 6 : i32
    %dma_start3A_1012 = arith.constant 0 : i32
    %dma_start3A_1013 = arith.constant 0 : i32
    %dma_start3A_1014 = tpu.memref_slice %arg6[%dma_start3A_1010, %dma_start3A_1012, %dma_start3A_1013] : memref<7x16x1024xf32, #tpu.memory_space<vmem>> -> memref<1x16x1024xf32, #tpu.memory_space<vmem>>
    %dma_start3A_1015 = tpu.memref_squeeze %dma_start3A_1014 : memref<1x16x1024xf32, #tpu.memory_space<vmem>> -> memref<16x1024xf32, #tpu.memory_space<vmem>>
    %dma_start3A_1016 = arith.constant 320 : i32
    %dma_start3A_1017 = tpu.memref_slice %arg5[%dma_start3A_1016] : memref<512xi32, #tpu.memory_space<vmem>> -> memref<16xi32, #tpu.memory_space<vmem>>
    %dma_start3A_1018 = arith.constant 0 : i32
    %dma_start3A_1019 = arith.constant 0 : i32
    %dma_start3A_1020 = tpu.memref_slice %arg2[%dma_start3A_1018, %dma_start3A_1019] : memref<100000x1024xf32, #tpu.memory_space<hbm>> -> memref<100000x1024xf32, #tpu.memory_space<hbm>>
    %dma_start3A_1021 = tpu.memref_slice %arg7[%dma_start3A_1011] : memref<7x!tpu.dma_semaphore, #tpu.memory_space<semaphore_mem>> -> memref<1x!tpu.dma_semaphore, #tpu.memory_space<semaphore_mem>>
    %dma_start3A_1022 = tpu.memref_squeeze %dma_start3A_1021 : memref<1x!tpu.dma_semaphore, #tpu.memory_space<semaphore_mem>> -> memref<!tpu.dma_semaphore, #tpu.memory_space<semaphore_mem>>
    tpu.enqueue_indirect_dma source(%dma_start3A_1020 : memref<100000x1024xf32, #tpu.memory_space<hbm>>) target(%dma_start3A_1015 : memref<16x1024xf32, #tpu.memory_space<vmem>>) offsets(%dma_start3A_1017 : memref<16xi32, #tpu.memory_space<vmem>>) semaphore(%dma_start3A_1022 : memref<!tpu.dma_semaphore, #tpu.memory_space<semaphore_mem>>)
    %dma_wait3A_1023 = arith.constant 1 : i32
    %dma_wait3A_1024 = arith.constant 1 : i32
    %dma_wait3A_1025 = arith.constant 0 : i32
    %dma_wait3A_1026 = arith.constant 0 : i32
    %dma_wait3A_1027 = tpu.memref_slice %arg6[%dma_wait3A_1023, %dma_wait3A_1025, %dma_wait3A_1026] : memref<7x16x1024xf32, #tpu.memory_space<vmem>> -> memref<1x16x1024xf32, #tpu.memory_space<vmem>>
    %dma_wait3A_1028 = tpu.memref_squeeze %dma_wait3A_1027 : memref<1x16x1024xf32, #tpu.memory_space<vmem>> -> memref<16x1024xf32, #tpu.memory_space<vmem>>
    %dma_wait3A_1029 = arith.constant 240 : i32
    %dma_wait3A_1030 = tpu.memref_slice %arg5[%dma_wait3A_1029] : memref<512xi32, #tpu.memory_space<vmem>> -> memref<16xi32, #tpu.memory_space<vmem>>
    %dma_wait3A_1031 = arith.constant 0 : i32
    %dma_wait3A_1032 = arith.constant 0 : i32
    %dma_wait3A_1033 = tpu.memref_slice %arg2[%dma_wait3A_1031, %dma_wait3A_1032] : memref<100000x1024xf32, #tpu.memory_space<hbm>> -> memref<100000x1024xf32, #tpu.memory_space<hbm>>
    %dma_wait3A_1034 = tpu.memref_slice %arg7[%dma_wait3A_1024] : memref<7x!tpu.dma_semaphore, #tpu.memory_space<semaphore_mem>> -> memref<1x!tpu.dma_semaphore, #tpu.memory_space<semaphore_mem>>
    %dma_wait3A_1035 = tpu.memref_squeeze %dma_wait3A_1034 : memref<1x!tpu.dma_semaphore, #tpu.memory_space<semaphore_mem>> -> memref<!tpu.dma_semaphore, #tpu.memory_space<semaphore_mem>>
    tpu.wait_indirect_dma semaphore(%dma_wait3A_1035 : memref<!tpu.dma_semaphore, #tpu.memory_space<semaphore_mem>>) src(%dma_wait3A_1033 : memref<100000x1024xf32, #tpu.memory_space<hbm>>) dst(%dma_wait3A_1028 : memref<16x1024xf32, #tpu.memory_space<vmem>>)
    %add3A_1036 = arith.constant 240 : i32
    %add3A_1037 = arith.addi %mul3A_2, %add3A_1036 : i32
    %dma_start3A_1038 = arith.constant 1 : i32
    %dma_start3A_1039 = arith.constant 1 : i32
    %dma_start3A_1040 = arith.constant 0 : i32
    %dma_start3A_1041 = arith.constant 0 : i32
    %dma_start3A_1042 = tpu.memref_slice %arg6[%dma_start3A_1038, %dma_start3A_1040, %dma_start3A_1041] : memref<7x16x1024xf32, #tpu.memory_space<vmem>> -> memref<1x16x1024xf32, #tpu.memory_space<vmem>>
    %dma_start3A_1043 = tpu.memref_squeeze %dma_start3A_1042 : memref<1x16x1024xf32, #tpu.memory_space<vmem>> -> memref<16x1024xf32, #tpu.memory_space<vmem>>
    %dma_start3A_1044 = arith.constant 0 : i32
    %dma_start3A_1045 = tpu.memref_slice %arg4[%add3A_1037, %dma_start3A_1044] : memref<16384x1024xf32, #tpu.memory_space<hbm>> -> memref<16x1024xf32, #tpu.memory_space<hbm>>
    %dma_start3A_1046 = tpu.memref_slice %arg8[%dma_start3A_1039] : memref<7x!tpu.dma_semaphore, #tpu.memory_space<semaphore_mem>> -> memref<1x!tpu.dma_semaphore, #tpu.memory_space<semaphore_mem>>
    %dma_start3A_1047 = tpu.memref_squeeze %dma_start3A_1046 : memref<1x!tpu.dma_semaphore, #tpu.memory_space<semaphore_mem>> -> memref<!tpu.dma_semaphore, #tpu.memory_space<semaphore_mem>>
    %dma_start3A_1048 = arith.constant 0 : i32
    %dma_start3A_1049 = tpu.memref_slice %arg4[%add3A_1037, %dma_start3A_1048] : memref<16384x1024xf32, #tpu.memory_space<hbm>> -> memref<16x1024xf32, #tpu.memory_space<hbm>>
    %dma_start3A_1050 = arith.constant 0 : i32
    %dma_start3A_1051 = arith.constant 0 : i32
    %dma_start3A_1052 = tpu.memref_slice %arg6[%dma_start3A_1038, %dma_start3A_1050, %dma_start3A_1051] : memref<7x16x1024xf32, #tpu.memory_space<vmem>> -> memref<1x16x1024xf32, #tpu.memory_space<vmem>>
    %dma_start3A_1053 = tpu.memref_squeeze %dma_start3A_1052 : memref<1x16x1024xf32, #tpu.memory_space<vmem>> -> memref<16x1024xf32, #tpu.memory_space<vmem>>
    tpu.enqueue_dma source(%dma_start3A_1053 : memref<16x1024xf32, #tpu.memory_space<vmem>>) target(%dma_start3A_1049 : memref<16x1024xf32, #tpu.memory_space<hbm>>) target_semaphore(%dma_start3A_1047 : memref<!tpu.dma_semaphore, #tpu.memory_space<semaphore_mem>>)
    %add3A_1054 = arith.constant 224 : i32
    %add3A_1055 = arith.addi %mul3A_2, %add3A_1054 : i32
    %dma_wait3A_1056 = arith.constant 0 : i32
    %dma_wait3A_1057 = arith.constant 0 : i32
    %dma_wait3A_1058 = arith.constant 0 : i32
    %dma_wait3A_1059 = arith.constant 0 : i32
    %dma_wait3A_1060 = tpu.memref_slice %arg6[%dma_wait3A_1056, %dma_wait3A_1058, %dma_wait3A_1059] : memref<7x16x1024xf32, #tpu.memory_space<vmem>> -> memref<1x16x1024xf32, #tpu.memory_space<vmem>>
    %dma_wait3A_1061 = tpu.memref_squeeze %dma_wait3A_1060 : memref<1x16x1024xf32, #tpu.memory_space<vmem>> -> memref<16x1024xf32, #tpu.memory_space<vmem>>
    %dma_wait3A_1062 = arith.constant 0 : i32
    %dma_wait3A_1063 = tpu.memref_slice %arg4[%add3A_1055, %dma_wait3A_1062] : memref<16384x1024xf32, #tpu.memory_space<hbm>> -> memref<16x1024xf32, #tpu.memory_space<hbm>>
    %dma_wait3A_1064 = tpu.memref_slice %arg8[%dma_wait3A_1057] : memref<7x!tpu.dma_semaphore, #tpu.memory_space<semaphore_mem>> -> memref<1x!tpu.dma_semaphore, #tpu.memory_space<semaphore_mem>>
    %dma_wait3A_1065 = tpu.memref_squeeze %dma_wait3A_1064 : memref<1x!tpu.dma_semaphore, #tpu.memory_space<semaphore_mem>> -> memref<!tpu.dma_semaphore, #tpu.memory_space<semaphore_mem>>
    %dma_wait3A_1066 = arith.constant 0 : i32
    %dma_wait3A_1067 = tpu.memref_slice %arg4[%add3A_1055, %dma_wait3A_1066] : memref<16384x1024xf32, #tpu.memory_space<hbm>> -> memref<16x1024xf32, #tpu.memory_space<hbm>>
    %dma_wait3A_1068 = arith.constant 0 : i32
    %dma_wait3A_1069 = arith.constant 0 : i32
    %dma_wait3A_1070 = tpu.memref_slice %arg6[%dma_wait3A_1056, %dma_wait3A_1068, %dma_wait3A_1069] : memref<7x16x1024xf32, #tpu.memory_space<vmem>> -> memref<1x16x1024xf32, #tpu.memory_space<vmem>>
    %dma_wait3A_1071 = tpu.memref_squeeze %dma_wait3A_1070 : memref<1x16x1024xf32, #tpu.memory_space<vmem>> -> memref<16x1024xf32, #tpu.memory_space<vmem>>
    tpu.wait_dma2 semaphore(%dma_wait3A_1065 : memref<!tpu.dma_semaphore, #tpu.memory_space<semaphore_mem>>) src(%dma_wait3A_1071 : memref<16x1024xf32, #tpu.memory_space<vmem>>) dst(%dma_wait3A_1067 : memref<16x1024xf32, #tpu.memory_space<hbm>>)
    %dma_start3A_1072 = arith.constant 0 : i32
    %dma_start3A_1073 = arith.constant 0 : i32
    %dma_start3A_1074 = arith.constant 0 : i32
    %dma_start3A_1075 = arith.constant 0 : i32
    %dma_start3A_1076 = tpu.memref_slice %arg6[%dma_start3A_1072, %dma_start3A_1074, %dma_start3A_1075] : memref<7x16x1024xf32, #tpu.memory_space<vmem>> -> memref<1x16x1024xf32, #tpu.memory_space<vmem>>
    %dma_start3A_1077 = tpu.memref_squeeze %dma_start3A_1076 : memref<1x16x1024xf32, #tpu.memory_space<vmem>> -> memref<16x1024xf32, #tpu.memory_space<vmem>>
    %dma_start3A_1078 = arith.constant 336 : i32
    %dma_start3A_1079 = tpu.memref_slice %arg5[%dma_start3A_1078] : memref<512xi32, #tpu.memory_space<vmem>> -> memref<16xi32, #tpu.memory_space<vmem>>
    %dma_start3A_1080 = arith.constant 0 : i32
    %dma_start3A_1081 = arith.constant 0 : i32
    %dma_start3A_1082 = tpu.memref_slice %arg2[%dma_start3A_1080, %dma_start3A_1081] : memref<100000x1024xf32, #tpu.memory_space<hbm>> -> memref<100000x1024xf32, #tpu.memory_space<hbm>>
    %dma_start3A_1083 = tpu.memref_slice %arg7[%dma_start3A_1073] : memref<7x!tpu.dma_semaphore, #tpu.memory_space<semaphore_mem>> -> memref<1x!tpu.dma_semaphore, #tpu.memory_space<semaphore_mem>>
    %dma_start3A_1084 = tpu.memref_squeeze %dma_start3A_1083 : memref<1x!tpu.dma_semaphore, #tpu.memory_space<semaphore_mem>> -> memref<!tpu.dma_semaphore, #tpu.memory_space<semaphore_mem>>
    tpu.enqueue_indirect_dma source(%dma_start3A_1082 : memref<100000x1024xf32, #tpu.memory_space<hbm>>) target(%dma_start3A_1077 : memref<16x1024xf32, #tpu.memory_space<vmem>>) offsets(%dma_start3A_1079 : memref<16xi32, #tpu.memory_space<vmem>>) semaphore(%dma_start3A_1084 : memref<!tpu.dma_semaphore, #tpu.memory_space<semaphore_mem>>)
    %dma_wait3A_1085 = arith.constant 2 : i32
    %dma_wait3A_1086 = arith.constant 2 : i32
    %dma_wait3A_1087 = arith.constant 0 : i32
    %dma_wait3A_1088 = arith.constant 0 : i32
    %dma_wait3A_1089 = tpu.memref_slice %arg6[%dma_wait3A_1085, %dma_wait3A_1087, %dma_wait3A_1088] : memref<7x16x1024xf32, #tpu.memory_space<vmem>> -> memref<1x16x1024xf32, #tpu.memory_space<vmem>>
    %dma_wait3A_1090 = tpu.memref_squeeze %dma_wait3A_1089 : memref<1x16x1024xf32, #tpu.memory_space<vmem>> -> memref<16x1024xf32, #tpu.memory_space<vmem>>
    %dma_wait3A_1091 = arith.constant 256 : i32
    %dma_wait3A_1092 = tpu.memref_slice %arg5[%dma_wait3A_1091] : memref<512xi32, #tpu.memory_space<vmem>> -> memref<16xi32, #tpu.memory_space<vmem>>
    %dma_wait3A_1093 = arith.constant 0 : i32
    %dma_wait3A_1094 = arith.constant 0 : i32
    %dma_wait3A_1095 = tpu.memref_slice %arg2[%dma_wait3A_1093, %dma_wait3A_1094] : memref<100000x1024xf32, #tpu.memory_space<hbm>> -> memref<100000x1024xf32, #tpu.memory_space<hbm>>
    %dma_wait3A_1096 = tpu.memref_slice %arg7[%dma_wait3A_1086] : memref<7x!tpu.dma_semaphore, #tpu.memory_space<semaphore_mem>> -> memref<1x!tpu.dma_semaphore, #tpu.memory_space<semaphore_mem>>
    %dma_wait3A_1097 = tpu.memref_squeeze %dma_wait3A_1096 : memref<1x!tpu.dma_semaphore, #tpu.memory_space<semaphore_mem>> -> memref<!tpu.dma_semaphore, #tpu.memory_space<semaphore_mem>>
    tpu.wait_indirect_dma semaphore(%dma_wait3A_1097 : memref<!tpu.dma_semaphore, #tpu.memory_space<semaphore_mem>>) src(%dma_wait3A_1095 : memref<100000x1024xf32, #tpu.memory_space<hbm>>) dst(%dma_wait3A_1090 : memref<16x1024xf32, #tpu.memory_space<vmem>>)
    %add3A_1098 = arith.constant 256 : i32
    %add3A_1099 = arith.addi %mul3A_2, %add3A_1098 : i32
    %dma_start3A_1100 = arith.constant 2 : i32
    %dma_start3A_1101 = arith.constant 2 : i32
    %dma_start3A_1102 = arith.constant 0 : i32
    %dma_start3A_1103 = arith.constant 0 : i32
    %dma_start3A_1104 = tpu.memref_slice %arg6[%dma_start3A_1100, %dma_start3A_1102, %dma_start3A_1103] : memref<7x16x1024xf32, #tpu.memory_space<vmem>> -> memref<1x16x1024xf32, #tpu.memory_space<vmem>>
    %dma_start3A_1105 = tpu.memref_squeeze %dma_start3A_1104 : memref<1x16x1024xf32, #tpu.memory_space<vmem>> -> memref<16x1024xf32, #tpu.memory_space<vmem>>
    %dma_start3A_1106 = arith.constant 0 : i32
    %dma_start3A_1107 = tpu.memref_slice %arg4[%add3A_1099, %dma_start3A_1106] : memref<16384x1024xf32, #tpu.memory_space<hbm>> -> memref<16x1024xf32, #tpu.memory_space<hbm>>
    %dma_start3A_1108 = tpu.memref_slice %arg8[%dma_start3A_1101] : memref<7x!tpu.dma_semaphore, #tpu.memory_space<semaphore_mem>> -> memref<1x!tpu.dma_semaphore, #tpu.memory_space<semaphore_mem>>
    %dma_start3A_1109 = tpu.memref_squeeze %dma_start3A_1108 : memref<1x!tpu.dma_semaphore, #tpu.memory_space<semaphore_mem>> -> memref<!tpu.dma_semaphore, #tpu.memory_space<semaphore_mem>>
    %dma_start3A_1110 = arith.constant 0 : i32
    %dma_start3A_1111 = tpu.memref_slice %arg4[%add3A_1099, %dma_start3A_1110] : memref<16384x1024xf32, #tpu.memory_space<hbm>> -> memref<16x1024xf32, #tpu.memory_space<hbm>>
    %dma_start3A_1112 = arith.constant 0 : i32
    %dma_start3A_1113 = arith.constant 0 : i32
    %dma_start3A_1114 = tpu.memref_slice %arg6[%dma_start3A_1100, %dma_start3A_1112, %dma_start3A_1113] : memref<7x16x1024xf32, #tpu.memory_space<vmem>> -> memref<1x16x1024xf32, #tpu.memory_space<vmem>>
    %dma_start3A_1115 = tpu.memref_squeeze %dma_start3A_1114 : memref<1x16x1024xf32, #tpu.memory_space<vmem>> -> memref<16x1024xf32, #tpu.memory_space<vmem>>
    tpu.enqueue_dma source(%dma_start3A_1115 : memref<16x1024xf32, #tpu.memory_space<vmem>>) target(%dma_start3A_1111 : memref<16x1024xf32, #tpu.memory_space<hbm>>) target_semaphore(%dma_start3A_1109 : memref<!tpu.dma_semaphore, #tpu.memory_space<semaphore_mem>>)
    %add3A_1116 = arith.constant 240 : i32
    %add3A_1117 = arith.addi %mul3A_2, %add3A_1116 : i32
    %dma_wait3A_1118 = arith.constant 1 : i32
    %dma_wait3A_1119 = arith.constant 1 : i32
    %dma_wait3A_1120 = arith.constant 0 : i32
    %dma_wait3A_1121 = arith.constant 0 : i32
    %dma_wait3A_1122 = tpu.memref_slice %arg6[%dma_wait3A_1118, %dma_wait3A_1120, %dma_wait3A_1121] : memref<7x16x1024xf32, #tpu.memory_space<vmem>> -> memref<1x16x1024xf32, #tpu.memory_space<vmem>>
    %dma_wait3A_1123 = tpu.memref_squeeze %dma_wait3A_1122 : memref<1x16x1024xf32, #tpu.memory_space<vmem>> -> memref<16x1024xf32, #tpu.memory_space<vmem>>
    %dma_wait3A_1124 = arith.constant 0 : i32
    %dma_wait3A_1125 = tpu.memref_slice %arg4[%add3A_1117, %dma_wait3A_1124] : memref<16384x1024xf32, #tpu.memory_space<hbm>> -> memref<16x1024xf32, #tpu.memory_space<hbm>>
    %dma_wait3A_1126 = tpu.memref_slice %arg8[%dma_wait3A_1119] : memref<7x!tpu.dma_semaphore, #tpu.memory_space<semaphore_mem>> -> memref<1x!tpu.dma_semaphore, #tpu.memory_space<semaphore_mem>>
    %dma_wait3A_1127 = tpu.memref_squeeze %dma_wait3A_1126 : memref<1x!tpu.dma_semaphore, #tpu.memory_space<semaphore_mem>> -> memref<!tpu.dma_semaphore, #tpu.memory_space<semaphore_mem>>
    %dma_wait3A_1128 = arith.constant 0 : i32
    %dma_wait3A_1129 = tpu.memref_slice %arg4[%add3A_1117, %dma_wait3A_1128] : memref<16384x1024xf32, #tpu.memory_space<hbm>> -> memref<16x1024xf32, #tpu.memory_space<hbm>>
    %dma_wait3A_1130 = arith.constant 0 : i32
    %dma_wait3A_1131 = arith.constant 0 : i32
    %dma_wait3A_1132 = tpu.memref_slice %arg6[%dma_wait3A_1118, %dma_wait3A_1130, %dma_wait3A_1131] : memref<7x16x1024xf32, #tpu.memory_space<vmem>> -> memref<1x16x1024xf32, #tpu.memory_space<vmem>>
    %dma_wait3A_1133 = tpu.memref_squeeze %dma_wait3A_1132 : memref<1x16x1024xf32, #tpu.memory_space<vmem>> -> memref<16x1024xf32, #tpu.memory_space<vmem>>
    tpu.wait_dma2 semaphore(%dma_wait3A_1127 : memref<!tpu.dma_semaphore, #tpu.memory_space<semaphore_mem>>) src(%dma_wait3A_1133 : memref<16x1024xf32, #tpu.memory_space<vmem>>) dst(%dma_wait3A_1129 : memref<16x1024xf32, #tpu.memory_space<hbm>>)
    %dma_start3A_1134 = arith.constant 1 : i32
    %dma_start3A_1135 = arith.constant 1 : i32
    %dma_start3A_1136 = arith.constant 0 : i32
    %dma_start3A_1137 = arith.constant 0 : i32
    %dma_start3A_1138 = tpu.memref_slice %arg6[%dma_start3A_1134, %dma_start3A_1136, %dma_start3A_1137] : memref<7x16x1024xf32, #tpu.memory_space<vmem>> -> memref<1x16x1024xf32, #tpu.memory_space<vmem>>
    %dma_start3A_1139 = tpu.memref_squeeze %dma_start3A_1138 : memref<1x16x1024xf32, #tpu.memory_space<vmem>> -> memref<16x1024xf32, #tpu.memory_space<vmem>>
    %dma_start3A_1140 = arith.constant 352 : i32
    %dma_start3A_1141 = tpu.memref_slice %arg5[%dma_start3A_1140] : memref<512xi32, #tpu.memory_space<vmem>> -> memref<16xi32, #tpu.memory_space<vmem>>
    %dma_start3A_1142 = arith.constant 0 : i32
    %dma_start3A_1143 = arith.constant 0 : i32
    %dma_start3A_1144 = tpu.memref_slice %arg2[%dma_start3A_1142, %dma_start3A_1143] : memref<100000x1024xf32, #tpu.memory_space<hbm>> -> memref<100000x1024xf32, #tpu.memory_space<hbm>>
    %dma_start3A_1145 = tpu.memref_slice %arg7[%dma_start3A_1135] : memref<7x!tpu.dma_semaphore, #tpu.memory_space<semaphore_mem>> -> memref<1x!tpu.dma_semaphore, #tpu.memory_space<semaphore_mem>>
    %dma_start3A_1146 = tpu.memref_squeeze %dma_start3A_1145 : memref<1x!tpu.dma_semaphore, #tpu.memory_space<semaphore_mem>> -> memref<!tpu.dma_semaphore, #tpu.memory_space<semaphore_mem>>
    tpu.enqueue_indirect_dma source(%dma_start3A_1144 : memref<100000x1024xf32, #tpu.memory_space<hbm>>) target(%dma_start3A_1139 : memref<16x1024xf32, #tpu.memory_space<vmem>>) offsets(%dma_start3A_1141 : memref<16xi32, #tpu.memory_space<vmem>>) semaphore(%dma_start3A_1146 : memref<!tpu.dma_semaphore, #tpu.memory_space<semaphore_mem>>)
    %dma_wait3A_1147 = arith.constant 3 : i32
    %dma_wait3A_1148 = arith.constant 3 : i32
    %dma_wait3A_1149 = arith.constant 0 : i32
    %dma_wait3A_1150 = arith.constant 0 : i32
    %dma_wait3A_1151 = tpu.memref_slice %arg6[%dma_wait3A_1147, %dma_wait3A_1149, %dma_wait3A_1150] : memref<7x16x1024xf32, #tpu.memory_space<vmem>> -> memref<1x16x1024xf32, #tpu.memory_space<vmem>>
    %dma_wait3A_1152 = tpu.memref_squeeze %dma_wait3A_1151 : memref<1x16x1024xf32, #tpu.memory_space<vmem>> -> memref<16x1024xf32, #tpu.memory_space<vmem>>
    %dma_wait3A_1153 = arith.constant 272 : i32
    %dma_wait3A_1154 = tpu.memref_slice %arg5[%dma_wait3A_1153] : memref<512xi32, #tpu.memory_space<vmem>> -> memref<16xi32, #tpu.memory_space<vmem>>
    %dma_wait3A_1155 = arith.constant 0 : i32
    %dma_wait3A_1156 = arith.constant 0 : i32
    %dma_wait3A_1157 = tpu.memref_slice %arg2[%dma_wait3A_1155, %dma_wait3A_1156] : memref<100000x1024xf32, #tpu.memory_space<hbm>> -> memref<100000x1024xf32, #tpu.memory_space<hbm>>
    %dma_wait3A_1158 = tpu.memref_slice %arg7[%dma_wait3A_1148] : memref<7x!tpu.dma_semaphore, #tpu.memory_space<semaphore_mem>> -> memref<1x!tpu.dma_semaphore, #tpu.memory_space<semaphore_mem>>
    %dma_wait3A_1159 = tpu.memref_squeeze %dma_wait3A_1158 : memref<1x!tpu.dma_semaphore, #tpu.memory_space<semaphore_mem>> -> memref<!tpu.dma_semaphore, #tpu.memory_space<semaphore_mem>>
    tpu.wait_indirect_dma semaphore(%dma_wait3A_1159 : memref<!tpu.dma_semaphore, #tpu.memory_space<semaphore_mem>>) src(%dma_wait3A_1157 : memref<100000x1024xf32, #tpu.memory_space<hbm>>) dst(%dma_wait3A_1152 : memref<16x1024xf32, #tpu.memory_space<vmem>>)
    %add3A_1160 = arith.constant 272 : i32
    %add3A_1161 = arith.addi %mul3A_2, %add3A_1160 : i32
    %dma_start3A_1162 = arith.constant 3 : i32
    %dma_start3A_1163 = arith.constant 3 : i32
    %dma_start3A_1164 = arith.constant 0 : i32
    %dma_start3A_1165 = arith.constant 0 : i32
    %dma_start3A_1166 = tpu.memref_slice %arg6[%dma_start3A_1162, %dma_start3A_1164, %dma_start3A_1165] : memref<7x16x1024xf32, #tpu.memory_space<vmem>> -> memref<1x16x1024xf32, #tpu.memory_space<vmem>>
    %dma_start3A_1167 = tpu.memref_squeeze %dma_start3A_1166 : memref<1x16x1024xf32, #tpu.memory_space<vmem>> -> memref<16x1024xf32, #tpu.memory_space<vmem>>
    %dma_start3A_1168 = arith.constant 0 : i32
    %dma_start3A_1169 = tpu.memref_slice %arg4[%add3A_1161, %dma_start3A_1168] : memref<16384x1024xf32, #tpu.memory_space<hbm>> -> memref<16x1024xf32, #tpu.memory_space<hbm>>
    %dma_start3A_1170 = tpu.memref_slice %arg8[%dma_start3A_1163] : memref<7x!tpu.dma_semaphore, #tpu.memory_space<semaphore_mem>> -> memref<1x!tpu.dma_semaphore, #tpu.memory_space<semaphore_mem>>
    %dma_start3A_1171 = tpu.memref_squeeze %dma_start3A_1170 : memref<1x!tpu.dma_semaphore, #tpu.memory_space<semaphore_mem>> -> memref<!tpu.dma_semaphore, #tpu.memory_space<semaphore_mem>>
    %dma_start3A_1172 = arith.constant 0 : i32
    %dma_start3A_1173 = tpu.memref_slice %arg4[%add3A_1161, %dma_start3A_1172] : memref<16384x1024xf32, #tpu.memory_space<hbm>> -> memref<16x1024xf32, #tpu.memory_space<hbm>>
    %dma_start3A_1174 = arith.constant 0 : i32
    %dma_start3A_1175 = arith.constant 0 : i32
    %dma_start3A_1176 = tpu.memref_slice %arg6[%dma_start3A_1162, %dma_start3A_1174, %dma_start3A_1175] : memref<7x16x1024xf32, #tpu.memory_space<vmem>> -> memref<1x16x1024xf32, #tpu.memory_space<vmem>>
    %dma_start3A_1177 = tpu.memref_squeeze %dma_start3A_1176 : memref<1x16x1024xf32, #tpu.memory_space<vmem>> -> memref<16x1024xf32, #tpu.memory_space<vmem>>
    tpu.enqueue_dma source(%dma_start3A_1177 : memref<16x1024xf32, #tpu.memory_space<vmem>>) target(%dma_start3A_1173 : memref<16x1024xf32, #tpu.memory_space<hbm>>) target_semaphore(%dma_start3A_1171 : memref<!tpu.dma_semaphore, #tpu.memory_space<semaphore_mem>>)
    %add3A_1178 = arith.constant 256 : i32
    %add3A_1179 = arith.addi %mul3A_2, %add3A_1178 : i32
    %dma_wait3A_1180 = arith.constant 2 : i32
    %dma_wait3A_1181 = arith.constant 2 : i32
    %dma_wait3A_1182 = arith.constant 0 : i32
    %dma_wait3A_1183 = arith.constant 0 : i32
    %dma_wait3A_1184 = tpu.memref_slice %arg6[%dma_wait3A_1180, %dma_wait3A_1182, %dma_wait3A_1183] : memref<7x16x1024xf32, #tpu.memory_space<vmem>> -> memref<1x16x1024xf32, #tpu.memory_space<vmem>>
    %dma_wait3A_1185 = tpu.memref_squeeze %dma_wait3A_1184 : memref<1x16x1024xf32, #tpu.memory_space<vmem>> -> memref<16x1024xf32, #tpu.memory_space<vmem>>
    %dma_wait3A_1186 = arith.constant 0 : i32
    %dma_wait3A_1187 = tpu.memref_slice %arg4[%add3A_1179, %dma_wait3A_1186] : memref<16384x1024xf32, #tpu.memory_space<hbm>> -> memref<16x1024xf32, #tpu.memory_space<hbm>>
    %dma_wait3A_1188 = tpu.memref_slice %arg8[%dma_wait3A_1181] : memref<7x!tpu.dma_semaphore, #tpu.memory_space<semaphore_mem>> -> memref<1x!tpu.dma_semaphore, #tpu.memory_space<semaphore_mem>>
    %dma_wait3A_1189 = tpu.memref_squeeze %dma_wait3A_1188 : memref<1x!tpu.dma_semaphore, #tpu.memory_space<semaphore_mem>> -> memref<!tpu.dma_semaphore, #tpu.memory_space<semaphore_mem>>
    %dma_wait3A_1190 = arith.constant 0 : i32
    %dma_wait3A_1191 = tpu.memref_slice %arg4[%add3A_1179, %dma_wait3A_1190] : memref<16384x1024xf32, #tpu.memory_space<hbm>> -> memref<16x1024xf32, #tpu.memory_space<hbm>>
    %dma_wait3A_1192 = arith.constant 0 : i32
    %dma_wait3A_1193 = arith.constant 0 : i32
    %dma_wait3A_1194 = tpu.memref_slice %arg6[%dma_wait3A_1180, %dma_wait3A_1192, %dma_wait3A_1193] : memref<7x16x1024xf32, #tpu.memory_space<vmem>> -> memref<1x16x1024xf32, #tpu.memory_space<vmem>>
    %dma_wait3A_1195 = tpu.memref_squeeze %dma_wait3A_1194 : memref<1x16x1024xf32, #tpu.memory_space<vmem>> -> memref<16x1024xf32, #tpu.memory_space<vmem>>
    tpu.wait_dma2 semaphore(%dma_wait3A_1189 : memref<!tpu.dma_semaphore, #tpu.memory_space<semaphore_mem>>) src(%dma_wait3A_1195 : memref<16x1024xf32, #tpu.memory_space<vmem>>) dst(%dma_wait3A_1191 : memref<16x1024xf32, #tpu.memory_space<hbm>>)
    %dma_start3A_1196 = arith.constant 2 : i32
    %dma_start3A_1197 = arith.constant 2 : i32
    %dma_start3A_1198 = arith.constant 0 : i32
    %dma_start3A_1199 = arith.constant 0 : i32
    %dma_start3A_1200 = tpu.memref_slice %arg6[%dma_start3A_1196, %dma_start3A_1198, %dma_start3A_1199] : memref<7x16x1024xf32, #tpu.memory_space<vmem>> -> memref<1x16x1024xf32, #tpu.memory_space<vmem>>
    %dma_start3A_1201 = tpu.memref_squeeze %dma_start3A_1200 : memref<1x16x1024xf32, #tpu.memory_space<vmem>> -> memref<16x1024xf32, #tpu.memory_space<vmem>>
    %dma_start3A_1202 = arith.constant 368 : i32
    %dma_start3A_1203 = tpu.memref_slice %arg5[%dma_start3A_1202] : memref<512xi32, #tpu.memory_space<vmem>> -> memref<16xi32, #tpu.memory_space<vmem>>
    %dma_start3A_1204 = arith.constant 0 : i32
    %dma_start3A_1205 = arith.constant 0 : i32
    %dma_start3A_1206 = tpu.memref_slice %arg2[%dma_start3A_1204, %dma_start3A_1205] : memref<100000x1024xf32, #tpu.memory_space<hbm>> -> memref<100000x1024xf32, #tpu.memory_space<hbm>>
    %dma_start3A_1207 = tpu.memref_slice %arg7[%dma_start3A_1197] : memref<7x!tpu.dma_semaphore, #tpu.memory_space<semaphore_mem>> -> memref<1x!tpu.dma_semaphore, #tpu.memory_space<semaphore_mem>>
    %dma_start3A_1208 = tpu.memref_squeeze %dma_start3A_1207 : memref<1x!tpu.dma_semaphore, #tpu.memory_space<semaphore_mem>> -> memref<!tpu.dma_semaphore, #tpu.memory_space<semaphore_mem>>
    tpu.enqueue_indirect_dma source(%dma_start3A_1206 : memref<100000x1024xf32, #tpu.memory_space<hbm>>) target(%dma_start3A_1201 : memref<16x1024xf32, #tpu.memory_space<vmem>>) offsets(%dma_start3A_1203 : memref<16xi32, #tpu.memory_space<vmem>>) semaphore(%dma_start3A_1208 : memref<!tpu.dma_semaphore, #tpu.memory_space<semaphore_mem>>)
    %dma_wait3A_1209 = arith.constant 4 : i32
    %dma_wait3A_1210 = arith.constant 4 : i32
    %dma_wait3A_1211 = arith.constant 0 : i32
    %dma_wait3A_1212 = arith.constant 0 : i32
    %dma_wait3A_1213 = tpu.memref_slice %arg6[%dma_wait3A_1209, %dma_wait3A_1211, %dma_wait3A_1212] : memref<7x16x1024xf32, #tpu.memory_space<vmem>> -> memref<1x16x1024xf32, #tpu.memory_space<vmem>>
    %dma_wait3A_1214 = tpu.memref_squeeze %dma_wait3A_1213 : memref<1x16x1024xf32, #tpu.memory_space<vmem>> -> memref<16x1024xf32, #tpu.memory_space<vmem>>
    %dma_wait3A_1215 = arith.constant 288 : i32
    %dma_wait3A_1216 = tpu.memref_slice %arg5[%dma_wait3A_1215] : memref<512xi32, #tpu.memory_space<vmem>> -> memref<16xi32, #tpu.memory_space<vmem>>
    %dma_wait3A_1217 = arith.constant 0 : i32
    %dma_wait3A_1218 = arith.constant 0 : i32
    %dma_wait3A_1219 = tpu.memref_slice %arg2[%dma_wait3A_1217, %dma_wait3A_1218] : memref<100000x1024xf32, #tpu.memory_space<hbm>> -> memref<100000x1024xf32, #tpu.memory_space<hbm>>
    %dma_wait3A_1220 = tpu.memref_slice %arg7[%dma_wait3A_1210] : memref<7x!tpu.dma_semaphore, #tpu.memory_space<semaphore_mem>> -> memref<1x!tpu.dma_semaphore, #tpu.memory_space<semaphore_mem>>
    %dma_wait3A_1221 = tpu.memref_squeeze %dma_wait3A_1220 : memref<1x!tpu.dma_semaphore, #tpu.memory_space<semaphore_mem>> -> memref<!tpu.dma_semaphore, #tpu.memory_space<semaphore_mem>>
    tpu.wait_indirect_dma semaphore(%dma_wait3A_1221 : memref<!tpu.dma_semaphore, #tpu.memory_space<semaphore_mem>>) src(%dma_wait3A_1219 : memref<100000x1024xf32, #tpu.memory_space<hbm>>) dst(%dma_wait3A_1214 : memref<16x1024xf32, #tpu.memory_space<vmem>>)
    %add3A_1222 = arith.constant 288 : i32
    %add3A_1223 = arith.addi %mul3A_2, %add3A_1222 : i32
    %dma_start3A_1224 = arith.constant 4 : i32
    %dma_start3A_1225 = arith.constant 4 : i32
    %dma_start3A_1226 = arith.constant 0 : i32
    %dma_start3A_1227 = arith.constant 0 : i32
    %dma_start3A_1228 = tpu.memref_slice %arg6[%dma_start3A_1224, %dma_start3A_1226, %dma_start3A_1227] : memref<7x16x1024xf32, #tpu.memory_space<vmem>> -> memref<1x16x1024xf32, #tpu.memory_space<vmem>>
    %dma_start3A_1229 = tpu.memref_squeeze %dma_start3A_1228 : memref<1x16x1024xf32, #tpu.memory_space<vmem>> -> memref<16x1024xf32, #tpu.memory_space<vmem>>
    %dma_start3A_1230 = arith.constant 0 : i32
    %dma_start3A_1231 = tpu.memref_slice %arg4[%add3A_1223, %dma_start3A_1230] : memref<16384x1024xf32, #tpu.memory_space<hbm>> -> memref<16x1024xf32, #tpu.memory_space<hbm>>
    %dma_start3A_1232 = tpu.memref_slice %arg8[%dma_start3A_1225] : memref<7x!tpu.dma_semaphore, #tpu.memory_space<semaphore_mem>> -> memref<1x!tpu.dma_semaphore, #tpu.memory_space<semaphore_mem>>
    %dma_start3A_1233 = tpu.memref_squeeze %dma_start3A_1232 : memref<1x!tpu.dma_semaphore, #tpu.memory_space<semaphore_mem>> -> memref<!tpu.dma_semaphore, #tpu.memory_space<semaphore_mem>>
    %dma_start3A_1234 = arith.constant 0 : i32
    %dma_start3A_1235 = tpu.memref_slice %arg4[%add3A_1223, %dma_start3A_1234] : memref<16384x1024xf32, #tpu.memory_space<hbm>> -> memref<16x1024xf32, #tpu.memory_space<hbm>>
    %dma_start3A_1236 = arith.constant 0 : i32
    %dma_start3A_1237 = arith.constant 0 : i32
    %dma_start3A_1238 = tpu.memref_slice %arg6[%dma_start3A_1224, %dma_start3A_1236, %dma_start3A_1237] : memref<7x16x1024xf32, #tpu.memory_space<vmem>> -> memref<1x16x1024xf32, #tpu.memory_space<vmem>>
    %dma_start3A_1239 = tpu.memref_squeeze %dma_start3A_1238 : memref<1x16x1024xf32, #tpu.memory_space<vmem>> -> memref<16x1024xf32, #tpu.memory_space<vmem>>
    tpu.enqueue_dma source(%dma_start3A_1239 : memref<16x1024xf32, #tpu.memory_space<vmem>>) target(%dma_start3A_1235 : memref<16x1024xf32, #tpu.memory_space<hbm>>) target_semaphore(%dma_start3A_1233 : memref<!tpu.dma_semaphore, #tpu.memory_space<semaphore_mem>>)
    %add3A_1240 = arith.constant 272 : i32
    %add3A_1241 = arith.addi %mul3A_2, %add3A_1240 : i32
    %dma_wait3A_1242 = arith.constant 3 : i32
    %dma_wait3A_1243 = arith.constant 3 : i32
    %dma_wait3A_1244 = arith.constant 0 : i32
    %dma_wait3A_1245 = arith.constant 0 : i32
    %dma_wait3A_1246 = tpu.memref_slice %arg6[%dma_wait3A_1242, %dma_wait3A_1244, %dma_wait3A_1245] : memref<7x16x1024xf32, #tpu.memory_space<vmem>> -> memref<1x16x1024xf32, #tpu.memory_space<vmem>>
    %dma_wait3A_1247 = tpu.memref_squeeze %dma_wait3A_1246 : memref<1x16x1024xf32, #tpu.memory_space<vmem>> -> memref<16x1024xf32, #tpu.memory_space<vmem>>
    %dma_wait3A_1248 = arith.constant 0 : i32
    %dma_wait3A_1249 = tpu.memref_slice %arg4[%add3A_1241, %dma_wait3A_1248] : memref<16384x1024xf32, #tpu.memory_space<hbm>> -> memref<16x1024xf32, #tpu.memory_space<hbm>>
    %dma_wait3A_1250 = tpu.memref_slice %arg8[%dma_wait3A_1243] : memref<7x!tpu.dma_semaphore, #tpu.memory_space<semaphore_mem>> -> memref<1x!tpu.dma_semaphore, #tpu.memory_space<semaphore_mem>>
    %dma_wait3A_1251 = tpu.memref_squeeze %dma_wait3A_1250 : memref<1x!tpu.dma_semaphore, #tpu.memory_space<semaphore_mem>> -> memref<!tpu.dma_semaphore, #tpu.memory_space<semaphore_mem>>
    %dma_wait3A_1252 = arith.constant 0 : i32
    %dma_wait3A_1253 = tpu.memref_slice %arg4[%add3A_1241, %dma_wait3A_1252] : memref<16384x1024xf32, #tpu.memory_space<hbm>> -> memref<16x1024xf32, #tpu.memory_space<hbm>>
    %dma_wait3A_1254 = arith.constant 0 : i32
    %dma_wait3A_1255 = arith.constant 0 : i32
    %dma_wait3A_1256 = tpu.memref_slice %arg6[%dma_wait3A_1242, %dma_wait3A_1254, %dma_wait3A_1255] : memref<7x16x1024xf32, #tpu.memory_space<vmem>> -> memref<1x16x1024xf32, #tpu.memory_space<vmem>>
    %dma_wait3A_1257 = tpu.memref_squeeze %dma_wait3A_1256 : memref<1x16x1024xf32, #tpu.memory_space<vmem>> -> memref<16x1024xf32, #tpu.memory_space<vmem>>
    tpu.wait_dma2 semaphore(%dma_wait3A_1251 : memref<!tpu.dma_semaphore, #tpu.memory_space<semaphore_mem>>) src(%dma_wait3A_1257 : memref<16x1024xf32, #tpu.memory_space<vmem>>) dst(%dma_wait3A_1253 : memref<16x1024xf32, #tpu.memory_space<hbm>>)
    %dma_start3A_1258 = arith.constant 3 : i32
    %dma_start3A_1259 = arith.constant 3 : i32
    %dma_start3A_1260 = arith.constant 0 : i32
    %dma_start3A_1261 = arith.constant 0 : i32
    %dma_start3A_1262 = tpu.memref_slice %arg6[%dma_start3A_1258, %dma_start3A_1260, %dma_start3A_1261] : memref<7x16x1024xf32, #tpu.memory_space<vmem>> -> memref<1x16x1024xf32, #tpu.memory_space<vmem>>
    %dma_start3A_1263 = tpu.memref_squeeze %dma_start3A_1262 : memref<1x16x1024xf32, #tpu.memory_space<vmem>> -> memref<16x1024xf32, #tpu.memory_space<vmem>>
    %dma_start3A_1264 = arith.constant 384 : i32
    %dma_start3A_1265 = tpu.memref_slice %arg5[%dma_start3A_1264] : memref<512xi32, #tpu.memory_space<vmem>> -> memref<16xi32, #tpu.memory_space<vmem>>
    %dma_start3A_1266 = arith.constant 0 : i32
    %dma_start3A_1267 = arith.constant 0 : i32
    %dma_start3A_1268 = tpu.memref_slice %arg2[%dma_start3A_1266, %dma_start3A_1267] : memref<100000x1024xf32, #tpu.memory_space<hbm>> -> memref<100000x1024xf32, #tpu.memory_space<hbm>>
    %dma_start3A_1269 = tpu.memref_slice %arg7[%dma_start3A_1259] : memref<7x!tpu.dma_semaphore, #tpu.memory_space<semaphore_mem>> -> memref<1x!tpu.dma_semaphore, #tpu.memory_space<semaphore_mem>>
    %dma_start3A_1270 = tpu.memref_squeeze %dma_start3A_1269 : memref<1x!tpu.dma_semaphore, #tpu.memory_space<semaphore_mem>> -> memref<!tpu.dma_semaphore, #tpu.memory_space<semaphore_mem>>
    tpu.enqueue_indirect_dma source(%dma_start3A_1268 : memref<100000x1024xf32, #tpu.memory_space<hbm>>) target(%dma_start3A_1263 : memref<16x1024xf32, #tpu.memory_space<vmem>>) offsets(%dma_start3A_1265 : memref<16xi32, #tpu.memory_space<vmem>>) semaphore(%dma_start3A_1270 : memref<!tpu.dma_semaphore, #tpu.memory_space<semaphore_mem>>)
    %dma_wait3A_1271 = arith.constant 5 : i32
    %dma_wait3A_1272 = arith.constant 5 : i32
    %dma_wait3A_1273 = arith.constant 0 : i32
    %dma_wait3A_1274 = arith.constant 0 : i32
    %dma_wait3A_1275 = tpu.memref_slice %arg6[%dma_wait3A_1271, %dma_wait3A_1273, %dma_wait3A_1274] : memref<7x16x1024xf32, #tpu.memory_space<vmem>> -> memref<1x16x1024xf32, #tpu.memory_space<vmem>>
    %dma_wait3A_1276 = tpu.memref_squeeze %dma_wait3A_1275 : memref<1x16x1024xf32, #tpu.memory_space<vmem>> -> memref<16x1024xf32, #tpu.memory_space<vmem>>
    %dma_wait3A_1277 = arith.constant 304 : i32
    %dma_wait3A_1278 = tpu.memref_slice %arg5[%dma_wait3A_1277] : memref<512xi32, #tpu.memory_space<vmem>> -> memref<16xi32, #tpu.memory_space<vmem>>
    %dma_wait3A_1279 = arith.constant 0 : i32
    %dma_wait3A_1280 = arith.constant 0 : i32
    %dma_wait3A_1281 = tpu.memref_slice %arg2[%dma_wait3A_1279, %dma_wait3A_1280] : memref<100000x1024xf32, #tpu.memory_space<hbm>> -> memref<100000x1024xf32, #tpu.memory_space<hbm>>
    %dma_wait3A_1282 = tpu.memref_slice %arg7[%dma_wait3A_1272] : memref<7x!tpu.dma_semaphore, #tpu.memory_space<semaphore_mem>> -> memref<1x!tpu.dma_semaphore, #tpu.memory_space<semaphore_mem>>
    %dma_wait3A_1283 = tpu.memref_squeeze %dma_wait3A_1282 : memref<1x!tpu.dma_semaphore, #tpu.memory_space<semaphore_mem>> -> memref<!tpu.dma_semaphore, #tpu.memory_space<semaphore_mem>>
    tpu.wait_indirect_dma semaphore(%dma_wait3A_1283 : memref<!tpu.dma_semaphore, #tpu.memory_space<semaphore_mem>>) src(%dma_wait3A_1281 : memref<100000x1024xf32, #tpu.memory_space<hbm>>) dst(%dma_wait3A_1276 : memref<16x1024xf32, #tpu.memory_space<vmem>>)
    %add3A_1284 = arith.constant 304 : i32
    %add3A_1285 = arith.addi %mul3A_2, %add3A_1284 : i32
    %dma_start3A_1286 = arith.constant 5 : i32
    %dma_start3A_1287 = arith.constant 5 : i32
    %dma_start3A_1288 = arith.constant 0 : i32
    %dma_start3A_1289 = arith.constant 0 : i32
    %dma_start3A_1290 = tpu.memref_slice %arg6[%dma_start3A_1286, %dma_start3A_1288, %dma_start3A_1289] : memref<7x16x1024xf32, #tpu.memory_space<vmem>> -> memref<1x16x1024xf32, #tpu.memory_space<vmem>>
    %dma_start3A_1291 = tpu.memref_squeeze %dma_start3A_1290 : memref<1x16x1024xf32, #tpu.memory_space<vmem>> -> memref<16x1024xf32, #tpu.memory_space<vmem>>
    %dma_start3A_1292 = arith.constant 0 : i32
    %dma_start3A_1293 = tpu.memref_slice %arg4[%add3A_1285, %dma_start3A_1292] : memref<16384x1024xf32, #tpu.memory_space<hbm>> -> memref<16x1024xf32, #tpu.memory_space<hbm>>
    %dma_start3A_1294 = tpu.memref_slice %arg8[%dma_start3A_1287] : memref<7x!tpu.dma_semaphore, #tpu.memory_space<semaphore_mem>> -> memref<1x!tpu.dma_semaphore, #tpu.memory_space<semaphore_mem>>
    %dma_start3A_1295 = tpu.memref_squeeze %dma_start3A_1294 : memref<1x!tpu.dma_semaphore, #tpu.memory_space<semaphore_mem>> -> memref<!tpu.dma_semaphore, #tpu.memory_space<semaphore_mem>>
    %dma_start3A_1296 = arith.constant 0 : i32
    %dma_start3A_1297 = tpu.memref_slice %arg4[%add3A_1285, %dma_start3A_1296] : memref<16384x1024xf32, #tpu.memory_space<hbm>> -> memref<16x1024xf32, #tpu.memory_space<hbm>>
    %dma_start3A_1298 = arith.constant 0 : i32
    %dma_start3A_1299 = arith.constant 0 : i32
    %dma_start3A_1300 = tpu.memref_slice %arg6[%dma_start3A_1286, %dma_start3A_1298, %dma_start3A_1299] : memref<7x16x1024xf32, #tpu.memory_space<vmem>> -> memref<1x16x1024xf32, #tpu.memory_space<vmem>>
    %dma_start3A_1301 = tpu.memref_squeeze %dma_start3A_1300 : memref<1x16x1024xf32, #tpu.memory_space<vmem>> -> memref<16x1024xf32, #tpu.memory_space<vmem>>
    tpu.enqueue_dma source(%dma_start3A_1301 : memref<16x1024xf32, #tpu.memory_space<vmem>>) target(%dma_start3A_1297 : memref<16x1024xf32, #tpu.memory_space<hbm>>) target_semaphore(%dma_start3A_1295 : memref<!tpu.dma_semaphore, #tpu.memory_space<semaphore_mem>>)
    %add3A_1302 = arith.constant 288 : i32
    %add3A_1303 = arith.addi %mul3A_2, %add3A_1302 : i32
    %dma_wait3A_1304 = arith.constant 4 : i32
    %dma_wait3A_1305 = arith.constant 4 : i32
    %dma_wait3A_1306 = arith.constant 0 : i32
    %dma_wait3A_1307 = arith.constant 0 : i32
    %dma_wait3A_1308 = tpu.memref_slice %arg6[%dma_wait3A_1304, %dma_wait3A_1306, %dma_wait3A_1307] : memref<7x16x1024xf32, #tpu.memory_space<vmem>> -> memref<1x16x1024xf32, #tpu.memory_space<vmem>>
    %dma_wait3A_1309 = tpu.memref_squeeze %dma_wait3A_1308 : memref<1x16x1024xf32, #tpu.memory_space<vmem>> -> memref<16x1024xf32, #tpu.memory_space<vmem>>
    %dma_wait3A_1310 = arith.constant 0 : i32
    %dma_wait3A_1311 = tpu.memref_slice %arg4[%add3A_1303, %dma_wait3A_1310] : memref<16384x1024xf32, #tpu.memory_space<hbm>> -> memref<16x1024xf32, #tpu.memory_space<hbm>>
    %dma_wait3A_1312 = tpu.memref_slice %arg8[%dma_wait3A_1305] : memref<7x!tpu.dma_semaphore, #tpu.memory_space<semaphore_mem>> -> memref<1x!tpu.dma_semaphore, #tpu.memory_space<semaphore_mem>>
    %dma_wait3A_1313 = tpu.memref_squeeze %dma_wait3A_1312 : memref<1x!tpu.dma_semaphore, #tpu.memory_space<semaphore_mem>> -> memref<!tpu.dma_semaphore, #tpu.memory_space<semaphore_mem>>
    %dma_wait3A_1314 = arith.constant 0 : i32
    %dma_wait3A_1315 = tpu.memref_slice %arg4[%add3A_1303, %dma_wait3A_1314] : memref<16384x1024xf32, #tpu.memory_space<hbm>> -> memref<16x1024xf32, #tpu.memory_space<hbm>>
    %dma_wait3A_1316 = arith.constant 0 : i32
    %dma_wait3A_1317 = arith.constant 0 : i32
    %dma_wait3A_1318 = tpu.memref_slice %arg6[%dma_wait3A_1304, %dma_wait3A_1316, %dma_wait3A_1317] : memref<7x16x1024xf32, #tpu.memory_space<vmem>> -> memref<1x16x1024xf32, #tpu.memory_space<vmem>>
    %dma_wait3A_1319 = tpu.memref_squeeze %dma_wait3A_1318 : memref<1x16x1024xf32, #tpu.memory_space<vmem>> -> memref<16x1024xf32, #tpu.memory_space<vmem>>
    tpu.wait_dma2 semaphore(%dma_wait3A_1313 : memref<!tpu.dma_semaphore, #tpu.memory_space<semaphore_mem>>) src(%dma_wait3A_1319 : memref<16x1024xf32, #tpu.memory_space<vmem>>) dst(%dma_wait3A_1315 : memref<16x1024xf32, #tpu.memory_space<hbm>>)
    %dma_start3A_1320 = arith.constant 4 : i32
    %dma_start3A_1321 = arith.constant 4 : i32
    %dma_start3A_1322 = arith.constant 0 : i32
    %dma_start3A_1323 = arith.constant 0 : i32
    %dma_start3A_1324 = tpu.memref_slice %arg6[%dma_start3A_1320, %dma_start3A_1322, %dma_start3A_1323] : memref<7x16x1024xf32, #tpu.memory_space<vmem>> -> memref<1x16x1024xf32, #tpu.memory_space<vmem>>
    %dma_start3A_1325 = tpu.memref_squeeze %dma_start3A_1324 : memref<1x16x1024xf32, #tpu.memory_space<vmem>> -> memref<16x1024xf32, #tpu.memory_space<vmem>>
    %dma_start3A_1326 = arith.constant 400 : i32
    %dma_start3A_1327 = tpu.memref_slice %arg5[%dma_start3A_1326] : memref<512xi32, #tpu.memory_space<vmem>> -> memref<16xi32, #tpu.memory_space<vmem>>
    %dma_start3A_1328 = arith.constant 0 : i32
    %dma_start3A_1329 = arith.constant 0 : i32
    %dma_start3A_1330 = tpu.memref_slice %arg2[%dma_start3A_1328, %dma_start3A_1329] : memref<100000x1024xf32, #tpu.memory_space<hbm>> -> memref<100000x1024xf32, #tpu.memory_space<hbm>>
    %dma_start3A_1331 = tpu.memref_slice %arg7[%dma_start3A_1321] : memref<7x!tpu.dma_semaphore, #tpu.memory_space<semaphore_mem>> -> memref<1x!tpu.dma_semaphore, #tpu.memory_space<semaphore_mem>>
    %dma_start3A_1332 = tpu.memref_squeeze %dma_start3A_1331 : memref<1x!tpu.dma_semaphore, #tpu.memory_space<semaphore_mem>> -> memref<!tpu.dma_semaphore, #tpu.memory_space<semaphore_mem>>
    tpu.enqueue_indirect_dma source(%dma_start3A_1330 : memref<100000x1024xf32, #tpu.memory_space<hbm>>) target(%dma_start3A_1325 : memref<16x1024xf32, #tpu.memory_space<vmem>>) offsets(%dma_start3A_1327 : memref<16xi32, #tpu.memory_space<vmem>>) semaphore(%dma_start3A_1332 : memref<!tpu.dma_semaphore, #tpu.memory_space<semaphore_mem>>)
    %dma_wait3A_1333 = arith.constant 6 : i32
    %dma_wait3A_1334 = arith.constant 6 : i32
    %dma_wait3A_1335 = arith.constant 0 : i32
    %dma_wait3A_1336 = arith.constant 0 : i32
    %dma_wait3A_1337 = tpu.memref_slice %arg6[%dma_wait3A_1333, %dma_wait3A_1335, %dma_wait3A_1336] : memref<7x16x1024xf32, #tpu.memory_space<vmem>> -> memref<1x16x1024xf32, #tpu.memory_space<vmem>>
    %dma_wait3A_1338 = tpu.memref_squeeze %dma_wait3A_1337 : memref<1x16x1024xf32, #tpu.memory_space<vmem>> -> memref<16x1024xf32, #tpu.memory_space<vmem>>
    %dma_wait3A_1339 = arith.constant 320 : i32
    %dma_wait3A_1340 = tpu.memref_slice %arg5[%dma_wait3A_1339] : memref<512xi32, #tpu.memory_space<vmem>> -> memref<16xi32, #tpu.memory_space<vmem>>
    %dma_wait3A_1341 = arith.constant 0 : i32
    %dma_wait3A_1342 = arith.constant 0 : i32
    %dma_wait3A_1343 = tpu.memref_slice %arg2[%dma_wait3A_1341, %dma_wait3A_1342] : memref<100000x1024xf32, #tpu.memory_space<hbm>> -> memref<100000x1024xf32, #tpu.memory_space<hbm>>
    %dma_wait3A_1344 = tpu.memref_slice %arg7[%dma_wait3A_1334] : memref<7x!tpu.dma_semaphore, #tpu.memory_space<semaphore_mem>> -> memref<1x!tpu.dma_semaphore, #tpu.memory_space<semaphore_mem>>
    %dma_wait3A_1345 = tpu.memref_squeeze %dma_wait3A_1344 : memref<1x!tpu.dma_semaphore, #tpu.memory_space<semaphore_mem>> -> memref<!tpu.dma_semaphore, #tpu.memory_space<semaphore_mem>>
    tpu.wait_indirect_dma semaphore(%dma_wait3A_1345 : memref<!tpu.dma_semaphore, #tpu.memory_space<semaphore_mem>>) src(%dma_wait3A_1343 : memref<100000x1024xf32, #tpu.memory_space<hbm>>) dst(%dma_wait3A_1338 : memref<16x1024xf32, #tpu.memory_space<vmem>>)
    %add3A_1346 = arith.constant 320 : i32
    %add3A_1347 = arith.addi %mul3A_2, %add3A_1346 : i32
    %dma_start3A_1348 = arith.constant 6 : i32
    %dma_start3A_1349 = arith.constant 6 : i32
    %dma_start3A_1350 = arith.constant 0 : i32
    %dma_start3A_1351 = arith.constant 0 : i32
    %dma_start3A_1352 = tpu.memref_slice %arg6[%dma_start3A_1348, %dma_start3A_1350, %dma_start3A_1351] : memref<7x16x1024xf32, #tpu.memory_space<vmem>> -> memref<1x16x1024xf32, #tpu.memory_space<vmem>>
    %dma_start3A_1353 = tpu.memref_squeeze %dma_start3A_1352 : memref<1x16x1024xf32, #tpu.memory_space<vmem>> -> memref<16x1024xf32, #tpu.memory_space<vmem>>
    %dma_start3A_1354 = arith.constant 0 : i32
    %dma_start3A_1355 = tpu.memref_slice %arg4[%add3A_1347, %dma_start3A_1354] : memref<16384x1024xf32, #tpu.memory_space<hbm>> -> memref<16x1024xf32, #tpu.memory_space<hbm>>
    %dma_start3A_1356 = tpu.memref_slice %arg8[%dma_start3A_1349] : memref<7x!tpu.dma_semaphore, #tpu.memory_space<semaphore_mem>> -> memref<1x!tpu.dma_semaphore, #tpu.memory_space<semaphore_mem>>
    %dma_start3A_1357 = tpu.memref_squeeze %dma_start3A_1356 : memref<1x!tpu.dma_semaphore, #tpu.memory_space<semaphore_mem>> -> memref<!tpu.dma_semaphore, #tpu.memory_space<semaphore_mem>>
    %dma_start3A_1358 = arith.constant 0 : i32
    %dma_start3A_1359 = tpu.memref_slice %arg4[%add3A_1347, %dma_start3A_1358] : memref<16384x1024xf32, #tpu.memory_space<hbm>> -> memref<16x1024xf32, #tpu.memory_space<hbm>>
    %dma_start3A_1360 = arith.constant 0 : i32
    %dma_start3A_1361 = arith.constant 0 : i32
    %dma_start3A_1362 = tpu.memref_slice %arg6[%dma_start3A_1348, %dma_start3A_1360, %dma_start3A_1361] : memref<7x16x1024xf32, #tpu.memory_space<vmem>> -> memref<1x16x1024xf32, #tpu.memory_space<vmem>>
    %dma_start3A_1363 = tpu.memref_squeeze %dma_start3A_1362 : memref<1x16x1024xf32, #tpu.memory_space<vmem>> -> memref<16x1024xf32, #tpu.memory_space<vmem>>
    tpu.enqueue_dma source(%dma_start3A_1363 : memref<16x1024xf32, #tpu.memory_space<vmem>>) target(%dma_start3A_1359 : memref<16x1024xf32, #tpu.memory_space<hbm>>) target_semaphore(%dma_start3A_1357 : memref<!tpu.dma_semaphore, #tpu.memory_space<semaphore_mem>>)
    %add3A_1364 = arith.constant 304 : i32
    %add3A_1365 = arith.addi %mul3A_2, %add3A_1364 : i32
    %dma_wait3A_1366 = arith.constant 5 : i32
    %dma_wait3A_1367 = arith.constant 5 : i32
    %dma_wait3A_1368 = arith.constant 0 : i32
    %dma_wait3A_1369 = arith.constant 0 : i32
    %dma_wait3A_1370 = tpu.memref_slice %arg6[%dma_wait3A_1366, %dma_wait3A_1368, %dma_wait3A_1369] : memref<7x16x1024xf32, #tpu.memory_space<vmem>> -> memref<1x16x1024xf32, #tpu.memory_space<vmem>>
    %dma_wait3A_1371 = tpu.memref_squeeze %dma_wait3A_1370 : memref<1x16x1024xf32, #tpu.memory_space<vmem>> -> memref<16x1024xf32, #tpu.memory_space<vmem>>
    %dma_wait3A_1372 = arith.constant 0 : i32
    %dma_wait3A_1373 = tpu.memref_slice %arg4[%add3A_1365, %dma_wait3A_1372] : memref<16384x1024xf32, #tpu.memory_space<hbm>> -> memref<16x1024xf32, #tpu.memory_space<hbm>>
    %dma_wait3A_1374 = tpu.memref_slice %arg8[%dma_wait3A_1367] : memref<7x!tpu.dma_semaphore, #tpu.memory_space<semaphore_mem>> -> memref<1x!tpu.dma_semaphore, #tpu.memory_space<semaphore_mem>>
    %dma_wait3A_1375 = tpu.memref_squeeze %dma_wait3A_1374 : memref<1x!tpu.dma_semaphore, #tpu.memory_space<semaphore_mem>> -> memref<!tpu.dma_semaphore, #tpu.memory_space<semaphore_mem>>
    %dma_wait3A_1376 = arith.constant 0 : i32
    %dma_wait3A_1377 = tpu.memref_slice %arg4[%add3A_1365, %dma_wait3A_1376] : memref<16384x1024xf32, #tpu.memory_space<hbm>> -> memref<16x1024xf32, #tpu.memory_space<hbm>>
    %dma_wait3A_1378 = arith.constant 0 : i32
    %dma_wait3A_1379 = arith.constant 0 : i32
    %dma_wait3A_1380 = tpu.memref_slice %arg6[%dma_wait3A_1366, %dma_wait3A_1378, %dma_wait3A_1379] : memref<7x16x1024xf32, #tpu.memory_space<vmem>> -> memref<1x16x1024xf32, #tpu.memory_space<vmem>>
    %dma_wait3A_1381 = tpu.memref_squeeze %dma_wait3A_1380 : memref<1x16x1024xf32, #tpu.memory_space<vmem>> -> memref<16x1024xf32, #tpu.memory_space<vmem>>
    tpu.wait_dma2 semaphore(%dma_wait3A_1375 : memref<!tpu.dma_semaphore, #tpu.memory_space<semaphore_mem>>) src(%dma_wait3A_1381 : memref<16x1024xf32, #tpu.memory_space<vmem>>) dst(%dma_wait3A_1377 : memref<16x1024xf32, #tpu.memory_space<hbm>>)
    %dma_start3A_1382 = arith.constant 5 : i32
    %dma_start3A_1383 = arith.constant 5 : i32
    %dma_start3A_1384 = arith.constant 0 : i32
    %dma_start3A_1385 = arith.constant 0 : i32
    %dma_start3A_1386 = tpu.memref_slice %arg6[%dma_start3A_1382, %dma_start3A_1384, %dma_start3A_1385] : memref<7x16x1024xf32, #tpu.memory_space<vmem>> -> memref<1x16x1024xf32, #tpu.memory_space<vmem>>
    %dma_start3A_1387 = tpu.memref_squeeze %dma_start3A_1386 : memref<1x16x1024xf32, #tpu.memory_space<vmem>> -> memref<16x1024xf32, #tpu.memory_space<vmem>>
    %dma_start3A_1388 = arith.constant 416 : i32
    %dma_start3A_1389 = tpu.memref_slice %arg5[%dma_start3A_1388] : memref<512xi32, #tpu.memory_space<vmem>> -> memref<16xi32, #tpu.memory_space<vmem>>
    %dma_start3A_1390 = arith.constant 0 : i32
    %dma_start3A_1391 = arith.constant 0 : i32
    %dma_start3A_1392 = tpu.memref_slice %arg2[%dma_start3A_1390, %dma_start3A_1391] : memref<100000x1024xf32, #tpu.memory_space<hbm>> -> memref<100000x1024xf32, #tpu.memory_space<hbm>>
    %dma_start3A_1393 = tpu.memref_slice %arg7[%dma_start3A_1383] : memref<7x!tpu.dma_semaphore, #tpu.memory_space<semaphore_mem>> -> memref<1x!tpu.dma_semaphore, #tpu.memory_space<semaphore_mem>>
    %dma_start3A_1394 = tpu.memref_squeeze %dma_start3A_1393 : memref<1x!tpu.dma_semaphore, #tpu.memory_space<semaphore_mem>> -> memref<!tpu.dma_semaphore, #tpu.memory_space<semaphore_mem>>
    tpu.enqueue_indirect_dma source(%dma_start3A_1392 : memref<100000x1024xf32, #tpu.memory_space<hbm>>) target(%dma_start3A_1387 : memref<16x1024xf32, #tpu.memory_space<vmem>>) offsets(%dma_start3A_1389 : memref<16xi32, #tpu.memory_space<vmem>>) semaphore(%dma_start3A_1394 : memref<!tpu.dma_semaphore, #tpu.memory_space<semaphore_mem>>)
    %dma_wait3A_1395 = arith.constant 0 : i32
    %dma_wait3A_1396 = arith.constant 0 : i32
    %dma_wait3A_1397 = arith.constant 0 : i32
    %dma_wait3A_1398 = arith.constant 0 : i32
    %dma_wait3A_1399 = tpu.memref_slice %arg6[%dma_wait3A_1395, %dma_wait3A_1397, %dma_wait3A_1398] : memref<7x16x1024xf32, #tpu.memory_space<vmem>> -> memref<1x16x1024xf32, #tpu.memory_space<vmem>>
    %dma_wait3A_1400 = tpu.memref_squeeze %dma_wait3A_1399 : memref<1x16x1024xf32, #tpu.memory_space<vmem>> -> memref<16x1024xf32, #tpu.memory_space<vmem>>
    %dma_wait3A_1401 = arith.constant 336 : i32
    %dma_wait3A_1402 = tpu.memref_slice %arg5[%dma_wait3A_1401] : memref<512xi32, #tpu.memory_space<vmem>> -> memref<16xi32, #tpu.memory_space<vmem>>
    %dma_wait3A_1403 = arith.constant 0 : i32
    %dma_wait3A_1404 = arith.constant 0 : i32
    %dma_wait3A_1405 = tpu.memref_slice %arg2[%dma_wait3A_1403, %dma_wait3A_1404] : memref<100000x1024xf32, #tpu.memory_space<hbm>> -> memref<100000x1024xf32, #tpu.memory_space<hbm>>
    %dma_wait3A_1406 = tpu.memref_slice %arg7[%dma_wait3A_1396] : memref<7x!tpu.dma_semaphore, #tpu.memory_space<semaphore_mem>> -> memref<1x!tpu.dma_semaphore, #tpu.memory_space<semaphore_mem>>
    %dma_wait3A_1407 = tpu.memref_squeeze %dma_wait3A_1406 : memref<1x!tpu.dma_semaphore, #tpu.memory_space<semaphore_mem>> -> memref<!tpu.dma_semaphore, #tpu.memory_space<semaphore_mem>>
    tpu.wait_indirect_dma semaphore(%dma_wait3A_1407 : memref<!tpu.dma_semaphore, #tpu.memory_space<semaphore_mem>>) src(%dma_wait3A_1405 : memref<100000x1024xf32, #tpu.memory_space<hbm>>) dst(%dma_wait3A_1400 : memref<16x1024xf32, #tpu.memory_space<vmem>>)
    %add3A_1408 = arith.constant 336 : i32
    %add3A_1409 = arith.addi %mul3A_2, %add3A_1408 : i32
    %dma_start3A_1410 = arith.constant 0 : i32
    %dma_start3A_1411 = arith.constant 0 : i32
    %dma_start3A_1412 = arith.constant 0 : i32
    %dma_start3A_1413 = arith.constant 0 : i32
    %dma_start3A_1414 = tpu.memref_slice %arg6[%dma_start3A_1410, %dma_start3A_1412, %dma_start3A_1413] : memref<7x16x1024xf32, #tpu.memory_space<vmem>> -> memref<1x16x1024xf32, #tpu.memory_space<vmem>>
    %dma_start3A_1415 = tpu.memref_squeeze %dma_start3A_1414 : memref<1x16x1024xf32, #tpu.memory_space<vmem>> -> memref<16x1024xf32, #tpu.memory_space<vmem>>
    %dma_start3A_1416 = arith.constant 0 : i32
    %dma_start3A_1417 = tpu.memref_slice %arg4[%add3A_1409, %dma_start3A_1416] : memref<16384x1024xf32, #tpu.memory_space<hbm>> -> memref<16x1024xf32, #tpu.memory_space<hbm>>
    %dma_start3A_1418 = tpu.memref_slice %arg8[%dma_start3A_1411] : memref<7x!tpu.dma_semaphore, #tpu.memory_space<semaphore_mem>> -> memref<1x!tpu.dma_semaphore, #tpu.memory_space<semaphore_mem>>
    %dma_start3A_1419 = tpu.memref_squeeze %dma_start3A_1418 : memref<1x!tpu.dma_semaphore, #tpu.memory_space<semaphore_mem>> -> memref<!tpu.dma_semaphore, #tpu.memory_space<semaphore_mem>>
    %dma_start3A_1420 = arith.constant 0 : i32
    %dma_start3A_1421 = tpu.memref_slice %arg4[%add3A_1409, %dma_start3A_1420] : memref<16384x1024xf32, #tpu.memory_space<hbm>> -> memref<16x1024xf32, #tpu.memory_space<hbm>>
    %dma_start3A_1422 = arith.constant 0 : i32
    %dma_start3A_1423 = arith.constant 0 : i32
    %dma_start3A_1424 = tpu.memref_slice %arg6[%dma_start3A_1410, %dma_start3A_1422, %dma_start3A_1423] : memref<7x16x1024xf32, #tpu.memory_space<vmem>> -> memref<1x16x1024xf32, #tpu.memory_space<vmem>>
    %dma_start3A_1425 = tpu.memref_squeeze %dma_start3A_1424 : memref<1x16x1024xf32, #tpu.memory_space<vmem>> -> memref<16x1024xf32, #tpu.memory_space<vmem>>
    tpu.enqueue_dma source(%dma_start3A_1425 : memref<16x1024xf32, #tpu.memory_space<vmem>>) target(%dma_start3A_1421 : memref<16x1024xf32, #tpu.memory_space<hbm>>) target_semaphore(%dma_start3A_1419 : memref<!tpu.dma_semaphore, #tpu.memory_space<semaphore_mem>>)
    %add3A_1426 = arith.constant 320 : i32
    %add3A_1427 = arith.addi %mul3A_2, %add3A_1426 : i32
    %dma_wait3A_1428 = arith.constant 6 : i32
    %dma_wait3A_1429 = arith.constant 6 : i32
    %dma_wait3A_1430 = arith.constant 0 : i32
    %dma_wait3A_1431 = arith.constant 0 : i32
    %dma_wait3A_1432 = tpu.memref_slice %arg6[%dma_wait3A_1428, %dma_wait3A_1430, %dma_wait3A_1431] : memref<7x16x1024xf32, #tpu.memory_space<vmem>> -> memref<1x16x1024xf32, #tpu.memory_space<vmem>>
    %dma_wait3A_1433 = tpu.memref_squeeze %dma_wait3A_1432 : memref<1x16x1024xf32, #tpu.memory_space<vmem>> -> memref<16x1024xf32, #tpu.memory_space<vmem>>
    %dma_wait3A_1434 = arith.constant 0 : i32
    %dma_wait3A_1435 = tpu.memref_slice %arg4[%add3A_1427, %dma_wait3A_1434] : memref<16384x1024xf32, #tpu.memory_space<hbm>> -> memref<16x1024xf32, #tpu.memory_space<hbm>>
    %dma_wait3A_1436 = tpu.memref_slice %arg8[%dma_wait3A_1429] : memref<7x!tpu.dma_semaphore, #tpu.memory_space<semaphore_mem>> -> memref<1x!tpu.dma_semaphore, #tpu.memory_space<semaphore_mem>>
    %dma_wait3A_1437 = tpu.memref_squeeze %dma_wait3A_1436 : memref<1x!tpu.dma_semaphore, #tpu.memory_space<semaphore_mem>> -> memref<!tpu.dma_semaphore, #tpu.memory_space<semaphore_mem>>
    %dma_wait3A_1438 = arith.constant 0 : i32
    %dma_wait3A_1439 = tpu.memref_slice %arg4[%add3A_1427, %dma_wait3A_1438] : memref<16384x1024xf32, #tpu.memory_space<hbm>> -> memref<16x1024xf32, #tpu.memory_space<hbm>>
    %dma_wait3A_1440 = arith.constant 0 : i32
    %dma_wait3A_1441 = arith.constant 0 : i32
    %dma_wait3A_1442 = tpu.memref_slice %arg6[%dma_wait3A_1428, %dma_wait3A_1440, %dma_wait3A_1441] : memref<7x16x1024xf32, #tpu.memory_space<vmem>> -> memref<1x16x1024xf32, #tpu.memory_space<vmem>>
    %dma_wait3A_1443 = tpu.memref_squeeze %dma_wait3A_1442 : memref<1x16x1024xf32, #tpu.memory_space<vmem>> -> memref<16x1024xf32, #tpu.memory_space<vmem>>
    tpu.wait_dma2 semaphore(%dma_wait3A_1437 : memref<!tpu.dma_semaphore, #tpu.memory_space<semaphore_mem>>) src(%dma_wait3A_1443 : memref<16x1024xf32, #tpu.memory_space<vmem>>) dst(%dma_wait3A_1439 : memref<16x1024xf32, #tpu.memory_space<hbm>>)
    %dma_start3A_1444 = arith.constant 6 : i32
    %dma_start3A_1445 = arith.constant 6 : i32
    %dma_start3A_1446 = arith.constant 0 : i32
    %dma_start3A_1447 = arith.constant 0 : i32
    %dma_start3A_1448 = tpu.memref_slice %arg6[%dma_start3A_1444, %dma_start3A_1446, %dma_start3A_1447] : memref<7x16x1024xf32, #tpu.memory_space<vmem>> -> memref<1x16x1024xf32, #tpu.memory_space<vmem>>
    %dma_start3A_1449 = tpu.memref_squeeze %dma_start3A_1448 : memref<1x16x1024xf32, #tpu.memory_space<vmem>> -> memref<16x1024xf32, #tpu.memory_space<vmem>>
    %dma_start3A_1450 = arith.constant 432 : i32
    %dma_start3A_1451 = tpu.memref_slice %arg5[%dma_start3A_1450] : memref<512xi32, #tpu.memory_space<vmem>> -> memref<16xi32, #tpu.memory_space<vmem>>
    %dma_start3A_1452 = arith.constant 0 : i32
    %dma_start3A_1453 = arith.constant 0 : i32
    %dma_start3A_1454 = tpu.memref_slice %arg2[%dma_start3A_1452, %dma_start3A_1453] : memref<100000x1024xf32, #tpu.memory_space<hbm>> -> memref<100000x1024xf32, #tpu.memory_space<hbm>>
    %dma_start3A_1455 = tpu.memref_slice %arg7[%dma_start3A_1445] : memref<7x!tpu.dma_semaphore, #tpu.memory_space<semaphore_mem>> -> memref<1x!tpu.dma_semaphore, #tpu.memory_space<semaphore_mem>>
    %dma_start3A_1456 = tpu.memref_squeeze %dma_start3A_1455 : memref<1x!tpu.dma_semaphore, #tpu.memory_space<semaphore_mem>> -> memref<!tpu.dma_semaphore, #tpu.memory_space<semaphore_mem>>
    tpu.enqueue_indirect_dma source(%dma_start3A_1454 : memref<100000x1024xf32, #tpu.memory_space<hbm>>) target(%dma_start3A_1449 : memref<16x1024xf32, #tpu.memory_space<vmem>>) offsets(%dma_start3A_1451 : memref<16xi32, #tpu.memory_space<vmem>>) semaphore(%dma_start3A_1456 : memref<!tpu.dma_semaphore, #tpu.memory_space<semaphore_mem>>)
    %dma_wait3A_1457 = arith.constant 1 : i32
    %dma_wait3A_1458 = arith.constant 1 : i32
    %dma_wait3A_1459 = arith.constant 0 : i32
    %dma_wait3A_1460 = arith.constant 0 : i32
    %dma_wait3A_1461 = tpu.memref_slice %arg6[%dma_wait3A_1457, %dma_wait3A_1459, %dma_wait3A_1460] : memref<7x16x1024xf32, #tpu.memory_space<vmem>> -> memref<1x16x1024xf32, #tpu.memory_space<vmem>>
    %dma_wait3A_1462 = tpu.memref_squeeze %dma_wait3A_1461 : memref<1x16x1024xf32, #tpu.memory_space<vmem>> -> memref<16x1024xf32, #tpu.memory_space<vmem>>
    %dma_wait3A_1463 = arith.constant 352 : i32
    %dma_wait3A_1464 = tpu.memref_slice %arg5[%dma_wait3A_1463] : memref<512xi32, #tpu.memory_space<vmem>> -> memref<16xi32, #tpu.memory_space<vmem>>
    %dma_wait3A_1465 = arith.constant 0 : i32
    %dma_wait3A_1466 = arith.constant 0 : i32
    %dma_wait3A_1467 = tpu.memref_slice %arg2[%dma_wait3A_1465, %dma_wait3A_1466] : memref<100000x1024xf32, #tpu.memory_space<hbm>> -> memref<100000x1024xf32, #tpu.memory_space<hbm>>
    %dma_wait3A_1468 = tpu.memref_slice %arg7[%dma_wait3A_1458] : memref<7x!tpu.dma_semaphore, #tpu.memory_space<semaphore_mem>> -> memref<1x!tpu.dma_semaphore, #tpu.memory_space<semaphore_mem>>
    %dma_wait3A_1469 = tpu.memref_squeeze %dma_wait3A_1468 : memref<1x!tpu.dma_semaphore, #tpu.memory_space<semaphore_mem>> -> memref<!tpu.dma_semaphore, #tpu.memory_space<semaphore_mem>>
    tpu.wait_indirect_dma semaphore(%dma_wait3A_1469 : memref<!tpu.dma_semaphore, #tpu.memory_space<semaphore_mem>>) src(%dma_wait3A_1467 : memref<100000x1024xf32, #tpu.memory_space<hbm>>) dst(%dma_wait3A_1462 : memref<16x1024xf32, #tpu.memory_space<vmem>>)
    %add3A_1470 = arith.constant 352 : i32
    %add3A_1471 = arith.addi %mul3A_2, %add3A_1470 : i32
    %dma_start3A_1472 = arith.constant 1 : i32
    %dma_start3A_1473 = arith.constant 1 : i32
    %dma_start3A_1474 = arith.constant 0 : i32
    %dma_start3A_1475 = arith.constant 0 : i32
    %dma_start3A_1476 = tpu.memref_slice %arg6[%dma_start3A_1472, %dma_start3A_1474, %dma_start3A_1475] : memref<7x16x1024xf32, #tpu.memory_space<vmem>> -> memref<1x16x1024xf32, #tpu.memory_space<vmem>>
    %dma_start3A_1477 = tpu.memref_squeeze %dma_start3A_1476 : memref<1x16x1024xf32, #tpu.memory_space<vmem>> -> memref<16x1024xf32, #tpu.memory_space<vmem>>
    %dma_start3A_1478 = arith.constant 0 : i32
    %dma_start3A_1479 = tpu.memref_slice %arg4[%add3A_1471, %dma_start3A_1478] : memref<16384x1024xf32, #tpu.memory_space<hbm>> -> memref<16x1024xf32, #tpu.memory_space<hbm>>
    %dma_start3A_1480 = tpu.memref_slice %arg8[%dma_start3A_1473] : memref<7x!tpu.dma_semaphore, #tpu.memory_space<semaphore_mem>> -> memref<1x!tpu.dma_semaphore, #tpu.memory_space<semaphore_mem>>
    %dma_start3A_1481 = tpu.memref_squeeze %dma_start3A_1480 : memref<1x!tpu.dma_semaphore, #tpu.memory_space<semaphore_mem>> -> memref<!tpu.dma_semaphore, #tpu.memory_space<semaphore_mem>>
    %dma_start3A_1482 = arith.constant 0 : i32
    %dma_start3A_1483 = tpu.memref_slice %arg4[%add3A_1471, %dma_start3A_1482] : memref<16384x1024xf32, #tpu.memory_space<hbm>> -> memref<16x1024xf32, #tpu.memory_space<hbm>>
    %dma_start3A_1484 = arith.constant 0 : i32
    %dma_start3A_1485 = arith.constant 0 : i32
    %dma_start3A_1486 = tpu.memref_slice %arg6[%dma_start3A_1472, %dma_start3A_1484, %dma_start3A_1485] : memref<7x16x1024xf32, #tpu.memory_space<vmem>> -> memref<1x16x1024xf32, #tpu.memory_space<vmem>>
    %dma_start3A_1487 = tpu.memref_squeeze %dma_start3A_1486 : memref<1x16x1024xf32, #tpu.memory_space<vmem>> -> memref<16x1024xf32, #tpu.memory_space<vmem>>
    tpu.enqueue_dma source(%dma_start3A_1487 : memref<16x1024xf32, #tpu.memory_space<vmem>>) target(%dma_start3A_1483 : memref<16x1024xf32, #tpu.memory_space<hbm>>) target_semaphore(%dma_start3A_1481 : memref<!tpu.dma_semaphore, #tpu.memory_space<semaphore_mem>>)
    %add3A_1488 = arith.constant 336 : i32
    %add3A_1489 = arith.addi %mul3A_2, %add3A_1488 : i32
    %dma_wait3A_1490 = arith.constant 0 : i32
    %dma_wait3A_1491 = arith.constant 0 : i32
    %dma_wait3A_1492 = arith.constant 0 : i32
    %dma_wait3A_1493 = arith.constant 0 : i32
    %dma_wait3A_1494 = tpu.memref_slice %arg6[%dma_wait3A_1490, %dma_wait3A_1492, %dma_wait3A_1493] : memref<7x16x1024xf32, #tpu.memory_space<vmem>> -> memref<1x16x1024xf32, #tpu.memory_space<vmem>>
    %dma_wait3A_1495 = tpu.memref_squeeze %dma_wait3A_1494 : memref<1x16x1024xf32, #tpu.memory_space<vmem>> -> memref<16x1024xf32, #tpu.memory_space<vmem>>
    %dma_wait3A_1496 = arith.constant 0 : i32
    %dma_wait3A_1497 = tpu.memref_slice %arg4[%add3A_1489, %dma_wait3A_1496] : memref<16384x1024xf32, #tpu.memory_space<hbm>> -> memref<16x1024xf32, #tpu.memory_space<hbm>>
    %dma_wait3A_1498 = tpu.memref_slice %arg8[%dma_wait3A_1491] : memref<7x!tpu.dma_semaphore, #tpu.memory_space<semaphore_mem>> -> memref<1x!tpu.dma_semaphore, #tpu.memory_space<semaphore_mem>>
    %dma_wait3A_1499 = tpu.memref_squeeze %dma_wait3A_1498 : memref<1x!tpu.dma_semaphore, #tpu.memory_space<semaphore_mem>> -> memref<!tpu.dma_semaphore, #tpu.memory_space<semaphore_mem>>
    %dma_wait3A_1500 = arith.constant 0 : i32
    %dma_wait3A_1501 = tpu.memref_slice %arg4[%add3A_1489, %dma_wait3A_1500] : memref<16384x1024xf32, #tpu.memory_space<hbm>> -> memref<16x1024xf32, #tpu.memory_space<hbm>>
    %dma_wait3A_1502 = arith.constant 0 : i32
    %dma_wait3A_1503 = arith.constant 0 : i32
    %dma_wait3A_1504 = tpu.memref_slice %arg6[%dma_wait3A_1490, %dma_wait3A_1502, %dma_wait3A_1503] : memref<7x16x1024xf32, #tpu.memory_space<vmem>> -> memref<1x16x1024xf32, #tpu.memory_space<vmem>>
    %dma_wait3A_1505 = tpu.memref_squeeze %dma_wait3A_1504 : memref<1x16x1024xf32, #tpu.memory_space<vmem>> -> memref<16x1024xf32, #tpu.memory_space<vmem>>
    tpu.wait_dma2 semaphore(%dma_wait3A_1499 : memref<!tpu.dma_semaphore, #tpu.memory_space<semaphore_mem>>) src(%dma_wait3A_1505 : memref<16x1024xf32, #tpu.memory_space<vmem>>) dst(%dma_wait3A_1501 : memref<16x1024xf32, #tpu.memory_space<hbm>>)
    %dma_start3A_1506 = arith.constant 0 : i32
    %dma_start3A_1507 = arith.constant 0 : i32
    %dma_start3A_1508 = arith.constant 0 : i32
    %dma_start3A_1509 = arith.constant 0 : i32
    %dma_start3A_1510 = tpu.memref_slice %arg6[%dma_start3A_1506, %dma_start3A_1508, %dma_start3A_1509] : memref<7x16x1024xf32, #tpu.memory_space<vmem>> -> memref<1x16x1024xf32, #tpu.memory_space<vmem>>
    %dma_start3A_1511 = tpu.memref_squeeze %dma_start3A_1510 : memref<1x16x1024xf32, #tpu.memory_space<vmem>> -> memref<16x1024xf32, #tpu.memory_space<vmem>>
    %dma_start3A_1512 = arith.constant 448 : i32
    %dma_start3A_1513 = tpu.memref_slice %arg5[%dma_start3A_1512] : memref<512xi32, #tpu.memory_space<vmem>> -> memref<16xi32, #tpu.memory_space<vmem>>
    %dma_start3A_1514 = arith.constant 0 : i32
    %dma_start3A_1515 = arith.constant 0 : i32
    %dma_start3A_1516 = tpu.memref_slice %arg2[%dma_start3A_1514, %dma_start3A_1515] : memref<100000x1024xf32, #tpu.memory_space<hbm>> -> memref<100000x1024xf32, #tpu.memory_space<hbm>>
    %dma_start3A_1517 = tpu.memref_slice %arg7[%dma_start3A_1507] : memref<7x!tpu.dma_semaphore, #tpu.memory_space<semaphore_mem>> -> memref<1x!tpu.dma_semaphore, #tpu.memory_space<semaphore_mem>>
    %dma_start3A_1518 = tpu.memref_squeeze %dma_start3A_1517 : memref<1x!tpu.dma_semaphore, #tpu.memory_space<semaphore_mem>> -> memref<!tpu.dma_semaphore, #tpu.memory_space<semaphore_mem>>
    tpu.enqueue_indirect_dma source(%dma_start3A_1516 : memref<100000x1024xf32, #tpu.memory_space<hbm>>) target(%dma_start3A_1511 : memref<16x1024xf32, #tpu.memory_space<vmem>>) offsets(%dma_start3A_1513 : memref<16xi32, #tpu.memory_space<vmem>>) semaphore(%dma_start3A_1518 : memref<!tpu.dma_semaphore, #tpu.memory_space<semaphore_mem>>)
    %dma_wait3A_1519 = arith.constant 2 : i32
    %dma_wait3A_1520 = arith.constant 2 : i32
    %dma_wait3A_1521 = arith.constant 0 : i32
    %dma_wait3A_1522 = arith.constant 0 : i32
    %dma_wait3A_1523 = tpu.memref_slice %arg6[%dma_wait3A_1519, %dma_wait3A_1521, %dma_wait3A_1522] : memref<7x16x1024xf32, #tpu.memory_space<vmem>> -> memref<1x16x1024xf32, #tpu.memory_space<vmem>>
    %dma_wait3A_1524 = tpu.memref_squeeze %dma_wait3A_1523 : memref<1x16x1024xf32, #tpu.memory_space<vmem>> -> memref<16x1024xf32, #tpu.memory_space<vmem>>
    %dma_wait3A_1525 = arith.constant 368 : i32
    %dma_wait3A_1526 = tpu.memref_slice %arg5[%dma_wait3A_1525] : memref<512xi32, #tpu.memory_space<vmem>> -> memref<16xi32, #tpu.memory_space<vmem>>
    %dma_wait3A_1527 = arith.constant 0 : i32
    %dma_wait3A_1528 = arith.constant 0 : i32
    %dma_wait3A_1529 = tpu.memref_slice %arg2[%dma_wait3A_1527, %dma_wait3A_1528] : memref<100000x1024xf32, #tpu.memory_space<hbm>> -> memref<100000x1024xf32, #tpu.memory_space<hbm>>
    %dma_wait3A_1530 = tpu.memref_slice %arg7[%dma_wait3A_1520] : memref<7x!tpu.dma_semaphore, #tpu.memory_space<semaphore_mem>> -> memref<1x!tpu.dma_semaphore, #tpu.memory_space<semaphore_mem>>
    %dma_wait3A_1531 = tpu.memref_squeeze %dma_wait3A_1530 : memref<1x!tpu.dma_semaphore, #tpu.memory_space<semaphore_mem>> -> memref<!tpu.dma_semaphore, #tpu.memory_space<semaphore_mem>>
    tpu.wait_indirect_dma semaphore(%dma_wait3A_1531 : memref<!tpu.dma_semaphore, #tpu.memory_space<semaphore_mem>>) src(%dma_wait3A_1529 : memref<100000x1024xf32, #tpu.memory_space<hbm>>) dst(%dma_wait3A_1524 : memref<16x1024xf32, #tpu.memory_space<vmem>>)
    %add3A_1532 = arith.constant 368 : i32
    %add3A_1533 = arith.addi %mul3A_2, %add3A_1532 : i32
    %dma_start3A_1534 = arith.constant 2 : i32
    %dma_start3A_1535 = arith.constant 2 : i32
    %dma_start3A_1536 = arith.constant 0 : i32
    %dma_start3A_1537 = arith.constant 0 : i32
    %dma_start3A_1538 = tpu.memref_slice %arg6[%dma_start3A_1534, %dma_start3A_1536, %dma_start3A_1537] : memref<7x16x1024xf32, #tpu.memory_space<vmem>> -> memref<1x16x1024xf32, #tpu.memory_space<vmem>>
    %dma_start3A_1539 = tpu.memref_squeeze %dma_start3A_1538 : memref<1x16x1024xf32, #tpu.memory_space<vmem>> -> memref<16x1024xf32, #tpu.memory_space<vmem>>
    %dma_start3A_1540 = arith.constant 0 : i32
    %dma_start3A_1541 = tpu.memref_slice %arg4[%add3A_1533, %dma_start3A_1540] : memref<16384x1024xf32, #tpu.memory_space<hbm>> -> memref<16x1024xf32, #tpu.memory_space<hbm>>
    %dma_start3A_1542 = tpu.memref_slice %arg8[%dma_start3A_1535] : memref<7x!tpu.dma_semaphore, #tpu.memory_space<semaphore_mem>> -> memref<1x!tpu.dma_semaphore, #tpu.memory_space<semaphore_mem>>
    %dma_start3A_1543 = tpu.memref_squeeze %dma_start3A_1542 : memref<1x!tpu.dma_semaphore, #tpu.memory_space<semaphore_mem>> -> memref<!tpu.dma_semaphore, #tpu.memory_space<semaphore_mem>>
    %dma_start3A_1544 = arith.constant 0 : i32
    %dma_start3A_1545 = tpu.memref_slice %arg4[%add3A_1533, %dma_start3A_1544] : memref<16384x1024xf32, #tpu.memory_space<hbm>> -> memref<16x1024xf32, #tpu.memory_space<hbm>>
    %dma_start3A_1546 = arith.constant 0 : i32
    %dma_start3A_1547 = arith.constant 0 : i32
    %dma_start3A_1548 = tpu.memref_slice %arg6[%dma_start3A_1534, %dma_start3A_1546, %dma_start3A_1547] : memref<7x16x1024xf32, #tpu.memory_space<vmem>> -> memref<1x16x1024xf32, #tpu.memory_space<vmem>>
    %dma_start3A_1549 = tpu.memref_squeeze %dma_start3A_1548 : memref<1x16x1024xf32, #tpu.memory_space<vmem>> -> memref<16x1024xf32, #tpu.memory_space<vmem>>
    tpu.enqueue_dma source(%dma_start3A_1549 : memref<16x1024xf32, #tpu.memory_space<vmem>>) target(%dma_start3A_1545 : memref<16x1024xf32, #tpu.memory_space<hbm>>) target_semaphore(%dma_start3A_1543 : memref<!tpu.dma_semaphore, #tpu.memory_space<semaphore_mem>>)
    %add3A_1550 = arith.constant 352 : i32
    %add3A_1551 = arith.addi %mul3A_2, %add3A_1550 : i32
    %dma_wait3A_1552 = arith.constant 1 : i32
    %dma_wait3A_1553 = arith.constant 1 : i32
    %dma_wait3A_1554 = arith.constant 0 : i32
    %dma_wait3A_1555 = arith.constant 0 : i32
    %dma_wait3A_1556 = tpu.memref_slice %arg6[%dma_wait3A_1552, %dma_wait3A_1554, %dma_wait3A_1555] : memref<7x16x1024xf32, #tpu.memory_space<vmem>> -> memref<1x16x1024xf32, #tpu.memory_space<vmem>>
    %dma_wait3A_1557 = tpu.memref_squeeze %dma_wait3A_1556 : memref<1x16x1024xf32, #tpu.memory_space<vmem>> -> memref<16x1024xf32, #tpu.memory_space<vmem>>
    %dma_wait3A_1558 = arith.constant 0 : i32
    %dma_wait3A_1559 = tpu.memref_slice %arg4[%add3A_1551, %dma_wait3A_1558] : memref<16384x1024xf32, #tpu.memory_space<hbm>> -> memref<16x1024xf32, #tpu.memory_space<hbm>>
    %dma_wait3A_1560 = tpu.memref_slice %arg8[%dma_wait3A_1553] : memref<7x!tpu.dma_semaphore, #tpu.memory_space<semaphore_mem>> -> memref<1x!tpu.dma_semaphore, #tpu.memory_space<semaphore_mem>>
    %dma_wait3A_1561 = tpu.memref_squeeze %dma_wait3A_1560 : memref<1x!tpu.dma_semaphore, #tpu.memory_space<semaphore_mem>> -> memref<!tpu.dma_semaphore, #tpu.memory_space<semaphore_mem>>
    %dma_wait3A_1562 = arith.constant 0 : i32
    %dma_wait3A_1563 = tpu.memref_slice %arg4[%add3A_1551, %dma_wait3A_1562] : memref<16384x1024xf32, #tpu.memory_space<hbm>> -> memref<16x1024xf32, #tpu.memory_space<hbm>>
    %dma_wait3A_1564 = arith.constant 0 : i32
    %dma_wait3A_1565 = arith.constant 0 : i32
    %dma_wait3A_1566 = tpu.memref_slice %arg6[%dma_wait3A_1552, %dma_wait3A_1564, %dma_wait3A_1565] : memref<7x16x1024xf32, #tpu.memory_space<vmem>> -> memref<1x16x1024xf32, #tpu.memory_space<vmem>>
    %dma_wait3A_1567 = tpu.memref_squeeze %dma_wait3A_1566 : memref<1x16x1024xf32, #tpu.memory_space<vmem>> -> memref<16x1024xf32, #tpu.memory_space<vmem>>
    tpu.wait_dma2 semaphore(%dma_wait3A_1561 : memref<!tpu.dma_semaphore, #tpu.memory_space<semaphore_mem>>) src(%dma_wait3A_1567 : memref<16x1024xf32, #tpu.memory_space<vmem>>) dst(%dma_wait3A_1563 : memref<16x1024xf32, #tpu.memory_space<hbm>>)
    %dma_start3A_1568 = arith.constant 1 : i32
    %dma_start3A_1569 = arith.constant 1 : i32
    %dma_start3A_1570 = arith.constant 0 : i32
    %dma_start3A_1571 = arith.constant 0 : i32
    %dma_start3A_1572 = tpu.memref_slice %arg6[%dma_start3A_1568, %dma_start3A_1570, %dma_start3A_1571] : memref<7x16x1024xf32, #tpu.memory_space<vmem>> -> memref<1x16x1024xf32, #tpu.memory_space<vmem>>
    %dma_start3A_1573 = tpu.memref_squeeze %dma_start3A_1572 : memref<1x16x1024xf32, #tpu.memory_space<vmem>> -> memref<16x1024xf32, #tpu.memory_space<vmem>>
    %dma_start3A_1574 = arith.constant 464 : i32
    %dma_start3A_1575 = tpu.memref_slice %arg5[%dma_start3A_1574] : memref<512xi32, #tpu.memory_space<vmem>> -> memref<16xi32, #tpu.memory_space<vmem>>
    %dma_start3A_1576 = arith.constant 0 : i32
    %dma_start3A_1577 = arith.constant 0 : i32
    %dma_start3A_1578 = tpu.memref_slice %arg2[%dma_start3A_1576, %dma_start3A_1577] : memref<100000x1024xf32, #tpu.memory_space<hbm>> -> memref<100000x1024xf32, #tpu.memory_space<hbm>>
    %dma_start3A_1579 = tpu.memref_slice %arg7[%dma_start3A_1569] : memref<7x!tpu.dma_semaphore, #tpu.memory_space<semaphore_mem>> -> memref<1x!tpu.dma_semaphore, #tpu.memory_space<semaphore_mem>>
    %dma_start3A_1580 = tpu.memref_squeeze %dma_start3A_1579 : memref<1x!tpu.dma_semaphore, #tpu.memory_space<semaphore_mem>> -> memref<!tpu.dma_semaphore, #tpu.memory_space<semaphore_mem>>
    tpu.enqueue_indirect_dma source(%dma_start3A_1578 : memref<100000x1024xf32, #tpu.memory_space<hbm>>) target(%dma_start3A_1573 : memref<16x1024xf32, #tpu.memory_space<vmem>>) offsets(%dma_start3A_1575 : memref<16xi32, #tpu.memory_space<vmem>>) semaphore(%dma_start3A_1580 : memref<!tpu.dma_semaphore, #tpu.memory_space<semaphore_mem>>)
    %dma_wait3A_1581 = arith.constant 3 : i32
    %dma_wait3A_1582 = arith.constant 3 : i32
    %dma_wait3A_1583 = arith.constant 0 : i32
    %dma_wait3A_1584 = arith.constant 0 : i32
    %dma_wait3A_1585 = tpu.memref_slice %arg6[%dma_wait3A_1581, %dma_wait3A_1583, %dma_wait3A_1584] : memref<7x16x1024xf32, #tpu.memory_space<vmem>> -> memref<1x16x1024xf32, #tpu.memory_space<vmem>>
    %dma_wait3A_1586 = tpu.memref_squeeze %dma_wait3A_1585 : memref<1x16x1024xf32, #tpu.memory_space<vmem>> -> memref<16x1024xf32, #tpu.memory_space<vmem>>
    %dma_wait3A_1587 = arith.constant 384 : i32
    %dma_wait3A_1588 = tpu.memref_slice %arg5[%dma_wait3A_1587] : memref<512xi32, #tpu.memory_space<vmem>> -> memref<16xi32, #tpu.memory_space<vmem>>
    %dma_wait3A_1589 = arith.constant 0 : i32
    %dma_wait3A_1590 = arith.constant 0 : i32
    %dma_wait3A_1591 = tpu.memref_slice %arg2[%dma_wait3A_1589, %dma_wait3A_1590] : memref<100000x1024xf32, #tpu.memory_space<hbm>> -> memref<100000x1024xf32, #tpu.memory_space<hbm>>
    %dma_wait3A_1592 = tpu.memref_slice %arg7[%dma_wait3A_1582] : memref<7x!tpu.dma_semaphore, #tpu.memory_space<semaphore_mem>> -> memref<1x!tpu.dma_semaphore, #tpu.memory_space<semaphore_mem>>
    %dma_wait3A_1593 = tpu.memref_squeeze %dma_wait3A_1592 : memref<1x!tpu.dma_semaphore, #tpu.memory_space<semaphore_mem>> -> memref<!tpu.dma_semaphore, #tpu.memory_space<semaphore_mem>>
    tpu.wait_indirect_dma semaphore(%dma_wait3A_1593 : memref<!tpu.dma_semaphore, #tpu.memory_space<semaphore_mem>>) src(%dma_wait3A_1591 : memref<100000x1024xf32, #tpu.memory_space<hbm>>) dst(%dma_wait3A_1586 : memref<16x1024xf32, #tpu.memory_space<vmem>>)
    %add3A_1594 = arith.constant 384 : i32
    %add3A_1595 = arith.addi %mul3A_2, %add3A_1594 : i32
    %dma_start3A_1596 = arith.constant 3 : i32
    %dma_start3A_1597 = arith.constant 3 : i32
    %dma_start3A_1598 = arith.constant 0 : i32
    %dma_start3A_1599 = arith.constant 0 : i32
    %dma_start3A_1600 = tpu.memref_slice %arg6[%dma_start3A_1596, %dma_start3A_1598, %dma_start3A_1599] : memref<7x16x1024xf32, #tpu.memory_space<vmem>> -> memref<1x16x1024xf32, #tpu.memory_space<vmem>>
    %dma_start3A_1601 = tpu.memref_squeeze %dma_start3A_1600 : memref<1x16x1024xf32, #tpu.memory_space<vmem>> -> memref<16x1024xf32, #tpu.memory_space<vmem>>
    %dma_start3A_1602 = arith.constant 0 : i32
    %dma_start3A_1603 = tpu.memref_slice %arg4[%add3A_1595, %dma_start3A_1602] : memref<16384x1024xf32, #tpu.memory_space<hbm>> -> memref<16x1024xf32, #tpu.memory_space<hbm>>
    %dma_start3A_1604 = tpu.memref_slice %arg8[%dma_start3A_1597] : memref<7x!tpu.dma_semaphore, #tpu.memory_space<semaphore_mem>> -> memref<1x!tpu.dma_semaphore, #tpu.memory_space<semaphore_mem>>
    %dma_start3A_1605 = tpu.memref_squeeze %dma_start3A_1604 : memref<1x!tpu.dma_semaphore, #tpu.memory_space<semaphore_mem>> -> memref<!tpu.dma_semaphore, #tpu.memory_space<semaphore_mem>>
    %dma_start3A_1606 = arith.constant 0 : i32
    %dma_start3A_1607 = tpu.memref_slice %arg4[%add3A_1595, %dma_start3A_1606] : memref<16384x1024xf32, #tpu.memory_space<hbm>> -> memref<16x1024xf32, #tpu.memory_space<hbm>>
    %dma_start3A_1608 = arith.constant 0 : i32
    %dma_start3A_1609 = arith.constant 0 : i32
    %dma_start3A_1610 = tpu.memref_slice %arg6[%dma_start3A_1596, %dma_start3A_1608, %dma_start3A_1609] : memref<7x16x1024xf32, #tpu.memory_space<vmem>> -> memref<1x16x1024xf32, #tpu.memory_space<vmem>>
    %dma_start3A_1611 = tpu.memref_squeeze %dma_start3A_1610 : memref<1x16x1024xf32, #tpu.memory_space<vmem>> -> memref<16x1024xf32, #tpu.memory_space<vmem>>
    tpu.enqueue_dma source(%dma_start3A_1611 : memref<16x1024xf32, #tpu.memory_space<vmem>>) target(%dma_start3A_1607 : memref<16x1024xf32, #tpu.memory_space<hbm>>) target_semaphore(%dma_start3A_1605 : memref<!tpu.dma_semaphore, #tpu.memory_space<semaphore_mem>>)
    %add3A_1612 = arith.constant 368 : i32
    %add3A_1613 = arith.addi %mul3A_2, %add3A_1612 : i32
    %dma_wait3A_1614 = arith.constant 2 : i32
    %dma_wait3A_1615 = arith.constant 2 : i32
    %dma_wait3A_1616 = arith.constant 0 : i32
    %dma_wait3A_1617 = arith.constant 0 : i32
    %dma_wait3A_1618 = tpu.memref_slice %arg6[%dma_wait3A_1614, %dma_wait3A_1616, %dma_wait3A_1617] : memref<7x16x1024xf32, #tpu.memory_space<vmem>> -> memref<1x16x1024xf32, #tpu.memory_space<vmem>>
    %dma_wait3A_1619 = tpu.memref_squeeze %dma_wait3A_1618 : memref<1x16x1024xf32, #tpu.memory_space<vmem>> -> memref<16x1024xf32, #tpu.memory_space<vmem>>
    %dma_wait3A_1620 = arith.constant 0 : i32
    %dma_wait3A_1621 = tpu.memref_slice %arg4[%add3A_1613, %dma_wait3A_1620] : memref<16384x1024xf32, #tpu.memory_space<hbm>> -> memref<16x1024xf32, #tpu.memory_space<hbm>>
    %dma_wait3A_1622 = tpu.memref_slice %arg8[%dma_wait3A_1615] : memref<7x!tpu.dma_semaphore, #tpu.memory_space<semaphore_mem>> -> memref<1x!tpu.dma_semaphore, #tpu.memory_space<semaphore_mem>>
    %dma_wait3A_1623 = tpu.memref_squeeze %dma_wait3A_1622 : memref<1x!tpu.dma_semaphore, #tpu.memory_space<semaphore_mem>> -> memref<!tpu.dma_semaphore, #tpu.memory_space<semaphore_mem>>
    %dma_wait3A_1624 = arith.constant 0 : i32
    %dma_wait3A_1625 = tpu.memref_slice %arg4[%add3A_1613, %dma_wait3A_1624] : memref<16384x1024xf32, #tpu.memory_space<hbm>> -> memref<16x1024xf32, #tpu.memory_space<hbm>>
    %dma_wait3A_1626 = arith.constant 0 : i32
    %dma_wait3A_1627 = arith.constant 0 : i32
    %dma_wait3A_1628 = tpu.memref_slice %arg6[%dma_wait3A_1614, %dma_wait3A_1626, %dma_wait3A_1627] : memref<7x16x1024xf32, #tpu.memory_space<vmem>> -> memref<1x16x1024xf32, #tpu.memory_space<vmem>>
    %dma_wait3A_1629 = tpu.memref_squeeze %dma_wait3A_1628 : memref<1x16x1024xf32, #tpu.memory_space<vmem>> -> memref<16x1024xf32, #tpu.memory_space<vmem>>
    tpu.wait_dma2 semaphore(%dma_wait3A_1623 : memref<!tpu.dma_semaphore, #tpu.memory_space<semaphore_mem>>) src(%dma_wait3A_1629 : memref<16x1024xf32, #tpu.memory_space<vmem>>) dst(%dma_wait3A_1625 : memref<16x1024xf32, #tpu.memory_space<hbm>>)
    %dma_start3A_1630 = arith.constant 2 : i32
    %dma_start3A_1631 = arith.constant 2 : i32
    %dma_start3A_1632 = arith.constant 0 : i32
    %dma_start3A_1633 = arith.constant 0 : i32
    %dma_start3A_1634 = tpu.memref_slice %arg6[%dma_start3A_1630, %dma_start3A_1632, %dma_start3A_1633] : memref<7x16x1024xf32, #tpu.memory_space<vmem>> -> memref<1x16x1024xf32, #tpu.memory_space<vmem>>
    %dma_start3A_1635 = tpu.memref_squeeze %dma_start3A_1634 : memref<1x16x1024xf32, #tpu.memory_space<vmem>> -> memref<16x1024xf32, #tpu.memory_space<vmem>>
    %dma_start3A_1636 = arith.constant 480 : i32
    %dma_start3A_1637 = tpu.memref_slice %arg5[%dma_start3A_1636] : memref<512xi32, #tpu.memory_space<vmem>> -> memref<16xi32, #tpu.memory_space<vmem>>
    %dma_start3A_1638 = arith.constant 0 : i32
    %dma_start3A_1639 = arith.constant 0 : i32
    %dma_start3A_1640 = tpu.memref_slice %arg2[%dma_start3A_1638, %dma_start3A_1639] : memref<100000x1024xf32, #tpu.memory_space<hbm>> -> memref<100000x1024xf32, #tpu.memory_space<hbm>>
    %dma_start3A_1641 = tpu.memref_slice %arg7[%dma_start3A_1631] : memref<7x!tpu.dma_semaphore, #tpu.memory_space<semaphore_mem>> -> memref<1x!tpu.dma_semaphore, #tpu.memory_space<semaphore_mem>>
    %dma_start3A_1642 = tpu.memref_squeeze %dma_start3A_1641 : memref<1x!tpu.dma_semaphore, #tpu.memory_space<semaphore_mem>> -> memref<!tpu.dma_semaphore, #tpu.memory_space<semaphore_mem>>
    tpu.enqueue_indirect_dma source(%dma_start3A_1640 : memref<100000x1024xf32, #tpu.memory_space<hbm>>) target(%dma_start3A_1635 : memref<16x1024xf32, #tpu.memory_space<vmem>>) offsets(%dma_start3A_1637 : memref<16xi32, #tpu.memory_space<vmem>>) semaphore(%dma_start3A_1642 : memref<!tpu.dma_semaphore, #tpu.memory_space<semaphore_mem>>)
    %dma_wait3A_1643 = arith.constant 4 : i32
    %dma_wait3A_1644 = arith.constant 4 : i32
    %dma_wait3A_1645 = arith.constant 0 : i32
    %dma_wait3A_1646 = arith.constant 0 : i32
    %dma_wait3A_1647 = tpu.memref_slice %arg6[%dma_wait3A_1643, %dma_wait3A_1645, %dma_wait3A_1646] : memref<7x16x1024xf32, #tpu.memory_space<vmem>> -> memref<1x16x1024xf32, #tpu.memory_space<vmem>>
    %dma_wait3A_1648 = tpu.memref_squeeze %dma_wait3A_1647 : memref<1x16x1024xf32, #tpu.memory_space<vmem>> -> memref<16x1024xf32, #tpu.memory_space<vmem>>
    %dma_wait3A_1649 = arith.constant 400 : i32
    %dma_wait3A_1650 = tpu.memref_slice %arg5[%dma_wait3A_1649] : memref<512xi32, #tpu.memory_space<vmem>> -> memref<16xi32, #tpu.memory_space<vmem>>
    %dma_wait3A_1651 = arith.constant 0 : i32
    %dma_wait3A_1652 = arith.constant 0 : i32
    %dma_wait3A_1653 = tpu.memref_slice %arg2[%dma_wait3A_1651, %dma_wait3A_1652] : memref<100000x1024xf32, #tpu.memory_space<hbm>> -> memref<100000x1024xf32, #tpu.memory_space<hbm>>
    %dma_wait3A_1654 = tpu.memref_slice %arg7[%dma_wait3A_1644] : memref<7x!tpu.dma_semaphore, #tpu.memory_space<semaphore_mem>> -> memref<1x!tpu.dma_semaphore, #tpu.memory_space<semaphore_mem>>
    %dma_wait3A_1655 = tpu.memref_squeeze %dma_wait3A_1654 : memref<1x!tpu.dma_semaphore, #tpu.memory_space<semaphore_mem>> -> memref<!tpu.dma_semaphore, #tpu.memory_space<semaphore_mem>>
    tpu.wait_indirect_dma semaphore(%dma_wait3A_1655 : memref<!tpu.dma_semaphore, #tpu.memory_space<semaphore_mem>>) src(%dma_wait3A_1653 : memref<100000x1024xf32, #tpu.memory_space<hbm>>) dst(%dma_wait3A_1648 : memref<16x1024xf32, #tpu.memory_space<vmem>>)
    %add3A_1656 = arith.constant 400 : i32
    %add3A_1657 = arith.addi %mul3A_2, %add3A_1656 : i32
    %dma_start3A_1658 = arith.constant 4 : i32
    %dma_start3A_1659 = arith.constant 4 : i32
    %dma_start3A_1660 = arith.constant 0 : i32
    %dma_start3A_1661 = arith.constant 0 : i32
    %dma_start3A_1662 = tpu.memref_slice %arg6[%dma_start3A_1658, %dma_start3A_1660, %dma_start3A_1661] : memref<7x16x1024xf32, #tpu.memory_space<vmem>> -> memref<1x16x1024xf32, #tpu.memory_space<vmem>>
    %dma_start3A_1663 = tpu.memref_squeeze %dma_start3A_1662 : memref<1x16x1024xf32, #tpu.memory_space<vmem>> -> memref<16x1024xf32, #tpu.memory_space<vmem>>
    %dma_start3A_1664 = arith.constant 0 : i32
    %dma_start3A_1665 = tpu.memref_slice %arg4[%add3A_1657, %dma_start3A_1664] : memref<16384x1024xf32, #tpu.memory_space<hbm>> -> memref<16x1024xf32, #tpu.memory_space<hbm>>
    %dma_start3A_1666 = tpu.memref_slice %arg8[%dma_start3A_1659] : memref<7x!tpu.dma_semaphore, #tpu.memory_space<semaphore_mem>> -> memref<1x!tpu.dma_semaphore, #tpu.memory_space<semaphore_mem>>
    %dma_start3A_1667 = tpu.memref_squeeze %dma_start3A_1666 : memref<1x!tpu.dma_semaphore, #tpu.memory_space<semaphore_mem>> -> memref<!tpu.dma_semaphore, #tpu.memory_space<semaphore_mem>>
    %dma_start3A_1668 = arith.constant 0 : i32
    %dma_start3A_1669 = tpu.memref_slice %arg4[%add3A_1657, %dma_start3A_1668] : memref<16384x1024xf32, #tpu.memory_space<hbm>> -> memref<16x1024xf32, #tpu.memory_space<hbm>>
    %dma_start3A_1670 = arith.constant 0 : i32
    %dma_start3A_1671 = arith.constant 0 : i32
    %dma_start3A_1672 = tpu.memref_slice %arg6[%dma_start3A_1658, %dma_start3A_1670, %dma_start3A_1671] : memref<7x16x1024xf32, #tpu.memory_space<vmem>> -> memref<1x16x1024xf32, #tpu.memory_space<vmem>>
    %dma_start3A_1673 = tpu.memref_squeeze %dma_start3A_1672 : memref<1x16x1024xf32, #tpu.memory_space<vmem>> -> memref<16x1024xf32, #tpu.memory_space<vmem>>
    tpu.enqueue_dma source(%dma_start3A_1673 : memref<16x1024xf32, #tpu.memory_space<vmem>>) target(%dma_start3A_1669 : memref<16x1024xf32, #tpu.memory_space<hbm>>) target_semaphore(%dma_start3A_1667 : memref<!tpu.dma_semaphore, #tpu.memory_space<semaphore_mem>>)
    %add3A_1674 = arith.constant 384 : i32
    %add3A_1675 = arith.addi %mul3A_2, %add3A_1674 : i32
    %dma_wait3A_1676 = arith.constant 3 : i32
    %dma_wait3A_1677 = arith.constant 3 : i32
    %dma_wait3A_1678 = arith.constant 0 : i32
    %dma_wait3A_1679 = arith.constant 0 : i32
    %dma_wait3A_1680 = tpu.memref_slice %arg6[%dma_wait3A_1676, %dma_wait3A_1678, %dma_wait3A_1679] : memref<7x16x1024xf32, #tpu.memory_space<vmem>> -> memref<1x16x1024xf32, #tpu.memory_space<vmem>>
    %dma_wait3A_1681 = tpu.memref_squeeze %dma_wait3A_1680 : memref<1x16x1024xf32, #tpu.memory_space<vmem>> -> memref<16x1024xf32, #tpu.memory_space<vmem>>
    %dma_wait3A_1682 = arith.constant 0 : i32
    %dma_wait3A_1683 = tpu.memref_slice %arg4[%add3A_1675, %dma_wait3A_1682] : memref<16384x1024xf32, #tpu.memory_space<hbm>> -> memref<16x1024xf32, #tpu.memory_space<hbm>>
    %dma_wait3A_1684 = tpu.memref_slice %arg8[%dma_wait3A_1677] : memref<7x!tpu.dma_semaphore, #tpu.memory_space<semaphore_mem>> -> memref<1x!tpu.dma_semaphore, #tpu.memory_space<semaphore_mem>>
    %dma_wait3A_1685 = tpu.memref_squeeze %dma_wait3A_1684 : memref<1x!tpu.dma_semaphore, #tpu.memory_space<semaphore_mem>> -> memref<!tpu.dma_semaphore, #tpu.memory_space<semaphore_mem>>
    %dma_wait3A_1686 = arith.constant 0 : i32
    %dma_wait3A_1687 = tpu.memref_slice %arg4[%add3A_1675, %dma_wait3A_1686] : memref<16384x1024xf32, #tpu.memory_space<hbm>> -> memref<16x1024xf32, #tpu.memory_space<hbm>>
    %dma_wait3A_1688 = arith.constant 0 : i32
    %dma_wait3A_1689 = arith.constant 0 : i32
    %dma_wait3A_1690 = tpu.memref_slice %arg6[%dma_wait3A_1676, %dma_wait3A_1688, %dma_wait3A_1689] : memref<7x16x1024xf32, #tpu.memory_space<vmem>> -> memref<1x16x1024xf32, #tpu.memory_space<vmem>>
    %dma_wait3A_1691 = tpu.memref_squeeze %dma_wait3A_1690 : memref<1x16x1024xf32, #tpu.memory_space<vmem>> -> memref<16x1024xf32, #tpu.memory_space<vmem>>
    tpu.wait_dma2 semaphore(%dma_wait3A_1685 : memref<!tpu.dma_semaphore, #tpu.memory_space<semaphore_mem>>) src(%dma_wait3A_1691 : memref<16x1024xf32, #tpu.memory_space<vmem>>) dst(%dma_wait3A_1687 : memref<16x1024xf32, #tpu.memory_space<hbm>>)
    %dma_start3A_1692 = arith.constant 3 : i32
    %dma_start3A_1693 = arith.constant 3 : i32
    %dma_start3A_1694 = arith.constant 0 : i32
    %dma_start3A_1695 = arith.constant 0 : i32
    %dma_start3A_1696 = tpu.memref_slice %arg6[%dma_start3A_1692, %dma_start3A_1694, %dma_start3A_1695] : memref<7x16x1024xf32, #tpu.memory_space<vmem>> -> memref<1x16x1024xf32, #tpu.memory_space<vmem>>
    %dma_start3A_1697 = tpu.memref_squeeze %dma_start3A_1696 : memref<1x16x1024xf32, #tpu.memory_space<vmem>> -> memref<16x1024xf32, #tpu.memory_space<vmem>>
    %dma_start3A_1698 = arith.constant 496 : i32
    %dma_start3A_1699 = tpu.memref_slice %arg5[%dma_start3A_1698] : memref<512xi32, #tpu.memory_space<vmem>> -> memref<16xi32, #tpu.memory_space<vmem>>
    %dma_start3A_1700 = arith.constant 0 : i32
    %dma_start3A_1701 = arith.constant 0 : i32
    %dma_start3A_1702 = tpu.memref_slice %arg2[%dma_start3A_1700, %dma_start3A_1701] : memref<100000x1024xf32, #tpu.memory_space<hbm>> -> memref<100000x1024xf32, #tpu.memory_space<hbm>>
    %dma_start3A_1703 = tpu.memref_slice %arg7[%dma_start3A_1693] : memref<7x!tpu.dma_semaphore, #tpu.memory_space<semaphore_mem>> -> memref<1x!tpu.dma_semaphore, #tpu.memory_space<semaphore_mem>>
    %dma_start3A_1704 = tpu.memref_squeeze %dma_start3A_1703 : memref<1x!tpu.dma_semaphore, #tpu.memory_space<semaphore_mem>> -> memref<!tpu.dma_semaphore, #tpu.memory_space<semaphore_mem>>
    tpu.enqueue_indirect_dma source(%dma_start3A_1702 : memref<100000x1024xf32, #tpu.memory_space<hbm>>) target(%dma_start3A_1697 : memref<16x1024xf32, #tpu.memory_space<vmem>>) offsets(%dma_start3A_1699 : memref<16xi32, #tpu.memory_space<vmem>>) semaphore(%dma_start3A_1704 : memref<!tpu.dma_semaphore, #tpu.memory_space<semaphore_mem>>)
    %dma_wait3A_1705 = arith.constant 5 : i32
    %dma_wait3A_1706 = arith.constant 5 : i32
    %dma_wait3A_1707 = arith.constant 0 : i32
    %dma_wait3A_1708 = arith.constant 0 : i32
    %dma_wait3A_1709 = tpu.memref_slice %arg6[%dma_wait3A_1705, %dma_wait3A_1707, %dma_wait3A_1708] : memref<7x16x1024xf32, #tpu.memory_space<vmem>> -> memref<1x16x1024xf32, #tpu.memory_space<vmem>>
    %dma_wait3A_1710 = tpu.memref_squeeze %dma_wait3A_1709 : memref<1x16x1024xf32, #tpu.memory_space<vmem>> -> memref<16x1024xf32, #tpu.memory_space<vmem>>
    %dma_wait3A_1711 = arith.constant 416 : i32
    %dma_wait3A_1712 = tpu.memref_slice %arg5[%dma_wait3A_1711] : memref<512xi32, #tpu.memory_space<vmem>> -> memref<16xi32, #tpu.memory_space<vmem>>
    %dma_wait3A_1713 = arith.constant 0 : i32
    %dma_wait3A_1714 = arith.constant 0 : i32
    %dma_wait3A_1715 = tpu.memref_slice %arg2[%dma_wait3A_1713, %dma_wait3A_1714] : memref<100000x1024xf32, #tpu.memory_space<hbm>> -> memref<100000x1024xf32, #tpu.memory_space<hbm>>
    %dma_wait3A_1716 = tpu.memref_slice %arg7[%dma_wait3A_1706] : memref<7x!tpu.dma_semaphore, #tpu.memory_space<semaphore_mem>> -> memref<1x!tpu.dma_semaphore, #tpu.memory_space<semaphore_mem>>
    %dma_wait3A_1717 = tpu.memref_squeeze %dma_wait3A_1716 : memref<1x!tpu.dma_semaphore, #tpu.memory_space<semaphore_mem>> -> memref<!tpu.dma_semaphore, #tpu.memory_space<semaphore_mem>>
    tpu.wait_indirect_dma semaphore(%dma_wait3A_1717 : memref<!tpu.dma_semaphore, #tpu.memory_space<semaphore_mem>>) src(%dma_wait3A_1715 : memref<100000x1024xf32, #tpu.memory_space<hbm>>) dst(%dma_wait3A_1710 : memref<16x1024xf32, #tpu.memory_space<vmem>>)
    %add3A_1718 = arith.constant 416 : i32
    %add3A_1719 = arith.addi %mul3A_2, %add3A_1718 : i32
    %dma_start3A_1720 = arith.constant 5 : i32
    %dma_start3A_1721 = arith.constant 5 : i32
    %dma_start3A_1722 = arith.constant 0 : i32
    %dma_start3A_1723 = arith.constant 0 : i32
    %dma_start3A_1724 = tpu.memref_slice %arg6[%dma_start3A_1720, %dma_start3A_1722, %dma_start3A_1723] : memref<7x16x1024xf32, #tpu.memory_space<vmem>> -> memref<1x16x1024xf32, #tpu.memory_space<vmem>>
    %dma_start3A_1725 = tpu.memref_squeeze %dma_start3A_1724 : memref<1x16x1024xf32, #tpu.memory_space<vmem>> -> memref<16x1024xf32, #tpu.memory_space<vmem>>
    %dma_start3A_1726 = arith.constant 0 : i32
    %dma_start3A_1727 = tpu.memref_slice %arg4[%add3A_1719, %dma_start3A_1726] : memref<16384x1024xf32, #tpu.memory_space<hbm>> -> memref<16x1024xf32, #tpu.memory_space<hbm>>
    %dma_start3A_1728 = tpu.memref_slice %arg8[%dma_start3A_1721] : memref<7x!tpu.dma_semaphore, #tpu.memory_space<semaphore_mem>> -> memref<1x!tpu.dma_semaphore, #tpu.memory_space<semaphore_mem>>
    %dma_start3A_1729 = tpu.memref_squeeze %dma_start3A_1728 : memref<1x!tpu.dma_semaphore, #tpu.memory_space<semaphore_mem>> -> memref<!tpu.dma_semaphore, #tpu.memory_space<semaphore_mem>>
    %dma_start3A_1730 = arith.constant 0 : i32
    %dma_start3A_1731 = tpu.memref_slice %arg4[%add3A_1719, %dma_start3A_1730] : memref<16384x1024xf32, #tpu.memory_space<hbm>> -> memref<16x1024xf32, #tpu.memory_space<hbm>>
    %dma_start3A_1732 = arith.constant 0 : i32
    %dma_start3A_1733 = arith.constant 0 : i32
    %dma_start3A_1734 = tpu.memref_slice %arg6[%dma_start3A_1720, %dma_start3A_1732, %dma_start3A_1733] : memref<7x16x1024xf32, #tpu.memory_space<vmem>> -> memref<1x16x1024xf32, #tpu.memory_space<vmem>>
    %dma_start3A_1735 = tpu.memref_squeeze %dma_start3A_1734 : memref<1x16x1024xf32, #tpu.memory_space<vmem>> -> memref<16x1024xf32, #tpu.memory_space<vmem>>
    tpu.enqueue_dma source(%dma_start3A_1735 : memref<16x1024xf32, #tpu.memory_space<vmem>>) target(%dma_start3A_1731 : memref<16x1024xf32, #tpu.memory_space<hbm>>) target_semaphore(%dma_start3A_1729 : memref<!tpu.dma_semaphore, #tpu.memory_space<semaphore_mem>>)
    %dma_wait3A_1736 = arith.constant 6 : i32
    %dma_wait3A_1737 = arith.constant 6 : i32
    %dma_wait3A_1738 = arith.constant 0 : i32
    %dma_wait3A_1739 = arith.constant 0 : i32
    %dma_wait3A_1740 = tpu.memref_slice %arg6[%dma_wait3A_1736, %dma_wait3A_1738, %dma_wait3A_1739] : memref<7x16x1024xf32, #tpu.memory_space<vmem>> -> memref<1x16x1024xf32, #tpu.memory_space<vmem>>
    %dma_wait3A_1741 = tpu.memref_squeeze %dma_wait3A_1740 : memref<1x16x1024xf32, #tpu.memory_space<vmem>> -> memref<16x1024xf32, #tpu.memory_space<vmem>>
    %dma_wait3A_1742 = arith.constant 432 : i32
    %dma_wait3A_1743 = tpu.memref_slice %arg5[%dma_wait3A_1742] : memref<512xi32, #tpu.memory_space<vmem>> -> memref<16xi32, #tpu.memory_space<vmem>>
    %dma_wait3A_1744 = arith.constant 0 : i32
    %dma_wait3A_1745 = arith.constant 0 : i32
    %dma_wait3A_1746 = tpu.memref_slice %arg2[%dma_wait3A_1744, %dma_wait3A_1745] : memref<100000x1024xf32, #tpu.memory_space<hbm>> -> memref<100000x1024xf32, #tpu.memory_space<hbm>>
    %dma_wait3A_1747 = tpu.memref_slice %arg7[%dma_wait3A_1737] : memref<7x!tpu.dma_semaphore, #tpu.memory_space<semaphore_mem>> -> memref<1x!tpu.dma_semaphore, #tpu.memory_space<semaphore_mem>>
    %dma_wait3A_1748 = tpu.memref_squeeze %dma_wait3A_1747 : memref<1x!tpu.dma_semaphore, #tpu.memory_space<semaphore_mem>> -> memref<!tpu.dma_semaphore, #tpu.memory_space<semaphore_mem>>
    tpu.wait_indirect_dma semaphore(%dma_wait3A_1748 : memref<!tpu.dma_semaphore, #tpu.memory_space<semaphore_mem>>) src(%dma_wait3A_1746 : memref<100000x1024xf32, #tpu.memory_space<hbm>>) dst(%dma_wait3A_1741 : memref<16x1024xf32, #tpu.memory_space<vmem>>)
    %add3A_1749 = arith.constant 432 : i32
    %add3A_1750 = arith.addi %mul3A_2, %add3A_1749 : i32
    %dma_start3A_1751 = arith.constant 6 : i32
    %dma_start3A_1752 = arith.constant 6 : i32
    %dma_start3A_1753 = arith.constant 0 : i32
    %dma_start3A_1754 = arith.constant 0 : i32
    %dma_start3A_1755 = tpu.memref_slice %arg6[%dma_start3A_1751, %dma_start3A_1753, %dma_start3A_1754] : memref<7x16x1024xf32, #tpu.memory_space<vmem>> -> memref<1x16x1024xf32, #tpu.memory_space<vmem>>
    %dma_start3A_1756 = tpu.memref_squeeze %dma_start3A_1755 : memref<1x16x1024xf32, #tpu.memory_space<vmem>> -> memref<16x1024xf32, #tpu.memory_space<vmem>>
    %dma_start3A_1757 = arith.constant 0 : i32
    %dma_start3A_1758 = tpu.memref_slice %arg4[%add3A_1750, %dma_start3A_1757] : memref<16384x1024xf32, #tpu.memory_space<hbm>> -> memref<16x1024xf32, #tpu.memory_space<hbm>>
    %dma_start3A_1759 = tpu.memref_slice %arg8[%dma_start3A_1752] : memref<7x!tpu.dma_semaphore, #tpu.memory_space<semaphore_mem>> -> memref<1x!tpu.dma_semaphore, #tpu.memory_space<semaphore_mem>>
    %dma_start3A_1760 = tpu.memref_squeeze %dma_start3A_1759 : memref<1x!tpu.dma_semaphore, #tpu.memory_space<semaphore_mem>> -> memref<!tpu.dma_semaphore, #tpu.memory_space<semaphore_mem>>
    %dma_start3A_1761 = arith.constant 0 : i32
    %dma_start3A_1762 = tpu.memref_slice %arg4[%add3A_1750, %dma_start3A_1761] : memref<16384x1024xf32, #tpu.memory_space<hbm>> -> memref<16x1024xf32, #tpu.memory_space<hbm>>
    %dma_start3A_1763 = arith.constant 0 : i32
    %dma_start3A_1764 = arith.constant 0 : i32
    %dma_start3A_1765 = tpu.memref_slice %arg6[%dma_start3A_1751, %dma_start3A_1763, %dma_start3A_1764] : memref<7x16x1024xf32, #tpu.memory_space<vmem>> -> memref<1x16x1024xf32, #tpu.memory_space<vmem>>
    %dma_start3A_1766 = tpu.memref_squeeze %dma_start3A_1765 : memref<1x16x1024xf32, #tpu.memory_space<vmem>> -> memref<16x1024xf32, #tpu.memory_space<vmem>>
    tpu.enqueue_dma source(%dma_start3A_1766 : memref<16x1024xf32, #tpu.memory_space<vmem>>) target(%dma_start3A_1762 : memref<16x1024xf32, #tpu.memory_space<hbm>>) target_semaphore(%dma_start3A_1760 : memref<!tpu.dma_semaphore, #tpu.memory_space<semaphore_mem>>)
    %dma_wait3A_1767 = arith.constant 0 : i32
    %dma_wait3A_1768 = arith.constant 0 : i32
    %dma_wait3A_1769 = arith.constant 0 : i32
    %dma_wait3A_1770 = arith.constant 0 : i32
    %dma_wait3A_1771 = tpu.memref_slice %arg6[%dma_wait3A_1767, %dma_wait3A_1769, %dma_wait3A_1770] : memref<7x16x1024xf32, #tpu.memory_space<vmem>> -> memref<1x16x1024xf32, #tpu.memory_space<vmem>>
    %dma_wait3A_1772 = tpu.memref_squeeze %dma_wait3A_1771 : memref<1x16x1024xf32, #tpu.memory_space<vmem>> -> memref<16x1024xf32, #tpu.memory_space<vmem>>
    %dma_wait3A_1773 = arith.constant 448 : i32
    %dma_wait3A_1774 = tpu.memref_slice %arg5[%dma_wait3A_1773] : memref<512xi32, #tpu.memory_space<vmem>> -> memref<16xi32, #tpu.memory_space<vmem>>
    %dma_wait3A_1775 = arith.constant 0 : i32
    %dma_wait3A_1776 = arith.constant 0 : i32
    %dma_wait3A_1777 = tpu.memref_slice %arg2[%dma_wait3A_1775, %dma_wait3A_1776] : memref<100000x1024xf32, #tpu.memory_space<hbm>> -> memref<100000x1024xf32, #tpu.memory_space<hbm>>
    %dma_wait3A_1778 = tpu.memref_slice %arg7[%dma_wait3A_1768] : memref<7x!tpu.dma_semaphore, #tpu.memory_space<semaphore_mem>> -> memref<1x!tpu.dma_semaphore, #tpu.memory_space<semaphore_mem>>
    %dma_wait3A_1779 = tpu.memref_squeeze %dma_wait3A_1778 : memref<1x!tpu.dma_semaphore, #tpu.memory_space<semaphore_mem>> -> memref<!tpu.dma_semaphore, #tpu.memory_space<semaphore_mem>>
    tpu.wait_indirect_dma semaphore(%dma_wait3A_1779 : memref<!tpu.dma_semaphore, #tpu.memory_space<semaphore_mem>>) src(%dma_wait3A_1777 : memref<100000x1024xf32, #tpu.memory_space<hbm>>) dst(%dma_wait3A_1772 : memref<16x1024xf32, #tpu.memory_space<vmem>>)
    %add3A_1780 = arith.constant 448 : i32
    %add3A_1781 = arith.addi %mul3A_2, %add3A_1780 : i32
    %dma_start3A_1782 = arith.constant 0 : i32
    %dma_start3A_1783 = arith.constant 0 : i32
    %dma_start3A_1784 = arith.constant 0 : i32
    %dma_start3A_1785 = arith.constant 0 : i32
    %dma_start3A_1786 = tpu.memref_slice %arg6[%dma_start3A_1782, %dma_start3A_1784, %dma_start3A_1785] : memref<7x16x1024xf32, #tpu.memory_space<vmem>> -> memref<1x16x1024xf32, #tpu.memory_space<vmem>>
    %dma_start3A_1787 = tpu.memref_squeeze %dma_start3A_1786 : memref<1x16x1024xf32, #tpu.memory_space<vmem>> -> memref<16x1024xf32, #tpu.memory_space<vmem>>
    %dma_start3A_1788 = arith.constant 0 : i32
    %dma_start3A_1789 = tpu.memref_slice %arg4[%add3A_1781, %dma_start3A_1788] : memref<16384x1024xf32, #tpu.memory_space<hbm>> -> memref<16x1024xf32, #tpu.memory_space<hbm>>
    %dma_start3A_1790 = tpu.memref_slice %arg8[%dma_start3A_1783] : memref<7x!tpu.dma_semaphore, #tpu.memory_space<semaphore_mem>> -> memref<1x!tpu.dma_semaphore, #tpu.memory_space<semaphore_mem>>
    %dma_start3A_1791 = tpu.memref_squeeze %dma_start3A_1790 : memref<1x!tpu.dma_semaphore, #tpu.memory_space<semaphore_mem>> -> memref<!tpu.dma_semaphore, #tpu.memory_space<semaphore_mem>>
    %dma_start3A_1792 = arith.constant 0 : i32
    %dma_start3A_1793 = tpu.memref_slice %arg4[%add3A_1781, %dma_start3A_1792] : memref<16384x1024xf32, #tpu.memory_space<hbm>> -> memref<16x1024xf32, #tpu.memory_space<hbm>>
    %dma_start3A_1794 = arith.constant 0 : i32
    %dma_start3A_1795 = arith.constant 0 : i32
    %dma_start3A_1796 = tpu.memref_slice %arg6[%dma_start3A_1782, %dma_start3A_1794, %dma_start3A_1795] : memref<7x16x1024xf32, #tpu.memory_space<vmem>> -> memref<1x16x1024xf32, #tpu.memory_space<vmem>>
    %dma_start3A_1797 = tpu.memref_squeeze %dma_start3A_1796 : memref<1x16x1024xf32, #tpu.memory_space<vmem>> -> memref<16x1024xf32, #tpu.memory_space<vmem>>
    tpu.enqueue_dma source(%dma_start3A_1797 : memref<16x1024xf32, #tpu.memory_space<vmem>>) target(%dma_start3A_1793 : memref<16x1024xf32, #tpu.memory_space<hbm>>) target_semaphore(%dma_start3A_1791 : memref<!tpu.dma_semaphore, #tpu.memory_space<semaphore_mem>>)
    %dma_wait3A_1798 = arith.constant 1 : i32
    %dma_wait3A_1799 = arith.constant 1 : i32
    %dma_wait3A_1800 = arith.constant 0 : i32
    %dma_wait3A_1801 = arith.constant 0 : i32
    %dma_wait3A_1802 = tpu.memref_slice %arg6[%dma_wait3A_1798, %dma_wait3A_1800, %dma_wait3A_1801] : memref<7x16x1024xf32, #tpu.memory_space<vmem>> -> memref<1x16x1024xf32, #tpu.memory_space<vmem>>
    %dma_wait3A_1803 = tpu.memref_squeeze %dma_wait3A_1802 : memref<1x16x1024xf32, #tpu.memory_space<vmem>> -> memref<16x1024xf32, #tpu.memory_space<vmem>>
    %dma_wait3A_1804 = arith.constant 464 : i32
    %dma_wait3A_1805 = tpu.memref_slice %arg5[%dma_wait3A_1804] : memref<512xi32, #tpu.memory_space<vmem>> -> memref<16xi32, #tpu.memory_space<vmem>>
    %dma_wait3A_1806 = arith.constant 0 : i32
    %dma_wait3A_1807 = arith.constant 0 : i32
    %dma_wait3A_1808 = tpu.memref_slice %arg2[%dma_wait3A_1806, %dma_wait3A_1807] : memref<100000x1024xf32, #tpu.memory_space<hbm>> -> memref<100000x1024xf32, #tpu.memory_space<hbm>>
    %dma_wait3A_1809 = tpu.memref_slice %arg7[%dma_wait3A_1799] : memref<7x!tpu.dma_semaphore, #tpu.memory_space<semaphore_mem>> -> memref<1x!tpu.dma_semaphore, #tpu.memory_space<semaphore_mem>>
    %dma_wait3A_1810 = tpu.memref_squeeze %dma_wait3A_1809 : memref<1x!tpu.dma_semaphore, #tpu.memory_space<semaphore_mem>> -> memref<!tpu.dma_semaphore, #tpu.memory_space<semaphore_mem>>
    tpu.wait_indirect_dma semaphore(%dma_wait3A_1810 : memref<!tpu.dma_semaphore, #tpu.memory_space<semaphore_mem>>) src(%dma_wait3A_1808 : memref<100000x1024xf32, #tpu.memory_space<hbm>>) dst(%dma_wait3A_1803 : memref<16x1024xf32, #tpu.memory_space<vmem>>)
    %add3A_1811 = arith.constant 464 : i32
    %add3A_1812 = arith.addi %mul3A_2, %add3A_1811 : i32
    %dma_start3A_1813 = arith.constant 1 : i32
    %dma_start3A_1814 = arith.constant 1 : i32
    %dma_start3A_1815 = arith.constant 0 : i32
    %dma_start3A_1816 = arith.constant 0 : i32
    %dma_start3A_1817 = tpu.memref_slice %arg6[%dma_start3A_1813, %dma_start3A_1815, %dma_start3A_1816] : memref<7x16x1024xf32, #tpu.memory_space<vmem>> -> memref<1x16x1024xf32, #tpu.memory_space<vmem>>
    %dma_start3A_1818 = tpu.memref_squeeze %dma_start3A_1817 : memref<1x16x1024xf32, #tpu.memory_space<vmem>> -> memref<16x1024xf32, #tpu.memory_space<vmem>>
    %dma_start3A_1819 = arith.constant 0 : i32
    %dma_start3A_1820 = tpu.memref_slice %arg4[%add3A_1812, %dma_start3A_1819] : memref<16384x1024xf32, #tpu.memory_space<hbm>> -> memref<16x1024xf32, #tpu.memory_space<hbm>>
    %dma_start3A_1821 = tpu.memref_slice %arg8[%dma_start3A_1814] : memref<7x!tpu.dma_semaphore, #tpu.memory_space<semaphore_mem>> -> memref<1x!tpu.dma_semaphore, #tpu.memory_space<semaphore_mem>>
    %dma_start3A_1822 = tpu.memref_squeeze %dma_start3A_1821 : memref<1x!tpu.dma_semaphore, #tpu.memory_space<semaphore_mem>> -> memref<!tpu.dma_semaphore, #tpu.memory_space<semaphore_mem>>
    %dma_start3A_1823 = arith.constant 0 : i32
    %dma_start3A_1824 = tpu.memref_slice %arg4[%add3A_1812, %dma_start3A_1823] : memref<16384x1024xf32, #tpu.memory_space<hbm>> -> memref<16x1024xf32, #tpu.memory_space<hbm>>
    %dma_start3A_1825 = arith.constant 0 : i32
    %dma_start3A_1826 = arith.constant 0 : i32
    %dma_start3A_1827 = tpu.memref_slice %arg6[%dma_start3A_1813, %dma_start3A_1825, %dma_start3A_1826] : memref<7x16x1024xf32, #tpu.memory_space<vmem>> -> memref<1x16x1024xf32, #tpu.memory_space<vmem>>
    %dma_start3A_1828 = tpu.memref_squeeze %dma_start3A_1827 : memref<1x16x1024xf32, #tpu.memory_space<vmem>> -> memref<16x1024xf32, #tpu.memory_space<vmem>>
    tpu.enqueue_dma source(%dma_start3A_1828 : memref<16x1024xf32, #tpu.memory_space<vmem>>) target(%dma_start3A_1824 : memref<16x1024xf32, #tpu.memory_space<hbm>>) target_semaphore(%dma_start3A_1822 : memref<!tpu.dma_semaphore, #tpu.memory_space<semaphore_mem>>)
    %dma_wait3A_1829 = arith.constant 2 : i32
    %dma_wait3A_1830 = arith.constant 2 : i32
    %dma_wait3A_1831 = arith.constant 0 : i32
    %dma_wait3A_1832 = arith.constant 0 : i32
    %dma_wait3A_1833 = tpu.memref_slice %arg6[%dma_wait3A_1829, %dma_wait3A_1831, %dma_wait3A_1832] : memref<7x16x1024xf32, #tpu.memory_space<vmem>> -> memref<1x16x1024xf32, #tpu.memory_space<vmem>>
    %dma_wait3A_1834 = tpu.memref_squeeze %dma_wait3A_1833 : memref<1x16x1024xf32, #tpu.memory_space<vmem>> -> memref<16x1024xf32, #tpu.memory_space<vmem>>
    %dma_wait3A_1835 = arith.constant 480 : i32
    %dma_wait3A_1836 = tpu.memref_slice %arg5[%dma_wait3A_1835] : memref<512xi32, #tpu.memory_space<vmem>> -> memref<16xi32, #tpu.memory_space<vmem>>
    %dma_wait3A_1837 = arith.constant 0 : i32
    %dma_wait3A_1838 = arith.constant 0 : i32
    %dma_wait3A_1839 = tpu.memref_slice %arg2[%dma_wait3A_1837, %dma_wait3A_1838] : memref<100000x1024xf32, #tpu.memory_space<hbm>> -> memref<100000x1024xf32, #tpu.memory_space<hbm>>
    %dma_wait3A_1840 = tpu.memref_slice %arg7[%dma_wait3A_1830] : memref<7x!tpu.dma_semaphore, #tpu.memory_space<semaphore_mem>> -> memref<1x!tpu.dma_semaphore, #tpu.memory_space<semaphore_mem>>
    %dma_wait3A_1841 = tpu.memref_squeeze %dma_wait3A_1840 : memref<1x!tpu.dma_semaphore, #tpu.memory_space<semaphore_mem>> -> memref<!tpu.dma_semaphore, #tpu.memory_space<semaphore_mem>>
    tpu.wait_indirect_dma semaphore(%dma_wait3A_1841 : memref<!tpu.dma_semaphore, #tpu.memory_space<semaphore_mem>>) src(%dma_wait3A_1839 : memref<100000x1024xf32, #tpu.memory_space<hbm>>) dst(%dma_wait3A_1834 : memref<16x1024xf32, #tpu.memory_space<vmem>>)
    %add3A_1842 = arith.constant 480 : i32
    %add3A_1843 = arith.addi %mul3A_2, %add3A_1842 : i32
    %dma_start3A_1844 = arith.constant 2 : i32
    %dma_start3A_1845 = arith.constant 2 : i32
    %dma_start3A_1846 = arith.constant 0 : i32
    %dma_start3A_1847 = arith.constant 0 : i32
    %dma_start3A_1848 = tpu.memref_slice %arg6[%dma_start3A_1844, %dma_start3A_1846, %dma_start3A_1847] : memref<7x16x1024xf32, #tpu.memory_space<vmem>> -> memref<1x16x1024xf32, #tpu.memory_space<vmem>>
    %dma_start3A_1849 = tpu.memref_squeeze %dma_start3A_1848 : memref<1x16x1024xf32, #tpu.memory_space<vmem>> -> memref<16x1024xf32, #tpu.memory_space<vmem>>
    %dma_start3A_1850 = arith.constant 0 : i32
    %dma_start3A_1851 = tpu.memref_slice %arg4[%add3A_1843, %dma_start3A_1850] : memref<16384x1024xf32, #tpu.memory_space<hbm>> -> memref<16x1024xf32, #tpu.memory_space<hbm>>
    %dma_start3A_1852 = tpu.memref_slice %arg8[%dma_start3A_1845] : memref<7x!tpu.dma_semaphore, #tpu.memory_space<semaphore_mem>> -> memref<1x!tpu.dma_semaphore, #tpu.memory_space<semaphore_mem>>
    %dma_start3A_1853 = tpu.memref_squeeze %dma_start3A_1852 : memref<1x!tpu.dma_semaphore, #tpu.memory_space<semaphore_mem>> -> memref<!tpu.dma_semaphore, #tpu.memory_space<semaphore_mem>>
    %dma_start3A_1854 = arith.constant 0 : i32
    %dma_start3A_1855 = tpu.memref_slice %arg4[%add3A_1843, %dma_start3A_1854] : memref<16384x1024xf32, #tpu.memory_space<hbm>> -> memref<16x1024xf32, #tpu.memory_space<hbm>>
    %dma_start3A_1856 = arith.constant 0 : i32
    %dma_start3A_1857 = arith.constant 0 : i32
    %dma_start3A_1858 = tpu.memref_slice %arg6[%dma_start3A_1844, %dma_start3A_1856, %dma_start3A_1857] : memref<7x16x1024xf32, #tpu.memory_space<vmem>> -> memref<1x16x1024xf32, #tpu.memory_space<vmem>>
    %dma_start3A_1859 = tpu.memref_squeeze %dma_start3A_1858 : memref<1x16x1024xf32, #tpu.memory_space<vmem>> -> memref<16x1024xf32, #tpu.memory_space<vmem>>
    tpu.enqueue_dma source(%dma_start3A_1859 : memref<16x1024xf32, #tpu.memory_space<vmem>>) target(%dma_start3A_1855 : memref<16x1024xf32, #tpu.memory_space<hbm>>) target_semaphore(%dma_start3A_1853 : memref<!tpu.dma_semaphore, #tpu.memory_space<semaphore_mem>>)
    %dma_wait3A_1860 = arith.constant 3 : i32
    %dma_wait3A_1861 = arith.constant 3 : i32
    %dma_wait3A_1862 = arith.constant 0 : i32
    %dma_wait3A_1863 = arith.constant 0 : i32
    %dma_wait3A_1864 = tpu.memref_slice %arg6[%dma_wait3A_1860, %dma_wait3A_1862, %dma_wait3A_1863] : memref<7x16x1024xf32, #tpu.memory_space<vmem>> -> memref<1x16x1024xf32, #tpu.memory_space<vmem>>
    %dma_wait3A_1865 = tpu.memref_squeeze %dma_wait3A_1864 : memref<1x16x1024xf32, #tpu.memory_space<vmem>> -> memref<16x1024xf32, #tpu.memory_space<vmem>>
    %dma_wait3A_1866 = arith.constant 496 : i32
    %dma_wait3A_1867 = tpu.memref_slice %arg5[%dma_wait3A_1866] : memref<512xi32, #tpu.memory_space<vmem>> -> memref<16xi32, #tpu.memory_space<vmem>>
    %dma_wait3A_1868 = arith.constant 0 : i32
    %dma_wait3A_1869 = arith.constant 0 : i32
    %dma_wait3A_1870 = tpu.memref_slice %arg2[%dma_wait3A_1868, %dma_wait3A_1869] : memref<100000x1024xf32, #tpu.memory_space<hbm>> -> memref<100000x1024xf32, #tpu.memory_space<hbm>>
    %dma_wait3A_1871 = tpu.memref_slice %arg7[%dma_wait3A_1861] : memref<7x!tpu.dma_semaphore, #tpu.memory_space<semaphore_mem>> -> memref<1x!tpu.dma_semaphore, #tpu.memory_space<semaphore_mem>>
    %dma_wait3A_1872 = tpu.memref_squeeze %dma_wait3A_1871 : memref<1x!tpu.dma_semaphore, #tpu.memory_space<semaphore_mem>> -> memref<!tpu.dma_semaphore, #tpu.memory_space<semaphore_mem>>
    tpu.wait_indirect_dma semaphore(%dma_wait3A_1872 : memref<!tpu.dma_semaphore, #tpu.memory_space<semaphore_mem>>) src(%dma_wait3A_1870 : memref<100000x1024xf32, #tpu.memory_space<hbm>>) dst(%dma_wait3A_1865 : memref<16x1024xf32, #tpu.memory_space<vmem>>)
    %add3A_1873 = arith.constant 496 : i32
    %add3A_1874 = arith.addi %mul3A_2, %add3A_1873 : i32
    %dma_start3A_1875 = arith.constant 3 : i32
    %dma_start3A_1876 = arith.constant 3 : i32
    %dma_start3A_1877 = arith.constant 0 : i32
    %dma_start3A_1878 = arith.constant 0 : i32
    %dma_start3A_1879 = tpu.memref_slice %arg6[%dma_start3A_1875, %dma_start3A_1877, %dma_start3A_1878] : memref<7x16x1024xf32, #tpu.memory_space<vmem>> -> memref<1x16x1024xf32, #tpu.memory_space<vmem>>
    %dma_start3A_1880 = tpu.memref_squeeze %dma_start3A_1879 : memref<1x16x1024xf32, #tpu.memory_space<vmem>> -> memref<16x1024xf32, #tpu.memory_space<vmem>>
    %dma_start3A_1881 = arith.constant 0 : i32
    %dma_start3A_1882 = tpu.memref_slice %arg4[%add3A_1874, %dma_start3A_1881] : memref<16384x1024xf32, #tpu.memory_space<hbm>> -> memref<16x1024xf32, #tpu.memory_space<hbm>>
    %dma_start3A_1883 = tpu.memref_slice %arg8[%dma_start3A_1876] : memref<7x!tpu.dma_semaphore, #tpu.memory_space<semaphore_mem>> -> memref<1x!tpu.dma_semaphore, #tpu.memory_space<semaphore_mem>>
    %dma_start3A_1884 = tpu.memref_squeeze %dma_start3A_1883 : memref<1x!tpu.dma_semaphore, #tpu.memory_space<semaphore_mem>> -> memref<!tpu.dma_semaphore, #tpu.memory_space<semaphore_mem>>
    %dma_start3A_1885 = arith.constant 0 : i32
    %dma_start3A_1886 = tpu.memref_slice %arg4[%add3A_1874, %dma_start3A_1885] : memref<16384x1024xf32, #tpu.memory_space<hbm>> -> memref<16x1024xf32, #tpu.memory_space<hbm>>
    %dma_start3A_1887 = arith.constant 0 : i32
    %dma_start3A_1888 = arith.constant 0 : i32
    %dma_start3A_1889 = tpu.memref_slice %arg6[%dma_start3A_1875, %dma_start3A_1887, %dma_start3A_1888] : memref<7x16x1024xf32, #tpu.memory_space<vmem>> -> memref<1x16x1024xf32, #tpu.memory_space<vmem>>
    %dma_start3A_1890 = tpu.memref_squeeze %dma_start3A_1889 : memref<1x16x1024xf32, #tpu.memory_space<vmem>> -> memref<16x1024xf32, #tpu.memory_space<vmem>>
    tpu.enqueue_dma source(%dma_start3A_1890 : memref<16x1024xf32, #tpu.memory_space<vmem>>) target(%dma_start3A_1886 : memref<16x1024xf32, #tpu.memory_space<hbm>>) target_semaphore(%dma_start3A_1884 : memref<!tpu.dma_semaphore, #tpu.memory_space<semaphore_mem>>)
    %add3A_1891 = arith.constant 400 : i32
    %add3A_1892 = arith.addi %mul3A_2, %add3A_1891 : i32
    %dma_wait3A_1893 = arith.constant 4 : i32
    %dma_wait3A_1894 = arith.constant 4 : i32
    %dma_wait3A_1895 = arith.constant 0 : i32
    %dma_wait3A_1896 = arith.constant 0 : i32
    %dma_wait3A_1897 = tpu.memref_slice %arg6[%dma_wait3A_1893, %dma_wait3A_1895, %dma_wait3A_1896] : memref<7x16x1024xf32, #tpu.memory_space<vmem>> -> memref<1x16x1024xf32, #tpu.memory_space<vmem>>
    %dma_wait3A_1898 = tpu.memref_squeeze %dma_wait3A_1897 : memref<1x16x1024xf32, #tpu.memory_space<vmem>> -> memref<16x1024xf32, #tpu.memory_space<vmem>>
    %dma_wait3A_1899 = arith.constant 0 : i32
    %dma_wait3A_1900 = tpu.memref_slice %arg4[%add3A_1892, %dma_wait3A_1899] : memref<16384x1024xf32, #tpu.memory_space<hbm>> -> memref<16x1024xf32, #tpu.memory_space<hbm>>
    %dma_wait3A_1901 = tpu.memref_slice %arg8[%dma_wait3A_1894] : memref<7x!tpu.dma_semaphore, #tpu.memory_space<semaphore_mem>> -> memref<1x!tpu.dma_semaphore, #tpu.memory_space<semaphore_mem>>
    %dma_wait3A_1902 = tpu.memref_squeeze %dma_wait3A_1901 : memref<1x!tpu.dma_semaphore, #tpu.memory_space<semaphore_mem>> -> memref<!tpu.dma_semaphore, #tpu.memory_space<semaphore_mem>>
    %dma_wait3A_1903 = arith.constant 0 : i32
    %dma_wait3A_1904 = tpu.memref_slice %arg4[%add3A_1892, %dma_wait3A_1903] : memref<16384x1024xf32, #tpu.memory_space<hbm>> -> memref<16x1024xf32, #tpu.memory_space<hbm>>
    %dma_wait3A_1905 = arith.constant 0 : i32
    %dma_wait3A_1906 = arith.constant 0 : i32
    %dma_wait3A_1907 = tpu.memref_slice %arg6[%dma_wait3A_1893, %dma_wait3A_1905, %dma_wait3A_1906] : memref<7x16x1024xf32, #tpu.memory_space<vmem>> -> memref<1x16x1024xf32, #tpu.memory_space<vmem>>
    %dma_wait3A_1908 = tpu.memref_squeeze %dma_wait3A_1907 : memref<1x16x1024xf32, #tpu.memory_space<vmem>> -> memref<16x1024xf32, #tpu.memory_space<vmem>>
    tpu.wait_dma2 semaphore(%dma_wait3A_1902 : memref<!tpu.dma_semaphore, #tpu.memory_space<semaphore_mem>>) src(%dma_wait3A_1908 : memref<16x1024xf32, #tpu.memory_space<vmem>>) dst(%dma_wait3A_1904 : memref<16x1024xf32, #tpu.memory_space<hbm>>)
    %add3A_1909 = arith.constant 416 : i32
    %add3A_1910 = arith.addi %mul3A_2, %add3A_1909 : i32
    %dma_wait3A_1911 = arith.constant 5 : i32
    %dma_wait3A_1912 = arith.constant 5 : i32
    %dma_wait3A_1913 = arith.constant 0 : i32
    %dma_wait3A_1914 = arith.constant 0 : i32
    %dma_wait3A_1915 = tpu.memref_slice %arg6[%dma_wait3A_1911, %dma_wait3A_1913, %dma_wait3A_1914] : memref<7x16x1024xf32, #tpu.memory_space<vmem>> -> memref<1x16x1024xf32, #tpu.memory_space<vmem>>
    %dma_wait3A_1916 = tpu.memref_squeeze %dma_wait3A_1915 : memref<1x16x1024xf32, #tpu.memory_space<vmem>> -> memref<16x1024xf32, #tpu.memory_space<vmem>>
    %dma_wait3A_1917 = arith.constant 0 : i32
    %dma_wait3A_1918 = tpu.memref_slice %arg4[%add3A_1910, %dma_wait3A_1917] : memref<16384x1024xf32, #tpu.memory_space<hbm>> -> memref<16x1024xf32, #tpu.memory_space<hbm>>
    %dma_wait3A_1919 = tpu.memref_slice %arg8[%dma_wait3A_1912] : memref<7x!tpu.dma_semaphore, #tpu.memory_space<semaphore_mem>> -> memref<1x!tpu.dma_semaphore, #tpu.memory_space<semaphore_mem>>
    %dma_wait3A_1920 = tpu.memref_squeeze %dma_wait3A_1919 : memref<1x!tpu.dma_semaphore, #tpu.memory_space<semaphore_mem>> -> memref<!tpu.dma_semaphore, #tpu.memory_space<semaphore_mem>>
    %dma_wait3A_1921 = arith.constant 0 : i32
    %dma_wait3A_1922 = tpu.memref_slice %arg4[%add3A_1910, %dma_wait3A_1921] : memref<16384x1024xf32, #tpu.memory_space<hbm>> -> memref<16x1024xf32, #tpu.memory_space<hbm>>
    %dma_wait3A_1923 = arith.constant 0 : i32
    %dma_wait3A_1924 = arith.constant 0 : i32
    %dma_wait3A_1925 = tpu.memref_slice %arg6[%dma_wait3A_1911, %dma_wait3A_1923, %dma_wait3A_1924] : memref<7x16x1024xf32, #tpu.memory_space<vmem>> -> memref<1x16x1024xf32, #tpu.memory_space<vmem>>
    %dma_wait3A_1926 = tpu.memref_squeeze %dma_wait3A_1925 : memref<1x16x1024xf32, #tpu.memory_space<vmem>> -> memref<16x1024xf32, #tpu.memory_space<vmem>>
    tpu.wait_dma2 semaphore(%dma_wait3A_1920 : memref<!tpu.dma_semaphore, #tpu.memory_space<semaphore_mem>>) src(%dma_wait3A_1926 : memref<16x1024xf32, #tpu.memory_space<vmem>>) dst(%dma_wait3A_1922 : memref<16x1024xf32, #tpu.memory_space<hbm>>)
    %add3A_1927 = arith.constant 432 : i32
    %add3A_1928 = arith.addi %mul3A_2, %add3A_1927 : i32
    %dma_wait3A_1929 = arith.constant 6 : i32
    %dma_wait3A_1930 = arith.constant 6 : i32
    %dma_wait3A_1931 = arith.constant 0 : i32
    %dma_wait3A_1932 = arith.constant 0 : i32
    %dma_wait3A_1933 = tpu.memref_slice %arg6[%dma_wait3A_1929, %dma_wait3A_1931, %dma_wait3A_1932] : memref<7x16x1024xf32, #tpu.memory_space<vmem>> -> memref<1x16x1024xf32, #tpu.memory_space<vmem>>
    %dma_wait3A_1934 = tpu.memref_squeeze %dma_wait3A_1933 : memref<1x16x1024xf32, #tpu.memory_space<vmem>> -> memref<16x1024xf32, #tpu.memory_space<vmem>>
    %dma_wait3A_1935 = arith.constant 0 : i32
    %dma_wait3A_1936 = tpu.memref_slice %arg4[%add3A_1928, %dma_wait3A_1935] : memref<16384x1024xf32, #tpu.memory_space<hbm>> -> memref<16x1024xf32, #tpu.memory_space<hbm>>
    %dma_wait3A_1937 = tpu.memref_slice %arg8[%dma_wait3A_1930] : memref<7x!tpu.dma_semaphore, #tpu.memory_space<semaphore_mem>> -> memref<1x!tpu.dma_semaphore, #tpu.memory_space<semaphore_mem>>
    %dma_wait3A_1938 = tpu.memref_squeeze %dma_wait3A_1937 : memref<1x!tpu.dma_semaphore, #tpu.memory_space<semaphore_mem>> -> memref<!tpu.dma_semaphore, #tpu.memory_space<semaphore_mem>>
    %dma_wait3A_1939 = arith.constant 0 : i32
    %dma_wait3A_1940 = tpu.memref_slice %arg4[%add3A_1928, %dma_wait3A_1939] : memref<16384x1024xf32, #tpu.memory_space<hbm>> -> memref<16x1024xf32, #tpu.memory_space<hbm>>
    %dma_wait3A_1941 = arith.constant 0 : i32
    %dma_wait3A_1942 = arith.constant 0 : i32
    %dma_wait3A_1943 = tpu.memref_slice %arg6[%dma_wait3A_1929, %dma_wait3A_1941, %dma_wait3A_1942] : memref<7x16x1024xf32, #tpu.memory_space<vmem>> -> memref<1x16x1024xf32, #tpu.memory_space<vmem>>
    %dma_wait3A_1944 = tpu.memref_squeeze %dma_wait3A_1943 : memref<1x16x1024xf32, #tpu.memory_space<vmem>> -> memref<16x1024xf32, #tpu.memory_space<vmem>>
    tpu.wait_dma2 semaphore(%dma_wait3A_1938 : memref<!tpu.dma_semaphore, #tpu.memory_space<semaphore_mem>>) src(%dma_wait3A_1944 : memref<16x1024xf32, #tpu.memory_space<vmem>>) dst(%dma_wait3A_1940 : memref<16x1024xf32, #tpu.memory_space<hbm>>)
    %add3A_1945 = arith.constant 448 : i32
    %add3A_1946 = arith.addi %mul3A_2, %add3A_1945 : i32
    %dma_wait3A_1947 = arith.constant 0 : i32
    %dma_wait3A_1948 = arith.constant 0 : i32
    %dma_wait3A_1949 = arith.constant 0 : i32
    %dma_wait3A_1950 = arith.constant 0 : i32
    %dma_wait3A_1951 = tpu.memref_slice %arg6[%dma_wait3A_1947, %dma_wait3A_1949, %dma_wait3A_1950] : memref<7x16x1024xf32, #tpu.memory_space<vmem>> -> memref<1x16x1024xf32, #tpu.memory_space<vmem>>
    %dma_wait3A_1952 = tpu.memref_squeeze %dma_wait3A_1951 : memref<1x16x1024xf32, #tpu.memory_space<vmem>> -> memref<16x1024xf32, #tpu.memory_space<vmem>>
    %dma_wait3A_1953 = arith.constant 0 : i32
    %dma_wait3A_1954 = tpu.memref_slice %arg4[%add3A_1946, %dma_wait3A_1953] : memref<16384x1024xf32, #tpu.memory_space<hbm>> -> memref<16x1024xf32, #tpu.memory_space<hbm>>
    %dma_wait3A_1955 = tpu.memref_slice %arg8[%dma_wait3A_1948] : memref<7x!tpu.dma_semaphore, #tpu.memory_space<semaphore_mem>> -> memref<1x!tpu.dma_semaphore, #tpu.memory_space<semaphore_mem>>
    %dma_wait3A_1956 = tpu.memref_squeeze %dma_wait3A_1955 : memref<1x!tpu.dma_semaphore, #tpu.memory_space<semaphore_mem>> -> memref<!tpu.dma_semaphore, #tpu.memory_space<semaphore_mem>>
    %dma_wait3A_1957 = arith.constant 0 : i32
    %dma_wait3A_1958 = tpu.memref_slice %arg4[%add3A_1946, %dma_wait3A_1957] : memref<16384x1024xf32, #tpu.memory_space<hbm>> -> memref<16x1024xf32, #tpu.memory_space<hbm>>
    %dma_wait3A_1959 = arith.constant 0 : i32
    %dma_wait3A_1960 = arith.constant 0 : i32
    %dma_wait3A_1961 = tpu.memref_slice %arg6[%dma_wait3A_1947, %dma_wait3A_1959, %dma_wait3A_1960] : memref<7x16x1024xf32, #tpu.memory_space<vmem>> -> memref<1x16x1024xf32, #tpu.memory_space<vmem>>
    %dma_wait3A_1962 = tpu.memref_squeeze %dma_wait3A_1961 : memref<1x16x1024xf32, #tpu.memory_space<vmem>> -> memref<16x1024xf32, #tpu.memory_space<vmem>>
    tpu.wait_dma2 semaphore(%dma_wait3A_1956 : memref<!tpu.dma_semaphore, #tpu.memory_space<semaphore_mem>>) src(%dma_wait3A_1962 : memref<16x1024xf32, #tpu.memory_space<vmem>>) dst(%dma_wait3A_1958 : memref<16x1024xf32, #tpu.memory_space<hbm>>)
    %add3A_1963 = arith.constant 464 : i32
    %add3A_1964 = arith.addi %mul3A_2, %add3A_1963 : i32
    %dma_wait3A_1965 = arith.constant 1 : i32
    %dma_wait3A_1966 = arith.constant 1 : i32
    %dma_wait3A_1967 = arith.constant 0 : i32
    %dma_wait3A_1968 = arith.constant 0 : i32
    %dma_wait3A_1969 = tpu.memref_slice %arg6[%dma_wait3A_1965, %dma_wait3A_1967, %dma_wait3A_1968] : memref<7x16x1024xf32, #tpu.memory_space<vmem>> -> memref<1x16x1024xf32, #tpu.memory_space<vmem>>
    %dma_wait3A_1970 = tpu.memref_squeeze %dma_wait3A_1969 : memref<1x16x1024xf32, #tpu.memory_space<vmem>> -> memref<16x1024xf32, #tpu.memory_space<vmem>>
    %dma_wait3A_1971 = arith.constant 0 : i32
    %dma_wait3A_1972 = tpu.memref_slice %arg4[%add3A_1964, %dma_wait3A_1971] : memref<16384x1024xf32, #tpu.memory_space<hbm>> -> memref<16x1024xf32, #tpu.memory_space<hbm>>
    %dma_wait3A_1973 = tpu.memref_slice %arg8[%dma_wait3A_1966] : memref<7x!tpu.dma_semaphore, #tpu.memory_space<semaphore_mem>> -> memref<1x!tpu.dma_semaphore, #tpu.memory_space<semaphore_mem>>
    %dma_wait3A_1974 = tpu.memref_squeeze %dma_wait3A_1973 : memref<1x!tpu.dma_semaphore, #tpu.memory_space<semaphore_mem>> -> memref<!tpu.dma_semaphore, #tpu.memory_space<semaphore_mem>>
    %dma_wait3A_1975 = arith.constant 0 : i32
    %dma_wait3A_1976 = tpu.memref_slice %arg4[%add3A_1964, %dma_wait3A_1975] : memref<16384x1024xf32, #tpu.memory_space<hbm>> -> memref<16x1024xf32, #tpu.memory_space<hbm>>
    %dma_wait3A_1977 = arith.constant 0 : i32
    %dma_wait3A_1978 = arith.constant 0 : i32
    %dma_wait3A_1979 = tpu.memref_slice %arg6[%dma_wait3A_1965, %dma_wait3A_1977, %dma_wait3A_1978] : memref<7x16x1024xf32, #tpu.memory_space<vmem>> -> memref<1x16x1024xf32, #tpu.memory_space<vmem>>
    %dma_wait3A_1980 = tpu.memref_squeeze %dma_wait3A_1979 : memref<1x16x1024xf32, #tpu.memory_space<vmem>> -> memref<16x1024xf32, #tpu.memory_space<vmem>>
    tpu.wait_dma2 semaphore(%dma_wait3A_1974 : memref<!tpu.dma_semaphore, #tpu.memory_space<semaphore_mem>>) src(%dma_wait3A_1980 : memref<16x1024xf32, #tpu.memory_space<vmem>>) dst(%dma_wait3A_1976 : memref<16x1024xf32, #tpu.memory_space<hbm>>)
    %add3A_1981 = arith.constant 480 : i32
    %add3A_1982 = arith.addi %mul3A_2, %add3A_1981 : i32
    %dma_wait3A_1983 = arith.constant 2 : i32
    %dma_wait3A_1984 = arith.constant 2 : i32
    %dma_wait3A_1985 = arith.constant 0 : i32
    %dma_wait3A_1986 = arith.constant 0 : i32
    %dma_wait3A_1987 = tpu.memref_slice %arg6[%dma_wait3A_1983, %dma_wait3A_1985, %dma_wait3A_1986] : memref<7x16x1024xf32, #tpu.memory_space<vmem>> -> memref<1x16x1024xf32, #tpu.memory_space<vmem>>
    %dma_wait3A_1988 = tpu.memref_squeeze %dma_wait3A_1987 : memref<1x16x1024xf32, #tpu.memory_space<vmem>> -> memref<16x1024xf32, #tpu.memory_space<vmem>>
    %dma_wait3A_1989 = arith.constant 0 : i32
    %dma_wait3A_1990 = tpu.memref_slice %arg4[%add3A_1982, %dma_wait3A_1989] : memref<16384x1024xf32, #tpu.memory_space<hbm>> -> memref<16x1024xf32, #tpu.memory_space<hbm>>
    %dma_wait3A_1991 = tpu.memref_slice %arg8[%dma_wait3A_1984] : memref<7x!tpu.dma_semaphore, #tpu.memory_space<semaphore_mem>> -> memref<1x!tpu.dma_semaphore, #tpu.memory_space<semaphore_mem>>
    %dma_wait3A_1992 = tpu.memref_squeeze %dma_wait3A_1991 : memref<1x!tpu.dma_semaphore, #tpu.memory_space<semaphore_mem>> -> memref<!tpu.dma_semaphore, #tpu.memory_space<semaphore_mem>>
    %dma_wait3A_1993 = arith.constant 0 : i32
    %dma_wait3A_1994 = tpu.memref_slice %arg4[%add3A_1982, %dma_wait3A_1993] : memref<16384x1024xf32, #tpu.memory_space<hbm>> -> memref<16x1024xf32, #tpu.memory_space<hbm>>
    %dma_wait3A_1995 = arith.constant 0 : i32
    %dma_wait3A_1996 = arith.constant 0 : i32
    %dma_wait3A_1997 = tpu.memref_slice %arg6[%dma_wait3A_1983, %dma_wait3A_1995, %dma_wait3A_1996] : memref<7x16x1024xf32, #tpu.memory_space<vmem>> -> memref<1x16x1024xf32, #tpu.memory_space<vmem>>
    %dma_wait3A_1998 = tpu.memref_squeeze %dma_wait3A_1997 : memref<1x16x1024xf32, #tpu.memory_space<vmem>> -> memref<16x1024xf32, #tpu.memory_space<vmem>>
    tpu.wait_dma2 semaphore(%dma_wait3A_1992 : memref<!tpu.dma_semaphore, #tpu.memory_space<semaphore_mem>>) src(%dma_wait3A_1998 : memref<16x1024xf32, #tpu.memory_space<vmem>>) dst(%dma_wait3A_1994 : memref<16x1024xf32, #tpu.memory_space<hbm>>)
    %add3A_1999 = arith.constant 496 : i32
    %add3A_2000 = arith.addi %mul3A_2, %add3A_1999 : i32
    %dma_wait3A_2001 = arith.constant 3 : i32
    %dma_wait3A_2002 = arith.constant 3 : i32
    %dma_wait3A_2003 = arith.constant 0 : i32
    %dma_wait3A_2004 = arith.constant 0 : i32
    %dma_wait3A_2005 = tpu.memref_slice %arg6[%dma_wait3A_2001, %dma_wait3A_2003, %dma_wait3A_2004] : memref<7x16x1024xf32, #tpu.memory_space<vmem>> -> memref<1x16x1024xf32, #tpu.memory_space<vmem>>
    %dma_wait3A_2006 = tpu.memref_squeeze %dma_wait3A_2005 : memref<1x16x1024xf32, #tpu.memory_space<vmem>> -> memref<16x1024xf32, #tpu.memory_space<vmem>>
    %dma_wait3A_2007 = arith.constant 0 : i32
    %dma_wait3A_2008 = tpu.memref_slice %arg4[%add3A_2000, %dma_wait3A_2007] : memref<16384x1024xf32, #tpu.memory_space<hbm>> -> memref<16x1024xf32, #tpu.memory_space<hbm>>
    %dma_wait3A_2009 = tpu.memref_slice %arg8[%dma_wait3A_2002] : memref<7x!tpu.dma_semaphore, #tpu.memory_space<semaphore_mem>> -> memref<1x!tpu.dma_semaphore, #tpu.memory_space<semaphore_mem>>
    %dma_wait3A_2010 = tpu.memref_squeeze %dma_wait3A_2009 : memref<1x!tpu.dma_semaphore, #tpu.memory_space<semaphore_mem>> -> memref<!tpu.dma_semaphore, #tpu.memory_space<semaphore_mem>>
    %dma_wait3A_2011 = arith.constant 0 : i32
    %dma_wait3A_2012 = tpu.memref_slice %arg4[%add3A_2000, %dma_wait3A_2011] : memref<16384x1024xf32, #tpu.memory_space<hbm>> -> memref<16x1024xf32, #tpu.memory_space<hbm>>
    %dma_wait3A_2013 = arith.constant 0 : i32
    %dma_wait3A_2014 = arith.constant 0 : i32
    %dma_wait3A_2015 = tpu.memref_slice %arg6[%dma_wait3A_2001, %dma_wait3A_2013, %dma_wait3A_2014] : memref<7x16x1024xf32, #tpu.memory_space<vmem>> -> memref<1x16x1024xf32, #tpu.memory_space<vmem>>
    %dma_wait3A_2016 = tpu.memref_squeeze %dma_wait3A_2015 : memref<1x16x1024xf32, #tpu.memory_space<vmem>> -> memref<16x1024xf32, #tpu.memory_space<vmem>>
    tpu.wait_dma2 semaphore(%dma_wait3A_2010 : memref<!tpu.dma_semaphore, #tpu.memory_space<semaphore_mem>>) src(%dma_wait3A_2016 : memref<16x1024xf32, #tpu.memory_space<vmem>>) dst(%dma_wait3A_2012 : memref<16x1024xf32, #tpu.memory_space<hbm>>)
    return
  }
}

</mosaic_0001>

<sc_bundles>
// kernel: _embed.3.cloned.1.call-start
scs
__scs_entry_jumppad:
0x0: {  	(pc) =	sbr.rel $0x88, $3  }
0x1: {  	(tag) =	ssettag $0x0;
	lr =	simm.s32 $0x1  }
0x2: {  	[smem:$0x3F9F] =	sst lr;
	_ =	strace $0xD0000000  }
0x3: {  	_ = 	snop  }
0x4: {  	_ = 	snop  }
0x5: {  	_ = 	snop  }
0x6: {  	_ = 	snop  }
0x7: {  	_ = 	snop  }
__scs_overlays_trampoline_lowered:
0x8: {  	[smem:$0x3FAE] =	sst s0  }
0x9: {  	[smem:$0x3FAF] =	sst s1  }
0xa: {  	[smem:$0x3FB0] =	sst s2  }
0xb: {  	[smem:$0x3FB1] =	sst s3  }
0xc: {  	[smem:$0x3FB2] =	sst s4  }
0xd: {  	[smem:$0x3FB3] =	sst s5  }
0xe: {  	[smem:$0x3FB4] =	sst s6  }
0xf: {  	[smem:$0x3FB5] =	sst s7  }
0x10: {  	[smem:$0x3FB6] =	sst s8  }
0x11: {  	[smem:$0x3FB7] =	sst s9;
	s0 =	simm.s32 @!p0 $0x0  }
0x12: {  	s1 =	sld [smem:$0x3F9D];
	s0 =	simm.s32 @p0 $0x1  }
0x13: {  	[smem:$0x3FB8] =	sst s0;
	s0 =	simm.s32 @!p1 $0x0  }
0x14: {  	s2 =	sld [smem:$0x3F9C];
	s0 =	simm.s32 @p1 $0x1  }
0x15: {  	[smem:$0x3FB9] =	sst s0;
	s0 =	simm.s32 @!p2 $0x0  }
0x16: {  	s3 =	sld [smem:$0x3FDB];
	s0 =	simm.s32 @p2 $0x1  }
0x17: {  	s4 =	simm.s32 $0x1BF5;
	[smem:$0x3FBB] =	sst s0  }
0x18: {  	s0 =	sld [smem:$0x3F9E];
	_ =	swait.ge [sflag:s4], $0x0  }
0x19: {  	s7 =	sld [smem:$0x3F9F]  }
0x1a: {  	s8 =	sadd.s32 $0xFFFFE003, lr  }
0x1b: {  	s9 =	sadd.s32 $0xFFFFFEF7, lr;
	s5 =	simm.s32 $0xFFFFFFFF;
	p2 =	slt.u32 s8, $0xFFFFF086  }
0x1c: {  	p1 =	slt.u32 s9, $0xF7A;
	s5 =	simm.s32 @!p2 $0x0  }
0x1d: {  	s5 =	simm.s32 @p1 $0x1;
	p0 =	seq.s32 s7, s2  }
0x1e: {  	s7 =	smul.u32 @!p0 $0xF7A, s2;
	p2 =	seq.s32 @!p0 s5, $0x0  }
0x1f: {  	s9 =	smul.u32 $0xF7A, s1;
	s8 =	simm.s32 @!p0 $0x1BF5;
	p2 =	por !p2, p0  }
0x20: {  	[sflag:s8] =	ssyncset.s32 @!p0 $0xFFFFF086;
	s6 =	sadd.s32 @!p0 s3, s7;
	s7 =	simm.s32 @!p0 $0x108  }
0x21: {  	s3 =	sadd.s32 s3, s9;
	s6 =	sadd.s32 @!p0 $0x88, s6;
	s7 =	simm.s32 @p2 $0x1082  }
0x22: {  	[simem:s7], [sflag:s8] =	dma.local @!p0 [hbm:s6], $0xF7A  }
0x23: {  	s9 =	sor.u32 $0xD0000000, s2;
	s6 =	simm.s32 $0x108;
	_ =	swait.ge @!p0 [sflag:s8], $0x0  }
0x24: {  	s3 =	sadd.s32 $0x88, s3;
	s6 =	simm.s32 @!p1 $0x1082;
	[sflag:s4] =	ssyncset.s32 $0xFFFFF086  }
0x25: {  	[simem:s6], [sflag:s4] =	dma.local [hbm:s3], $0xF7A  }
0x26: {  	[smem:$0x3F9F] =	sst s1;
	(tag) =	ssettag s2;
	_ =	strace s9  }
0x27: {  	s1 =	sld [smem:$0x3FAF]  }
0x28: {  	s2 =	sld [smem:$0x3FB0]  }
0x29: {  	s4 =	sld [smem:$0x3FB2]  }
0x2a: {  	p0 =	seq.s32 s5, $0x0;
	s5 =	sld [smem:$0x3FB3]  }
0x2b: {  	s6 =	sld [smem:$0x3FB4]  }
0x2c: {  	s7 =	sld [smem:$0x3FB5]  }
0x2d: {  	s3 =	simm.s32 $0x108;
	s8 =	sld [smem:$0x3FB6]  }
0x2e: {  	s3 =	simm.s32 @!p0 $0x1082;
	s9 =	sld [smem:$0x3FB7]  }
0x2f: {  	lr =	sadd.s32 s0, s3;
	s0 =	sld [smem:$0x3FAE]  }
0x30: {  	s3 =	sld [smem:$0x3FB1]  }
0x31: {  	[smem:$0x3FBA] =	sst s10  }
0x32: {  	s10 =	sld [smem:$0x3FB8];
	_ =	sdelay $0x3  }
0x33: {  	p0 =	seq.s32 s10, $0x1;
	s10 =	sld [smem:$0x3FBA];
	_ =	sdelay $0x3  }
0x34: {  	[smem:$0x3FBA] =	sst s10  }
0x35: {  	s10 =	sld [smem:$0x3FB9];
	_ =	sdelay $0x3  }
0x36: {  	p1 =	seq.s32 s10, $0x1;
	s10 =	sld [smem:$0x3FBA];
	_ =	sdelay $0x3  }
0x37: {  	[smem:$0x3FBA] =	sst s10  }
0x38: {  	s10 =	sld [smem:$0x3FBB]  }
0x39: {  	_ = 	snop;
	(pc) =	sbr.ind lr, $3  }
0x3a: {  	_ = 	snop  }
0x3b: {  	_ = 	snop  }
0x3c: {  	p2 =	seq.s32 s10, $0x1;
	s10 =	sld [smem:$0x3FBA]  }
0x3d: {  	_ =	shalt  }
0x3e: {  	_ =	shalt  }
0x3f: {  	_ =	shalt  }
0x40: {  	_ =	shalt  }
0x41: {  	_ =	shalt  }
0x42: {  	_ =	shalt  }
0x43: {  	_ =	shalt  }
0x44: {  	_ =	shalt  }
0x45: {  	_ =	shalt  }
0x46: {  	_ =	shalt  }
0x47: {  	_ =	shalt  }
0x48: {  	_ =	shalt  }
0x49: {  	_ =	shalt  }
0x4a: {  	_ =	shalt  }
0x4b: {  	_ =	shalt  }
0x4c: {  	_ =	shalt  }
0x4d: {  	_ =	shalt  }
0x4e: {  	_ =	shalt  }
0x4f: {  	_ =	shalt  }
0x50: {  	_ =	shalt  }
0x51: {  	_ =	shalt  }
0x52: {  	_ =	shalt  }
0x53: {  	_ =	shalt  }
0x54: {  	_ =	shalt  }
0x55: {  	_ =	shalt  }
0x56: {  	_ =	shalt  }
0x57: {  	_ =	shalt  }
0x58: {  	_ =	shalt  }
0x59: {  	_ =	shalt  }
0x5a: {  	_ =	shalt  }
0x5b: {  	_ =	shalt  }
0x5c: {  	_ =	shalt  }
0x5d: {  	_ =	shalt  }
0x5e: {  	_ =	shalt  }
0x5f: {  	_ =	shalt  }
0x60: {  	_ =	shalt  }
0x61: {  	_ =	shalt  }
0x62: {  	_ =	shalt  }
0x63: {  	_ =	shalt  }
0x64: {  	_ =	shalt  }
0x65: {  	_ =	shalt  }
0x66: {  	_ =	shalt  }
0x67: {  	_ =	shalt  }
0x68: {  	_ =	shalt  }
0x69: {  	_ =	shalt  }
0x6a: {  	_ =	shalt  }
0x6b: {  	_ =	shalt  }
0x6c: {  	_ =	shalt  }
0x6d: {  	_ =	shalt  }
0x6e: {  	_ =	shalt  }
0x6f: {  	_ =	shalt  }
0x70: {  	_ =	shalt  }
0x71: {  	_ =	shalt  }
0x72: {  	_ =	shalt  }
0x73: {  	_ =	shalt  }
0x74: {  	_ =	shalt  }
0x75: {  	_ =	shalt  }
0x76: {  	_ =	shalt  }
0x77: {  	_ =	shalt  }
0x78: {  	_ =	shalt  }
0x79: {  	_ =	shalt  }
0x7a: {  	_ =	shalt  }
0x7b: {  	_ =	shalt  }
0x7c: {  	_ =	shalt  }
0x7d: {  	_ =	shalt  }
0x7e: {  	_ =	shalt  }
0x7f: {  	_ =	shalt  }
0x80: {  	_ =	shalt  }
0x81: {  	_ =	shalt  }
0x82: {  	_ =	shalt  }
0x83: {  	_ =	shalt  }
0x84: {  	_ =	shalt  }
0x85: {  	_ =	shalt  }
0x86: {  	_ =	shalt  }
0x87: {  	_ =	shalt  }
.Lfunc_end0:
.L_simem_size_0:
called_computation_lowered:
.L_overlay_start_0:
0x88: {  	s2 =	sld [smem:$0x3FD9]  }
0x89: {  	s3 =	sld [smem:$0x3FFE];
	_ =	sdelay $0x1  }
0x8a: {  	s1 =	srdreg.scid  }
0x8b: {  	s0 =	sand.u32 $0x1, s1  }
0x8c: {  	s18 =	sshll.u32 s0, $0xA;
	s2 =	sadd.s32 s3, s2  }
0x8d: {  	s2 =	sadd.s32 s2, s18  }
0x8e: {  	[smem:$0x3FC6] =	sst s2  }
0x8f: {  	_ = 	snop  }
0x90: {  	s2 =	sld [smem:$0x3FC9]  }
0x91: {  	s19 =	sld [smem:$0x3FC8]  }
0x92: {  	s4 =	sld [smem:$0x3FD0];
	(tm) =	ssettm $0x1  }
0x93: {  	s5 =	sld [smem:$0x3FFB];
	_ =	sdelay $0x3  }
0x94: {  	_ =	strace s5  }
0x95: {  	s5 =	sld [smem:$0x3FFC];
	_ =	sdelay $0x3  }
0x96: {  	_ =	strace s5  }
0x97: {  	s5 =	sld [smem:$0x3FFD];
	_ =	sdelay $0x3  }
0x98: {  	_ =	strace s5  }
0x99: {  	_ =	strace $0x8FFFFFFF  }
0x9a: {  	s20 =	sld [smem:$0x3FDB];
	_ =	sdelay $0x1  }
0x9b: {  	s6 =	simm.s32 $_scs_section_size  }
0x9c: {  	s7 =	simm.s32 $_size__tile_overlayer_lowered;
	s8 =	simm.s32 $_tile_overlayer_lowered  }
0x9d: {  	s23 =	simm.s32 $0x1BFF;
	s22 =	sshll.u32 s8, $0x1;
	s5 =	sadd.s32 s6, s20  }
0x9e: {  	s9 =	simm.s32 $0x0;
	s21 =	sshll.u32 s7, $0x1;
	s7 =	sadd.s32 s22, s5  }
0x9f: {  	[timem:s9], [sflag:s23] =	dma.local [hbm:s7], s21  }
0xa0: {  	_ =	swait.ge [sflag:s23], s21  }
0xa1: {  	s6 =	ssub.s32 $0x0, s21;
	[sflag:s23] =	ssyncset.done $0x0  }
0xa2: {  	[sflag:s23] =	ssyncadd.s32 s6;
	_ =	sdelay $0x1  }
0xa3: {  	s24 =	simm.s32 $0x1B8B  }
0xa4: {  	_ =	swait.ge [sflag:s24], $0x1  }
0xa5: {  	[sflag:s24] =	ssyncset.done $0x0  }
0xa6: {  	s25 =	simm.s32 $0x1B8E;
	[sflag:s24] =	ssyncadd.s32 $0xFFFFFFFF  }
0xa7: {  	s26 =	simm.s32 $execute0_lowered;
	[smem:$0x3FD2] =	sst s25  }
0xa8: {  	s6 =	sshll.u32 s26, $0x1;
	_ =	strace $0x80000046;
	[dreg:$0x1] =	wrdreg $0xFFFFFFFF  }
0xa9: {  	s28 =	simm.s32 $_size_execute0_lowered;
	s5 =	sadd.s32 s5, s6;
	[dreg:$0x0] =	wrdreg $0x0  }
0xaa: {  	s6 =	sshll.u32 s28, $0x1;
	[dreg:$0x2] =	wrdreg s5  }
0xab: {  	[dreg:$0x3] =	wrdreg s6  }
0xac: {  	[dreg:$0x4] =	wrdreg $0xC0  }
0xad: {  	_ =	task [dreg:s9], $0x5FFFF  }
0xae: {  	[dreg:$0x1] =	wrdreg $0xFFFFFFFF  }
0xaf: {  	[dreg:$0x0] =	wrdreg $0x60  }
0xb0: {  	[dreg:$0x2] =	wrdreg s19  }
0xb1: {  	[dreg:$0x3] =	wrdreg s2  }
0xb2: {  	[dreg:$0x4] =	wrdreg s4  }
0xb3: {  	[dreg:$0x5] =	wrdreg $0x9  }
0xb4: {  	_ =	task.clear_ibuf [dreg:s9], $0x6FFFF;
	_ =	strace $0x90000046  }
0xb5: {  	s29 =	simm.s32 $0x9;
	_ =	strace $0x80000048  }
0xb6: {  	_ =	swait.ge [sflag:s29], $0x1  }
0xb7: {  	[sflag:s29] =	ssyncadd.s32 $0xFFFFFFFF  }
0xb8: {  	_ =	strace $0x90000048  }
0xb9: {  	_ =	sfence  }
0xba: {  	s30 =	sld [smem:$0x0];
	_ =	sdelay $0x2  }
0xbb: {  	s31 =	sshll.u32 s1, $0xD;
	s1 =	sshrl.u32 s1, $0x2  }
0xbc: {  	s3 =	sand.u32 $0x4000, s31;
	s1 =	sadd.s32 s1, s30  }
0xbd: {  	s0 =	sor.u32 s3, s0;
	s1 =	sshll.u32 s1, $0x11  }
0xbe: {  	s0 =	sor.u32 s1, s0  }
0xbf: {  	s0 =	sadd.s32 $0x8F2B, s0  }
0xc0: {  	[sflag:s0] =	ssyncadd.remote.s32 $0x1  }
0xc1: {  	_ =	sfence.sel $0xFFFF  }
0xc2: {  	[dreg:$0x0] =	wrdreg $0xFFFFFFFF;
	(pc) =	sbr.abs _section_cstart, $3  }
0xc3: {  	[dreg:$0x1] =	wrdreg $0xFFFFFFFF  }
0xc4: {  	_ =	task.clear_ibuf [dreg:s9], $0x2FFFF;
	_ =	strace $0x9FFFFFFF  }
0xc5: {  	(tm) =	ssettm $0x7FFFFFFF  }
tec
execute0_lowered:
.L_overlay_start_1:
0x0: {  	(tag) =	ssettag $0x1  }
0x1: {  	s2 =	rddreg [dreg:$0x0]  }
0x2: {  	s1 =	rddreg [dreg:$0x1]  }
0x3: {  	s4 =	rddreg [dreg:$0x2]  }
0x4: {  	s0 =	srdreg.scid;
	s6 =	stileid.u32  }
0x5: {  	s3 =	simm.s32 $0x0;
	s0 =	sand.u32 $0x1, s0;
	s5 =	sshll.u32 s6, $0x1  }
0x6: {  	s6 =	sshll.u32 s6, $0x2;
	[smem:$0x7FF] =	sst s3;
	s5 =	sor.u32 s0, s5  }
0x7: {  	s6 =	sand.u32 $0x30, s6;
	s7 =	sshll.u32 s5, $0x8;
	s5 =	sshll.u32 s5, $0x10  }
0x8: {  	s1 =	sadd.s32 s1, s6;
	s7 =	sand.u32 $0x700, s7;
	s8 =	sadd.s32 s4, s5  }
0x9: {  	_ =	strace $0x80000047;
	s1 =	sadd.s32 s7, s1;
	[smem:$0x7FB] =	sst s8  }
0xa: {  	s16 =	sadd.s32 $0x800, s8;
	[dreg:$0x4] =	wrdreg s1  }
0xb: {  	s17 =	sadd.s32 $0x1000, s8;
	[dreg:$0x5] =	wrdreg s16  }
0xc: {  	s18 =	sadd.s32 $0x1800, s8;
	[dreg:$0x6] =	wrdreg s17  }
0xd: {  	s19 =	sadd.s32 $0x2000, s8;
	[dreg:$0x7] =	wrdreg s18  }
0xe: {  	s20 =	sadd.s32 $0x2800, s8;
	[dreg:$0x8] =	wrdreg s19  }
0xf: {  	s21 =	sadd.s32 $0x3000, s8;
	[dreg:$0x9] =	wrdreg s20  }
0x10: {  	s22 =	sadd.s32 $0x3800, s8;
	[dreg:$0xa] =	wrdreg s21  }
0x11: {  	s23 =	sadd.s32 $0x4000, s8;
	[dreg:$0xb] =	wrdreg s22  }
0x12: {  	s24 =	sadd.s32 $0x4800, s8;
	[dreg:$0xc] =	wrdreg s23  }
0x13: {  	s25 =	sadd.s32 $0x5000, s8;
	[dreg:$0xd] =	wrdreg s24  }
0x14: {  	s26 =	sadd.s32 $0x5800, s8;
	[dreg:$0xe] =	wrdreg s25  }
0x15: {  	s4 =	sadd.s32 $0x6000, s8;
	[dreg:$0xf] =	wrdreg s26  }
0x16: {  	s5 =	sadd.s32 $0x6800, s8;
	[dreg:$0x10] =	wrdreg s4  }
0x17: {  	s6 =	sadd.s32 $0x7000, s8;
	[dreg:$0x11] =	wrdreg s5  }
0x18: {  	s7 =	sadd.s32 $0x7800, s8;
	[dreg:$0x12] =	wrdreg s6  }
0x19: {  	s9 =	sadd.s32 $0x8000, s8;
	[dreg:$0x13] =	wrdreg s7  }
0x1a: {  	s10 =	sadd.s32 $0x8800, s8;
	[dreg:$0x14] =	wrdreg s9  }
0x1b: {  	s11 =	sadd.s32 $0x9000, s8;
	[dreg:$0x15] =	wrdreg s10  }
0x1c: {  	s12 =	sadd.s32 $0x9800, s8;
	[dreg:$0x16] =	wrdreg s11  }
0x1d: {  	s28 =	simm.s32 $0x9;
	s13 =	sadd.s32 $0xA000, s8;
	[dreg:$0x17] =	wrdreg s12  }
0x1e: {  	s29 =	simm.s32 $0x4;
	s14 =	sadd.s32 $0xA800, s8;
	[dreg:$0x18] =	wrdreg s13  }
0x1f: {  	s30 =	simm.s32 $0xA;
	s15 =	sadd.s32 $0xB000, s8;
	[dreg:$0x19] =	wrdreg s14  }
0x20: {  	s31 =	simm.s32 $0x200;
	s0 =	ssub.s32 $0x2, s0;
	[dreg:$0x1a] =	wrdreg s15  }
0x21: {  	s16 =	sadd.s32 $0xB800, s8;
	s17 =	sadd.s32 $0xC000, s8;
	s18 =	sadd.s32 $0xC800, s8  }
0x22: {  	s19 =	sadd.s32 $0xD000, s8;
	s20 =	sshrl.u32 s0, $0x1;
	[dreg:$0x1b] =	wrdreg s16  }
0x23: {  	s21 =	sadd.s32 $0xD800, s8;
	s22 =	sadd.s32 $0xE000, s8;
	[dreg:$0x1c] =	wrdreg s17  }
0x24: {  	s5 =	sadd.s32 $0x100, s2;
	s23 =	sadd.s32 $0xE800, s8;
	[dreg:$0x1d] =	wrdreg s18  }
0x25: {  	s6 =	sadd.s32 $0x200, s2;
	s24 =	sadd.s32 $0xF000, s8;
	[dreg:$0x1e] =	wrdreg s19  }
0x26: {  	s7 =	sadd.s32 $0x300, s2;
	s25 =	sadd.s32 $0xF800, s8;
	[dreg:$0x1f] =	wrdreg s21  }
0x27: {  	s26 =	simm.s32 $0x80;
	s1 =	simm.s32 $0x6;
	[smem:$0x7F8] =	sst s22  }
0x28: {  	s10 =	simm.s32 $0xC;
	s11 =	simm.s32 $0x7;
	[smem:$0x7F9] =	sst s23  }
0x29: {  	s12 =	simm.s32 $0xD;
	s13 =	simm.s32 $0xE;
	[smem:$0x7FA] =	sst s24  }
0x2a: {  	s9 =	simm.s32 $0xC200;
	s0 =	ssub.s32 s0, s20;
	[smem:$0x7FC] =	sst s25  }
0x2b: {  	[smem:$0x7FD] =	sst s26;
	s21 =	simm.s32 $0x1;
	s23 =	simm.s32 $0x2  }
0x2c: {  	v2 =	vlaneseq.u32;
	s24 =	simm.s32 $0x8;
	s25 =	simm.s32 $0x3;
	s17 =	simm.s32 $0x5  }
0x2d: {  	vm0 =	vmmov $0xffff;
	v1 =	vshrl.u32 v2, $0x3;
	s26 =	simm.s32 $0x4200;
	s20 =	simm.s32 $0x10200;
	s22 =	simm.s32 $0x14200  }
0x2e: {  	v0 =	vand.u32 $0x7, v2;
	v2 =	vor.u32 $0x8, v2;
	v1 =	vmul.u32 $0x8, v1;
	s18 =	simm.s32 $0x18200;
	s8 =	smax.u32 s0, $0x1;
	s0 =	simm.s32 $0xB  }
.LBB2_1:
0x2f: {  	s15 =	sld [smem:$0x7FD];
	_ =	sdelay $0x1  }
0x30: {  	s14 =	rddreg [dreg:$0x4];
	s4 =	simm.s32 $0xF  }
0x31: {  	[tilespmem:s3], [sflag:$0xF] =	stream.strided.gather [hbm4b:s14+s15], $0x200, s31, s15, $0x38;
	[tilespmem:$0x1C200] =	vst v63  }
0x32: {  	_ =	swait.ge [sflag:s4], $0x200  }
0x33: {  	[sflag:s4] =	ssyncset.done $0x0  }
0x34: {  	[sflag:s4] =	ssyncadd.s32 $0xFFFFFE00  }
0x35: {  	v3 =	vld [tilespmem:$0x0];
	_ =	sdelay $0x4  }
0x36: {  	v4 =	vshll.u32 v3, $0x3  }
0x37: {  	v3 =	vand.u32 $0x7, v3;
	v4 =	vand.u32 $0xFFFFFFC0, v4  }
0x38: {  	v3 =	vor.u32 v3, v4  }
0x39: {  	v4 =	vperm.xlane v3, v0;
	_ =	sdelay $0x1  }
0x3a: {  	v4 =	vadd.s32 v1, v4;
	_ =	sdelay $0x4  }
0x3b: {  	[tilespmem:s31], [sflag:$0x1] =	stream.indirect_vreg.gather [hbm4b:s2+s3], $0x80, v4, vm0, $0xb8;
	[tilespmem:$0x1C200] =	vst v63  }
0x3c: {  	s4 =	simm.s32 $0xA00;
	v3 =	vperm.xlane v3, v2  }
0x3d: {  	[tilespmem:s4], [sflag:$0x1] =	stream.indirect_vreg.gather [hbm4b:s5+s3], $0x80, v4, vm0, $0xb8;
	[tilespmem:$0x1C200] =	vst v63  }
0x3e: {  	s14 =	simm.s32 $0x1200;
	v3 =	vadd.s32 v1, v3  }
0x3f: {  	[tilespmem:s14], [sflag:$0x1] =	stream.indirect_vreg.gather [hbm4b:s6+s3], $0x80, v4, vm0, $0xb8;
	[tilespmem:$0x1C200] =	vst v63  }
0x40: {  	s16 =	simm.s32 $0x1A00  }
0x41: {  	[tilespmem:s16], [sflag:$0x1] =	stream.indirect_vreg.gather [hbm4b:s7+s3], $0x80, v4, vm0, $0xb8;
	[tilespmem:$0x1C200] =	vst v63  }
0x42: {  	s14 =	simm.s32 $0x2200  }
0x43: {  	[tilespmem:s14], [sflag:$0x1] =	stream.indirect_vreg.gather [hbm4b:s2+s3], $0x80, v3, vm0, $0xb8;
	[tilespmem:$0x1C200] =	vst v63  }
0x44: {  	s16 =	simm.s32 $0x2A00  }
0x45: {  	[tilespmem:s16], [sflag:$0x1] =	stream.indirect_vreg.gather [hbm4b:s5+s3], $0x80, v3, vm0, $0xb8;
	[tilespmem:$0x1C200] =	vst v63  }
0x46: {  	s14 =	simm.s32 $0x3200  }
0x47: {  	[tilespmem:s14], [sflag:$0x1] =	stream.indirect_vreg.gather [hbm4b:s6+s3], $0x80, v3, vm0, $0xb8;
	[tilespmem:$0x1C200] =	vst v63  }
0x48: {  	s16 =	simm.s32 $0x3A00  }
0x49: {  	[tilespmem:s16], [sflag:$0x1] =	stream.indirect_vreg.gather [hbm4b:s7+s3], $0x80, v3, vm0, $0xb8;
	[tilespmem:$0x1C200] =	vst v63  }
0x4a: {  	v3 =	vld [tilespmem:$0x10];
	_ =	sdelay $0x4  }
0x4b: {  	v33 =	vshll.u32 v3, $0x3  }
0x4c: {  	v3 =	vand.u32 $0x7, v3;
	v4 =	vand.u32 $0xFFFFFFC0, v33  }
0x4d: {  	v3 =	vor.u32 v3, v4  }
0x4e: {  	v4 =	vperm.xlane v3, v0;
	_ =	sdelay $0x1  }
0x4f: {  	v4 =	vadd.s32 v1, v4;
	_ =	sdelay $0x4  }
0x50: {  	[tilespmem:s26], [sflag:$0x2] =	stream.indirect_vreg.gather [hbm4b:s2+s3], $0x80, v4, vm0, $0xb8;
	[tilespmem:$0x1C200] =	vst v63  }
0x51: {  	s14 =	simm.s32 $0x4A00;
	v3 =	vperm.xlane v3, v2  }
0x52: {  	[tilespmem:s14], [sflag:$0x2] =	stream.indirect_vreg.gather [hbm4b:s5+s3], $0x80, v4, vm0, $0xb8;
	[tilespmem:$0x1C200] =	vst v63  }
0x53: {  	v3 =	vadd.s32 v1, v3;
	s14 =	simm.s32 $0x5200  }
0x54: {  	[tilespmem:s14], [sflag:$0x2] =	stream.indirect_vreg.gather [hbm4b:s6+s3], $0x80, v4, vm0, $0xb8;
	[tilespmem:$0x1C200] =	vst v63  }
0x55: {  	s14 =	simm.s32 $0x5A00  }
0x56: {  	[tilespmem:s14], [sflag:$0x2] =	stream.indirect_vreg.gather [hbm4b:s7+s3], $0x80, v4, vm0, $0xb8;
	[tilespmem:$0x1C200] =	vst v63  }
0x57: {  	s14 =	simm.s32 $0x6200  }
0x58: {  	[tilespmem:s14], [sflag:$0x2] =	stream.indirect_vreg.gather [hbm4b:s2+s3], $0x80, v3, vm0, $0xb8;
	[tilespmem:$0x1C200] =	vst v63  }
0x59: {  	s14 =	simm.s32 $0x6A00  }
0x5a: {  	[tilespmem:s14], [sflag:$0x2] =	stream.indirect_vreg.gather [hbm4b:s5+s3], $0x80, v3, vm0, $0xb8;
	[tilespmem:$0x1C200] =	vst v63  }
0x5b: {  	s14 =	simm.s32 $0x7200  }
0x5c: {  	[tilespmem:s14], [sflag:$0x2] =	stream.indirect_vreg.gather [hbm4b:s6+s3], $0x80, v3, vm0, $0xb8;
	[tilespmem:$0x1C200] =	vst v63  }
0x5d: {  	s14 =	simm.s32 $0x7A00  }
0x5e: {  	[tilespmem:s14], [sflag:$0x2] =	stream.indirect_vreg.gather [hbm4b:s7+s3], $0x80, v3, vm0, $0xb8;
	[tilespmem:$0x1C200] =	vst v63  }
0x5f: {  	v3 =	vld [tilespmem:$0x20];
	_ =	sdelay $0x4  }
0x60: {  	v34 =	vshll.u32 v3, $0x3  }
0x61: {  	v3 =	vand.u32 $0x7, v3;
	v4 =	vand.u32 $0xFFFFFFC0, v34  }
0x62: {  	v3 =	vor.u32 v3, v4  }
0x63: {  	v4 =	vperm.xlane v3, v0;
	_ =	sdelay $0x1  }
0x64: {  	v4 =	vadd.s32 v1, v4;
	_ =	sdelay $0x3  }
0x65: {  	s4 =	simm.s32 $0x8200  }
0x66: {  	[tilespmem:s4], [sflag:$0x3] =	stream.indirect_vreg.gather [hbm4b:s2+s3], $0x80, v4, vm0, $0xb8;
	[tilespmem:$0x1C200] =	vst v63  }
0x67: {  	s14 =	simm.s32 $0x8A00;
	v3 =	vperm.xlane v3, v2  }
0x68: {  	[tilespmem:s14], [sflag:$0x3] =	stream.indirect_vreg.gather [hbm4b:s5+s3], $0x80, v4, vm0, $0xb8;
	[tilespmem:$0x1C200] =	vst v63  }
0x69: {  	v3 =	vadd.s32 v1, v3;
	s14 =	simm.s32 $0x9200  }
0x6a: {  	[tilespmem:s14], [sflag:$0x3] =	stream.indirect_vreg.gather [hbm4b:s6+s3], $0x80, v4, vm0, $0xb8;
	[tilespmem:$0x1C200] =	vst v63  }
0x6b: {  	s14 =	simm.s32 $0x9A00  }
0x6c: {  	[tilespmem:s14], [sflag:$0x3] =	stream.indirect_vreg.gather [hbm4b:s7+s3], $0x80, v4, vm0, $0xb8;
	[tilespmem:$0x1C200] =	vst v63  }
0x6d: {  	s14 =	simm.s32 $0xA200  }
0x6e: {  	[tilespmem:s14], [sflag:$0x3] =	stream.indirect_vreg.gather [hbm4b:s2+s3], $0x80, v3, vm0, $0xb8;
	[tilespmem:$0x1C200] =	vst v63  }
0x6f: {  	s14 =	simm.s32 $0xAA00  }
0x70: {  	[tilespmem:s14], [sflag:$0x3] =	stream.indirect_vreg.gather [hbm4b:s5+s3], $0x80, v3, vm0, $0xb8;
	[tilespmem:$0x1C200] =	vst v63  }
0x71: {  	s14 =	simm.s32 $0xB200  }
0x72: {  	[tilespmem:s14], [sflag:$0x3] =	stream.indirect_vreg.gather [hbm4b:s6+s3], $0x80, v3, vm0, $0xb8;
	[tilespmem:$0x1C200] =	vst v63  }
0x73: {  	s14 =	simm.s32 $0xBA00  }
0x74: {  	[tilespmem:s14], [sflag:$0x3] =	stream.indirect_vreg.gather [hbm4b:s7+s3], $0x80, v3, vm0, $0xb8;
	[tilespmem:$0x1C200] =	vst v63  }
0x75: {  	v3 =	vld [tilespmem:$0x30];
	_ =	sdelay $0x4  }
0x76: {  	v35 =	vshll.u32 v3, $0x3  }
0x77: {  	v3 =	vand.u32 $0x7, v3;
	v4 =	vand.u32 $0xFFFFFFC0, v35  }
0x78: {  	v3 =	vor.u32 v3, v4  }
0x79: {  	v4 =	vperm.xlane v3, v0;
	_ =	sdelay $0x1  }
0x7a: {  	v4 =	vadd.s32 v1, v4;
	_ =	sdelay $0x4  }
0x7b: {  	[tilespmem:s9], [sflag:$0x4] =	stream.indirect_vreg.gather [hbm4b:s2+s3], $0x80, v4, vm0, $0xb8;
	[tilespmem:$0x1C200] =	vst v63  }
0x7c: {  	s14 =	simm.s32 $0xCA00;
	v3 =	vperm.xlane v3, v2  }
0x7d: {  	[tilespmem:s14], [sflag:$0x4] =	stream.indirect_vreg.gather [hbm4b:s5+s3], $0x80, v4, vm0, $0xb8;
	[tilespmem:$0x1C200] =	vst v63  }
0x7e: {  	v3 =	vadd.s32 v1, v3;
	s14 =	simm.s32 $0xD200  }
0x7f: {  	[tilespmem:s14], [sflag:$0x4] =	stream.indirect_vreg.gather [hbm4b:s6+s3], $0x80, v4, vm0, $0xb8;
	[tilespmem:$0x1C200] =	vst v63  }
0x80: {  	s14 =	simm.s32 $0xDA00  }
0x81: {  	[tilespmem:s14], [sflag:$0x4] =	stream.indirect_vreg.gather [hbm4b:s7+s3], $0x80, v4, vm0, $0xb8;
	[tilespmem:$0x1C200] =	vst v63  }
0x82: {  	s14 =	simm.s32 $0xE200  }
0x83: {  	[tilespmem:s14], [sflag:$0x4] =	stream.indirect_vreg.gather [hbm4b:s2+s3], $0x80, v3, vm0, $0xb8;
	[tilespmem:$0x1C200] =	vst v63  }
0x84: {  	s14 =	simm.s32 $0xEA00  }
0x85: {  	[tilespmem:s14], [sflag:$0x4] =	stream.indirect_vreg.gather [hbm4b:s5+s3], $0x80, v3, vm0, $0xb8;
	[tilespmem:$0x1C200] =	vst v63  }
0x86: {  	s14 =	simm.s32 $0xF200  }
0x87: {  	[tilespmem:s14], [sflag:$0x4] =	stream.indirect_vreg.gather [hbm4b:s6+s3], $0x80, v3, vm0, $0xb8;
	[tilespmem:$0x1C200] =	vst v63  }
0x88: {  	s14 =	simm.s32 $0xFA00  }
0x89: {  	[tilespmem:s14], [sflag:$0x4] =	stream.indirect_vreg.gather [hbm4b:s7+s3], $0x80, v3, vm0, $0xb8;
	[tilespmem:$0x1C200] =	vst v63  }
0x8a: {  	v3 =	vld [tilespmem:$0x40];
	_ =	sdelay $0x4  }
0x8b: {  	v36 =	vshll.u32 v3, $0x3  }
0x8c: {  	v3 =	vand.u32 $0x7, v3;
	v4 =	vand.u32 $0xFFFFFFC0, v36  }
0x8d: {  	v3 =	vor.u32 v3, v4  }
0x8e: {  	v4 =	vperm.xlane v3, v0;
	_ =	sdelay $0x1  }
0x8f: {  	v4 =	vadd.s32 v1, v4;
	_ =	sdelay $0x4  }
0x90: {  	[tilespmem:s20], [sflag:$0x5] =	stream.indirect_vreg.gather [hbm4b:s2+s3], $0x80, v4, vm0, $0xb8;
	[tilespmem:$0x1C200] =	vst v63  }
0x91: {  	s14 =	simm.s32 $0x10A00;
	v3 =	vperm.xlane v3, v2  }
0x92: {  	[tilespmem:s14], [sflag:$0x5] =	stream.indirect_vreg.gather [hbm4b:s5+s3], $0x80, v4, vm0, $0xb8;
	[tilespmem:$0x1C200] =	vst v63  }
0x93: {  	v3 =	vadd.s32 v1, v3;
	s14 =	simm.s32 $0x11200  }
0x94: {  	[tilespmem:s14], [sflag:$0x5] =	stream.indirect_vreg.gather [hbm4b:s6+s3], $0x80, v4, vm0, $0xb8;
	[tilespmem:$0x1C200] =	vst v63  }
0x95: {  	s14 =	simm.s32 $0x11A00  }
0x96: {  	[tilespmem:s14], [sflag:$0x5] =	stream.indirect_vreg.gather [hbm4b:s7+s3], $0x80, v4, vm0, $0xb8;
	[tilespmem:$0x1C200] =	vst v63  }
0x97: {  	s14 =	simm.s32 $0x12200  }
0x98: {  	[tilespmem:s14], [sflag:$0x5] =	stream.indirect_vreg.gather [hbm4b:s2+s3], $0x80, v3, vm0, $0xb8;
	[tilespmem:$0x1C200] =	vst v63  }
0x99: {  	s14 =	simm.s32 $0x12A00  }
0x9a: {  	[tilespmem:s14], [sflag:$0x5] =	stream.indirect_vreg.gather [hbm4b:s5+s3], $0x80, v3, vm0, $0xb8;
	[tilespmem:$0x1C200] =	vst v63  }
0x9b: {  	s14 =	simm.s32 $0x13200  }
0x9c: {  	[tilespmem:s14], [sflag:$0x5] =	stream.indirect_vreg.gather [hbm4b:s6+s3], $0x80, v3, vm0, $0xb8;
	[tilespmem:$0x1C200] =	vst v63  }
0x9d: {  	s14 =	simm.s32 $0x13A00  }
0x9e: {  	[tilespmem:s14], [sflag:$0x5] =	stream.indirect_vreg.gather [hbm4b:s7+s3], $0x80, v3, vm0, $0xb8;
	[tilespmem:$0x1C200] =	vst v63  }
0x9f: {  	v3 =	vld [tilespmem:$0x50];
	_ =	sdelay $0x4  }
0xa0: {  	v37 =	vshll.u32 v3, $0x3  }
0xa1: {  	v3 =	vand.u32 $0x7, v3;
	v4 =	vand.u32 $0xFFFFFFC0, v37  }
0xa2: {  	v3 =	vor.u32 v3, v4  }
0xa3: {  	v4 =	vperm.xlane v3, v0;
	_ =	sdelay $0x1  }
0xa4: {  	v4 =	vadd.s32 v1, v4;
	_ =	sdelay $0x4  }
0xa5: {  	[tilespmem:s22], [sflag:$0x6] =	stream.indirect_vreg.gather [hbm4b:s2+s3], $0x80, v4, vm0, $0xb8;
	[tilespmem:$0x1C200] =	vst v63  }
0xa6: {  	s14 =	simm.s32 $0x14A00;
	v3 =	vperm.xlane v3, v2  }
0xa7: {  	[tilespmem:s14], [sflag:$0x6] =	stream.indirect_vreg.gather [hbm4b:s5+s3], $0x80, v4, vm0, $0xb8;
	[tilespmem:$0x1C200] =	vst v63  }
0xa8: {  	v3 =	vadd.s32 v1, v3;
	s14 =	simm.s32 $0x15200  }
0xa9: {  	[tilespmem:s14], [sflag:$0x6] =	stream.indirect_vreg.gather [hbm4b:s6+s3], $0x80, v4, vm0, $0xb8;
	[tilespmem:$0x1C200] =	vst v63  }
0xaa: {  	s14 =	simm.s32 $0x15A00  }
0xab: {  	[tilespmem:s14], [sflag:$0x6] =	stream.indirect_vreg.gather [hbm4b:s7+s3], $0x80, v4, vm0, $0xb8;
	[tilespmem:$0x1C200] =	vst v63  }
0xac: {  	s14 =	simm.s32 $0x16200  }
0xad: {  	[tilespmem:s14], [sflag:$0x6] =	stream.indirect_vreg.gather [hbm4b:s2+s3], $0x80, v3, vm0, $0xb8;
	[tilespmem:$0x1C200] =	vst v63  }
0xae: {  	s14 =	simm.s32 $0x16A00  }
0xaf: {  	[tilespmem:s14], [sflag:$0x6] =	stream.indirect_vreg.gather [hbm4b:s5+s3], $0x80, v3, vm0, $0xb8;
	[tilespmem:$0x1C200] =	vst v63  }
0xb0: {  	s14 =	simm.s32 $0x17200  }
0xb1: {  	[tilespmem:s14], [sflag:$0x6] =	stream.indirect_vreg.gather [hbm4b:s6+s3], $0x80, v3, vm0, $0xb8;
	[tilespmem:$0x1C200] =	vst v63  }
0xb2: {  	s14 =	simm.s32 $0x17A00  }
0xb3: {  	[tilespmem:s14], [sflag:$0x6] =	stream.indirect_vreg.gather [hbm4b:s7+s3], $0x80, v3, vm0, $0xb8;
	[tilespmem:$0x1C200] =	vst v63  }
0xb4: {  	_ =	swait.ge [sflag:s21], $0x4000  }
0xb5: {  	s14 =	sld [smem:$0x7FB]  }
0xb6: {  	[sflag:s21] =	ssyncset.done $0x0  }
0xb7: {  	[sflag:s21] =	ssyncadd.s32 $0xFFFFC000  }
0xb8: {  	[hbm4b:s14+s3] =	stream.linear.scatter [tilespmem:s31], [sflag:$0x8], $0x4000, $0x38;
	[tilespmem:$0x1C200] =	vst v63  }
0xb9: {  	v3 =	vld [tilespmem:$0x60];
	_ =	sdelay $0x4  }
0xba: {  	v38 =	vshll.u32 v3, $0x3  }
0xbb: {  	v3 =	vand.u32 $0x7, v3;
	v4 =	vand.u32 $0xFFFFFFC0, v38  }
0xbc: {  	v3 =	vor.u32 v3, v4  }
0xbd: {  	v4 =	vperm.xlane v3, v0;
	_ =	sdelay $0x1  }
0xbe: {  	v4 =	vadd.s32 v1, v4;
	_ =	sdelay $0x4  }
0xbf: {  	[tilespmem:s18], [sflag:$0x7] =	stream.indirect_vreg.gather [hbm4b:s2+s3], $0x80, v4, vm0, $0xb8;
	[tilespmem:$0x1C200] =	vst v63  }
0xc0: {  	s14 =	simm.s32 $0x18A00;
	v3 =	vperm.xlane v3, v2  }
0xc1: {  	[tilespmem:s14], [sflag:$0x7] =	stream.indirect_vreg.gather [hbm4b:s5+s3], $0x80, v4, vm0, $0xb8;
	[tilespmem:$0x1C200] =	vst v63  }
0xc2: {  	v3 =	vadd.s32 v1, v3;
	s14 =	simm.s32 $0x19200  }
0xc3: {  	[tilespmem:s14], [sflag:$0x7] =	stream.indirect_vreg.gather [hbm4b:s6+s3], $0x80, v4, vm0, $0xb8;
	[tilespmem:$0x1C200] =	vst v63  }
0xc4: {  	s14 =	simm.s32 $0x19A00  }
0xc5: {  	[tilespmem:s14], [sflag:$0x7] =	stream.indirect_vreg.gather [hbm4b:s7+s3], $0x80, v4, vm0, $0xb8;
	[tilespmem:$0x1C200] =	vst v63  }
0xc6: {  	s14 =	simm.s32 $0x1A200  }
0xc7: {  	[tilespmem:s14], [sflag:$0x7] =	stream.indirect_vreg.gather [hbm4b:s2+s3], $0x80, v3, vm0, $0xb8;
	[tilespmem:$0x1C200] =	vst v63  }
0xc8: {  	s14 =	simm.s32 $0x1AA00  }
0xc9: {  	[tilespmem:s14], [sflag:$0x7] =	stream.indirect_vreg.gather [hbm4b:s5+s3], $0x80, v3, vm0, $0xb8;
	[tilespmem:$0x1C200] =	vst v63  }
0xca: {  	s14 =	simm.s32 $0x1B200  }
0xcb: {  	[tilespmem:s14], [sflag:$0x7] =	stream.indirect_vreg.gather [hbm4b:s6+s3], $0x80, v3, vm0, $0xb8;
	[tilespmem:$0x1C200] =	vst v63  }
0xcc: {  	s14 =	simm.s32 $0x1BA00  }
0xcd: {  	[tilespmem:s14], [sflag:$0x7] =	stream.indirect_vreg.gather [hbm4b:s7+s3], $0x80, v3, vm0, $0xb8;
	[tilespmem:$0x1C200] =	vst v63  }
0xce: {  	_ =	swait.ge [sflag:s23], $0x4000  }
0xcf: {  	[sflag:s23] =	ssyncset.done $0x0  }
0xd0: {  	s14 =	rddreg [dreg:$0x5];
	[sflag:s23] =	ssyncadd.s32 $0xFFFFC000  }
0xd1: {  	[hbm4b:s14+s3] =	stream.linear.scatter [tilespmem:s26], [sflag:$0x9], $0x4000, $0x38;
	[tilespmem:$0x1C200] =	vst v63  }
0xd2: {  	_ =	swait.ge [sflag:s24], $0x4000  }
0xd3: {  	[sflag:s24] =	ssyncset.done $0x0  }
0xd4: {  	[sflag:s24] =	ssyncadd.s32 $0xFFFFC000  }
0xd5: {  	v3 =	vld [tilespmem:$0x70];
	_ =	sdelay $0x4  }
0xd6: {  	v39 =	vshll.u32 v3, $0x3  }
0xd7: {  	v3 =	vand.u32 $0x7, v3;
	v4 =	vand.u32 $0xFFFFFFC0, v39  }
0xd8: {  	v3 =	vor.u32 v3, v4  }
0xd9: {  	v4 =	vperm.xlane v3, v0;
	_ =	sdelay $0x1  }
0xda: {  	v4 =	vadd.s32 v1, v4;
	_ =	sdelay $0x4  }
0xdb: {  	[tilespmem:s31], [sflag:$0x1] =	stream.indirect_vreg.gather [hbm4b:s2+s3], $0x80, v4, vm0, $0xb8;
	[tilespmem:$0x1C200] =	vst v63  }
0xdc: {  	s15 =	simm.s32 $0xA00;
	v3 =	vperm.xlane v3, v2  }
0xdd: {  	[tilespmem:s15], [sflag:$0x1] =	stream.indirect_vreg.gather [hbm4b:s5+s3], $0x80, v4, vm0, $0xb8;
	[tilespmem:$0x1C200] =	vst v63  }
0xde: {  	s19 =	simm.s32 $0x1200;
	v3 =	vadd.s32 v1, v3  }
0xdf: {  	[tilespmem:s19], [sflag:$0x1] =	stream.indirect_vreg.gather [hbm4b:s6+s3], $0x80, v4, vm0, $0xb8;
	[tilespmem:$0x1C200] =	vst v63  }
0xe0: {  	s15 =	simm.s32 $0x1A00  }
0xe1: {  	[tilespmem:s15], [sflag:$0x1] =	stream.indirect_vreg.gather [hbm4b:s7+s3], $0x80, v4, vm0, $0xb8;
	[tilespmem:$0x1C200] =	vst v63  }
0xe2: {  	s19 =	simm.s32 $0x2200  }
0xe3: {  	[tilespmem:s19], [sflag:$0x1] =	stream.indirect_vreg.gather [hbm4b:s2+s3], $0x80, v3, vm0, $0xb8;
	[tilespmem:$0x1C200] =	vst v63  }
0xe4: {  	s15 =	simm.s32 $0x2A00  }
0xe5: {  	[tilespmem:s15], [sflag:$0x1] =	stream.indirect_vreg.gather [hbm4b:s5+s3], $0x80, v3, vm0, $0xb8;
	[tilespmem:$0x1C200] =	vst v63  }
0xe6: {  	s19 =	simm.s32 $0x3200  }
0xe7: {  	[tilespmem:s19], [sflag:$0x1] =	stream.indirect_vreg.gather [hbm4b:s6+s3], $0x80, v3, vm0, $0xb8;
	[tilespmem:$0x1C200] =	vst v63  }
0xe8: {  	s16 =	simm.s32 $0x3A00  }
0xe9: {  	[tilespmem:s16], [sflag:$0x1] =	stream.indirect_vreg.gather [hbm4b:s7+s3], $0x80, v3, vm0, $0xb8;
	[tilespmem:$0x1C200] =	vst v63  }
0xea: {  	_ =	swait.ge [sflag:s25], $0x4000  }
0xeb: {  	[sflag:s25] =	ssyncset.done $0x0  }
0xec: {  	s15 =	rddreg [dreg:$0x6];
	[sflag:s25] =	ssyncadd.s32 $0xFFFFC000  }
0xed: {  	[hbm4b:s15+s3] =	stream.linear.scatter [tilespmem:s4], [sflag:$0xA], $0x4000, $0x38;
	[tilespmem:$0x1C200] =	vst v63  }
0xee: {  	_ =	swait.ge [sflag:s28], $0x4000  }
0xef: {  	[sflag:s28] =	ssyncset.done $0x0  }
0xf0: {  	[sflag:s28] =	ssyncadd.s32 $0xFFFFC000  }
0xf1: {  	v3 =	vld [tilespmem:$0x80];
	_ =	sdelay $0x4  }
0xf2: {  	v40 =	vshll.u32 v3, $0x3  }
0xf3: {  	v3 =	vand.u32 $0x7, v3;
	v4 =	vand.u32 $0xFFFFFFC0, v40  }
0xf4: {  	v3 =	vor.u32 v3, v4  }
0xf5: {  	v4 =	vperm.xlane v3, v0;
	_ =	sdelay $0x1  }
0xf6: {  	v4 =	vadd.s32 v1, v4;
	_ =	sdelay $0x4  }
0xf7: {  	[tilespmem:s26], [sflag:$0x2] =	stream.indirect_vreg.gather [hbm4b:s2+s3], $0x80, v4, vm0, $0xb8;
	[tilespmem:$0x1C200] =	vst v63  }
0xf8: {  	s19 =	simm.s32 $0x4A00;
	v3 =	vperm.xlane v3, v2  }
0xf9: {  	[tilespmem:s19], [sflag:$0x2] =	stream.indirect_vreg.gather [hbm4b:s5+s3], $0x80, v4, vm0, $0xb8;
	[tilespmem:$0x1C200] =	vst v63  }
0xfa: {  	s16 =	simm.s32 $0x5200;
	v3 =	vadd.s32 v1, v3  }
0xfb: {  	[tilespmem:s16], [sflag:$0x2] =	stream.indirect_vreg.gather [hbm4b:s6+s3], $0x80, v4, vm0, $0xb8;
	[tilespmem:$0x1C200] =	vst v63  }
0xfc: {  	s15 =	simm.s32 $0x5A00  }
0xfd: {  	[tilespmem:s15], [sflag:$0x2] =	stream.indirect_vreg.gather [hbm4b:s7+s3], $0x80, v4, vm0, $0xb8;
	[tilespmem:$0x1C200] =	vst v63  }
0xfe: {  	s16 =	simm.s32 $0x6200  }
0xff: {  	[tilespmem:s16], [sflag:$0x2] =	stream.indirect_vreg.gather [hbm4b:s2+s3], $0x80, v3, vm0, $0xb8;
	[tilespmem:$0x1C200] =	vst v63  }
0x100: {  	s15 =	simm.s32 $0x6A00  }
0x101: {  	[tilespmem:s15], [sflag:$0x2] =	stream.indirect_vreg.gather [hbm4b:s5+s3], $0x80, v3, vm0, $0xb8;
	[tilespmem:$0x1C200] =	vst v63  }
0x102: {  	s16 =	simm.s32 $0x7200  }
0x103: {  	[tilespmem:s16], [sflag:$0x2] =	stream.indirect_vreg.gather [hbm4b:s6+s3], $0x80, v3, vm0, $0xb8;
	[tilespmem:$0x1C200] =	vst v63  }
0x104: {  	s14 =	simm.s32 $0x7A00  }
0x105: {  	[tilespmem:s14], [sflag:$0x2] =	stream.indirect_vreg.gather [hbm4b:s7+s3], $0x80, v3, vm0, $0xb8;
	[tilespmem:$0x1C200] =	vst v63  }
0x106: {  	_ =	swait.ge [sflag:s29], $0x4000  }
0x107: {  	[sflag:s29] =	ssyncset.done $0x0  }
0x108: {  	s14 =	rddreg [dreg:$0x7];
	[sflag:s29] =	ssyncadd.s32 $0xFFFFC000  }
0x109: {  	[hbm4b:s14+s3] =	stream.linear.scatter [tilespmem:s9], [sflag:$0xB], $0x4000, $0x38;
	[tilespmem:$0x1C200] =	vst v63  }
0x10a: {  	_ =	swait.ge [sflag:s30], $0x4000  }
0x10b: {  	[sflag:s30] =	ssyncset.done $0x0  }
0x10c: {  	[sflag:s30] =	ssyncadd.s32 $0xFFFFC000  }
0x10d: {  	v3 =	vld [tilespmem:$0x90];
	_ =	sdelay $0x4  }
0x10e: {  	v41 =	vshll.u32 v3, $0x3  }
0x10f: {  	v3 =	vand.u32 $0x7, v3;
	v4 =	vand.u32 $0xFFFFFFC0, v41  }
0x110: {  	v3 =	vor.u32 v3, v4  }
0x111: {  	v4 =	vperm.xlane v3, v0;
	_ =	sdelay $0x1  }
0x112: {  	v4 =	vadd.s32 v1, v4;
	_ =	sdelay $0x4  }
0x113: {  	[tilespmem:s4], [sflag:$0x3] =	stream.indirect_vreg.gather [hbm4b:s2+s3], $0x80, v4, vm0, $0xb8;
	[tilespmem:$0x1C200] =	vst v63  }
0x114: {  	s14 =	simm.s32 $0x8A00;
	v3 =	vperm.xlane v3, v2  }
0x115: {  	[tilespmem:s14], [sflag:$0x3] =	stream.indirect_vreg.gather [hbm4b:s5+s3], $0x80, v4, vm0, $0xb8;
	[tilespmem:$0x1C200] =	vst v63  }
0x116: {  	v3 =	vadd.s32 v1, v3;
	s14 =	simm.s32 $0x9200  }
0x117: {  	[tilespmem:s14], [sflag:$0x3] =	stream.indirect_vreg.gather [hbm4b:s6+s3], $0x80, v4, vm0, $0xb8;
	[tilespmem:$0x1C200] =	vst v63  }
0x118: {  	s14 =	simm.s32 $0x9A00  }
0x119: {  	[tilespmem:s14], [sflag:$0x3] =	stream.indirect_vreg.gather [hbm4b:s7+s3], $0x80, v4, vm0, $0xb8;
	[tilespmem:$0x1C200] =	vst v63  }
0x11a: {  	s14 =	simm.s32 $0xA200  }
0x11b: {  	[tilespmem:s14], [sflag:$0x3] =	stream.indirect_vreg.gather [hbm4b:s2+s3], $0x80, v3, vm0, $0xb8;
	[tilespmem:$0x1C200] =	vst v63  }
0x11c: {  	s14 =	simm.s32 $0xAA00  }
0x11d: {  	[tilespmem:s14], [sflag:$0x3] =	stream.indirect_vreg.gather [hbm4b:s5+s3], $0x80, v3, vm0, $0xb8;
	[tilespmem:$0x1C200] =	vst v63  }
0x11e: {  	s14 =	simm.s32 $0xB200  }
0x11f: {  	[tilespmem:s14], [sflag:$0x3] =	stream.indirect_vreg.gather [hbm4b:s6+s3], $0x80, v3, vm0, $0xb8;
	[tilespmem:$0x1C200] =	vst v63  }
0x120: {  	s14 =	simm.s32 $0xBA00  }
0x121: {  	[tilespmem:s14], [sflag:$0x3] =	stream.indirect_vreg.gather [hbm4b:s7+s3], $0x80, v3, vm0, $0xb8;
	[tilespmem:$0x1C200] =	vst v63  }
0x122: {  	_ =	swait.ge [sflag:s17], $0x4000  }
0x123: {  	[sflag:s17] =	ssyncset.done $0x0  }
0x124: {  	s14 =	rddreg [dreg:$0x8];
	[sflag:s17] =	ssyncadd.s32 $0xFFFFC000  }
0x125: {  	[hbm4b:s14+s3] =	stream.linear.scatter [tilespmem:s20], [sflag:$0xC], $0x4000, $0x38;
	[tilespmem:$0x1C200] =	vst v63  }
0x126: {  	_ =	swait.ge [sflag:s0], $0x4000  }
0x127: {  	[sflag:s0] =	ssyncset.done $0x0  }
0x128: {  	[sflag:s0] =	ssyncadd.s32 $0xFFFFC000  }
0x129: {  	v3 =	vld [tilespmem:$0xA0];
	_ =	sdelay $0x4  }
0x12a: {  	v42 =	vshll.u32 v3, $0x3  }
0x12b: {  	v3 =	vand.u32 $0x7, v3;
	v4 =	vand.u32 $0xFFFFFFC0, v42  }
0x12c: {  	v3 =	vor.u32 v3, v4  }
0x12d: {  	v4 =	vperm.xlane v3, v0;
	_ =	sdelay $0x1  }
0x12e: {  	v4 =	vadd.s32 v1, v4;
	_ =	sdelay $0x4  }
0x12f: {  	[tilespmem:s9], [sflag:$0x4] =	stream.indirect_vreg.gather [hbm4b:s2+s3], $0x80, v4, vm0, $0xb8;
	[tilespmem:$0x1C200] =	vst v63  }
0x130: {  	s14 =	simm.s32 $0xCA00;
	v3 =	vperm.xlane v3, v2  }
0x131: {  	[tilespmem:s14], [sflag:$0x4] =	stream.indirect_vreg.gather [hbm4b:s5+s3], $0x80, v4, vm0, $0xb8;
	[tilespmem:$0x1C200] =	vst v63  }
0x132: {  	v3 =	vadd.s32 v1, v3;
	s14 =	simm.s32 $0xD200  }
0x133: {  	[tilespmem:s14], [sflag:$0x4] =	stream.indirect_vreg.gather [hbm4b:s6+s3], $0x80, v4, vm0, $0xb8;
	[tilespmem:$0x1C200] =	vst v63  }
0x134: {  	s14 =	simm.s32 $0xDA00  }
0x135: {  	[tilespmem:s14], [sflag:$0x4] =	stream.indirect_vreg.gather [hbm4b:s7+s3], $0x80, v4, vm0, $0xb8;
	[tilespmem:$0x1C200] =	vst v63  }
0x136: {  	s14 =	simm.s32 $0xE200  }
0x137: {  	[tilespmem:s14], [sflag:$0x4] =	stream.indirect_vreg.gather [hbm4b:s2+s3], $0x80, v3, vm0, $0xb8;
	[tilespmem:$0x1C200] =	vst v63  }
0x138: {  	s14 =	simm.s32 $0xEA00  }
0x139: {  	[tilespmem:s14], [sflag:$0x4] =	stream.indirect_vreg.gather [hbm4b:s5+s3], $0x80, v3, vm0, $0xb8;
	[tilespmem:$0x1C200] =	vst v63  }
0x13a: {  	s14 =	simm.s32 $0xF200  }
0x13b: {  	[tilespmem:s14], [sflag:$0x4] =	stream.indirect_vreg.gather [hbm4b:s6+s3], $0x80, v3, vm0, $0xb8;
	[tilespmem:$0x1C200] =	vst v63  }
0x13c: {  	s14 =	simm.s32 $0xFA00  }
0x13d: {  	[tilespmem:s14], [sflag:$0x4] =	stream.indirect_vreg.gather [hbm4b:s7+s3], $0x80, v3, vm0, $0xb8;
	[tilespmem:$0x1C200] =	vst v63  }
0x13e: {  	_ =	swait.ge [sflag:s1], $0x4000  }
0x13f: {  	[sflag:s1] =	ssyncset.done $0x0  }
0x140: {  	s14 =	rddreg [dreg:$0x9];
	[sflag:s1] =	ssyncadd.s32 $0xFFFFC000  }
0x141: {  	[hbm4b:s14+s3] =	stream.linear.scatter [tilespmem:s22], [sflag:$0xD], $0x4000, $0x38;
	[tilespmem:$0x1C200] =	vst v63  }
0x142: {  	_ =	swait.ge [sflag:s10], $0x4000  }
0x143: {  	[sflag:s10] =	ssyncset.done $0x0  }
0x144: {  	[sflag:s10] =	ssyncadd.s32 $0xFFFFC000  }
0x145: {  	v3 =	vld [tilespmem:$0xB0];
	_ =	sdelay $0x4  }
0x146: {  	v43 =	vshll.u32 v3, $0x3  }
0x147: {  	v3 =	vand.u32 $0x7, v3;
	v4 =	vand.u32 $0xFFFFFFC0, v43  }
0x148: {  	v3 =	vor.u32 v3, v4  }
0x149: {  	v4 =	vperm.xlane v3, v0;
	_ =	sdelay $0x1  }
0x14a: {  	v4 =	vadd.s32 v1, v4;
	_ =	sdelay $0x4  }
0x14b: {  	[tilespmem:s20], [sflag:$0x5] =	stream.indirect_vreg.gather [hbm4b:s2+s3], $0x80, v4, vm0, $0xb8;
	[tilespmem:$0x1C200] =	vst v63  }
0x14c: {  	s14 =	simm.s32 $0x10A00;
	v3 =	vperm.xlane v3, v2  }
0x14d: {  	[tilespmem:s14], [sflag:$0x5] =	stream.indirect_vreg.gather [hbm4b:s5+s3], $0x80, v4, vm0, $0xb8;
	[tilespmem:$0x1C200] =	vst v63  }
0x14e: {  	v3 =	vadd.s32 v1, v3;
	s14 =	simm.s32 $0x11200  }
0x14f: {  	[tilespmem:s14], [sflag:$0x5] =	stream.indirect_vreg.gather [hbm4b:s6+s3], $0x80, v4, vm0, $0xb8;
	[tilespmem:$0x1C200] =	vst v63  }
0x150: {  	s14 =	simm.s32 $0x11A00  }
0x151: {  	[tilespmem:s14], [sflag:$0x5] =	stream.indirect_vreg.gather [hbm4b:s7+s3], $0x80, v4, vm0, $0xb8;
	[tilespmem:$0x1C200] =	vst v63  }
0x152: {  	s14 =	simm.s32 $0x12200  }
0x153: {  	[tilespmem:s14], [sflag:$0x5] =	stream.indirect_vreg.gather [hbm4b:s2+s3], $0x80, v3, vm0, $0xb8;
	[tilespmem:$0x1C200] =	vst v63  }
0x154: {  	s14 =	simm.s32 $0x12A00  }
0x155: {  	[tilespmem:s14], [sflag:$0x5] =	stream.indirect_vreg.gather [hbm4b:s5+s3], $0x80, v3, vm0, $0xb8;
	[tilespmem:$0x1C200] =	vst v63  }
0x156: {  	s14 =	simm.s32 $0x13200  }
0x157: {  	[tilespmem:s14], [sflag:$0x5] =	stream.indirect_vreg.gather [hbm4b:s6+s3], $0x80, v3, vm0, $0xb8;
	[tilespmem:$0x1C200] =	vst v63  }
0x158: {  	s14 =	simm.s32 $0x13A00  }
0x159: {  	[tilespmem:s14], [sflag:$0x5] =	stream.indirect_vreg.gather [hbm4b:s7+s3], $0x80, v3, vm0, $0xb8;
	[tilespmem:$0x1C200] =	vst v63  }
0x15a: {  	_ =	swait.ge [sflag:s11], $0x4000  }
0x15b: {  	[sflag:s11] =	ssyncset.done $0x0  }
0x15c: {  	s14 =	rddreg [dreg:$0xa];
	[sflag:s11] =	ssyncadd.s32 $0xFFFFC000  }
0x15d: {  	[hbm4b:s14+s3] =	stream.linear.scatter [tilespmem:s18], [sflag:$0xE], $0x4000, $0x38;
	[tilespmem:$0x1C200] =	vst v63  }
0x15e: {  	_ =	swait.ge [sflag:s12], $0x4000  }
0x15f: {  	[sflag:s12] =	ssyncset.done $0x0  }
0x160: {  	[sflag:s12] =	ssyncadd.s32 $0xFFFFC000  }
0x161: {  	v3 =	vld [tilespmem:$0xC0];
	_ =	sdelay $0x4  }
0x162: {  	v44 =	vshll.u32 v3, $0x3  }
0x163: {  	v3 =	vand.u32 $0x7, v3;
	v4 =	vand.u32 $0xFFFFFFC0, v44  }
0x164: {  	v3 =	vor.u32 v3, v4  }
0x165: {  	v4 =	vperm.xlane v3, v0;
	_ =	sdelay $0x1  }
0x166: {  	v4 =	vadd.s32 v1, v4;
	_ =	sdelay $0x4  }
0x167: {  	[tilespmem:s22], [sflag:$0x6] =	stream.indirect_vreg.gather [hbm4b:s2+s3], $0x80, v4, vm0, $0xb8;
	[tilespmem:$0x1C200] =	vst v63  }
0x168: {  	s14 =	simm.s32 $0x14A00;
	v3 =	vperm.xlane v3, v2  }
0x169: {  	[tilespmem:s14], [sflag:$0x6] =	stream.indirect_vreg.gather [hbm4b:s5+s3], $0x80, v4, vm0, $0xb8;
	[tilespmem:$0x1C200] =	vst v63  }
0x16a: {  	v3 =	vadd.s32 v1, v3;
	s14 =	simm.s32 $0x15200  }
0x16b: {  	[tilespmem:s14], [sflag:$0x6] =	stream.indirect_vreg.gather [hbm4b:s6+s3], $0x80, v4, vm0, $0xb8;
	[tilespmem:$0x1C200] =	vst v63  }
0x16c: {  	s14 =	simm.s32 $0x15A00  }
0x16d: {  	[tilespmem:s14], [sflag:$0x6] =	stream.indirect_vreg.gather [hbm4b:s7+s3], $0x80, v4, vm0, $0xb8;
	[tilespmem:$0x1C200] =	vst v63  }
0x16e: {  	s14 =	simm.s32 $0x16200  }
0x16f: {  	[tilespmem:s14], [sflag:$0x6] =	stream.indirect_vreg.gather [hbm4b:s2+s3], $0x80, v3, vm0, $0xb8;
	[tilespmem:$0x1C200] =	vst v63  }
0x170: {  	s14 =	simm.s32 $0x16A00  }
0x171: {  	[tilespmem:s14], [sflag:$0x6] =	stream.indirect_vreg.gather [hbm4b:s5+s3], $0x80, v3, vm0, $0xb8;
	[tilespmem:$0x1C200] =	vst v63  }
0x172: {  	s14 =	simm.s32 $0x17200  }
0x173: {  	[tilespmem:s14], [sflag:$0x6] =	stream.indirect_vreg.gather [hbm4b:s6+s3], $0x80, v3, vm0, $0xb8;
	[tilespmem:$0x1C200] =	vst v63  }
0x174: {  	s14 =	simm.s32 $0x17A00  }
0x175: {  	[tilespmem:s14], [sflag:$0x6] =	stream.indirect_vreg.gather [hbm4b:s7+s3], $0x80, v3, vm0, $0xb8;
	[tilespmem:$0x1C200] =	vst v63  }
0x176: {  	_ =	swait.ge [sflag:s21], $0x4000  }
0x177: {  	[sflag:s21] =	ssyncset.done $0x0  }
0x178: {  	s14 =	rddreg [dreg:$0xb];
	[sflag:s21] =	ssyncadd.s32 $0xFFFFC000  }
0x179: {  	[hbm4b:s14+s3] =	stream.linear.scatter [tilespmem:s31], [sflag:$0x8], $0x4000, $0x38;
	[tilespmem:$0x1C200] =	vst v63  }
0x17a: {  	_ =	swait.ge [sflag:s13], $0x4000  }
0x17b: {  	[sflag:s13] =	ssyncset.done $0x0  }
0x17c: {  	[sflag:s13] =	ssyncadd.s32 $0xFFFFC000  }
0x17d: {  	v3 =	vld [tilespmem:$0xD0];
	_ =	sdelay $0x4  }
0x17e: {  	v45 =	vshll.u32 v3, $0x3  }
0x17f: {  	v3 =	vand.u32 $0x7, v3;
	v4 =	vand.u32 $0xFFFFFFC0, v45  }
0x180: {  	v3 =	vor.u32 v3, v4  }
0x181: {  	v4 =	vperm.xlane v3, v0;
	_ =	sdelay $0x1  }
0x182: {  	v4 =	vadd.s32 v1, v4;
	_ =	sdelay $0x4  }
0x183: {  	[tilespmem:s18], [sflag:$0x7] =	stream.indirect_vreg.gather [hbm4b:s2+s3], $0x80, v4, vm0, $0xb8;
	[tilespmem:$0x1C200] =	vst v63  }
0x184: {  	s14 =	simm.s32 $0x18A00;
	v3 =	vperm.xlane v3, v2  }
0x185: {  	[tilespmem:s14], [sflag:$0x7] =	stream.indirect_vreg.gather [hbm4b:s5+s3], $0x80, v4, vm0, $0xb8;
	[tilespmem:$0x1C200] =	vst v63  }
0x186: {  	v3 =	vadd.s32 v1, v3;
	s14 =	simm.s32 $0x19200  }
0x187: {  	[tilespmem:s14], [sflag:$0x7] =	stream.indirect_vreg.gather [hbm4b:s6+s3], $0x80, v4, vm0, $0xb8;
	[tilespmem:$0x1C200] =	vst v63  }
0x188: {  	s14 =	simm.s32 $0x19A00  }
0x189: {  	[tilespmem:s14], [sflag:$0x7] =	stream.indirect_vreg.gather [hbm4b:s7+s3], $0x80, v4, vm0, $0xb8;
	[tilespmem:$0x1C200] =	vst v63  }
0x18a: {  	s14 =	simm.s32 $0x1A200  }
0x18b: {  	[tilespmem:s14], [sflag:$0x7] =	stream.indirect_vreg.gather [hbm4b:s2+s3], $0x80, v3, vm0, $0xb8;
	[tilespmem:$0x1C200] =	vst v63  }
0x18c: {  	s14 =	simm.s32 $0x1AA00  }
0x18d: {  	[tilespmem:s14], [sflag:$0x7] =	stream.indirect_vreg.gather [hbm4b:s5+s3], $0x80, v3, vm0, $0xb8;
	[tilespmem:$0x1C200] =	vst v63  }
0x18e: {  	s14 =	simm.s32 $0x1B200  }
0x18f: {  	[tilespmem:s14], [sflag:$0x7] =	stream.indirect_vreg.gather [hbm4b:s6+s3], $0x80, v3, vm0, $0xb8;
	[tilespmem:$0x1C200] =	vst v63  }
0x190: {  	s14 =	simm.s32 $0x1BA00  }
0x191: {  	[tilespmem:s14], [sflag:$0x7] =	stream.indirect_vreg.gather [hbm4b:s7+s3], $0x80, v3, vm0, $0xb8;
	[tilespmem:$0x1C200] =	vst v63  }
0x192: {  	_ =	swait.ge [sflag:s23], $0x4000  }
0x193: {  	[sflag:s23] =	ssyncset.done $0x0  }
0x194: {  	s14 =	rddreg [dreg:$0xc];
	[sflag:s23] =	ssyncadd.s32 $0xFFFFC000  }
0x195: {  	[hbm4b:s14+s3] =	stream.linear.scatter [tilespmem:s26], [sflag:$0x9], $0x4000, $0x38;
	[tilespmem:$0x1C200] =	vst v63  }
0x196: {  	_ =	swait.ge [sflag:s24], $0x4000  }
0x197: {  	[sflag:s24] =	ssyncset.done $0x0  }
0x198: {  	[sflag:s24] =	ssyncadd.s32 $0xFFFFC000  }
0x199: {  	v3 =	vld [tilespmem:$0xE0];
	_ =	sdelay $0x4  }
0x19a: {  	v46 =	vshll.u32 v3, $0x3  }
0x19b: {  	v3 =	vand.u32 $0x7, v3;
	v4 =	vand.u32 $0xFFFFFFC0, v46  }
0x19c: {  	v3 =	vor.u32 v3, v4  }
0x19d: {  	v4 =	vperm.xlane v3, v0;
	_ =	sdelay $0x1  }
0x19e: {  	v4 =	vadd.s32 v1, v4;
	_ =	sdelay $0x4  }
0x19f: {  	[tilespmem:s31], [sflag:$0x1] =	stream.indirect_vreg.gather [hbm4b:s2+s3], $0x80, v4, vm0, $0xb8;
	[tilespmem:$0x1C200] =	vst v63  }
0x1a0: {  	s14 =	simm.s32 $0xA00;
	v3 =	vperm.xlane v3, v2  }
0x1a1: {  	[tilespmem:s14], [sflag:$0x1] =	stream.indirect_vreg.gather [hbm4b:s5+s3], $0x80, v4, vm0, $0xb8;
	[tilespmem:$0x1C200] =	vst v63  }
0x1a2: {  	v3 =	vadd.s32 v1, v3;
	s14 =	simm.s32 $0x1200  }
0x1a3: {  	[tilespmem:s14], [sflag:$0x1] =	stream.indirect_vreg.gather [hbm4b:s6+s3], $0x80, v4, vm0, $0xb8;
	[tilespmem:$0x1C200] =	vst v63  }
0x1a4: {  	s14 =	simm.s32 $0x1A00  }
0x1a5: {  	[tilespmem:s14], [sflag:$0x1] =	stream.indirect_vreg.gather [hbm4b:s7+s3], $0x80, v4, vm0, $0xb8;
	[tilespmem:$0x1C200] =	vst v63  }
0x1a6: {  	s14 =	simm.s32 $0x2200  }
0x1a7: {  	[tilespmem:s14], [sflag:$0x1] =	stream.indirect_vreg.gather [hbm4b:s2+s3], $0x80, v3, vm0, $0xb8;
	[tilespmem:$0x1C200] =	vst v63  }
0x1a8: {  	s14 =	simm.s32 $0x2A00  }
0x1a9: {  	[tilespmem:s14], [sflag:$0x1] =	stream.indirect_vreg.gather [hbm4b:s5+s3], $0x80, v3, vm0, $0xb8;
	[tilespmem:$0x1C200] =	vst v63  }
0x1aa: {  	s14 =	simm.s32 $0x3200  }
0x1ab: {  	[tilespmem:s14], [sflag:$0x1] =	stream.indirect_vreg.gather [hbm4b:s6+s3], $0x80, v3, vm0, $0xb8;
	[tilespmem:$0x1C200] =	vst v63  }
0x1ac: {  	s14 =	simm.s32 $0x3A00  }
0x1ad: {  	[tilespmem:s14], [sflag:$0x1] =	stream.indirect_vreg.gather [hbm4b:s7+s3], $0x80, v3, vm0, $0xb8;
	[tilespmem:$0x1C200] =	vst v63  }
0x1ae: {  	_ =	swait.ge [sflag:s25], $0x4000  }
0x1af: {  	[sflag:s25] =	ssyncset.done $0x0  }
0x1b0: {  	s14 =	rddreg [dreg:$0xd];
	[sflag:s25] =	ssyncadd.s32 $0xFFFFC000  }
0x1b1: {  	[hbm4b:s14+s3] =	stream.linear.scatter [tilespmem:s4], [sflag:$0xA], $0x4000, $0x38;
	[tilespmem:$0x1C200] =	vst v63  }
0x1b2: {  	_ =	swait.ge [sflag:s28], $0x4000  }
0x1b3: {  	[sflag:s28] =	ssyncset.done $0x0  }
0x1b4: {  	[sflag:s28] =	ssyncadd.s32 $0xFFFFC000  }
0x1b5: {  	v3 =	vld [tilespmem:$0xF0];
	_ =	sdelay $0x4  }
0x1b6: {  	v47 =	vshll.u32 v3, $0x3  }
0x1b7: {  	v3 =	vand.u32 $0x7, v3;
	v4 =	vand.u32 $0xFFFFFFC0, v47  }
0x1b8: {  	v3 =	vor.u32 v3, v4  }
0x1b9: {  	v4 =	vperm.xlane v3, v0;
	_ =	sdelay $0x1  }
0x1ba: {  	v4 =	vadd.s32 v1, v4;
	_ =	sdelay $0x4  }
0x1bb: {  	[tilespmem:s26], [sflag:$0x2] =	stream.indirect_vreg.gather [hbm4b:s2+s3], $0x80, v4, vm0, $0xb8;
	[tilespmem:$0x1C200] =	vst v63  }
0x1bc: {  	v3 =	vperm.xlane v3, v2  }
0x1bd: {  	[tilespmem:s19], [sflag:$0x2] =	stream.indirect_vreg.gather [hbm4b:s5+s3], $0x80, v4, vm0, $0xb8;
	[tilespmem:$0x1C200] =	vst v63  }
0x1be: {  	v3 =	vadd.s32 v1, v3;
	s19 =	simm.s32 $0x5200  }
0x1bf: {  	[tilespmem:s19], [sflag:$0x2] =	stream.indirect_vreg.gather [hbm4b:s6+s3], $0x80, v4, vm0, $0xb8;
	[tilespmem:$0x1C200] =	vst v63  }
0x1c0: {  	s19 =	simm.s32 $0x5A00  }
0x1c1: {  	[tilespmem:s19], [sflag:$0x2] =	stream.indirect_vreg.gather [hbm4b:s7+s3], $0x80, v4, vm0, $0xb8;
	[tilespmem:$0x1C200] =	vst v63  }
0x1c2: {  	s19 =	simm.s32 $0x6200  }
0x1c3: {  	[tilespmem:s19], [sflag:$0x2] =	stream.indirect_vreg.gather [hbm4b:s2+s3], $0x80, v3, vm0, $0xb8;
	[tilespmem:$0x1C200] =	vst v63  }
0x1c4: {  	_ = 	snop  }
0x1c5: {  	[tilespmem:s15], [sflag:$0x2] =	stream.indirect_vreg.gather [hbm4b:s5+s3], $0x80, v3, vm0, $0xb8;
	[tilespmem:$0x1C200] =	vst v63  }
0x1c6: {  	_ = 	snop  }
0x1c7: {  	[tilespmem:s16], [sflag:$0x2] =	stream.indirect_vreg.gather [hbm4b:s6+s3], $0x80, v3, vm0, $0xb8;
	[tilespmem:$0x1C200] =	vst v63  }
0x1c8: {  	s16 =	simm.s32 $0x7A00  }
0x1c9: {  	[tilespmem:s16], [sflag:$0x2] =	stream.indirect_vreg.gather [hbm4b:s7+s3], $0x80, v3, vm0, $0xb8;
	[tilespmem:$0x1C200] =	vst v63  }
0x1ca: {  	_ =	swait.ge [sflag:s29], $0x4000  }
0x1cb: {  	[sflag:s29] =	ssyncset.done $0x0  }
0x1cc: {  	s15 =	rddreg [dreg:$0xe];
	[sflag:s29] =	ssyncadd.s32 $0xFFFFC000  }
0x1cd: {  	[hbm4b:s15+s3] =	stream.linear.scatter [tilespmem:s9], [sflag:$0xB], $0x4000, $0x38;
	[tilespmem:$0x1C200] =	vst v63  }
0x1ce: {  	_ =	swait.ge [sflag:s30], $0x4000  }
0x1cf: {  	[sflag:s30] =	ssyncset.done $0x0  }
0x1d0: {  	[sflag:s30] =	ssyncadd.s32 $0xFFFFC000  }
0x1d1: {  	v3 =	vld [tilespmem:$0x100];
	_ =	sdelay $0x4  }
0x1d2: {  	v48 =	vshll.u32 v3, $0x3  }
0x1d3: {  	v3 =	vand.u32 $0x7, v3;
	v4 =	vand.u32 $0xFFFFFFC0, v48  }
0x1d4: {  	v3 =	vor.u32 v3, v4  }
0x1d5: {  	v4 =	vperm.xlane v3, v0;
	_ =	sdelay $0x1  }
0x1d6: {  	v4 =	vadd.s32 v1, v4;
	_ =	sdelay $0x4  }
0x1d7: {  	[tilespmem:s4], [sflag:$0x3] =	stream.indirect_vreg.gather [hbm4b:s2+s3], $0x80, v4, vm0, $0xb8;
	[tilespmem:$0x1C200] =	vst v63  }
0x1d8: {  	s16 =	simm.s32 $0x8A00;
	v3 =	vperm.xlane v3, v2  }
0x1d9: {  	[tilespmem:s16], [sflag:$0x3] =	stream.indirect_vreg.gather [hbm4b:s5+s3], $0x80, v4, vm0, $0xb8;
	[tilespmem:$0x1C200] =	vst v63  }
0x1da: {  	s15 =	simm.s32 $0x9200;
	v3 =	vadd.s32 v1, v3  }
0x1db: {  	[tilespmem:s15], [sflag:$0x3] =	stream.indirect_vreg.gather [hbm4b:s6+s3], $0x80, v4, vm0, $0xb8;
	[tilespmem:$0x1C200] =	vst v63  }
0x1dc: {  	s16 =	simm.s32 $0x9A00  }
0x1dd: {  	[tilespmem:s16], [sflag:$0x3] =	stream.indirect_vreg.gather [hbm4b:s7+s3], $0x80, v4, vm0, $0xb8;
	[tilespmem:$0x1C200] =	vst v63  }
0x1de: {  	s15 =	simm.s32 $0xA200  }
0x1df: {  	[tilespmem:s15], [sflag:$0x3] =	stream.indirect_vreg.gather [hbm4b:s2+s3], $0x80, v3, vm0, $0xb8;
	[tilespmem:$0x1C200] =	vst v63  }
0x1e0: {  	s16 =	simm.s32 $0xAA00  }
0x1e1: {  	[tilespmem:s16], [sflag:$0x3] =	stream.indirect_vreg.gather [hbm4b:s5+s3], $0x80, v3, vm0, $0xb8;
	[tilespmem:$0x1C200] =	vst v63  }
0x1e2: {  	s15 =	simm.s32 $0xB200  }
0x1e3: {  	[tilespmem:s15], [sflag:$0x3] =	stream.indirect_vreg.gather [hbm4b:s6+s3], $0x80, v3, vm0, $0xb8;
	[tilespmem:$0x1C200] =	vst v63  }
0x1e4: {  	s16 =	simm.s32 $0xBA00  }
0x1e5: {  	[tilespmem:s16], [sflag:$0x3] =	stream.indirect_vreg.gather [hbm4b:s7+s3], $0x80, v3, vm0, $0xb8;
	[tilespmem:$0x1C200] =	vst v63  }
0x1e6: {  	_ =	swait.ge [sflag:s17], $0x4000  }
0x1e7: {  	[sflag:s17] =	ssyncset.done $0x0  }
0x1e8: {  	s15 =	rddreg [dreg:$0xf];
	[sflag:s17] =	ssyncadd.s32 $0xFFFFC000  }
0x1e9: {  	[hbm4b:s15+s3] =	stream.linear.scatter [tilespmem:s20], [sflag:$0xC], $0x4000, $0x38;
	[tilespmem:$0x1C200] =	vst v63  }
0x1ea: {  	_ =	swait.ge [sflag:s0], $0x4000  }
0x1eb: {  	[sflag:s0] =	ssyncset.done $0x0  }
0x1ec: {  	[sflag:s0] =	ssyncadd.s32 $0xFFFFC000  }
0x1ed: {  	v3 =	vld [tilespmem:$0x110];
	_ =	sdelay $0x4  }
0x1ee: {  	v49 =	vshll.u32 v3, $0x3  }
0x1ef: {  	v3 =	vand.u32 $0x7, v3;
	v4 =	vand.u32 $0xFFFFFFC0, v49  }
0x1f0: {  	v3 =	vor.u32 v3, v4  }
0x1f1: {  	v4 =	vperm.xlane v3, v0;
	_ =	sdelay $0x1  }
0x1f2: {  	v4 =	vadd.s32 v1, v4;
	_ =	sdelay $0x4  }
0x1f3: {  	[tilespmem:s9], [sflag:$0x4] =	stream.indirect_vreg.gather [hbm4b:s2+s3], $0x80, v4, vm0, $0xb8;
	[tilespmem:$0x1C200] =	vst v63  }
0x1f4: {  	s16 =	simm.s32 $0xCA00;
	v3 =	vperm.xlane v3, v2  }
0x1f5: {  	[tilespmem:s16], [sflag:$0x4] =	stream.indirect_vreg.gather [hbm4b:s5+s3], $0x80, v4, vm0, $0xb8;
	[tilespmem:$0x1C200] =	vst v63  }
0x1f6: {  	s15 =	simm.s32 $0xD200;
	v3 =	vadd.s32 v1, v3  }
0x1f7: {  	[tilespmem:s15], [sflag:$0x4] =	stream.indirect_vreg.gather [hbm4b:s6+s3], $0x80, v4, vm0, $0xb8;
	[tilespmem:$0x1C200] =	vst v63  }
0x1f8: {  	s16 =	simm.s32 $0xDA00  }
0x1f9: {  	[tilespmem:s16], [sflag:$0x4] =	stream.indirect_vreg.gather [hbm4b:s7+s3], $0x80, v4, vm0, $0xb8;
	[tilespmem:$0x1C200] =	vst v63  }
0x1fa: {  	s15 =	simm.s32 $0xE200  }
0x1fb: {  	[tilespmem:s15], [sflag:$0x4] =	stream.indirect_vreg.gather [hbm4b:s2+s3], $0x80, v3, vm0, $0xb8;
	[tilespmem:$0x1C200] =	vst v63  }
0x1fc: {  	s16 =	simm.s32 $0xEA00  }
0x1fd: {  	[tilespmem:s16], [sflag:$0x4] =	stream.indirect_vreg.gather [hbm4b:s5+s3], $0x80, v3, vm0, $0xb8;
	[tilespmem:$0x1C200] =	vst v63  }
0x1fe: {  	s15 =	simm.s32 $0xF200  }
0x1ff: {  	[tilespmem:s15], [sflag:$0x4] =	stream.indirect_vreg.gather [hbm4b:s6+s3], $0x80, v3, vm0, $0xb8;
	[tilespmem:$0x1C200] =	vst v63  }
0x200: {  	s16 =	simm.s32 $0xFA00  }
0x201: {  	[tilespmem:s16], [sflag:$0x4] =	stream.indirect_vreg.gather [hbm4b:s7+s3], $0x80, v3, vm0, $0xb8;
	[tilespmem:$0x1C200] =	vst v63  }
0x202: {  	_ =	swait.ge [sflag:s1], $0x4000  }
0x203: {  	[sflag:s1] =	ssyncset.done $0x0  }
0x204: {  	s15 =	rddreg [dreg:$0x10];
	[sflag:s1] =	ssyncadd.s32 $0xFFFFC000  }
0x205: {  	[hbm4b:s15+s3] =	stream.linear.scatter [tilespmem:s22], [sflag:$0xD], $0x4000, $0x38;
	[tilespmem:$0x1C200] =	vst v63  }
0x206: {  	_ =	swait.ge [sflag:s10], $0x4000  }
0x207: {  	[sflag:s10] =	ssyncset.done $0x0  }
0x208: {  	[sflag:s10] =	ssyncadd.s32 $0xFFFFC000  }
0x209: {  	v3 =	vld [tilespmem:$0x120];
	_ =	sdelay $0x4  }
0x20a: {  	v50 =	vshll.u32 v3, $0x3  }
0x20b: {  	v3 =	vand.u32 $0x7, v3;
	v4 =	vand.u32 $0xFFFFFFC0, v50  }
0x20c: {  	v3 =	vor.u32 v3, v4  }
0x20d: {  	v4 =	vperm.xlane v3, v0;
	_ =	sdelay $0x1  }
0x20e: {  	v4 =	vadd.s32 v1, v4;
	_ =	sdelay $0x4  }
0x20f: {  	[tilespmem:s20], [sflag:$0x5] =	stream.indirect_vreg.gather [hbm4b:s2+s3], $0x80, v4, vm0, $0xb8;
	[tilespmem:$0x1C200] =	vst v63  }
0x210: {  	s16 =	simm.s32 $0x10A00;
	v3 =	vperm.xlane v3, v2  }
0x211: {  	[tilespmem:s16], [sflag:$0x5] =	stream.indirect_vreg.gather [hbm4b:s5+s3], $0x80, v4, vm0, $0xb8;
	[tilespmem:$0x1C200] =	vst v63  }
0x212: {  	s15 =	simm.s32 $0x11200;
	v3 =	vadd.s32 v1, v3  }
0x213: {  	[tilespmem:s15], [sflag:$0x5] =	stream.indirect_vreg.gather [hbm4b:s6+s3], $0x80, v4, vm0, $0xb8;
	[tilespmem:$0x1C200] =	vst v63  }
0x214: {  	s16 =	simm.s32 $0x11A00  }
0x215: {  	[tilespmem:s16], [sflag:$0x5] =	stream.indirect_vreg.gather [hbm4b:s7+s3], $0x80, v4, vm0, $0xb8;
	[tilespmem:$0x1C200] =	vst v63  }
0x216: {  	s15 =	simm.s32 $0x12200  }
0x217: {  	[tilespmem:s15], [sflag:$0x5] =	stream.indirect_vreg.gather [hbm4b:s2+s3], $0x80, v3, vm0, $0xb8;
	[tilespmem:$0x1C200] =	vst v63  }
0x218: {  	s16 =	simm.s32 $0x12A00  }
0x219: {  	[tilespmem:s16], [sflag:$0x5] =	stream.indirect_vreg.gather [hbm4b:s5+s3], $0x80, v3, vm0, $0xb8;
	[tilespmem:$0x1C200] =	vst v63  }
0x21a: {  	s15 =	simm.s32 $0x13200  }
0x21b: {  	[tilespmem:s15], [sflag:$0x5] =	stream.indirect_vreg.gather [hbm4b:s6+s3], $0x80, v3, vm0, $0xb8;
	[tilespmem:$0x1C200] =	vst v63  }
0x21c: {  	s16 =	simm.s32 $0x13A00  }
0x21d: {  	[tilespmem:s16], [sflag:$0x5] =	stream.indirect_vreg.gather [hbm4b:s7+s3], $0x80, v3, vm0, $0xb8;
	[tilespmem:$0x1C200] =	vst v63  }
0x21e: {  	_ =	swait.ge [sflag:s11], $0x4000  }
0x21f: {  	[sflag:s11] =	ssyncset.done $0x0  }
0x220: {  	s15 =	rddreg [dreg:$0x11];
	[sflag:s11] =	ssyncadd.s32 $0xFFFFC000  }
0x221: {  	[hbm4b:s15+s3] =	stream.linear.scatter [tilespmem:s18], [sflag:$0xE], $0x4000, $0x38;
	[tilespmem:$0x1C200] =	vst v63  }
0x222: {  	_ =	swait.ge [sflag:s12], $0x4000  }
0x223: {  	[sflag:s12] =	ssyncset.done $0x0  }
0x224: {  	[sflag:s12] =	ssyncadd.s32 $0xFFFFC000  }
0x225: {  	v3 =	vld [tilespmem:$0x130];
	_ =	sdelay $0x4  }
0x226: {  	v51 =	vshll.u32 v3, $0x3  }
0x227: {  	v3 =	vand.u32 $0x7, v3;
	v4 =	vand.u32 $0xFFFFFFC0, v51  }
0x228: {  	v3 =	vor.u32 v3, v4  }
0x229: {  	v4 =	vperm.xlane v3, v0;
	_ =	sdelay $0x1  }
0x22a: {  	v4 =	vadd.s32 v1, v4;
	_ =	sdelay $0x4  }
0x22b: {  	[tilespmem:s22], [sflag:$0x6] =	stream.indirect_vreg.gather [hbm4b:s2+s3], $0x80, v4, vm0, $0xb8;
	[tilespmem:$0x1C200] =	vst v63  }
0x22c: {  	s16 =	simm.s32 $0x14A00;
	v3 =	vperm.xlane v3, v2  }
0x22d: {  	[tilespmem:s16], [sflag:$0x6] =	stream.indirect_vreg.gather [hbm4b:s5+s3], $0x80, v4, vm0, $0xb8;
	[tilespmem:$0x1C200] =	vst v63  }
0x22e: {  	s15 =	simm.s32 $0x15200;
	v3 =	vadd.s32 v1, v3  }
0x22f: {  	[tilespmem:s15], [sflag:$0x6] =	stream.indirect_vreg.gather [hbm4b:s6+s3], $0x80, v4, vm0, $0xb8;
	[tilespmem:$0x1C200] =	vst v63  }
0x230: {  	s16 =	simm.s32 $0x15A00  }
0x231: {  	[tilespmem:s16], [sflag:$0x6] =	stream.indirect_vreg.gather [hbm4b:s7+s3], $0x80, v4, vm0, $0xb8;
	[tilespmem:$0x1C200] =	vst v63  }
0x232: {  	s15 =	simm.s32 $0x16200  }
0x233: {  	[tilespmem:s15], [sflag:$0x6] =	stream.indirect_vreg.gather [hbm4b:s2+s3], $0x80, v3, vm0, $0xb8;
	[tilespmem:$0x1C200] =	vst v63  }
0x234: {  	s16 =	simm.s32 $0x16A00  }
0x235: {  	[tilespmem:s16], [sflag:$0x6] =	stream.indirect_vreg.gather [hbm4b:s5+s3], $0x80, v3, vm0, $0xb8;
	[tilespmem:$0x1C200] =	vst v63  }
0x236: {  	s15 =	simm.s32 $0x17200  }
0x237: {  	[tilespmem:s15], [sflag:$0x6] =	stream.indirect_vreg.gather [hbm4b:s6+s3], $0x80, v3, vm0, $0xb8;
	[tilespmem:$0x1C200] =	vst v63  }
0x238: {  	s16 =	simm.s32 $0x17A00  }
0x239: {  	[tilespmem:s16], [sflag:$0x6] =	stream.indirect_vreg.gather [hbm4b:s7+s3], $0x80, v3, vm0, $0xb8;
	[tilespmem:$0x1C200] =	vst v63  }
0x23a: {  	_ =	swait.ge [sflag:s21], $0x4000  }
0x23b: {  	[sflag:s21] =	ssyncset.done $0x0  }
0x23c: {  	s15 =	rddreg [dreg:$0x12];
	[sflag:s21] =	ssyncadd.s32 $0xFFFFC000  }
0x23d: {  	[hbm4b:s15+s3] =	stream.linear.scatter [tilespmem:s31], [sflag:$0x8], $0x4000, $0x38;
	[tilespmem:$0x1C200] =	vst v63  }
0x23e: {  	_ =	swait.ge [sflag:s13], $0x4000  }
0x23f: {  	[sflag:s13] =	ssyncset.done $0x0  }
0x240: {  	[sflag:s13] =	ssyncadd.s32 $0xFFFFC000  }
0x241: {  	v3 =	vld [tilespmem:$0x140];
	_ =	sdelay $0x4  }
0x242: {  	v52 =	vshll.u32 v3, $0x3  }
0x243: {  	v3 =	vand.u32 $0x7, v3;
	v4 =	vand.u32 $0xFFFFFFC0, v52  }
0x244: {  	v3 =	vor.u32 v3, v4  }
0x245: {  	v4 =	vperm.xlane v3, v0;
	_ =	sdelay $0x1  }
0x246: {  	v4 =	vadd.s32 v1, v4;
	_ =	sdelay $0x4  }
0x247: {  	[tilespmem:s18], [sflag:$0x7] =	stream.indirect_vreg.gather [hbm4b:s2+s3], $0x80, v4, vm0, $0xb8;
	[tilespmem:$0x1C200] =	vst v63  }
0x248: {  	s16 =	simm.s32 $0x18A00;
	v3 =	vperm.xlane v3, v2  }
0x249: {  	[tilespmem:s16], [sflag:$0x7] =	stream.indirect_vreg.gather [hbm4b:s5+s3], $0x80, v4, vm0, $0xb8;
	[tilespmem:$0x1C200] =	vst v63  }
0x24a: {  	s15 =	simm.s32 $0x19200;
	v3 =	vadd.s32 v1, v3  }
0x24b: {  	[tilespmem:s15], [sflag:$0x7] =	stream.indirect_vreg.gather [hbm4b:s6+s3], $0x80, v4, vm0, $0xb8;
	[tilespmem:$0x1C200] =	vst v63  }
0x24c: {  	s16 =	simm.s32 $0x19A00  }
0x24d: {  	[tilespmem:s16], [sflag:$0x7] =	stream.indirect_vreg.gather [hbm4b:s7+s3], $0x80, v4, vm0, $0xb8;
	[tilespmem:$0x1C200] =	vst v63  }
0x24e: {  	s16 =	simm.s32 $0x1A200  }
0x24f: {  	[tilespmem:s16], [sflag:$0x7] =	stream.indirect_vreg.gather [hbm4b:s2+s3], $0x80, v3, vm0, $0xb8;
	[tilespmem:$0x1C200] =	vst v63  }
0x250: {  	s16 =	simm.s32 $0x1AA00  }
0x251: {  	[tilespmem:s16], [sflag:$0x7] =	stream.indirect_vreg.gather [hbm4b:s5+s3], $0x80, v3, vm0, $0xb8;
	[tilespmem:$0x1C200] =	vst v63  }
0x252: {  	s16 =	simm.s32 $0x1B200  }
0x253: {  	[tilespmem:s16], [sflag:$0x7] =	stream.indirect_vreg.gather [hbm4b:s6+s3], $0x80, v3, vm0, $0xb8;
	[tilespmem:$0x1C200] =	vst v63  }
0x254: {  	s16 =	simm.s32 $0x1BA00  }
0x255: {  	[tilespmem:s16], [sflag:$0x7] =	stream.indirect_vreg.gather [hbm4b:s7+s3], $0x80, v3, vm0, $0xb8;
	[tilespmem:$0x1C200] =	vst v63  }
0x256: {  	_ =	swait.ge [sflag:s23], $0x4000  }
0x257: {  	[sflag:s23] =	ssyncset.done $0x0  }
0x258: {  	s16 =	rddreg [dreg:$0x13];
	[sflag:s23] =	ssyncadd.s32 $0xFFFFC000  }
0x259: {  	[hbm4b:s16+s3] =	stream.linear.scatter [tilespmem:s26], [sflag:$0x9], $0x4000, $0x38;
	[tilespmem:$0x1C200] =	vst v63  }
0x25a: {  	_ =	swait.ge [sflag:s24], $0x4000  }
0x25b: {  	[sflag:s24] =	ssyncset.done $0x0  }
0x25c: {  	[sflag:s24] =	ssyncadd.s32 $0xFFFFC000  }
0x25d: {  	v3 =	vld [tilespmem:$0x150];
	_ =	sdelay $0x4  }
0x25e: {  	v53 =	vshll.u32 v3, $0x3  }
0x25f: {  	v3 =	vand.u32 $0x7, v3;
	v4 =	vand.u32 $0xFFFFFFC0, v53  }
0x260: {  	v3 =	vor.u32 v3, v4  }
0x261: {  	v4 =	vperm.xlane v3, v0;
	_ =	sdelay $0x1  }
0x262: {  	v4 =	vadd.s32 v1, v4;
	_ =	sdelay $0x4  }
0x263: {  	[tilespmem:s31], [sflag:$0x1] =	stream.indirect_vreg.gather [hbm4b:s2+s3], $0x80, v4, vm0, $0xb8;
	[tilespmem:$0x1C200] =	vst v63  }
0x264: {  	s16 =	simm.s32 $0xA00;
	v3 =	vperm.xlane v3, v2  }
0x265: {  	[tilespmem:s16], [sflag:$0x1] =	stream.indirect_vreg.gather [hbm4b:s5+s3], $0x80, v4, vm0, $0xb8;
	[tilespmem:$0x1C200] =	vst v63  }
0x266: {  	v3 =	vadd.s32 v1, v3;
	s16 =	simm.s32 $0x1200  }
0x267: {  	[tilespmem:s16], [sflag:$0x1] =	stream.indirect_vreg.gather [hbm4b:s6+s3], $0x80, v4, vm0, $0xb8;
	[tilespmem:$0x1C200] =	vst v63  }
0x268: {  	s16 =	simm.s32 $0x1A00  }
0x269: {  	[tilespmem:s16], [sflag:$0x1] =	stream.indirect_vreg.gather [hbm4b:s7+s3], $0x80, v4, vm0, $0xb8;
	[tilespmem:$0x1C200] =	vst v63  }
0x26a: {  	s16 =	simm.s32 $0x2200  }
0x26b: {  	[tilespmem:s16], [sflag:$0x1] =	stream.indirect_vreg.gather [hbm4b:s2+s3], $0x80, v3, vm0, $0xb8;
	[tilespmem:$0x1C200] =	vst v63  }
0x26c: {  	s16 =	simm.s32 $0x2A00  }
0x26d: {  	[tilespmem:s16], [sflag:$0x1] =	stream.indirect_vreg.gather [hbm4b:s5+s3], $0x80, v3, vm0, $0xb8;
	[tilespmem:$0x1C200] =	vst v63  }
0x26e: {  	s16 =	simm.s32 $0x3200  }
0x26f: {  	[tilespmem:s16], [sflag:$0x1] =	stream.indirect_vreg.gather [hbm4b:s6+s3], $0x80, v3, vm0, $0xb8;
	[tilespmem:$0x1C200] =	vst v63  }
0x270: {  	s16 =	simm.s32 $0x3A00  }
0x271: {  	[tilespmem:s16], [sflag:$0x1] =	stream.indirect_vreg.gather [hbm4b:s7+s3], $0x80, v3, vm0, $0xb8;
	[tilespmem:$0x1C200] =	vst v63  }
0x272: {  	_ =	swait.ge [sflag:s25], $0x4000  }
0x273: {  	[sflag:s25] =	ssyncset.done $0x0  }
0x274: {  	s16 =	rddreg [dreg:$0x14];
	[sflag:s25] =	ssyncadd.s32 $0xFFFFC000  }
0x275: {  	[hbm4b:s16+s3] =	stream.linear.scatter [tilespmem:s4], [sflag:$0xA], $0x4000, $0x38;
	[tilespmem:$0x1C200] =	vst v63  }
0x276: {  	_ =	swait.ge [sflag:s28], $0x4000  }
0x277: {  	[sflag:s28] =	ssyncset.done $0x0  }
0x278: {  	[sflag:s28] =	ssyncadd.s32 $0xFFFFC000  }
0x279: {  	v3 =	vld [tilespmem:$0x160];
	_ =	sdelay $0x4  }
0x27a: {  	v54 =	vshll.u32 v3, $0x3  }
0x27b: {  	v3 =	vand.u32 $0x7, v3;
	v4 =	vand.u32 $0xFFFFFFC0, v54  }
0x27c: {  	v3 =	vor.u32 v3, v4  }
0x27d: {  	v4 =	vperm.xlane v3, v0;
	_ =	sdelay $0x1  }
0x27e: {  	v4 =	vadd.s32 v1, v4;
	_ =	sdelay $0x4  }
0x27f: {  	[tilespmem:s26], [sflag:$0x2] =	stream.indirect_vreg.gather [hbm4b:s2+s3], $0x80, v4, vm0, $0xb8;
	[tilespmem:$0x1C200] =	vst v63  }
0x280: {  	s16 =	simm.s32 $0x4A00;
	v3 =	vperm.xlane v3, v2  }
0x281: {  	[tilespmem:s16], [sflag:$0x2] =	stream.indirect_vreg.gather [hbm4b:s5+s3], $0x80, v4, vm0, $0xb8;
	[tilespmem:$0x1C200] =	vst v63  }
0x282: {  	v3 =	vadd.s32 v1, v3;
	s16 =	simm.s32 $0x5200  }
0x283: {  	[tilespmem:s16], [sflag:$0x2] =	stream.indirect_vreg.gather [hbm4b:s6+s3], $0x80, v4, vm0, $0xb8;
	[tilespmem:$0x1C200] =	vst v63  }
0x284: {  	s16 =	simm.s32 $0x5A00  }
0x285: {  	[tilespmem:s16], [sflag:$0x2] =	stream.indirect_vreg.gather [hbm4b:s7+s3], $0x80, v4, vm0, $0xb8;
	[tilespmem:$0x1C200] =	vst v63  }
0x286: {  	s16 =	simm.s32 $0x6200  }
0x287: {  	[tilespmem:s16], [sflag:$0x2] =	stream.indirect_vreg.gather [hbm4b:s2+s3], $0x80, v3, vm0, $0xb8;
	[tilespmem:$0x1C200] =	vst v63  }
0x288: {  	s19 =	simm.s32 $0x6A00  }
0x289: {  	[tilespmem:s19], [sflag:$0x2] =	stream.indirect_vreg.gather [hbm4b:s5+s3], $0x80, v3, vm0, $0xb8;
	[tilespmem:$0x1C200] =	vst v63  }
0x28a: {  	s19 =	simm.s32 $0x7200  }
0x28b: {  	[tilespmem:s19], [sflag:$0x2] =	stream.indirect_vreg.gather [hbm4b:s6+s3], $0x80, v3, vm0, $0xb8;
	[tilespmem:$0x1C200] =	vst v63  }
0x28c: {  	s14 =	simm.s32 $0x7A00  }
0x28d: {  	[tilespmem:s14], [sflag:$0x2] =	stream.indirect_vreg.gather [hbm4b:s7+s3], $0x80, v3, vm0, $0xb8;
	[tilespmem:$0x1C200] =	vst v63  }
0x28e: {  	_ =	swait.ge [sflag:s29], $0x4000  }
0x28f: {  	[sflag:s29] =	ssyncset.done $0x0  }
0x290: {  	s14 =	rddreg [dreg:$0x15];
	[sflag:s29] =	ssyncadd.s32 $0xFFFFC000  }
0x291: {  	[hbm4b:s14+s3] =	stream.linear.scatter [tilespmem:s9], [sflag:$0xB], $0x4000, $0x38;
	[tilespmem:$0x1C200] =	vst v63  }
0x292: {  	_ =	swait.ge [sflag:s30], $0x4000  }
0x293: {  	[sflag:s30] =	ssyncset.done $0x0  }
0x294: {  	[sflag:s30] =	ssyncadd.s32 $0xFFFFC000  }
0x295: {  	v3 =	vld [tilespmem:$0x170];
	_ =	sdelay $0x4  }
0x296: {  	v55 =	vshll.u32 v3, $0x3  }
0x297: {  	v3 =	vand.u32 $0x7, v3;
	v4 =	vand.u32 $0xFFFFFFC0, v55  }
0x298: {  	v3 =	vor.u32 v3, v4  }
0x299: {  	v4 =	vperm.xlane v3, v0;
	_ =	sdelay $0x1  }
0x29a: {  	v4 =	vadd.s32 v1, v4;
	_ =	sdelay $0x4  }
0x29b: {  	[tilespmem:s4], [sflag:$0x3] =	stream.indirect_vreg.gather [hbm4b:s2+s3], $0x80, v4, vm0, $0xb8;
	[tilespmem:$0x1C200] =	vst v63  }
0x29c: {  	s14 =	simm.s32 $0x8A00;
	v3 =	vperm.xlane v3, v2  }
0x29d: {  	[tilespmem:s14], [sflag:$0x3] =	stream.indirect_vreg.gather [hbm4b:s5+s3], $0x80, v4, vm0, $0xb8;
	[tilespmem:$0x1C200] =	vst v63  }
0x29e: {  	v3 =	vadd.s32 v1, v3;
	s14 =	simm.s32 $0x9200  }
0x29f: {  	[tilespmem:s14], [sflag:$0x3] =	stream.indirect_vreg.gather [hbm4b:s6+s3], $0x80, v4, vm0, $0xb8;
	[tilespmem:$0x1C200] =	vst v63  }
0x2a0: {  	s14 =	simm.s32 $0x9A00  }
0x2a1: {  	[tilespmem:s14], [sflag:$0x3] =	stream.indirect_vreg.gather [hbm4b:s7+s3], $0x80, v4, vm0, $0xb8;
	[tilespmem:$0x1C200] =	vst v63  }
0x2a2: {  	s14 =	simm.s32 $0xA200  }
0x2a3: {  	[tilespmem:s14], [sflag:$0x3] =	stream.indirect_vreg.gather [hbm4b:s2+s3], $0x80, v3, vm0, $0xb8;
	[tilespmem:$0x1C200] =	vst v63  }
0x2a4: {  	s14 =	simm.s32 $0xAA00  }
0x2a5: {  	[tilespmem:s14], [sflag:$0x3] =	stream.indirect_vreg.gather [hbm4b:s5+s3], $0x80, v3, vm0, $0xb8;
	[tilespmem:$0x1C200] =	vst v63  }
0x2a6: {  	s14 =	simm.s32 $0xB200  }
0x2a7: {  	[tilespmem:s14], [sflag:$0x3] =	stream.indirect_vreg.gather [hbm4b:s6+s3], $0x80, v3, vm0, $0xb8;
	[tilespmem:$0x1C200] =	vst v63  }
0x2a8: {  	s14 =	simm.s32 $0xBA00  }
0x2a9: {  	[tilespmem:s14], [sflag:$0x3] =	stream.indirect_vreg.gather [hbm4b:s7+s3], $0x80, v3, vm0, $0xb8;
	[tilespmem:$0x1C200] =	vst v63  }
0x2aa: {  	_ =	swait.ge [sflag:s17], $0x4000  }
0x2ab: {  	[sflag:s17] =	ssyncset.done $0x0  }
0x2ac: {  	s14 =	rddreg [dreg:$0x16];
	[sflag:s17] =	ssyncadd.s32 $0xFFFFC000  }
0x2ad: {  	[hbm4b:s14+s3] =	stream.linear.scatter [tilespmem:s20], [sflag:$0xC], $0x4000, $0x38;
	[tilespmem:$0x1C200] =	vst v63  }
0x2ae: {  	_ =	swait.ge [sflag:s0], $0x4000  }
0x2af: {  	[sflag:s0] =	ssyncset.done $0x0  }
0x2b0: {  	[sflag:s0] =	ssyncadd.s32 $0xFFFFC000  }
0x2b1: {  	v3 =	vld [tilespmem:$0x180];
	_ =	sdelay $0x4  }
0x2b2: {  	v56 =	vshll.u32 v3, $0x3  }
0x2b3: {  	v3 =	vand.u32 $0x7, v3;
	v4 =	vand.u32 $0xFFFFFFC0, v56  }
0x2b4: {  	v3 =	vor.u32 v3, v4  }
0x2b5: {  	v4 =	vperm.xlane v3, v0;
	_ =	sdelay $0x1  }
0x2b6: {  	v4 =	vadd.s32 v1, v4;
	_ =	sdelay $0x4  }
0x2b7: {  	[tilespmem:s9], [sflag:$0x4] =	stream.indirect_vreg.gather [hbm4b:s2+s3], $0x80, v4, vm0, $0xb8;
	[tilespmem:$0x1C200] =	vst v63  }
0x2b8: {  	s14 =	simm.s32 $0xCA00;
	v3 =	vperm.xlane v3, v2  }
0x2b9: {  	[tilespmem:s14], [sflag:$0x4] =	stream.indirect_vreg.gather [hbm4b:s5+s3], $0x80, v4, vm0, $0xb8;
	[tilespmem:$0x1C200] =	vst v63  }
0x2ba: {  	v3 =	vadd.s32 v1, v3;
	s14 =	simm.s32 $0xD200  }
0x2bb: {  	[tilespmem:s14], [sflag:$0x4] =	stream.indirect_vreg.gather [hbm4b:s6+s3], $0x80, v4, vm0, $0xb8;
	[tilespmem:$0x1C200] =	vst v63  }
0x2bc: {  	s14 =	simm.s32 $0xDA00  }
0x2bd: {  	[tilespmem:s14], [sflag:$0x4] =	stream.indirect_vreg.gather [hbm4b:s7+s3], $0x80, v4, vm0, $0xb8;
	[tilespmem:$0x1C200] =	vst v63  }
0x2be: {  	s14 =	simm.s32 $0xE200  }
0x2bf: {  	[tilespmem:s14], [sflag:$0x4] =	stream.indirect_vreg.gather [hbm4b:s2+s3], $0x80, v3, vm0, $0xb8;
	[tilespmem:$0x1C200] =	vst v63  }
0x2c0: {  	s14 =	simm.s32 $0xEA00  }
0x2c1: {  	[tilespmem:s14], [sflag:$0x4] =	stream.indirect_vreg.gather [hbm4b:s5+s3], $0x80, v3, vm0, $0xb8;
	[tilespmem:$0x1C200] =	vst v63  }
0x2c2: {  	s14 =	simm.s32 $0xF200  }
0x2c3: {  	[tilespmem:s14], [sflag:$0x4] =	stream.indirect_vreg.gather [hbm4b:s6+s3], $0x80, v3, vm0, $0xb8;
	[tilespmem:$0x1C200] =	vst v63  }
0x2c4: {  	s14 =	simm.s32 $0xFA00  }
0x2c5: {  	[tilespmem:s14], [sflag:$0x4] =	stream.indirect_vreg.gather [hbm4b:s7+s3], $0x80, v3, vm0, $0xb8;
	[tilespmem:$0x1C200] =	vst v63  }
0x2c6: {  	_ =	swait.ge [sflag:s1], $0x4000  }
0x2c7: {  	[sflag:s1] =	ssyncset.done $0x0  }
0x2c8: {  	s14 =	rddreg [dreg:$0x17];
	[sflag:s1] =	ssyncadd.s32 $0xFFFFC000  }
0x2c9: {  	[hbm4b:s14+s3] =	stream.linear.scatter [tilespmem:s22], [sflag:$0xD], $0x4000, $0x38;
	[tilespmem:$0x1C200] =	vst v63  }
0x2ca: {  	_ =	swait.ge [sflag:s10], $0x4000  }
0x2cb: {  	[sflag:s10] =	ssyncset.done $0x0  }
0x2cc: {  	[sflag:s10] =	ssyncadd.s32 $0xFFFFC000  }
0x2cd: {  	v3 =	vld [tilespmem:$0x190];
	_ =	sdelay $0x4  }
0x2ce: {  	v57 =	vshll.u32 v3, $0x3  }
0x2cf: {  	v3 =	vand.u32 $0x7, v3;
	v4 =	vand.u32 $0xFFFFFFC0, v57  }
0x2d0: {  	v3 =	vor.u32 v3, v4  }
0x2d1: {  	v4 =	vperm.xlane v3, v0;
	_ =	sdelay $0x1  }
0x2d2: {  	v4 =	vadd.s32 v1, v4;
	_ =	sdelay $0x4  }
0x2d3: {  	[tilespmem:s20], [sflag:$0x5] =	stream.indirect_vreg.gather [hbm4b:s2+s3], $0x80, v4, vm0, $0xb8;
	[tilespmem:$0x1C200] =	vst v63  }
0x2d4: {  	s14 =	simm.s32 $0x10A00;
	v3 =	vperm.xlane v3, v2  }
0x2d5: {  	[tilespmem:s14], [sflag:$0x5] =	stream.indirect_vreg.gather [hbm4b:s5+s3], $0x80, v4, vm0, $0xb8;
	[tilespmem:$0x1C200] =	vst v63  }
0x2d6: {  	v3 =	vadd.s32 v1, v3;
	s14 =	simm.s32 $0x11200  }
0x2d7: {  	[tilespmem:s14], [sflag:$0x5] =	stream.indirect_vreg.gather [hbm4b:s6+s3], $0x80, v4, vm0, $0xb8;
	[tilespmem:$0x1C200] =	vst v63  }
0x2d8: {  	s14 =	simm.s32 $0x11A00  }
0x2d9: {  	[tilespmem:s14], [sflag:$0x5] =	stream.indirect_vreg.gather [hbm4b:s7+s3], $0x80, v4, vm0, $0xb8;
	[tilespmem:$0x1C200] =	vst v63  }
0x2da: {  	s14 =	simm.s32 $0x12200  }
0x2db: {  	[tilespmem:s14], [sflag:$0x5] =	stream.indirect_vreg.gather [hbm4b:s2+s3], $0x80, v3, vm0, $0xb8;
	[tilespmem:$0x1C200] =	vst v63  }
0x2dc: {  	s14 =	simm.s32 $0x12A00  }
0x2dd: {  	[tilespmem:s14], [sflag:$0x5] =	stream.indirect_vreg.gather [hbm4b:s5+s3], $0x80, v3, vm0, $0xb8;
	[tilespmem:$0x1C200] =	vst v63  }
0x2de: {  	s14 =	simm.s32 $0x13200  }
0x2df: {  	[tilespmem:s14], [sflag:$0x5] =	stream.indirect_vreg.gather [hbm4b:s6+s3], $0x80, v3, vm0, $0xb8;
	[tilespmem:$0x1C200] =	vst v63  }
0x2e0: {  	s14 =	simm.s32 $0x13A00  }
0x2e1: {  	[tilespmem:s14], [sflag:$0x5] =	stream.indirect_vreg.gather [hbm4b:s7+s3], $0x80, v3, vm0, $0xb8;
	[tilespmem:$0x1C200] =	vst v63  }
0x2e2: {  	_ =	swait.ge [sflag:s11], $0x4000  }
0x2e3: {  	[sflag:s11] =	ssyncset.done $0x0  }
0x2e4: {  	s14 =	rddreg [dreg:$0x18];
	[sflag:s11] =	ssyncadd.s32 $0xFFFFC000  }
0x2e5: {  	[hbm4b:s14+s3] =	stream.linear.scatter [tilespmem:s18], [sflag:$0xE], $0x4000, $0x38;
	[tilespmem:$0x1C200] =	vst v63  }
0x2e6: {  	_ =	swait.ge [sflag:s12], $0x4000  }
0x2e7: {  	[sflag:s12] =	ssyncset.done $0x0  }
0x2e8: {  	[sflag:s12] =	ssyncadd.s32 $0xFFFFC000  }
0x2e9: {  	v3 =	vld [tilespmem:$0x1A0];
	_ =	sdelay $0x4  }
0x2ea: {  	v58 =	vshll.u32 v3, $0x3  }
0x2eb: {  	v3 =	vand.u32 $0x7, v3;
	v4 =	vand.u32 $0xFFFFFFC0, v58  }
0x2ec: {  	v3 =	vor.u32 v3, v4  }
0x2ed: {  	v4 =	vperm.xlane v3, v0;
	_ =	sdelay $0x1  }
0x2ee: {  	v4 =	vadd.s32 v1, v4;
	_ =	sdelay $0x4  }
0x2ef: {  	[tilespmem:s22], [sflag:$0x6] =	stream.indirect_vreg.gather [hbm4b:s2+s3], $0x80, v4, vm0, $0xb8;
	[tilespmem:$0x1C200] =	vst v63  }
0x2f0: {  	s14 =	simm.s32 $0x14A00;
	v3 =	vperm.xlane v3, v2  }
0x2f1: {  	[tilespmem:s14], [sflag:$0x6] =	stream.indirect_vreg.gather [hbm4b:s5+s3], $0x80, v4, vm0, $0xb8;
	[tilespmem:$0x1C200] =	vst v63  }
0x2f2: {  	v3 =	vadd.s32 v1, v3;
	s14 =	simm.s32 $0x15200  }
0x2f3: {  	[tilespmem:s14], [sflag:$0x6] =	stream.indirect_vreg.gather [hbm4b:s6+s3], $0x80, v4, vm0, $0xb8;
	[tilespmem:$0x1C200] =	vst v63  }
0x2f4: {  	s14 =	simm.s32 $0x15A00  }
0x2f5: {  	[tilespmem:s14], [sflag:$0x6] =	stream.indirect_vreg.gather [hbm4b:s7+s3], $0x80, v4, vm0, $0xb8;
	[tilespmem:$0x1C200] =	vst v63  }
0x2f6: {  	s14 =	simm.s32 $0x16200  }
0x2f7: {  	[tilespmem:s14], [sflag:$0x6] =	stream.indirect_vreg.gather [hbm4b:s2+s3], $0x80, v3, vm0, $0xb8;
	[tilespmem:$0x1C200] =	vst v63  }
0x2f8: {  	s14 =	simm.s32 $0x16A00  }
0x2f9: {  	[tilespmem:s14], [sflag:$0x6] =	stream.indirect_vreg.gather [hbm4b:s5+s3], $0x80, v3, vm0, $0xb8;
	[tilespmem:$0x1C200] =	vst v63  }
0x2fa: {  	s14 =	simm.s32 $0x17200  }
0x2fb: {  	[tilespmem:s14], [sflag:$0x6] =	stream.indirect_vreg.gather [hbm4b:s6+s3], $0x80, v3, vm0, $0xb8;
	[tilespmem:$0x1C200] =	vst v63  }
0x2fc: {  	s14 =	simm.s32 $0x17A00  }
0x2fd: {  	[tilespmem:s14], [sflag:$0x6] =	stream.indirect_vreg.gather [hbm4b:s7+s3], $0x80, v3, vm0, $0xb8;
	[tilespmem:$0x1C200] =	vst v63  }
0x2fe: {  	_ =	swait.ge [sflag:s21], $0x4000  }
0x2ff: {  	[sflag:s21] =	ssyncset.done $0x0  }
0x300: {  	s14 =	rddreg [dreg:$0x19];
	[sflag:s21] =	ssyncadd.s32 $0xFFFFC000  }
0x301: {  	[hbm4b:s14+s3] =	stream.linear.scatter [tilespmem:s31], [sflag:$0x8], $0x4000, $0x38;
	[tilespmem:$0x1C200] =	vst v63  }
0x302: {  	_ =	swait.ge [sflag:s13], $0x4000  }
0x303: {  	[sflag:s13] =	ssyncset.done $0x0  }
0x304: {  	[sflag:s13] =	ssyncadd.s32 $0xFFFFC000  }
0x305: {  	v3 =	vld [tilespmem:$0x1B0];
	_ =	sdelay $0x4  }
0x306: {  	v59 =	vshll.u32 v3, $0x3  }
0x307: {  	v3 =	vand.u32 $0x7, v3;
	v4 =	vand.u32 $0xFFFFFFC0, v59  }
0x308: {  	v3 =	vor.u32 v3, v4  }
0x309: {  	v4 =	vperm.xlane v3, v0;
	_ =	sdelay $0x1  }
0x30a: {  	v4 =	vadd.s32 v1, v4;
	_ =	sdelay $0x4  }
0x30b: {  	[tilespmem:s18], [sflag:$0x7] =	stream.indirect_vreg.gather [hbm4b:s2+s3], $0x80, v4, vm0, $0xb8;
	[tilespmem:$0x1C200] =	vst v63  }
0x30c: {  	s14 =	simm.s32 $0x18A00;
	v3 =	vperm.xlane v3, v2  }
0x30d: {  	[tilespmem:s14], [sflag:$0x7] =	stream.indirect_vreg.gather [hbm4b:s5+s3], $0x80, v4, vm0, $0xb8;
	[tilespmem:$0x1C200] =	vst v63  }
0x30e: {  	s15 =	simm.s32 $0x19200;
	v3 =	vadd.s32 v1, v3  }
0x30f: {  	[tilespmem:s15], [sflag:$0x7] =	stream.indirect_vreg.gather [hbm4b:s6+s3], $0x80, v4, vm0, $0xb8;
	[tilespmem:$0x1C200] =	vst v63  }
0x310: {  	s15 =	simm.s32 $0x19A00  }
0x311: {  	[tilespmem:s15], [sflag:$0x7] =	stream.indirect_vreg.gather [hbm4b:s7+s3], $0x80, v4, vm0, $0xb8;
	[tilespmem:$0x1C200] =	vst v63  }
0x312: {  	s15 =	simm.s32 $0x1A200  }
0x313: {  	[tilespmem:s15], [sflag:$0x7] =	stream.indirect_vreg.gather [hbm4b:s2+s3], $0x80, v3, vm0, $0xb8;
	[tilespmem:$0x1C200] =	vst v63  }
0x314: {  	s15 =	simm.s32 $0x1AA00  }
0x315: {  	[tilespmem:s15], [sflag:$0x7] =	stream.indirect_vreg.gather [hbm4b:s5+s3], $0x80, v3, vm0, $0xb8;
	[tilespmem:$0x1C200] =	vst v63  }
0x316: {  	s15 =	simm.s32 $0x1B200  }
0x317: {  	[tilespmem:s15], [sflag:$0x7] =	stream.indirect_vreg.gather [hbm4b:s6+s3], $0x80, v3, vm0, $0xb8;
	[tilespmem:$0x1C200] =	vst v63  }
0x318: {  	s15 =	simm.s32 $0x1BA00  }
0x319: {  	[tilespmem:s15], [sflag:$0x7] =	stream.indirect_vreg.gather [hbm4b:s7+s3], $0x80, v3, vm0, $0xb8;
	[tilespmem:$0x1C200] =	vst v63  }
0x31a: {  	_ =	swait.ge [sflag:s23], $0x4000  }
0x31b: {  	[sflag:s23] =	ssyncset.done $0x0  }
0x31c: {  	s15 =	rddreg [dreg:$0x1a];
	[sflag:s23] =	ssyncadd.s32 $0xFFFFC000  }
0x31d: {  	[hbm4b:s15+s3] =	stream.linear.scatter [tilespmem:s26], [sflag:$0x9], $0x4000, $0x38;
	[tilespmem:$0x1C200] =	vst v63  }
0x31e: {  	_ =	swait.ge [sflag:s24], $0x4000  }
0x31f: {  	[sflag:s24] =	ssyncset.done $0x0  }
0x320: {  	[sflag:s24] =	ssyncadd.s32 $0xFFFFC000  }
0x321: {  	v3 =	vld [tilespmem:$0x1C0];
	_ =	sdelay $0x4  }
0x322: {  	v60 =	vshll.u32 v3, $0x3  }
0x323: {  	v3 =	vand.u32 $0x7, v3;
	v4 =	vand.u32 $0xFFFFFFC0, v60  }
0x324: {  	v3 =	vor.u32 v3, v4  }
0x325: {  	v4 =	vperm.xlane v3, v0;
	_ =	sdelay $0x1  }
0x326: {  	v4 =	vadd.s32 v1, v4;
	_ =	sdelay $0x4  }
0x327: {  	[tilespmem:s31], [sflag:$0x1] =	stream.indirect_vreg.gather [hbm4b:s2+s3], $0x80, v4, vm0, $0xb8;
	[tilespmem:$0x1C200] =	vst v63  }
0x328: {  	s15 =	simm.s32 $0xA00;
	v3 =	vperm.xlane v3, v2  }
0x329: {  	[tilespmem:s15], [sflag:$0x1] =	stream.indirect_vreg.gather [hbm4b:s5+s3], $0x80, v4, vm0, $0xb8;
	[tilespmem:$0x1C200] =	vst v63  }
0x32a: {  	v3 =	vadd.s32 v1, v3;
	s15 =	simm.s32 $0x1200  }
0x32b: {  	[tilespmem:s15], [sflag:$0x1] =	stream.indirect_vreg.gather [hbm4b:s6+s3], $0x80, v4, vm0, $0xb8;
	[tilespmem:$0x1C200] =	vst v63  }
0x32c: {  	s15 =	simm.s32 $0x1A00  }
0x32d: {  	[tilespmem:s15], [sflag:$0x1] =	stream.indirect_vreg.gather [hbm4b:s7+s3], $0x80, v4, vm0, $0xb8;
	[tilespmem:$0x1C200] =	vst v63  }
0x32e: {  	s15 =	simm.s32 $0x2200  }
0x32f: {  	[tilespmem:s15], [sflag:$0x1] =	stream.indirect_vreg.gather [hbm4b:s2+s3], $0x80, v3, vm0, $0xb8;
	[tilespmem:$0x1C200] =	vst v63  }
0x330: {  	s15 =	simm.s32 $0x2A00  }
0x331: {  	[tilespmem:s15], [sflag:$0x1] =	stream.indirect_vreg.gather [hbm4b:s5+s3], $0x80, v3, vm0, $0xb8;
	[tilespmem:$0x1C200] =	vst v63  }
0x332: {  	s15 =	simm.s32 $0x3200  }
0x333: {  	[tilespmem:s15], [sflag:$0x1] =	stream.indirect_vreg.gather [hbm4b:s6+s3], $0x80, v3, vm0, $0xb8;
	[tilespmem:$0x1C200] =	vst v63  }
0x334: {  	s15 =	simm.s32 $0x3A00  }
0x335: {  	[tilespmem:s15], [sflag:$0x1] =	stream.indirect_vreg.gather [hbm4b:s7+s3], $0x80, v3, vm0, $0xb8;
	[tilespmem:$0x1C200] =	vst v63  }
0x336: {  	_ =	swait.ge [sflag:s25], $0x4000  }
0x337: {  	[sflag:s25] =	ssyncset.done $0x0  }
0x338: {  	s15 =	rddreg [dreg:$0x1b];
	[sflag:s25] =	ssyncadd.s32 $0xFFFFC000  }
0x339: {  	[hbm4b:s15+s3] =	stream.linear.scatter [tilespmem:s4], [sflag:$0xA], $0x4000, $0x38;
	[tilespmem:$0x1C200] =	vst v63  }
0x33a: {  	_ =	swait.ge [sflag:s28], $0x4000  }
0x33b: {  	[sflag:s28] =	ssyncset.done $0x0  }
0x33c: {  	[sflag:s28] =	ssyncadd.s32 $0xFFFFC000  }
0x33d: {  	v3 =	vld [tilespmem:$0x1D0];
	_ =	sdelay $0x4  }
0x33e: {  	v61 =	vshll.u32 v3, $0x3  }
0x33f: {  	v3 =	vand.u32 $0x7, v3;
	v4 =	vand.u32 $0xFFFFFFC0, v61  }
0x340: {  	v3 =	vor.u32 v3, v4  }
0x341: {  	v4 =	vperm.xlane v3, v0;
	_ =	sdelay $0x1  }
0x342: {  	v4 =	vadd.s32 v1, v4;
	_ =	sdelay $0x4  }
0x343: {  	[tilespmem:s26], [sflag:$0x2] =	stream.indirect_vreg.gather [hbm4b:s2+s3], $0x80, v4, vm0, $0xb8;
	[tilespmem:$0x1C200] =	vst v63  }
0x344: {  	s15 =	simm.s32 $0x4A00;
	v3 =	vperm.xlane v3, v2  }
0x345: {  	[tilespmem:s15], [sflag:$0x2] =	stream.indirect_vreg.gather [hbm4b:s5+s3], $0x80, v4, vm0, $0xb8;
	[tilespmem:$0x1C200] =	vst v63  }
0x346: {  	v3 =	vadd.s32 v1, v3;
	s15 =	simm.s32 $0x5200  }
0x347: {  	[tilespmem:s15], [sflag:$0x2] =	stream.indirect_vreg.gather [hbm4b:s6+s3], $0x80, v4, vm0, $0xb8;
	[tilespmem:$0x1C200] =	vst v63  }
0x348: {  	s15 =	simm.s32 $0x5A00  }
0x349: {  	[tilespmem:s15], [sflag:$0x2] =	stream.indirect_vreg.gather [hbm4b:s7+s3], $0x80, v4, vm0, $0xb8;
	[tilespmem:$0x1C200] =	vst v63  }
0x34a: {  	s15 =	simm.s32 $0x6200  }
0x34b: {  	[tilespmem:s15], [sflag:$0x2] =	stream.indirect_vreg.gather [hbm4b:s2+s3], $0x80, v3, vm0, $0xb8;
	[tilespmem:$0x1C200] =	vst v63  }
0x34c: {  	s16 =	simm.s32 $0x6A00  }
0x34d: {  	[tilespmem:s16], [sflag:$0x2] =	stream.indirect_vreg.gather [hbm4b:s5+s3], $0x80, v3, vm0, $0xb8;
	[tilespmem:$0x1C200] =	vst v63  }
0x34e: {  	s19 =	simm.s32 $0x7200  }
0x34f: {  	[tilespmem:s19], [sflag:$0x2] =	stream.indirect_vreg.gather [hbm4b:s6+s3], $0x80, v3, vm0, $0xb8;
	[tilespmem:$0x1C200] =	vst v63  }
0x350: {  	s16 =	simm.s32 $0x7A00  }
0x351: {  	[tilespmem:s16], [sflag:$0x2] =	stream.indirect_vreg.gather [hbm4b:s7+s3], $0x80, v3, vm0, $0xb8;
	[tilespmem:$0x1C200] =	vst v63  }
0x352: {  	_ =	swait.ge [sflag:s29], $0x4000  }
0x353: {  	[sflag:s29] =	ssyncset.done $0x0  }
0x354: {  	s19 =	rddreg [dreg:$0x1c];
	[sflag:s29] =	ssyncadd.s32 $0xFFFFC000  }
0x355: {  	[hbm4b:s19+s3] =	stream.linear.scatter [tilespmem:s9], [sflag:$0xB], $0x4000, $0x38;
	[tilespmem:$0x1C200] =	vst v63  }
0x356: {  	_ =	swait.ge [sflag:s30], $0x4000  }
0x357: {  	[sflag:s30] =	ssyncset.done $0x0  }
0x358: {  	[sflag:s30] =	ssyncadd.s32 $0xFFFFC000  }
0x359: {  	v3 =	vld [tilespmem:$0x1E0];
	_ =	sdelay $0x4  }
0x35a: {  	v62 =	vshll.u32 v3, $0x3  }
0x35b: {  	v3 =	vand.u32 $0x7, v3;
	v4 =	vand.u32 $0xFFFFFFC0, v62  }
0x35c: {  	v3 =	vor.u32 v3, v4  }
0x35d: {  	v4 =	vperm.xlane v3, v0;
	_ =	sdelay $0x1  }
0x35e: {  	v4 =	vadd.s32 v1, v4;
	_ =	sdelay $0x4  }
0x35f: {  	[tilespmem:s4], [sflag:$0x3] =	stream.indirect_vreg.gather [hbm4b:s2+s3], $0x80, v4, vm0, $0xb8;
	[tilespmem:$0x1C200] =	vst v63  }
0x360: {  	s15 =	simm.s32 $0x8A00;
	v3 =	vperm.xlane v3, v2  }
0x361: {  	[tilespmem:s15], [sflag:$0x3] =	stream.indirect_vreg.gather [hbm4b:s5+s3], $0x80, v4, vm0, $0xb8;
	[tilespmem:$0x1C200] =	vst v63  }
0x362: {  	s16 =	simm.s32 $0x9200;
	v3 =	vadd.s32 v1, v3  }
0x363: {  	[tilespmem:s16], [sflag:$0x3] =	stream.indirect_vreg.gather [hbm4b:s6+s3], $0x80, v4, vm0, $0xb8;
	[tilespmem:$0x1C200] =	vst v63  }
0x364: {  	s19 =	simm.s32 $0x9A00  }
0x365: {  	[tilespmem:s19], [sflag:$0x3] =	stream.indirect_vreg.gather [hbm4b:s7+s3], $0x80, v4, vm0, $0xb8;
	[tilespmem:$0x1C200] =	vst v63  }
0x366: {  	s15 =	simm.s32 $0xA200  }
0x367: {  	[tilespmem:s15], [sflag:$0x3] =	stream.indirect_vreg.gather [hbm4b:s2+s3], $0x80, v3, vm0, $0xb8;
	[tilespmem:$0x1C200] =	vst v63  }
0x368: {  	s16 =	simm.s32 $0xAA00  }
0x369: {  	[tilespmem:s16], [sflag:$0x3] =	stream.indirect_vreg.gather [hbm4b:s5+s3], $0x80, v3, vm0, $0xb8;
	[tilespmem:$0x1C200] =	vst v63  }
0x36a: {  	s19 =	simm.s32 $0xB200  }
0x36b: {  	[tilespmem:s19], [sflag:$0x3] =	stream.indirect_vreg.gather [hbm4b:s6+s3], $0x80, v3, vm0, $0xb8;
	[tilespmem:$0x1C200] =	vst v63  }
0x36c: {  	s15 =	simm.s32 $0xBA00  }
0x36d: {  	[tilespmem:s15], [sflag:$0x3] =	stream.indirect_vreg.gather [hbm4b:s7+s3], $0x80, v3, vm0, $0xb8;
	[tilespmem:$0x1C200] =	vst v63  }
0x36e: {  	_ =	swait.ge [sflag:s17], $0x4000  }
0x36f: {  	[sflag:s17] =	ssyncset.done $0x0  }
0x370: {  	s16 =	rddreg [dreg:$0x1d];
	[sflag:s17] =	ssyncadd.s32 $0xFFFFC000  }
0x371: {  	[hbm4b:s16+s3] =	stream.linear.scatter [tilespmem:s20], [sflag:$0xC], $0x4000, $0x38;
	[tilespmem:$0x1C200] =	vst v63  }
0x372: {  	_ =	swait.ge [sflag:s0], $0x4000  }
0x373: {  	[sflag:s0] =	ssyncset.done $0x0  }
0x374: {  	[sflag:s0] =	ssyncadd.s32 $0xFFFFC000  }
0x375: {  	v3 =	vld [tilespmem:$0x1F0];
	_ =	sdelay $0x4  }
0x376: {  	v63 =	vshll.u32 v3, $0x3  }
0x377: {  	v3 =	vand.u32 $0x7, v3;
	v4 =	vand.u32 $0xFFFFFFC0, v63  }
0x378: {  	v3 =	vor.u32 v3, v4  }
0x379: {  	v4 =	vperm.xlane v3, v0;
	_ =	sdelay $0x1  }
0x37a: {  	v4 =	vadd.s32 v1, v4;
	_ =	sdelay $0x4  }
0x37b: {  	[tilespmem:s9], [sflag:$0x4] =	stream.indirect_vreg.gather [hbm4b:s2+s3], $0x80, v4, vm0, $0xb8;
	[tilespmem:$0x1C200] =	vst v63  }
0x37c: {  	s19 =	simm.s32 $0xCA00;
	v3 =	vperm.xlane v3, v2  }
0x37d: {  	[tilespmem:s19], [sflag:$0x4] =	stream.indirect_vreg.gather [hbm4b:s5+s3], $0x80, v4, vm0, $0xb8;
	[tilespmem:$0x1C200] =	vst v63  }
0x37e: {  	s15 =	simm.s32 $0xD200;
	v3 =	vadd.s32 v1, v3  }
0x37f: {  	[tilespmem:s15], [sflag:$0x4] =	stream.indirect_vreg.gather [hbm4b:s6+s3], $0x80, v4, vm0, $0xb8;
	[tilespmem:$0x1C200] =	vst v63  }
0x380: {  	s16 =	simm.s32 $0xDA00  }
0x381: {  	[tilespmem:s16], [sflag:$0x4] =	stream.indirect_vreg.gather [hbm4b:s7+s3], $0x80, v4, vm0, $0xb8;
	[tilespmem:$0x1C200] =	vst v63  }
0x382: {  	s19 =	simm.s32 $0xE200  }
0x383: {  	[tilespmem:s19], [sflag:$0x4] =	stream.indirect_vreg.gather [hbm4b:s2+s3], $0x80, v3, vm0, $0xb8;
	[tilespmem:$0x1C200] =	vst v63  }
0x384: {  	s15 =	simm.s32 $0xEA00  }
0x385: {  	[tilespmem:s15], [sflag:$0x4] =	stream.indirect_vreg.gather [hbm4b:s5+s3], $0x80, v3, vm0, $0xb8;
	[tilespmem:$0x1C200] =	vst v63  }
0x386: {  	s16 =	simm.s32 $0xF200  }
0x387: {  	[tilespmem:s16], [sflag:$0x4] =	stream.indirect_vreg.gather [hbm4b:s6+s3], $0x80, v3, vm0, $0xb8;
	[tilespmem:$0x1C200] =	vst v63  }
0x388: {  	s19 =	simm.s32 $0xFA00  }
0x389: {  	[tilespmem:s19], [sflag:$0x4] =	stream.indirect_vreg.gather [hbm4b:s7+s3], $0x80, v3, vm0, $0xb8;
	[tilespmem:$0x1C200] =	vst v63  }
0x38a: {  	_ =	swait.ge [sflag:s1], $0x4000  }
0x38b: {  	[sflag:s1] =	ssyncset.done $0x0  }
0x38c: {  	s15 =	rddreg [dreg:$0x1e];
	[sflag:s1] =	ssyncadd.s32 $0xFFFFC000  }
0x38d: {  	[hbm4b:s15+s3] =	stream.linear.scatter [tilespmem:s22], [sflag:$0xD], $0x4000, $0x38;
	[tilespmem:$0x1C200] =	vst v63  }
0x38e: {  	_ =	swait.ge [sflag:s11], $0x4000  }
0x38f: {  	[sflag:s11] =	ssyncset.done $0x0  }
0x390: {  	s16 =	rddreg [dreg:$0x1f];
	[sflag:s11] =	ssyncadd.s32 $0xFFFFC000  }
0x391: {  	[hbm4b:s16+s3] =	stream.linear.scatter [tilespmem:s18], [sflag:$0xE], $0x4000, $0x38;
	[tilespmem:$0x1C200] =	vst v63  }
0x392: {  	_ =	swait.ge [sflag:s21], $0x4000  }
0x393: {  	s19 =	sld [smem:$0x7F8]  }
0x394: {  	[sflag:s21] =	ssyncset.done $0x0  }
0x395: {  	[sflag:s21] =	ssyncadd.s32 $0xFFFFC000  }
0x396: {  	[hbm4b:s19+s3] =	stream.linear.scatter [tilespmem:s31], [sflag:$0x8], $0x4000, $0x38;
	[tilespmem:$0x1C200] =	vst v63  }
0x397: {  	_ =	swait.ge [sflag:s23], $0x4000  }
0x398: {  	s15 =	sld [smem:$0x7F9]  }
0x399: {  	[sflag:s23] =	ssyncset.done $0x0  }
0x39a: {  	[sflag:s23] =	ssyncadd.s32 $0xFFFFC000  }
0x39b: {  	[hbm4b:s15+s3] =	stream.linear.scatter [tilespmem:s26], [sflag:$0x9], $0x4000, $0x38;
	[tilespmem:$0x1C200] =	vst v63  }
0x39c: {  	_ =	swait.ge [sflag:s25], $0x4000  }
0x39d: {  	s16 =	sld [smem:$0x7FA]  }
0x39e: {  	[sflag:s25] =	ssyncset.done $0x0  }
0x39f: {  	[sflag:s25] =	ssyncadd.s32 $0xFFFFC000  }
0x3a0: {  	[hbm4b:s16+s3] =	stream.linear.scatter [tilespmem:s4], [sflag:$0xA], $0x4000, $0x38;
	[tilespmem:$0x1C200] =	vst v63  }
0x3a1: {  	_ =	swait.ge [sflag:s29], $0x4000  }
0x3a2: {  	s19 =	sld [smem:$0x7FC]  }
0x3a3: {  	[sflag:s29] =	ssyncset.done $0x0  }
0x3a4: {  	[sflag:s29] =	ssyncadd.s32 $0xFFFFC000  }
0x3a5: {  	[hbm4b:s19+s3] =	stream.linear.scatter [tilespmem:s9], [sflag:$0xB], $0x4000, $0x38;
	[tilespmem:$0x1C200] =	vst v63  }
0x3a6: {  	_ =	swait.ge [sflag:s10], $0x4000  }
0x3a7: {  	[sflag:s10] =	ssyncset.done $0x0  }
0x3a8: {  	[sflag:s10] =	ssyncadd.s32 $0xFFFFC000  }
0x3a9: {  	_ =	swait.ge [sflag:s12], $0x4000  }
0x3aa: {  	[sflag:s12] =	ssyncset.done $0x0  }
0x3ab: {  	[sflag:s12] =	ssyncadd.s32 $0xFFFFC000  }
0x3ac: {  	_ =	swait.ge [sflag:s13], $0x4000  }
0x3ad: {  	[sflag:s13] =	ssyncset.done $0x0  }
0x3ae: {  	[sflag:s13] =	ssyncadd.s32 $0xFFFFC000  }
0x3af: {  	_ =	swait.ge [sflag:s24], $0x4000  }
0x3b0: {  	[sflag:s24] =	ssyncset.done $0x0  }
0x3b1: {  	[sflag:s24] =	ssyncadd.s32 $0xFFFFC000  }
0x3b2: {  	_ =	swait.ge [sflag:s28], $0x4000  }
0x3b3: {  	[sflag:s28] =	ssyncset.done $0x0  }
0x3b4: {  	[sflag:s28] =	ssyncadd.s32 $0xFFFFC000  }
0x3b5: {  	p0 =	sne.s32 s8, $0x1;
	_ =	swait.ge [sflag:s30], $0x4000  }
.Ltmp0:
0x3b6: {  	[sflag:s30] =	ssyncset.done $0x0;
	(pc) =	sbr.rel @p0 .LBB2_1-.Ltmp0, $4  }
0x3b7: {  	[sflag:s30] =	ssyncadd.s32 $0xFFFFC000  }
0x3b8: {  	_ =	swait.ge [sflag:s0], $0x4000  }
0x3b9: {  	[sflag:s0] =	ssyncset.done $0x0  }
0x3ba: {  	s8 =	sadd.s32 $0xFFFFFFFF, s8;
	[sflag:s0] =	ssyncadd.s32 $0xFFFFC000  }
0x3bb: {  	_ =	sfence.sel $0x180000  }
0x3bc: {  	[bflag:$0x0] =	sbarrier.arrive $0xFFFF  }
0x3bd: {  	_ =	strace $0x90000047  }
0x3be: {  	s0 =	stileid.u32;
	[bflag:$0x2] =	sbarrier.arrive $0xFFFF  }
0x3bf: {  	p0 =	sne.s32 s0, $0x0;
	s0 =	rddreg [dreg:$0x3]  }
0x3c0: {  	s0 =	sadd.s32 @!p0 $0x100000, s0  }
0x3c1: {  	[sflag:s0] =	ssyncadd.tile.s32 @!p0 $0x1;
	_ =	shalt  }
.Lfunc_end2:
_tile_overlayer_lowered:
.L_overlay_start_2:
0x3c2: {  	(tag) =	ssettag $0x2  }
0x3c3: {  	s0 =	rddreg [dreg:$0x0];
	s2 =	stileid.u32  }
0x3c4: {  	s1 =	rddreg [dreg:$0x1];
	p0 =	sne.s32 s2, $0x0  }
0x3c5: {  	s3 =	rddreg [dreg:$0x2];
	[bflag:$0x3] =	sbarrier.arrive $0xFFFF;
	s2 =	simm.s32 @!p0 $0x1C0F  }
0x3c6: {  	[timem:s3], [sflag:s2] =	dma.local @!p0 [hbm:s0], s1  }
0x3c7: {  	s0 =	simm.s32 @!p0 $0xF  }
0x3c8: {  	_ =	swait.ge @!p0 [sflag:s0], s1  }
0x3c9: {  	s1 =	ssub.s32 @!p0 $0x0, s1;
	[sflag:s0] =	ssyncset.done @!p0 $0x0  }
0x3ca: {  	[sflag:s0] =	ssyncadd.s32 @!p0 s1  }
0x3cb: {  	[bflag:$0x3] =	sbarrier.arrive $0xFFFF  }
0x3cc: {  	_ =	shalt  }

</sc_bundles>
